<compile_context>
chip_gen: v7x
topology: tpu7x:2x2x1
jax: 0.10.2.dev20260603
libtpu: 0.0.44.dev20260713+nightly
codegen_flags: <defaults>
</compile_context>

<pallas_src>
import jax
import jax.numpy as jnp
from jax import lax
from jax.experimental import pallas as pl
from jax.experimental.pallas import tpu as pltpu
from jax.experimental.pallas import tpu_sc as plsc

VOCAB = 1000
VPAD = 1024
EMB = 300
NCLS = 20
NPAIR = NCLS // 2
B = 4096
L = 50

NC, NS = 2, 16
NW = NC * NS
DOCS_PER_W = B // NW
GROUPS = DOCS_PER_W // 16


def _tc_project(tablet_ref, w_ref, b_ref, mtp_ref, bias_ref):
    mt = lax.dot_general(
        w_ref[...], tablet_ref[...],
        (((1,), (0,)), ((), ())),
        preferred_element_type=jnp.float32,
    ) * (1.0 / L)
    lo = lax.convert_element_type(mt[:NPAIR, :], jnp.bfloat16)
    hi = lax.convert_element_type(mt[NPAIR:, :], jnp.bfloat16)
    lo_u = lax.convert_element_type(
        lax.bitcast_convert_type(lo, jnp.uint16), jnp.uint32)
    hi_u = lax.convert_element_type(
        lax.bitcast_convert_type(hi, jnp.uint16), jnp.uint32)
    packed = lax.bitcast_convert_type(lo_u | (hi_u << 16), jnp.int32)
    mtp_ref[:, :VOCAB] = packed
    mtp_ref[:, VOCAB:] = jnp.zeros((NPAIR, VPAD - VOCAB), jnp.int32)
    bias_ref[...] = jnp.broadcast_to(b_ref[...], (16, NCLS))


def _sc_pool(mtp_hbm, bias_hbm, docst_hbm, outt_hbm, bias_v, docs_v,
             out_v, sem, *m_vs):
    cid = lax.axis_index("c")
    sid = lax.axis_index("s")
    wid = sid * NC + cid
    col0 = wid * DOCS_PER_W
    cps = [pltpu.async_copy(docst_hbm.at[:, pl.ds(col0, DOCS_PER_W)], docs_v,
                            sem),
           pltpu.async_copy(bias_hbm, bias_v, sem)]
    cps += [pltpu.async_copy(mtp_hbm.at[p], m_vs[p], sem)
            for p in range(NPAIR)]
    for cp in cps:
        cp.wait()
    lane = lax.iota(jnp.int32, 16)
    cls_idx = [jnp.full((16,), c, jnp.int32) for c in range(NCLS)]
    himask = jnp.full((16,), -65536, jnp.int32)

    def unpack2(w):
        a = plsc.bitcast(lax.shift_left(w, 16), jnp.float32)
        b = plsc.bitcast(w & himask, jnp.float32)
        return a, b

    for g in range(GROUPS):
        acc0 = tuple(plsc.load_gather(bias_v, [lane, cls_idx[c]])
                     for c in range(NCLS))

        @plsc.parallel_loop(0, L // 2, carry=acc0)
        def accs(l, accs, g=g):
            tok0 = docs_v[2 * l, pl.ds(g * 16, 16)]
            tok1 = docs_v[2 * l + 1, pl.ds(g * 16, 16)]
            lo_hi = []
            for p in range(NPAIR):
                a0, b0 = unpack2(plsc.load_gather(m_vs[p], [tok0]))
                a1, b1 = unpack2(plsc.load_gather(m_vs[p], [tok1]))
                lo_hi.append((a0 + a1, b0 + b1))
            return tuple(accs[p] + lo_hi[p][0] for p in range(NPAIR)) + \
                tuple(accs[NPAIR + p] + lo_hi[p][1] for p in range(NPAIR))
        for c in range(NCLS):
            out_v[c, pl.ds(g * 16, 16)] = accs[c]
    pltpu.sync_copy(out_v, outt_hbm.at[:, pl.ds(col0, DOCS_PER_W)])


def kernel(docs, table, W, b):
    mtp, bias16 = pl.pallas_call(
        _tc_project,
        out_shape=(
            jax.ShapeDtypeStruct((NPAIR, VPAD), jnp.int32),
            jax.ShapeDtypeStruct((16, NCLS), jnp.float32),
        ),
    )(table.T, W, b.reshape(1, NCLS))

    mesh = plsc.VectorSubcoreMesh(core_axis_name="c", subcore_axis_name="s",
                                  num_cores=NC, num_subcores=NS)
    sc = pl.kernel(
        _sc_pool,
        out_type=jax.ShapeDtypeStruct((NCLS, B), jnp.float32),
        mesh=mesh,
        compiler_params=pltpu.CompilerParams(needs_layout_passes=False),
        scratch_types=[
            pltpu.VMEM((16, NCLS), jnp.float32),
            pltpu.VMEM((L, DOCS_PER_W), jnp.int32),
            pltpu.VMEM((NCLS, DOCS_PER_W), jnp.float32),
            pltpu.SemaphoreType.DMA,
        ] + [pltpu.VMEM((VPAD,), jnp.int32) for _ in range(NPAIR)],
    )
    out_t = sc(mtp, bias16, docs.T)
    return out_t.T

# --- scband reference (transcript-rebuilt; emitter-appended) ---
"""Pipeline reference for scband-bo-wtext-classifier-module-46084999086374 (READ-ONLY COPY).

The authoritative reference and input builder live on the scoring server;
editing this copy changes nothing except your own understanding.
"""

import jax, jax.numpy as jnp
import numpy as np

VOCAB = 1000
EMB = 300
NCLS = 20
B = 4096
L = 50

def setup_inputs(seed: int = 0) -> dict:
    key = jax.random.key(seed)
    k1, k2, k3, k4 = jax.random.split(key, 4)
    docs = jax.random.randint(k1, (B, L), 0, VOCAB)
    # nn.Embedding default init: N(0, 1)
    table = jax.random.normal(k2, (VOCAB, EMB), dtype=jnp.float32)
    # nn.Linear default init: U(-1/sqrt(fan_in), 1/sqrt(fan_in))
    bound = 1.0 / np.sqrt(EMB)
    W = jax.random.uniform(k3, (NCLS, EMB), dtype=jnp.float32, minval=-bound, maxval=bound)
    b = jax.random.uniform(k4, (NCLS,), dtype=jnp.float32, minval=-bound, maxval=bound)
    return {"docs": docs, "table": table, "W": W, "b": b}

def reference(docs, table, W, b):
    # embedded = self.embedding(docs)
    embedded = jnp.take(table, docs, axis=0)          # [B, L, EMB] gather
    # bow = embedded.mean(dim=1)
    bow = embedded.mean(axis=1)                        # [B, EMB]
    # out = self.l1(bow)
    out = bow @ W.T + b                                # [B, NCLS]
    return out

if __name__ == "__main__":
    import jax
    _d = setup_inputs()
    print(jax.jit(kernel)(*tuple(_d.values())))

</pallas_src>

<mosaic_0001>
#map = affine_map<(d0, d1) -> (0, 0)>
module attributes {stable_mosaic.version = 14 : i64} {
  func.func @_sc_pool(%arg0: i32, %arg1: i32, %arg2: memref<10x1024xi32, #tpu.memory_space<hbm>>, %arg3: memref<16x20xf32, #tpu.memory_space<hbm>>, %arg4: memref<50x4096xi32, #tpu.memory_space<hbm>>, %arg5: memref<20x4096xf32, #tpu.memory_space<hbm>>, %arg6: memref<16x20xf32, #tpu.memory_space<vmem>>, %arg7: memref<50x128xi32, #tpu.memory_space<vmem>>, %arg8: memref<20x128xf32, #tpu.memory_space<vmem>>, %arg9: memref<!tpu.dma_semaphore, #tpu.memory_space<semaphore_mem>>, %arg10: memref<1024xi32, #tpu.memory_space<vmem>>, %arg11: memref<1024xi32, #tpu.memory_space<vmem>>, %arg12: memref<1024xi32, #tpu.memory_space<vmem>>, %arg13: memref<1024xi32, #tpu.memory_space<vmem>>, %arg14: memref<1024xi32, #tpu.memory_space<vmem>>, %arg15: memref<1024xi32, #tpu.memory_space<vmem>>, %arg16: memref<1024xi32, #tpu.memory_space<vmem>>, %arg17: memref<1024xi32, #tpu.memory_space<vmem>>, %arg18: memref<1024xi32, #tpu.memory_space<vmem>>, %arg19: memref<1024xi32, #tpu.memory_space<vmem>>) attributes {dimension_semantics = [#tpu.dimension_semantics<core_parallel>, #tpu.dimension_semantics<subcore_parallel>], iteration_bounds = array<i64: 2, 16>, scalar_prefetch = 0 : i64, scratch_operands = 14 : i64, tpu.core_type = #tpu.core_type<sc_vector_subcore>, window_params = [{transform_indices = #map}, {transform_indices = #map}, {transform_indices = #map}, {transform_indices = #map}]} {
    %mul3A = arith.constant 2 : i32
    %mul3A_0 = arith.muli %arg1, %mul3A : i32
    %add3A = arith.addi %mul3A_0, %arg0 : i32
    %mul3A_1 = arith.constant 128 : i32
    %mul3A_2 = arith.muli %add3A, %mul3A_1 : i32
    %dma_start3A = arith.constant 0 : i32
    %dma_start3A_3 = tpu.memref_slice %arg4[%dma_start3A, %mul3A_2] : memref<50x4096xi32, #tpu.memory_space<hbm>> -> memref<50x128xi32, #tpu.memory_space<hbm>>
    %dma_start3A_4 = arith.constant 0 : i32
    %dma_start3A_5 = tpu.memref_slice %arg4[%dma_start3A_4, %mul3A_2] : memref<50x4096xi32, #tpu.memory_space<hbm>> -> memref<50x128xi32, #tpu.memory_space<hbm>>
    tpu.enqueue_dma source(%dma_start3A_5 : memref<50x128xi32, #tpu.memory_space<hbm>>) target(%arg7 : memref<50x128xi32, #tpu.memory_space<vmem>>) target_semaphore(%arg9 : memref<!tpu.dma_semaphore, #tpu.memory_space<semaphore_mem>>)
    tpu.enqueue_dma source(%arg3 : memref<16x20xf32, #tpu.memory_space<hbm>>) target(%arg6 : memref<16x20xf32, #tpu.memory_space<vmem>>) target_semaphore(%arg9 : memref<!tpu.dma_semaphore, #tpu.memory_space<semaphore_mem>>)
    %dma_start3A_6 = arith.constant 0 : i32
    %dma_start3A_7 = arith.constant 0 : i32
    %dma_start3A_8 = tpu.memref_slice %arg2[%dma_start3A_6, %dma_start3A_7] : memref<10x1024xi32, #tpu.memory_space<hbm>> -> memref<1x1024xi32, #tpu.memory_space<hbm>>
    %dma_start3A_9 = tpu.memref_squeeze %dma_start3A_8 : memref<1x1024xi32, #tpu.memory_space<hbm>> -> memref<1024xi32, #tpu.memory_space<hbm>>
    %dma_start3A_10 = arith.constant 0 : i32
    %dma_start3A_11 = tpu.memref_slice %arg2[%dma_start3A_6, %dma_start3A_10] : memref<10x1024xi32, #tpu.memory_space<hbm>> -> memref<1x1024xi32, #tpu.memory_space<hbm>>
    %dma_start3A_12 = tpu.memref_squeeze %dma_start3A_11 : memref<1x1024xi32, #tpu.memory_space<hbm>> -> memref<1024xi32, #tpu.memory_space<hbm>>
    tpu.enqueue_dma source(%dma_start3A_12 : memref<1024xi32, #tpu.memory_space<hbm>>) target(%arg10 : memref<1024xi32, #tpu.memory_space<vmem>>) target_semaphore(%arg9 : memref<!tpu.dma_semaphore, #tpu.memory_space<semaphore_mem>>)
    %dma_start3A_13 = arith.constant 1 : i32
    %dma_start3A_14 = arith.constant 0 : i32
    %dma_start3A_15 = tpu.memref_slice %arg2[%dma_start3A_13, %dma_start3A_14] : memref<10x1024xi32, #tpu.memory_space<hbm>> -> memref<1x1024xi32, #tpu.memory_space<hbm>>
    %dma_start3A_16 = tpu.memref_squeeze %dma_start3A_15 : memref<1x1024xi32, #tpu.memory_space<hbm>> -> memref<1024xi32, #tpu.memory_space<hbm>>
    %dma_start3A_17 = arith.constant 0 : i32
    %dma_start3A_18 = tpu.memref_slice %arg2[%dma_start3A_13, %dma_start3A_17] : memref<10x1024xi32, #tpu.memory_space<hbm>> -> memref<1x1024xi32, #tpu.memory_space<hbm>>
    %dma_start3A_19 = tpu.memref_squeeze %dma_start3A_18 : memref<1x1024xi32, #tpu.memory_space<hbm>> -> memref<1024xi32, #tpu.memory_space<hbm>>
    tpu.enqueue_dma source(%dma_start3A_19 : memref<1024xi32, #tpu.memory_space<hbm>>) target(%arg11 : memref<1024xi32, #tpu.memory_space<vmem>>) target_semaphore(%arg9 : memref<!tpu.dma_semaphore, #tpu.memory_space<semaphore_mem>>)
    %dma_start3A_20 = arith.constant 2 : i32
    %dma_start3A_21 = arith.constant 0 : i32
    %dma_start3A_22 = tpu.memref_slice %arg2[%dma_start3A_20, %dma_start3A_21] : memref<10x1024xi32, #tpu.memory_space<hbm>> -> memref<1x1024xi32, #tpu.memory_space<hbm>>
    %dma_start3A_23 = tpu.memref_squeeze %dma_start3A_22 : memref<1x1024xi32, #tpu.memory_space<hbm>> -> memref<1024xi32, #tpu.memory_space<hbm>>
    %dma_start3A_24 = arith.constant 0 : i32
    %dma_start3A_25 = tpu.memref_slice %arg2[%dma_start3A_20, %dma_start3A_24] : memref<10x1024xi32, #tpu.memory_space<hbm>> -> memref<1x1024xi32, #tpu.memory_space<hbm>>
    %dma_start3A_26 = tpu.memref_squeeze %dma_start3A_25 : memref<1x1024xi32, #tpu.memory_space<hbm>> -> memref<1024xi32, #tpu.memory_space<hbm>>
    tpu.enqueue_dma source(%dma_start3A_26 : memref<1024xi32, #tpu.memory_space<hbm>>) target(%arg12 : memref<1024xi32, #tpu.memory_space<vmem>>) target_semaphore(%arg9 : memref<!tpu.dma_semaphore, #tpu.memory_space<semaphore_mem>>)
    %dma_start3A_27 = arith.constant 3 : i32
    %dma_start3A_28 = arith.constant 0 : i32
    %dma_start3A_29 = tpu.memref_slice %arg2[%dma_start3A_27, %dma_start3A_28] : memref<10x1024xi32, #tpu.memory_space<hbm>> -> memref<1x1024xi32, #tpu.memory_space<hbm>>
    %dma_start3A_30 = tpu.memref_squeeze %dma_start3A_29 : memref<1x1024xi32, #tpu.memory_space<hbm>> -> memref<1024xi32, #tpu.memory_space<hbm>>
    %dma_start3A_31 = arith.constant 0 : i32
    %dma_start3A_32 = tpu.memref_slice %arg2[%dma_start3A_27, %dma_start3A_31] : memref<10x1024xi32, #tpu.memory_space<hbm>> -> memref<1x1024xi32, #tpu.memory_space<hbm>>
    %dma_start3A_33 = tpu.memref_squeeze %dma_start3A_32 : memref<1x1024xi32, #tpu.memory_space<hbm>> -> memref<1024xi32, #tpu.memory_space<hbm>>
    tpu.enqueue_dma source(%dma_start3A_33 : memref<1024xi32, #tpu.memory_space<hbm>>) target(%arg13 : memref<1024xi32, #tpu.memory_space<vmem>>) target_semaphore(%arg9 : memref<!tpu.dma_semaphore, #tpu.memory_space<semaphore_mem>>)
    %dma_start3A_34 = arith.constant 4 : i32
    %dma_start3A_35 = arith.constant 0 : i32
    %dma_start3A_36 = tpu.memref_slice %arg2[%dma_start3A_34, %dma_start3A_35] : memref<10x1024xi32, #tpu.memory_space<hbm>> -> memref<1x1024xi32, #tpu.memory_space<hbm>>
    %dma_start3A_37 = tpu.memref_squeeze %dma_start3A_36 : memref<1x1024xi32, #tpu.memory_space<hbm>> -> memref<1024xi32, #tpu.memory_space<hbm>>
    %dma_start3A_38 = arith.constant 0 : i32
    %dma_start3A_39 = tpu.memref_slice %arg2[%dma_start3A_34, %dma_start3A_38] : memref<10x1024xi32, #tpu.memory_space<hbm>> -> memref<1x1024xi32, #tpu.memory_space<hbm>>
    %dma_start3A_40 = tpu.memref_squeeze %dma_start3A_39 : memref<1x1024xi32, #tpu.memory_space<hbm>> -> memref<1024xi32, #tpu.memory_space<hbm>>
    tpu.enqueue_dma source(%dma_start3A_40 : memref<1024xi32, #tpu.memory_space<hbm>>) target(%arg14 : memref<1024xi32, #tpu.memory_space<vmem>>) target_semaphore(%arg9 : memref<!tpu.dma_semaphore, #tpu.memory_space<semaphore_mem>>)
    %dma_start3A_41 = arith.constant 5 : i32
    %dma_start3A_42 = arith.constant 0 : i32
    %dma_start3A_43 = tpu.memref_slice %arg2[%dma_start3A_41, %dma_start3A_42] : memref<10x1024xi32, #tpu.memory_space<hbm>> -> memref<1x1024xi32, #tpu.memory_space<hbm>>
    %dma_start3A_44 = tpu.memref_squeeze %dma_start3A_43 : memref<1x1024xi32, #tpu.memory_space<hbm>> -> memref<1024xi32, #tpu.memory_space<hbm>>
    %dma_start3A_45 = arith.constant 0 : i32
    %dma_start3A_46 = tpu.memref_slice %arg2[%dma_start3A_41, %dma_start3A_45] : memref<10x1024xi32, #tpu.memory_space<hbm>> -> memref<1x1024xi32, #tpu.memory_space<hbm>>
    %dma_start3A_47 = tpu.memref_squeeze %dma_start3A_46 : memref<1x1024xi32, #tpu.memory_space<hbm>> -> memref<1024xi32, #tpu.memory_space<hbm>>
    tpu.enqueue_dma source(%dma_start3A_47 : memref<1024xi32, #tpu.memory_space<hbm>>) target(%arg15 : memref<1024xi32, #tpu.memory_space<vmem>>) target_semaphore(%arg9 : memref<!tpu.dma_semaphore, #tpu.memory_space<semaphore_mem>>)
    %dma_start3A_48 = arith.constant 6 : i32
    %dma_start3A_49 = arith.constant 0 : i32
    %dma_start3A_50 = tpu.memref_slice %arg2[%dma_start3A_48, %dma_start3A_49] : memref<10x1024xi32, #tpu.memory_space<hbm>> -> memref<1x1024xi32, #tpu.memory_space<hbm>>
    %dma_start3A_51 = tpu.memref_squeeze %dma_start3A_50 : memref<1x1024xi32, #tpu.memory_space<hbm>> -> memref<1024xi32, #tpu.memory_space<hbm>>
    %dma_start3A_52 = arith.constant 0 : i32
    %dma_start3A_53 = tpu.memref_slice %arg2[%dma_start3A_48, %dma_start3A_52] : memref<10x1024xi32, #tpu.memory_space<hbm>> -> memref<1x1024xi32, #tpu.memory_space<hbm>>
    %dma_start3A_54 = tpu.memref_squeeze %dma_start3A_53 : memref<1x1024xi32, #tpu.memory_space<hbm>> -> memref<1024xi32, #tpu.memory_space<hbm>>
    tpu.enqueue_dma source(%dma_start3A_54 : memref<1024xi32, #tpu.memory_space<hbm>>) target(%arg16 : memref<1024xi32, #tpu.memory_space<vmem>>) target_semaphore(%arg9 : memref<!tpu.dma_semaphore, #tpu.memory_space<semaphore_mem>>)
    %dma_start3A_55 = arith.constant 7 : i32
    %dma_start3A_56 = arith.constant 0 : i32
    %dma_start3A_57 = tpu.memref_slice %arg2[%dma_start3A_55, %dma_start3A_56] : memref<10x1024xi32, #tpu.memory_space<hbm>> -> memref<1x1024xi32, #tpu.memory_space<hbm>>
    %dma_start3A_58 = tpu.memref_squeeze %dma_start3A_57 : memref<1x1024xi32, #tpu.memory_space<hbm>> -> memref<1024xi32, #tpu.memory_space<hbm>>
    %dma_start3A_59 = arith.constant 0 : i32
    %dma_start3A_60 = tpu.memref_slice %arg2[%dma_start3A_55, %dma_start3A_59] : memref<10x1024xi32, #tpu.memory_space<hbm>> -> memref<1x1024xi32, #tpu.memory_space<hbm>>
    %dma_start3A_61 = tpu.memref_squeeze %dma_start3A_60 : memref<1x1024xi32, #tpu.memory_space<hbm>> -> memref<1024xi32, #tpu.memory_space<hbm>>
    tpu.enqueue_dma source(%dma_start3A_61 : memref<1024xi32, #tpu.memory_space<hbm>>) target(%arg17 : memref<1024xi32, #tpu.memory_space<vmem>>) target_semaphore(%arg9 : memref<!tpu.dma_semaphore, #tpu.memory_space<semaphore_mem>>)
    %dma_start3A_62 = arith.constant 8 : i32
    %dma_start3A_63 = arith.constant 0 : i32
    %dma_start3A_64 = tpu.memref_slice %arg2[%dma_start3A_62, %dma_start3A_63] : memref<10x1024xi32, #tpu.memory_space<hbm>> -> memref<1x1024xi32, #tpu.memory_space<hbm>>
    %dma_start3A_65 = tpu.memref_squeeze %dma_start3A_64 : memref<1x1024xi32, #tpu.memory_space<hbm>> -> memref<1024xi32, #tpu.memory_space<hbm>>
    %dma_start3A_66 = arith.constant 0 : i32
    %dma_start3A_67 = tpu.memref_slice %arg2[%dma_start3A_62, %dma_start3A_66] : memref<10x1024xi32, #tpu.memory_space<hbm>> -> memref<1x1024xi32, #tpu.memory_space<hbm>>
    %dma_start3A_68 = tpu.memref_squeeze %dma_start3A_67 : memref<1x1024xi32, #tpu.memory_space<hbm>> -> memref<1024xi32, #tpu.memory_space<hbm>>
    tpu.enqueue_dma source(%dma_start3A_68 : memref<1024xi32, #tpu.memory_space<hbm>>) target(%arg18 : memref<1024xi32, #tpu.memory_space<vmem>>) target_semaphore(%arg9 : memref<!tpu.dma_semaphore, #tpu.memory_space<semaphore_mem>>)
    %dma_start3A_69 = arith.constant 9 : i32
    %dma_start3A_70 = arith.constant 0 : i32
    %dma_start3A_71 = tpu.memref_slice %arg2[%dma_start3A_69, %dma_start3A_70] : memref<10x1024xi32, #tpu.memory_space<hbm>> -> memref<1x1024xi32, #tpu.memory_space<hbm>>
    %dma_start3A_72 = tpu.memref_squeeze %dma_start3A_71 : memref<1x1024xi32, #tpu.memory_space<hbm>> -> memref<1024xi32, #tpu.memory_space<hbm>>
    %dma_start3A_73 = arith.constant 0 : i32
    %dma_start3A_74 = tpu.memref_slice %arg2[%dma_start3A_69, %dma_start3A_73] : memref<10x1024xi32, #tpu.memory_space<hbm>> -> memref<1x1024xi32, #tpu.memory_space<hbm>>
    %dma_start3A_75 = tpu.memref_squeeze %dma_start3A_74 : memref<1x1024xi32, #tpu.memory_space<hbm>> -> memref<1024xi32, #tpu.memory_space<hbm>>
    tpu.enqueue_dma source(%dma_start3A_75 : memref<1024xi32, #tpu.memory_space<hbm>>) target(%arg19 : memref<1024xi32, #tpu.memory_space<vmem>>) target_semaphore(%arg9 : memref<!tpu.dma_semaphore, #tpu.memory_space<semaphore_mem>>)
    %dma_wait3A = arith.constant 0 : i32
    %dma_wait3A_76 = tpu.memref_slice %arg4[%dma_wait3A, %mul3A_2] : memref<50x4096xi32, #tpu.memory_space<hbm>> -> memref<50x128xi32, #tpu.memory_space<hbm>>
    %dma_wait3A_77 = arith.constant 0 : i32
    %dma_wait3A_78 = tpu.memref_slice %arg4[%dma_wait3A_77, %mul3A_2] : memref<50x4096xi32, #tpu.memory_space<hbm>> -> memref<50x128xi32, #tpu.memory_space<hbm>>
    tpu.wait_dma2 semaphore(%arg9 : memref<!tpu.dma_semaphore, #tpu.memory_space<semaphore_mem>>) src(%dma_wait3A_78 : memref<50x128xi32, #tpu.memory_space<hbm>>) dst(%arg7 : memref<50x128xi32, #tpu.memory_space<vmem>>)
    tpu.wait_dma2 semaphore(%arg9 : memref<!tpu.dma_semaphore, #tpu.memory_space<semaphore_mem>>) src(%arg3 : memref<16x20xf32, #tpu.memory_space<hbm>>) dst(%arg6 : memref<16x20xf32, #tpu.memory_space<vmem>>)
    %dma_wait3A_79 = arith.constant 0 : i32
    %dma_wait3A_80 = arith.constant 0 : i32
    %dma_wait3A_81 = tpu.memref_slice %arg2[%dma_wait3A_79, %dma_wait3A_80] : memref<10x1024xi32, #tpu.memory_space<hbm>> -> memref<1x1024xi32, #tpu.memory_space<hbm>>
    %dma_wait3A_82 = tpu.memref_squeeze %dma_wait3A_81 : memref<1x1024xi32, #tpu.memory_space<hbm>> -> memref<1024xi32, #tpu.memory_space<hbm>>
    %dma_wait3A_83 = arith.constant 0 : i32
    %dma_wait3A_84 = tpu.memref_slice %arg2[%dma_wait3A_79, %dma_wait3A_83] : memref<10x1024xi32, #tpu.memory_space<hbm>> -> memref<1x1024xi32, #tpu.memory_space<hbm>>
    %dma_wait3A_85 = tpu.memref_squeeze %dma_wait3A_84 : memref<1x1024xi32, #tpu.memory_space<hbm>> -> memref<1024xi32, #tpu.memory_space<hbm>>
    tpu.wait_dma2 semaphore(%arg9 : memref<!tpu.dma_semaphore, #tpu.memory_space<semaphore_mem>>) src(%dma_wait3A_85 : memref<1024xi32, #tpu.memory_space<hbm>>) dst(%arg10 : memref<1024xi32, #tpu.memory_space<vmem>>)
    %dma_wait3A_86 = arith.constant 1 : i32
    %dma_wait3A_87 = arith.constant 0 : i32
    %dma_wait3A_88 = tpu.memref_slice %arg2[%dma_wait3A_86, %dma_wait3A_87] : memref<10x1024xi32, #tpu.memory_space<hbm>> -> memref<1x1024xi32, #tpu.memory_space<hbm>>
    %dma_wait3A_89 = tpu.memref_squeeze %dma_wait3A_88 : memref<1x1024xi32, #tpu.memory_space<hbm>> -> memref<1024xi32, #tpu.memory_space<hbm>>
    %dma_wait3A_90 = arith.constant 0 : i32
    %dma_wait3A_91 = tpu.memref_slice %arg2[%dma_wait3A_86, %dma_wait3A_90] : memref<10x1024xi32, #tpu.memory_space<hbm>> -> memref<1x1024xi32, #tpu.memory_space<hbm>>
    %dma_wait3A_92 = tpu.memref_squeeze %dma_wait3A_91 : memref<1x1024xi32, #tpu.memory_space<hbm>> -> memref<1024xi32, #tpu.memory_space<hbm>>
    tpu.wait_dma2 semaphore(%arg9 : memref<!tpu.dma_semaphore, #tpu.memory_space<semaphore_mem>>) src(%dma_wait3A_92 : memref<1024xi32, #tpu.memory_space<hbm>>) dst(%arg11 : memref<1024xi32, #tpu.memory_space<vmem>>)
    %dma_wait3A_93 = arith.constant 2 : i32
    %dma_wait3A_94 = arith.constant 0 : i32
    %dma_wait3A_95 = tpu.memref_slice %arg2[%dma_wait3A_93, %dma_wait3A_94] : memref<10x1024xi32, #tpu.memory_space<hbm>> -> memref<1x1024xi32, #tpu.memory_space<hbm>>
    %dma_wait3A_96 = tpu.memref_squeeze %dma_wait3A_95 : memref<1x1024xi32, #tpu.memory_space<hbm>> -> memref<1024xi32, #tpu.memory_space<hbm>>
    %dma_wait3A_97 = arith.constant 0 : i32
    %dma_wait3A_98 = tpu.memref_slice %arg2[%dma_wait3A_93, %dma_wait3A_97] : memref<10x1024xi32, #tpu.memory_space<hbm>> -> memref<1x1024xi32, #tpu.memory_space<hbm>>
    %dma_wait3A_99 = tpu.memref_squeeze %dma_wait3A_98 : memref<1x1024xi32, #tpu.memory_space<hbm>> -> memref<1024xi32, #tpu.memory_space<hbm>>
    tpu.wait_dma2 semaphore(%arg9 : memref<!tpu.dma_semaphore, #tpu.memory_space<semaphore_mem>>) src(%dma_wait3A_99 : memref<1024xi32, #tpu.memory_space<hbm>>) dst(%arg12 : memref<1024xi32, #tpu.memory_space<vmem>>)
    %dma_wait3A_100 = arith.constant 3 : i32
    %dma_wait3A_101 = arith.constant 0 : i32
    %dma_wait3A_102 = tpu.memref_slice %arg2[%dma_wait3A_100, %dma_wait3A_101] : memref<10x1024xi32, #tpu.memory_space<hbm>> -> memref<1x1024xi32, #tpu.memory_space<hbm>>
    %dma_wait3A_103 = tpu.memref_squeeze %dma_wait3A_102 : memref<1x1024xi32, #tpu.memory_space<hbm>> -> memref<1024xi32, #tpu.memory_space<hbm>>
    %dma_wait3A_104 = arith.constant 0 : i32
    %dma_wait3A_105 = tpu.memref_slice %arg2[%dma_wait3A_100, %dma_wait3A_104] : memref<10x1024xi32, #tpu.memory_space<hbm>> -> memref<1x1024xi32, #tpu.memory_space<hbm>>
    %dma_wait3A_106 = tpu.memref_squeeze %dma_wait3A_105 : memref<1x1024xi32, #tpu.memory_space<hbm>> -> memref<1024xi32, #tpu.memory_space<hbm>>
    tpu.wait_dma2 semaphore(%arg9 : memref<!tpu.dma_semaphore, #tpu.memory_space<semaphore_mem>>) src(%dma_wait3A_106 : memref<1024xi32, #tpu.memory_space<hbm>>) dst(%arg13 : memref<1024xi32, #tpu.memory_space<vmem>>)
    %dma_wait3A_107 = arith.constant 4 : i32
    %dma_wait3A_108 = arith.constant 0 : i32
    %dma_wait3A_109 = tpu.memref_slice %arg2[%dma_wait3A_107, %dma_wait3A_108] : memref<10x1024xi32, #tpu.memory_space<hbm>> -> memref<1x1024xi32, #tpu.memory_space<hbm>>
    %dma_wait3A_110 = tpu.memref_squeeze %dma_wait3A_109 : memref<1x1024xi32, #tpu.memory_space<hbm>> -> memref<1024xi32, #tpu.memory_space<hbm>>
    %dma_wait3A_111 = arith.constant 0 : i32
    %dma_wait3A_112 = tpu.memref_slice %arg2[%dma_wait3A_107, %dma_wait3A_111] : memref<10x1024xi32, #tpu.memory_space<hbm>> -> memref<1x1024xi32, #tpu.memory_space<hbm>>
    %dma_wait3A_113 = tpu.memref_squeeze %dma_wait3A_112 : memref<1x1024xi32, #tpu.memory_space<hbm>> -> memref<1024xi32, #tpu.memory_space<hbm>>
    tpu.wait_dma2 semaphore(%arg9 : memref<!tpu.dma_semaphore, #tpu.memory_space<semaphore_mem>>) src(%dma_wait3A_113 : memref<1024xi32, #tpu.memory_space<hbm>>) dst(%arg14 : memref<1024xi32, #tpu.memory_space<vmem>>)
    %dma_wait3A_114 = arith.constant 5 : i32
    %dma_wait3A_115 = arith.constant 0 : i32
    %dma_wait3A_116 = tpu.memref_slice %arg2[%dma_wait3A_114, %dma_wait3A_115] : memref<10x1024xi32, #tpu.memory_space<hbm>> -> memref<1x1024xi32, #tpu.memory_space<hbm>>
    %dma_wait3A_117 = tpu.memref_squeeze %dma_wait3A_116 : memref<1x1024xi32, #tpu.memory_space<hbm>> -> memref<1024xi32, #tpu.memory_space<hbm>>
    %dma_wait3A_118 = arith.constant 0 : i32
    %dma_wait3A_119 = tpu.memref_slice %arg2[%dma_wait3A_114, %dma_wait3A_118] : memref<10x1024xi32, #tpu.memory_space<hbm>> -> memref<1x1024xi32, #tpu.memory_space<hbm>>
    %dma_wait3A_120 = tpu.memref_squeeze %dma_wait3A_119 : memref<1x1024xi32, #tpu.memory_space<hbm>> -> memref<1024xi32, #tpu.memory_space<hbm>>
    tpu.wait_dma2 semaphore(%arg9 : memref<!tpu.dma_semaphore, #tpu.memory_space<semaphore_mem>>) src(%dma_wait3A_120 : memref<1024xi32, #tpu.memory_space<hbm>>) dst(%arg15 : memref<1024xi32, #tpu.memory_space<vmem>>)
    %dma_wait3A_121 = arith.constant 6 : i32
    %dma_wait3A_122 = arith.constant 0 : i32
    %dma_wait3A_123 = tpu.memref_slice %arg2[%dma_wait3A_121, %dma_wait3A_122] : memref<10x1024xi32, #tpu.memory_space<hbm>> -> memref<1x1024xi32, #tpu.memory_space<hbm>>
    %dma_wait3A_124 = tpu.memref_squeeze %dma_wait3A_123 : memref<1x1024xi32, #tpu.memory_space<hbm>> -> memref<1024xi32, #tpu.memory_space<hbm>>
    %dma_wait3A_125 = arith.constant 0 : i32
    %dma_wait3A_126 = tpu.memref_slice %arg2[%dma_wait3A_121, %dma_wait3A_125] : memref<10x1024xi32, #tpu.memory_space<hbm>> -> memref<1x1024xi32, #tpu.memory_space<hbm>>
    %dma_wait3A_127 = tpu.memref_squeeze %dma_wait3A_126 : memref<1x1024xi32, #tpu.memory_space<hbm>> -> memref<1024xi32, #tpu.memory_space<hbm>>
    tpu.wait_dma2 semaphore(%arg9 : memref<!tpu.dma_semaphore, #tpu.memory_space<semaphore_mem>>) src(%dma_wait3A_127 : memref<1024xi32, #tpu.memory_space<hbm>>) dst(%arg16 : memref<1024xi32, #tpu.memory_space<vmem>>)
    %dma_wait3A_128 = arith.constant 7 : i32
    %dma_wait3A_129 = arith.constant 0 : i32
    %dma_wait3A_130 = tpu.memref_slice %arg2[%dma_wait3A_128, %dma_wait3A_129] : memref<10x1024xi32, #tpu.memory_space<hbm>> -> memref<1x1024xi32, #tpu.memory_space<hbm>>
    %dma_wait3A_131 = tpu.memref_squeeze %dma_wait3A_130 : memref<1x1024xi32, #tpu.memory_space<hbm>> -> memref<1024xi32, #tpu.memory_space<hbm>>
    %dma_wait3A_132 = arith.constant 0 : i32
    %dma_wait3A_133 = tpu.memref_slice %arg2[%dma_wait3A_128, %dma_wait3A_132] : memref<10x1024xi32, #tpu.memory_space<hbm>> -> memref<1x1024xi32, #tpu.memory_space<hbm>>
    %dma_wait3A_134 = tpu.memref_squeeze %dma_wait3A_133 : memref<1x1024xi32, #tpu.memory_space<hbm>> -> memref<1024xi32, #tpu.memory_space<hbm>>
    tpu.wait_dma2 semaphore(%arg9 : memref<!tpu.dma_semaphore, #tpu.memory_space<semaphore_mem>>) src(%dma_wait3A_134 : memref<1024xi32, #tpu.memory_space<hbm>>) dst(%arg17 : memref<1024xi32, #tpu.memory_space<vmem>>)
    %dma_wait3A_135 = arith.constant 8 : i32
    %dma_wait3A_136 = arith.constant 0 : i32
    %dma_wait3A_137 = tpu.memref_slice %arg2[%dma_wait3A_135, %dma_wait3A_136] : memref<10x1024xi32, #tpu.memory_space<hbm>> -> memref<1x1024xi32, #tpu.memory_space<hbm>>
    %dma_wait3A_138 = tpu.memref_squeeze %dma_wait3A_137 : memref<1x1024xi32, #tpu.memory_space<hbm>> -> memref<1024xi32, #tpu.memory_space<hbm>>
    %dma_wait3A_139 = arith.constant 0 : i32
    %dma_wait3A_140 = tpu.memref_slice %arg2[%dma_wait3A_135, %dma_wait3A_139] : memref<10x1024xi32, #tpu.memory_space<hbm>> -> memref<1x1024xi32, #tpu.memory_space<hbm>>
    %dma_wait3A_141 = tpu.memref_squeeze %dma_wait3A_140 : memref<1x1024xi32, #tpu.memory_space<hbm>> -> memref<1024xi32, #tpu.memory_space<hbm>>
    tpu.wait_dma2 semaphore(%arg9 : memref<!tpu.dma_semaphore, #tpu.memory_space<semaphore_mem>>) src(%dma_wait3A_141 : memref<1024xi32, #tpu.memory_space<hbm>>) dst(%arg18 : memref<1024xi32, #tpu.memory_space<vmem>>)
    %dma_wait3A_142 = arith.constant 9 : i32
    %dma_wait3A_143 = arith.constant 0 : i32
    %dma_wait3A_144 = tpu.memref_slice %arg2[%dma_wait3A_142, %dma_wait3A_143] : memref<10x1024xi32, #tpu.memory_space<hbm>> -> memref<1x1024xi32, #tpu.memory_space<hbm>>
    %dma_wait3A_145 = tpu.memref_squeeze %dma_wait3A_144 : memref<1x1024xi32, #tpu.memory_space<hbm>> -> memref<1024xi32, #tpu.memory_space<hbm>>
    %dma_wait3A_146 = arith.constant 0 : i32
    %dma_wait3A_147 = tpu.memref_slice %arg2[%dma_wait3A_142, %dma_wait3A_146] : memref<10x1024xi32, #tpu.memory_space<hbm>> -> memref<1x1024xi32, #tpu.memory_space<hbm>>
    %dma_wait3A_148 = tpu.memref_squeeze %dma_wait3A_147 : memref<1x1024xi32, #tpu.memory_space<hbm>> -> memref<1024xi32, #tpu.memory_space<hbm>>
    tpu.wait_dma2 semaphore(%arg9 : memref<!tpu.dma_semaphore, #tpu.memory_space<semaphore_mem>>) src(%dma_wait3A_148 : memref<1024xi32, #tpu.memory_space<hbm>>) dst(%arg19 : memref<1024xi32, #tpu.memory_space<vmem>>)
    %iota3A = tpu.iota {dimensions = array<i32: 0>} : vector<16xi32>
    %broadcast_in_dim3A = arith.constant 0 : i32
    %broadcast_in_dim3A_149 = vector.broadcast %broadcast_in_dim3A : i32 to vector<16xi32>
    %broadcast_in_dim3A_150 = arith.constant 1 : i32
    %broadcast_in_dim3A_151 = vector.broadcast %broadcast_in_dim3A_150 : i32 to vector<16xi32>
    %broadcast_in_dim3A_152 = arith.constant 2 : i32
    %broadcast_in_dim3A_153 = vector.broadcast %broadcast_in_dim3A_152 : i32 to vector<16xi32>
    %broadcast_in_dim3A_154 = arith.constant 3 : i32
    %broadcast_in_dim3A_155 = vector.broadcast %broadcast_in_dim3A_154 : i32 to vector<16xi32>
    %broadcast_in_dim3A_156 = arith.constant 4 : i32
    %broadcast_in_dim3A_157 = vector.broadcast %broadcast_in_dim3A_156 : i32 to vector<16xi32>
    %broadcast_in_dim3A_158 = arith.constant 5 : i32
    %broadcast_in_dim3A_159 = vector.broadcast %broadcast_in_dim3A_158 : i32 to vector<16xi32>
    %broadcast_in_dim3A_160 = arith.constant 6 : i32
    %broadcast_in_dim3A_161 = vector.broadcast %broadcast_in_dim3A_160 : i32 to vector<16xi32>
    %broadcast_in_dim3A_162 = arith.constant 7 : i32
    %broadcast_in_dim3A_163 = vector.broadcast %broadcast_in_dim3A_162 : i32 to vector<16xi32>
    %broadcast_in_dim3A_164 = arith.constant 8 : i32
    %broadcast_in_dim3A_165 = vector.broadcast %broadcast_in_dim3A_164 : i32 to vector<16xi32>
    %broadcast_in_dim3A_166 = arith.constant 9 : i32
    %broadcast_in_dim3A_167 = vector.broadcast %broadcast_in_dim3A_166 : i32 to vector<16xi32>
    %broadcast_in_dim3A_168 = arith.constant 10 : i32
    %broadcast_in_dim3A_169 = vector.broadcast %broadcast_in_dim3A_168 : i32 to vector<16xi32>
    %broadcast_in_dim3A_170 = arith.constant 11 : i32
    %broadcast_in_dim3A_171 = vector.broadcast %broadcast_in_dim3A_170 : i32 to vector<16xi32>
    %broadcast_in_dim3A_172 = arith.constant 12 : i32
    %broadcast_in_dim3A_173 = vector.broadcast %broadcast_in_dim3A_172 : i32 to vector<16xi32>
    %broadcast_in_dim3A_174 = arith.constant 13 : i32
    %broadcast_in_dim3A_175 = vector.broadcast %broadcast_in_dim3A_174 : i32 to vector<16xi32>
    %broadcast_in_dim3A_176 = arith.constant 14 : i32
    %broadcast_in_dim3A_177 = vector.broadcast %broadcast_in_dim3A_176 : i32 to vector<16xi32>
    %broadcast_in_dim3A_178 = arith.constant 15 : i32
    %broadcast_in_dim3A_179 = vector.broadcast %broadcast_in_dim3A_178 : i32 to vector<16xi32>
    %broadcast_in_dim3A_180 = arith.constant 16 : i32
    %broadcast_in_dim3A_181 = vector.broadcast %broadcast_in_dim3A_180 : i32 to vector<16xi32>
    %broadcast_in_dim3A_182 = arith.constant 17 : i32
    %broadcast_in_dim3A_183 = vector.broadcast %broadcast_in_dim3A_182 : i32 to vector<16xi32>
    %broadcast_in_dim3A_184 = arith.constant 18 : i32
    %broadcast_in_dim3A_185 = vector.broadcast %broadcast_in_dim3A_184 : i32 to vector<16xi32>
    %broadcast_in_dim3A_186 = arith.constant 19 : i32
    %broadcast_in_dim3A_187 = vector.broadcast %broadcast_in_dim3A_186 : i32 to vector<16xi32>
    %broadcast_in_dim3A_188 = arith.constant -65536 : i32
    %broadcast_in_dim3A_189 = vector.broadcast %broadcast_in_dim3A_188 : i32 to vector<16xi32>
    %gather3A = tpu.vector_load_idx %arg6[%iota3A, %broadcast_in_dim3A_149] : memref<16x20xf32, #tpu.memory_space<vmem>>[vector<16xi32>, vector<16xi32>], vector<16xf32>,
    %gather3A_190 = tpu.vector_load_idx %arg6[%iota3A, %broadcast_in_dim3A_151] : memref<16x20xf32, #tpu.memory_space<vmem>>[vector<16xi32>, vector<16xi32>], vector<16xf32>,
    %gather3A_191 = tpu.vector_load_idx %arg6[%iota3A, %broadcast_in_dim3A_153] : memref<16x20xf32, #tpu.memory_space<vmem>>[vector<16xi32>, vector<16xi32>], vector<16xf32>,
    %gather3A_192 = tpu.vector_load_idx %arg6[%iota3A, %broadcast_in_dim3A_155] : memref<16x20xf32, #tpu.memory_space<vmem>>[vector<16xi32>, vector<16xi32>], vector<16xf32>,
    %gather3A_193 = tpu.vector_load_idx %arg6[%iota3A, %broadcast_in_dim3A_157] : memref<16x20xf32, #tpu.memory_space<vmem>>[vector<16xi32>, vector<16xi32>], vector<16xf32>,
    %gather3A_194 = tpu.vector_load_idx %arg6[%iota3A, %broadcast_in_dim3A_159] : memref<16x20xf32, #tpu.memory_space<vmem>>[vector<16xi32>, vector<16xi32>], vector<16xf32>,
    %gather3A_195 = tpu.vector_load_idx %arg6[%iota3A, %broadcast_in_dim3A_161] : memref<16x20xf32, #tpu.memory_space<vmem>>[vector<16xi32>, vector<16xi32>], vector<16xf32>,
    %gather3A_196 = tpu.vector_load_idx %arg6[%iota3A, %broadcast_in_dim3A_163] : memref<16x20xf32, #tpu.memory_space<vmem>>[vector<16xi32>, vector<16xi32>], vector<16xf32>,
    %gather3A_197 = tpu.vector_load_idx %arg6[%iota3A, %broadcast_in_dim3A_165] : memref<16x20xf32, #tpu.memory_space<vmem>>[vector<16xi32>, vector<16xi32>], vector<16xf32>,
    %gather3A_198 = tpu.vector_load_idx %arg6[%iota3A, %broadcast_in_dim3A_167] : memref<16x20xf32, #tpu.memory_space<vmem>>[vector<16xi32>, vector<16xi32>], vector<16xf32>,
    %gather3A_199 = tpu.vector_load_idx %arg6[%iota3A, %broadcast_in_dim3A_169] : memref<16x20xf32, #tpu.memory_space<vmem>>[vector<16xi32>, vector<16xi32>], vector<16xf32>,
    %gather3A_200 = tpu.vector_load_idx %arg6[%iota3A, %broadcast_in_dim3A_171] : memref<16x20xf32, #tpu.memory_space<vmem>>[vector<16xi32>, vector<16xi32>], vector<16xf32>,
    %gather3A_201 = tpu.vector_load_idx %arg6[%iota3A, %broadcast_in_dim3A_173] : memref<16x20xf32, #tpu.memory_space<vmem>>[vector<16xi32>, vector<16xi32>], vector<16xf32>,
    %gather3A_202 = tpu.vector_load_idx %arg6[%iota3A, %broadcast_in_dim3A_175] : memref<16x20xf32, #tpu.memory_space<vmem>>[vector<16xi32>, vector<16xi32>], vector<16xf32>,
    %gather3A_203 = tpu.vector_load_idx %arg6[%iota3A, %broadcast_in_dim3A_177] : memref<16x20xf32, #tpu.memory_space<vmem>>[vector<16xi32>, vector<16xi32>], vector<16xf32>,
    %gather3A_204 = tpu.vector_load_idx %arg6[%iota3A, %broadcast_in_dim3A_179] : memref<16x20xf32, #tpu.memory_space<vmem>>[vector<16xi32>, vector<16xi32>], vector<16xf32>,
    %gather3A_205 = tpu.vector_load_idx %arg6[%iota3A, %broadcast_in_dim3A_181] : memref<16x20xf32, #tpu.memory_space<vmem>>[vector<16xi32>, vector<16xi32>], vector<16xf32>,
    %gather3A_206 = tpu.vector_load_idx %arg6[%iota3A, %broadcast_in_dim3A_183] : memref<16x20xf32, #tpu.memory_space<vmem>>[vector<16xi32>, vector<16xi32>], vector<16xf32>,
    %gather3A_207 = tpu.vector_load_idx %arg6[%iota3A, %broadcast_in_dim3A_185] : memref<16x20xf32, #tpu.memory_space<vmem>>[vector<16xi32>, vector<16xi32>], vector<16xf32>,
    %gather3A_208 = tpu.vector_load_idx %arg6[%iota3A, %broadcast_in_dim3A_187] : memref<16x20xf32, #tpu.memory_space<vmem>>[vector<16xi32>, vector<16xi32>], vector<16xf32>,
    %parallel_loop3A = arith.constant 0 : i32
    %parallel_loop3A_209 = arith.constant 25 : i32
    %parallel_loop3A_210 = arith.constant 1 : i32
    %parallel_loop3A_211:20 = scf.for %parallel_loop3A_1019 = %parallel_loop3A to %parallel_loop3A_209 step %parallel_loop3A_210 iter_args(%parallel_loop3A_1020 = %gather3A, %parallel_loop3A_1021 = %gather3A_190, %parallel_loop3A_1022 = %gather3A_191, %parallel_loop3A_1023 = %gather3A_192, %parallel_loop3A_1024 = %gather3A_193, %parallel_loop3A_1025 = %gather3A_194, %parallel_loop3A_1026 = %gather3A_195, %parallel_loop3A_1027 = %gather3A_196, %parallel_loop3A_1028 = %gather3A_197, %parallel_loop3A_1029 = %gather3A_198, %parallel_loop3A_1030 = %gather3A_199, %parallel_loop3A_1031 = %gather3A_200, %parallel_loop3A_1032 = %gather3A_201, %parallel_loop3A_1033 = %gather3A_202, %parallel_loop3A_1034 = %gather3A_203, %parallel_loop3A_1035 = %gather3A_204, %parallel_loop3A_1036 = %gather3A_205, %parallel_loop3A_1037 = %gather3A_206, %parallel_loop3A_1038 = %gather3A_207, %parallel_loop3A_1039 = %gather3A_208) -> (vector<16xf32>, vector<16xf32>, vector<16xf32>, vector<16xf32>, vector<16xf32>, vector<16xf32>, vector<16xf32>, vector<16xf32>, vector<16xf32>, vector<16xf32>, vector<16xf32>, vector<16xf32>, vector<16xf32>, vector<16xf32>, vector<16xf32>, vector<16xf32>, vector<16xf32>, vector<16xf32>, vector<16xf32>, vector<16xf32>)  : i32 {
      %parallel_loop3A_1040 = arith.constant 2 : i32
      %parallel_loop3A_1041 = arith.muli %parallel_loop3A_1040, %parallel_loop3A_1019 : i32
      %parallel_loop3A_1042 = arith.index_cast %parallel_loop3A_1041 : i32 to index
      %parallel_loop3A_1043 = arith.constant 0 : index
      %parallel_loop3A_1044 = tpu.vector_load %arg7[%parallel_loop3A_1042, %parallel_loop3A_1043] {strides = array<i32>} : memref<50x128xi32, #tpu.memory_space<vmem>>, vector<16xi32>,
      %parallel_loop3A_1045 = arith.constant 2 : i32
      %parallel_loop3A_1046 = arith.muli %parallel_loop3A_1045, %parallel_loop3A_1019 : i32
      %parallel_loop3A_1047 = arith.constant 1 : i32
      %parallel_loop3A_1048 = arith.addi %parallel_loop3A_1046, %parallel_loop3A_1047 : i32
      %parallel_loop3A_1049 = arith.index_cast %parallel_loop3A_1048 : i32 to index
      %parallel_loop3A_1050 = arith.constant 0 : index
      %parallel_loop3A_1051 = tpu.vector_load %arg7[%parallel_loop3A_1049, %parallel_loop3A_1050] {strides = array<i32>} : memref<50x128xi32, #tpu.memory_space<vmem>>, vector<16xi32>,
      %parallel_loop3A_1052 = tpu.vector_load_idx %arg10[%parallel_loop3A_1044] : memref<1024xi32, #tpu.memory_space<vmem>>[vector<16xi32>], vector<16xi32>,
      %parallel_loop3A_1053 = arith.constant 16 : i32
      %parallel_loop3A_1054 = vector.broadcast %parallel_loop3A_1053 : i32 to vector<16xi32>
      %parallel_loop3A_1055 = arith.shli %parallel_loop3A_1052, %parallel_loop3A_1054 : vector<16xi32>
      %parallel_loop3A_1056 = vector.bitcast %parallel_loop3A_1055 : vector<16xi32> to vector<16xf32>
      %parallel_loop3A_1057 = arith.andi %parallel_loop3A_1052, %broadcast_in_dim3A_189 : vector<16xi32>
      %parallel_loop3A_1058 = vector.bitcast %parallel_loop3A_1057 : vector<16xi32> to vector<16xf32>
      %parallel_loop3A_1059 = tpu.vector_load_idx %arg10[%parallel_loop3A_1051] : memref<1024xi32, #tpu.memory_space<vmem>>[vector<16xi32>], vector<16xi32>,
      %parallel_loop3A_1060 = arith.constant 16 : i32
      %parallel_loop3A_1061 = vector.broadcast %parallel_loop3A_1060 : i32 to vector<16xi32>
      %parallel_loop3A_1062 = arith.shli %parallel_loop3A_1059, %parallel_loop3A_1061 : vector<16xi32>
      %parallel_loop3A_1063 = vector.bitcast %parallel_loop3A_1062 : vector<16xi32> to vector<16xf32>
      %parallel_loop3A_1064 = arith.andi %parallel_loop3A_1059, %broadcast_in_dim3A_189 : vector<16xi32>
      %parallel_loop3A_1065 = vector.bitcast %parallel_loop3A_1064 : vector<16xi32> to vector<16xf32>
      %parallel_loop3A_1066 = arith.addf %parallel_loop3A_1056, %parallel_loop3A_1063 : vector<16xf32>
      %parallel_loop3A_1067 = arith.addf %parallel_loop3A_1058, %parallel_loop3A_1065 : vector<16xf32>
      %parallel_loop3A_1068 = tpu.vector_load_idx %arg11[%parallel_loop3A_1044] : memref<1024xi32, #tpu.memory_space<vmem>>[vector<16xi32>], vector<16xi32>,
      %parallel_loop3A_1069 = arith.constant 16 : i32
      %parallel_loop3A_1070 = vector.broadcast %parallel_loop3A_1069 : i32 to vector<16xi32>
      %parallel_loop3A_1071 = arith.shli %parallel_loop3A_1068, %parallel_loop3A_1070 : vector<16xi32>
      %parallel_loop3A_1072 = vector.bitcast %parallel_loop3A_1071 : vector<16xi32> to vector<16xf32>
      %parallel_loop3A_1073 = arith.andi %parallel_loop3A_1068, %broadcast_in_dim3A_189 : vector<16xi32>
      %parallel_loop3A_1074 = vector.bitcast %parallel_loop3A_1073 : vector<16xi32> to vector<16xf32>
      %parallel_loop3A_1075 = tpu.vector_load_idx %arg11[%parallel_loop3A_1051] : memref<1024xi32, #tpu.memory_space<vmem>>[vector<16xi32>], vector<16xi32>,
      %parallel_loop3A_1076 = arith.constant 16 : i32
      %parallel_loop3A_1077 = vector.broadcast %parallel_loop3A_1076 : i32 to vector<16xi32>
      %parallel_loop3A_1078 = arith.shli %parallel_loop3A_1075, %parallel_loop3A_1077 : vector<16xi32>
      %parallel_loop3A_1079 = vector.bitcast %parallel_loop3A_1078 : vector<16xi32> to vector<16xf32>
      %parallel_loop3A_1080 = arith.andi %parallel_loop3A_1075, %broadcast_in_dim3A_189 : vector<16xi32>
      %parallel_loop3A_1081 = vector.bitcast %parallel_loop3A_1080 : vector<16xi32> to vector<16xf32>
      %parallel_loop3A_1082 = arith.addf %parallel_loop3A_1072, %parallel_loop3A_1079 : vector<16xf32>
      %parallel_loop3A_1083 = arith.addf %parallel_loop3A_1074, %parallel_loop3A_1081 : vector<16xf32>
      %parallel_loop3A_1084 = tpu.vector_load_idx %arg12[%parallel_loop3A_1044] : memref<1024xi32, #tpu.memory_space<vmem>>[vector<16xi32>], vector<16xi32>,
      %parallel_loop3A_1085 = arith.constant 16 : i32
      %parallel_loop3A_1086 = vector.broadcast %parallel_loop3A_1085 : i32 to vector<16xi32>
      %parallel_loop3A_1087 = arith.shli %parallel_loop3A_1084, %parallel_loop3A_1086 : vector<16xi32>
      %parallel_loop3A_1088 = vector.bitcast %parallel_loop3A_1087 : vector<16xi32> to vector<16xf32>
      %parallel_loop3A_1089 = arith.andi %parallel_loop3A_1084, %broadcast_in_dim3A_189 : vector<16xi32>
      %parallel_loop3A_1090 = vector.bitcast %parallel_loop3A_1089 : vector<16xi32> to vector<16xf32>
      %parallel_loop3A_1091 = tpu.vector_load_idx %arg12[%parallel_loop3A_1051] : memref<1024xi32, #tpu.memory_space<vmem>>[vector<16xi32>], vector<16xi32>,
      %parallel_loop3A_1092 = arith.constant 16 : i32
      %parallel_loop3A_1093 = vector.broadcast %parallel_loop3A_1092 : i32 to vector<16xi32>
      %parallel_loop3A_1094 = arith.shli %parallel_loop3A_1091, %parallel_loop3A_1093 : vector<16xi32>
      %parallel_loop3A_1095 = vector.bitcast %parallel_loop3A_1094 : vector<16xi32> to vector<16xf32>
      %parallel_loop3A_1096 = arith.andi %parallel_loop3A_1091, %broadcast_in_dim3A_189 : vector<16xi32>
      %parallel_loop3A_1097 = vector.bitcast %parallel_loop3A_1096 : vector<16xi32> to vector<16xf32>
      %parallel_loop3A_1098 = arith.addf %parallel_loop3A_1088, %parallel_loop3A_1095 : vector<16xf32>
      %parallel_loop3A_1099 = arith.addf %parallel_loop3A_1090, %parallel_loop3A_1097 : vector<16xf32>
      %parallel_loop3A_1100 = tpu.vector_load_idx %arg13[%parallel_loop3A_1044] : memref<1024xi32, #tpu.memory_space<vmem>>[vector<16xi32>], vector<16xi32>,
      %parallel_loop3A_1101 = arith.constant 16 : i32
      %parallel_loop3A_1102 = vector.broadcast %parallel_loop3A_1101 : i32 to vector<16xi32>
      %parallel_loop3A_1103 = arith.shli %parallel_loop3A_1100, %parallel_loop3A_1102 : vector<16xi32>
      %parallel_loop3A_1104 = vector.bitcast %parallel_loop3A_1103 : vector<16xi32> to vector<16xf32>
      %parallel_loop3A_1105 = arith.andi %parallel_loop3A_1100, %broadcast_in_dim3A_189 : vector<16xi32>
      %parallel_loop3A_1106 = vector.bitcast %parallel_loop3A_1105 : vector<16xi32> to vector<16xf32>
      %parallel_loop3A_1107 = tpu.vector_load_idx %arg13[%parallel_loop3A_1051] : memref<1024xi32, #tpu.memory_space<vmem>>[vector<16xi32>], vector<16xi32>,
      %parallel_loop3A_1108 = arith.constant 16 : i32
      %parallel_loop3A_1109 = vector.broadcast %parallel_loop3A_1108 : i32 to vector<16xi32>
      %parallel_loop3A_1110 = arith.shli %parallel_loop3A_1107, %parallel_loop3A_1109 : vector<16xi32>
      %parallel_loop3A_1111 = vector.bitcast %parallel_loop3A_1110 : vector<16xi32> to vector<16xf32>
      %parallel_loop3A_1112 = arith.andi %parallel_loop3A_1107, %broadcast_in_dim3A_189 : vector<16xi32>
      %parallel_loop3A_1113 = vector.bitcast %parallel_loop3A_1112 : vector<16xi32> to vector<16xf32>
      %parallel_loop3A_1114 = arith.addf %parallel_loop3A_1104, %parallel_loop3A_1111 : vector<16xf32>
      %parallel_loop3A_1115 = arith.addf %parallel_loop3A_1106, %parallel_loop3A_1113 : vector<16xf32>
      %parallel_loop3A_1116 = tpu.vector_load_idx %arg14[%parallel_loop3A_1044] : memref<1024xi32, #tpu.memory_space<vmem>>[vector<16xi32>], vector<16xi32>,
      %parallel_loop3A_1117 = arith.constant 16 : i32
      %parallel_loop3A_1118 = vector.broadcast %parallel_loop3A_1117 : i32 to vector<16xi32>
      %parallel_loop3A_1119 = arith.shli %parallel_loop3A_1116, %parallel_loop3A_1118 : vector<16xi32>
      %parallel_loop3A_1120 = vector.bitcast %parallel_loop3A_1119 : vector<16xi32> to vector<16xf32>
      %parallel_loop3A_1121 = arith.andi %parallel_loop3A_1116, %broadcast_in_dim3A_189 : vector<16xi32>
      %parallel_loop3A_1122 = vector.bitcast %parallel_loop3A_1121 : vector<16xi32> to vector<16xf32>
      %parallel_loop3A_1123 = tpu.vector_load_idx %arg14[%parallel_loop3A_1051] : memref<1024xi32, #tpu.memory_space<vmem>>[vector<16xi32>], vector<16xi32>,
      %parallel_loop3A_1124 = arith.constant 16 : i32
      %parallel_loop3A_1125 = vector.broadcast %parallel_loop3A_1124 : i32 to vector<16xi32>
      %parallel_loop3A_1126 = arith.shli %parallel_loop3A_1123, %parallel_loop3A_1125 : vector<16xi32>
      %parallel_loop3A_1127 = vector.bitcast %parallel_loop3A_1126 : vector<16xi32> to vector<16xf32>
      %parallel_loop3A_1128 = arith.andi %parallel_loop3A_1123, %broadcast_in_dim3A_189 : vector<16xi32>
      %parallel_loop3A_1129 = vector.bitcast %parallel_loop3A_1128 : vector<16xi32> to vector<16xf32>
      %parallel_loop3A_1130 = arith.addf %parallel_loop3A_1120, %parallel_loop3A_1127 : vector<16xf32>
      %parallel_loop3A_1131 = arith.addf %parallel_loop3A_1122, %parallel_loop3A_1129 : vector<16xf32>
      %parallel_loop3A_1132 = tpu.vector_load_idx %arg15[%parallel_loop3A_1044] : memref<1024xi32, #tpu.memory_space<vmem>>[vector<16xi32>], vector<16xi32>,
      %parallel_loop3A_1133 = arith.constant 16 : i32
      %parallel_loop3A_1134 = vector.broadcast %parallel_loop3A_1133 : i32 to vector<16xi32>
      %parallel_loop3A_1135 = arith.shli %parallel_loop3A_1132, %parallel_loop3A_1134 : vector<16xi32>
      %parallel_loop3A_1136 = vector.bitcast %parallel_loop3A_1135 : vector<16xi32> to vector<16xf32>
      %parallel_loop3A_1137 = arith.andi %parallel_loop3A_1132, %broadcast_in_dim3A_189 : vector<16xi32>
      %parallel_loop3A_1138 = vector.bitcast %parallel_loop3A_1137 : vector<16xi32> to vector<16xf32>
      %parallel_loop3A_1139 = tpu.vector_load_idx %arg15[%parallel_loop3A_1051] : memref<1024xi32, #tpu.memory_space<vmem>>[vector<16xi32>], vector<16xi32>,
      %parallel_loop3A_1140 = arith.constant 16 : i32
      %parallel_loop3A_1141 = vector.broadcast %parallel_loop3A_1140 : i32 to vector<16xi32>
      %parallel_loop3A_1142 = arith.shli %parallel_loop3A_1139, %parallel_loop3A_1141 : vector<16xi32>
      %parallel_loop3A_1143 = vector.bitcast %parallel_loop3A_1142 : vector<16xi32> to vector<16xf32>
      %parallel_loop3A_1144 = arith.andi %parallel_loop3A_1139, %broadcast_in_dim3A_189 : vector<16xi32>
      %parallel_loop3A_1145 = vector.bitcast %parallel_loop3A_1144 : vector<16xi32> to vector<16xf32>
      %parallel_loop3A_1146 = arith.addf %parallel_loop3A_1136, %parallel_loop3A_1143 : vector<16xf32>
      %parallel_loop3A_1147 = arith.addf %parallel_loop3A_1138, %parallel_loop3A_1145 : vector<16xf32>
      %parallel_loop3A_1148 = tpu.vector_load_idx %arg16[%parallel_loop3A_1044] : memref<1024xi32, #tpu.memory_space<vmem>>[vector<16xi32>], vector<16xi32>,
      %parallel_loop3A_1149 = arith.constant 16 : i32
      %parallel_loop3A_1150 = vector.broadcast %parallel_loop3A_1149 : i32 to vector<16xi32>
      %parallel_loop3A_1151 = arith.shli %parallel_loop3A_1148, %parallel_loop3A_1150 : vector<16xi32>
      %parallel_loop3A_1152 = vector.bitcast %parallel_loop3A_1151 : vector<16xi32> to vector<16xf32>
      %parallel_loop3A_1153 = arith.andi %parallel_loop3A_1148, %broadcast_in_dim3A_189 : vector<16xi32>
      %parallel_loop3A_1154 = vector.bitcast %parallel_loop3A_1153 : vector<16xi32> to vector<16xf32>
      %parallel_loop3A_1155 = tpu.vector_load_idx %arg16[%parallel_loop3A_1051] : memref<1024xi32, #tpu.memory_space<vmem>>[vector<16xi32>], vector<16xi32>,
      %parallel_loop3A_1156 = arith.constant 16 : i32
      %parallel_loop3A_1157 = vector.broadcast %parallel_loop3A_1156 : i32 to vector<16xi32>
      %parallel_loop3A_1158 = arith.shli %parallel_loop3A_1155, %parallel_loop3A_1157 : vector<16xi32>
      %parallel_loop3A_1159 = vector.bitcast %parallel_loop3A_1158 : vector<16xi32> to vector<16xf32>
      %parallel_loop3A_1160 = arith.andi %parallel_loop3A_1155, %broadcast_in_dim3A_189 : vector<16xi32>
      %parallel_loop3A_1161 = vector.bitcast %parallel_loop3A_1160 : vector<16xi32> to vector<16xf32>
      %parallel_loop3A_1162 = arith.addf %parallel_loop3A_1152, %parallel_loop3A_1159 : vector<16xf32>
      %parallel_loop3A_1163 = arith.addf %parallel_loop3A_1154, %parallel_loop3A_1161 : vector<16xf32>
      %parallel_loop3A_1164 = tpu.vector_load_idx %arg17[%parallel_loop3A_1044] : memref<1024xi32, #tpu.memory_space<vmem>>[vector<16xi32>], vector<16xi32>,
      %parallel_loop3A_1165 = arith.constant 16 : i32
      %parallel_loop3A_1166 = vector.broadcast %parallel_loop3A_1165 : i32 to vector<16xi32>
      %parallel_loop3A_1167 = arith.shli %parallel_loop3A_1164, %parallel_loop3A_1166 : vector<16xi32>
      %parallel_loop3A_1168 = vector.bitcast %parallel_loop3A_1167 : vector<16xi32> to vector<16xf32>
      %parallel_loop3A_1169 = arith.andi %parallel_loop3A_1164, %broadcast_in_dim3A_189 : vector<16xi32>
      %parallel_loop3A_1170 = vector.bitcast %parallel_loop3A_1169 : vector<16xi32> to vector<16xf32>
      %parallel_loop3A_1171 = tpu.vector_load_idx %arg17[%parallel_loop3A_1051] : memref<1024xi32, #tpu.memory_space<vmem>>[vector<16xi32>], vector<16xi32>,
      %parallel_loop3A_1172 = arith.constant 16 : i32
      %parallel_loop3A_1173 = vector.broadcast %parallel_loop3A_1172 : i32 to vector<16xi32>
      %parallel_loop3A_1174 = arith.shli %parallel_loop3A_1171, %parallel_loop3A_1173 : vector<16xi32>
      %parallel_loop3A_1175 = vector.bitcast %parallel_loop3A_1174 : vector<16xi32> to vector<16xf32>
      %parallel_loop3A_1176 = arith.andi %parallel_loop3A_1171, %broadcast_in_dim3A_189 : vector<16xi32>
      %parallel_loop3A_1177 = vector.bitcast %parallel_loop3A_1176 : vector<16xi32> to vector<16xf32>
      %parallel_loop3A_1178 = arith.addf %parallel_loop3A_1168, %parallel_loop3A_1175 : vector<16xf32>
      %parallel_loop3A_1179 = arith.addf %parallel_loop3A_1170, %parallel_loop3A_1177 : vector<16xf32>
      %parallel_loop3A_1180 = tpu.vector_load_idx %arg18[%parallel_loop3A_1044] : memref<1024xi32, #tpu.memory_space<vmem>>[vector<16xi32>], vector<16xi32>,
      %parallel_loop3A_1181 = arith.constant 16 : i32
      %parallel_loop3A_1182 = vector.broadcast %parallel_loop3A_1181 : i32 to vector<16xi32>
      %parallel_loop3A_1183 = arith.shli %parallel_loop3A_1180, %parallel_loop3A_1182 : vector<16xi32>
      %parallel_loop3A_1184 = vector.bitcast %parallel_loop3A_1183 : vector<16xi32> to vector<16xf32>
      %parallel_loop3A_1185 = arith.andi %parallel_loop3A_1180, %broadcast_in_dim3A_189 : vector<16xi32>
      %parallel_loop3A_1186 = vector.bitcast %parallel_loop3A_1185 : vector<16xi32> to vector<16xf32>
      %parallel_loop3A_1187 = tpu.vector_load_idx %arg18[%parallel_loop3A_1051] : memref<1024xi32, #tpu.memory_space<vmem>>[vector<16xi32>], vector<16xi32>,
      %parallel_loop3A_1188 = arith.constant 16 : i32
      %parallel_loop3A_1189 = vector.broadcast %parallel_loop3A_1188 : i32 to vector<16xi32>
      %parallel_loop3A_1190 = arith.shli %parallel_loop3A_1187, %parallel_loop3A_1189 : vector<16xi32>
      %parallel_loop3A_1191 = vector.bitcast %parallel_loop3A_1190 : vector<16xi32> to vector<16xf32>
      %parallel_loop3A_1192 = arith.andi %parallel_loop3A_1187, %broadcast_in_dim3A_189 : vector<16xi32>
      %parallel_loop3A_1193 = vector.bitcast %parallel_loop3A_1192 : vector<16xi32> to vector<16xf32>
      %parallel_loop3A_1194 = arith.addf %parallel_loop3A_1184, %parallel_loop3A_1191 : vector<16xf32>
      %parallel_loop3A_1195 = arith.addf %parallel_loop3A_1186, %parallel_loop3A_1193 : vector<16xf32>
      %parallel_loop3A_1196 = tpu.vector_load_idx %arg19[%parallel_loop3A_1044] : memref<1024xi32, #tpu.memory_space<vmem>>[vector<16xi32>], vector<16xi32>,
      %parallel_loop3A_1197 = arith.constant 16 : i32
      %parallel_loop3A_1198 = vector.broadcast %parallel_loop3A_1197 : i32 to vector<16xi32>
      %parallel_loop3A_1199 = arith.shli %parallel_loop3A_1196, %parallel_loop3A_1198 : vector<16xi32>
      %parallel_loop3A_1200 = vector.bitcast %parallel_loop3A_1199 : vector<16xi32> to vector<16xf32>
      %parallel_loop3A_1201 = arith.andi %parallel_loop3A_1196, %broadcast_in_dim3A_189 : vector<16xi32>
      %parallel_loop3A_1202 = vector.bitcast %parallel_loop3A_1201 : vector<16xi32> to vector<16xf32>
      %parallel_loop3A_1203 = tpu.vector_load_idx %arg19[%parallel_loop3A_1051] : memref<1024xi32, #tpu.memory_space<vmem>>[vector<16xi32>], vector<16xi32>,
      %parallel_loop3A_1204 = arith.constant 16 : i32
      %parallel_loop3A_1205 = vector.broadcast %parallel_loop3A_1204 : i32 to vector<16xi32>
      %parallel_loop3A_1206 = arith.shli %parallel_loop3A_1203, %parallel_loop3A_1205 : vector<16xi32>
      %parallel_loop3A_1207 = vector.bitcast %parallel_loop3A_1206 : vector<16xi32> to vector<16xf32>
      %parallel_loop3A_1208 = arith.andi %parallel_loop3A_1203, %broadcast_in_dim3A_189 : vector<16xi32>
      %parallel_loop3A_1209 = vector.bitcast %parallel_loop3A_1208 : vector<16xi32> to vector<16xf32>
      %parallel_loop3A_1210 = arith.addf %parallel_loop3A_1200, %parallel_loop3A_1207 : vector<16xf32>
      %parallel_loop3A_1211 = arith.addf %parallel_loop3A_1202, %parallel_loop3A_1209 : vector<16xf32>
      %parallel_loop3A_1212 = arith.addf %parallel_loop3A_1020, %parallel_loop3A_1066 : vector<16xf32>
      %parallel_loop3A_1213 = arith.addf %parallel_loop3A_1021, %parallel_loop3A_1082 : vector<16xf32>
      %parallel_loop3A_1214 = arith.addf %parallel_loop3A_1022, %parallel_loop3A_1098 : vector<16xf32>
      %parallel_loop3A_1215 = arith.addf %parallel_loop3A_1023, %parallel_loop3A_1114 : vector<16xf32>
      %parallel_loop3A_1216 = arith.addf %parallel_loop3A_1024, %parallel_loop3A_1130 : vector<16xf32>
      %parallel_loop3A_1217 = arith.addf %parallel_loop3A_1025, %parallel_loop3A_1146 : vector<16xf32>
      %parallel_loop3A_1218 = arith.addf %parallel_loop3A_1026, %parallel_loop3A_1162 : vector<16xf32>
      %parallel_loop3A_1219 = arith.addf %parallel_loop3A_1027, %parallel_loop3A_1178 : vector<16xf32>
      %parallel_loop3A_1220 = arith.addf %parallel_loop3A_1028, %parallel_loop3A_1194 : vector<16xf32>
      %parallel_loop3A_1221 = arith.addf %parallel_loop3A_1029, %parallel_loop3A_1210 : vector<16xf32>
      %parallel_loop3A_1222 = arith.addf %parallel_loop3A_1030, %parallel_loop3A_1067 : vector<16xf32>
      %parallel_loop3A_1223 = arith.addf %parallel_loop3A_1031, %parallel_loop3A_1083 : vector<16xf32>
      %parallel_loop3A_1224 = arith.addf %parallel_loop3A_1032, %parallel_loop3A_1099 : vector<16xf32>
      %parallel_loop3A_1225 = arith.addf %parallel_loop3A_1033, %parallel_loop3A_1115 : vector<16xf32>
      %parallel_loop3A_1226 = arith.addf %parallel_loop3A_1034, %parallel_loop3A_1131 : vector<16xf32>
      %parallel_loop3A_1227 = arith.addf %parallel_loop3A_1035, %parallel_loop3A_1147 : vector<16xf32>
      %parallel_loop3A_1228 = arith.addf %parallel_loop3A_1036, %parallel_loop3A_1163 : vector<16xf32>
      %parallel_loop3A_1229 = arith.addf %parallel_loop3A_1037, %parallel_loop3A_1179 : vector<16xf32>
      %parallel_loop3A_1230 = arith.addf %parallel_loop3A_1038, %parallel_loop3A_1195 : vector<16xf32>
      %parallel_loop3A_1231 = arith.addf %parallel_loop3A_1039, %parallel_loop3A_1211 : vector<16xf32>
      scf.yield %parallel_loop3A_1212, %parallel_loop3A_1213, %parallel_loop3A_1214, %parallel_loop3A_1215, %parallel_loop3A_1216, %parallel_loop3A_1217, %parallel_loop3A_1218, %parallel_loop3A_1219, %parallel_loop3A_1220, %parallel_loop3A_1221, %parallel_loop3A_1222, %parallel_loop3A_1223, %parallel_loop3A_1224, %parallel_loop3A_1225, %parallel_loop3A_1226, %parallel_loop3A_1227, %parallel_loop3A_1228, %parallel_loop3A_1229, %parallel_loop3A_1230, %parallel_loop3A_1231 : vector<16xf32>, vector<16xf32>, vector<16xf32>, vector<16xf32>, vector<16xf32>, vector<16xf32>, vector<16xf32>, vector<16xf32>, vector<16xf32>, vector<16xf32>, vector<16xf32>, vector<16xf32>, vector<16xf32>, vector<16xf32>, vector<16xf32>, vector<16xf32>, vector<16xf32>, vector<16xf32>, vector<16xf32>, vector<16xf32>
    } {sc.loop_unroll_factor = 1 : i64, sc.parallel_access}
    %swap3A = arith.constant 0 : i32
    %swap3A_212 = arith.index_cast %swap3A : i32 to index
    %swap3A_213 = arith.constant 0 : index
    %swap3A_214 = tpu.vector_load %arg8[%swap3A_212, %swap3A_213] {strides = array<i32>} : memref<20x128xf32, #tpu.memory_space<vmem>>, vector<16xf32>,
    tpu.vector_store %arg8[%swap3A_212, %swap3A_213], %parallel_loop3A_211#0 {strides = array<i32>} : memref<20x128xf32, #tpu.memory_space<vmem>>, vector<16xf32>,
    %swap3A_215 = arith.constant 1 : i32
    %swap3A_216 = arith.index_cast %swap3A_215 : i32 to index
    %swap3A_217 = arith.constant 0 : index
    %swap3A_218 = tpu.vector_load %arg8[%swap3A_216, %swap3A_217] {strides = array<i32>} : memref<20x128xf32, #tpu.memory_space<vmem>>, vector<16xf32>,
    tpu.vector_store %arg8[%swap3A_216, %swap3A_217], %parallel_loop3A_211#1 {strides = array<i32>} : memref<20x128xf32, #tpu.memory_space<vmem>>, vector<16xf32>,
    %swap3A_219 = arith.constant 2 : i32
    %swap3A_220 = arith.index_cast %swap3A_219 : i32 to index
    %swap3A_221 = arith.constant 0 : index
    %swap3A_222 = tpu.vector_load %arg8[%swap3A_220, %swap3A_221] {strides = array<i32>} : memref<20x128xf32, #tpu.memory_space<vmem>>, vector<16xf32>,
    tpu.vector_store %arg8[%swap3A_220, %swap3A_221], %parallel_loop3A_211#2 {strides = array<i32>} : memref<20x128xf32, #tpu.memory_space<vmem>>, vector<16xf32>,
    %swap3A_223 = arith.constant 3 : i32
    %swap3A_224 = arith.index_cast %swap3A_223 : i32 to index
    %swap3A_225 = arith.constant 0 : index
    %swap3A_226 = tpu.vector_load %arg8[%swap3A_224, %swap3A_225] {strides = array<i32>} : memref<20x128xf32, #tpu.memory_space<vmem>>, vector<16xf32>,
    tpu.vector_store %arg8[%swap3A_224, %swap3A_225], %parallel_loop3A_211#3 {strides = array<i32>} : memref<20x128xf32, #tpu.memory_space<vmem>>, vector<16xf32>,
    %swap3A_227 = arith.constant 4 : i32
    %swap3A_228 = arith.index_cast %swap3A_227 : i32 to index
    %swap3A_229 = arith.constant 0 : index
    %swap3A_230 = tpu.vector_load %arg8[%swap3A_228, %swap3A_229] {strides = array<i32>} : memref<20x128xf32, #tpu.memory_space<vmem>>, vector<16xf32>,
    tpu.vector_store %arg8[%swap3A_228, %swap3A_229], %parallel_loop3A_211#4 {strides = array<i32>} : memref<20x128xf32, #tpu.memory_space<vmem>>, vector<16xf32>,
    %swap3A_231 = arith.constant 5 : i32
    %swap3A_232 = arith.index_cast %swap3A_231 : i32 to index
    %swap3A_233 = arith.constant 0 : index
    %swap3A_234 = tpu.vector_load %arg8[%swap3A_232, %swap3A_233] {strides = array<i32>} : memref<20x128xf32, #tpu.memory_space<vmem>>, vector<16xf32>,
    tpu.vector_store %arg8[%swap3A_232, %swap3A_233], %parallel_loop3A_211#5 {strides = array<i32>} : memref<20x128xf32, #tpu.memory_space<vmem>>, vector<16xf32>,
    %swap3A_235 = arith.constant 6 : i32
    %swap3A_236 = arith.index_cast %swap3A_235 : i32 to index
    %swap3A_237 = arith.constant 0 : index
    %swap3A_238 = tpu.vector_load %arg8[%swap3A_236, %swap3A_237] {strides = array<i32>} : memref<20x128xf32, #tpu.memory_space<vmem>>, vector<16xf32>,
    tpu.vector_store %arg8[%swap3A_236, %swap3A_237], %parallel_loop3A_211#6 {strides = array<i32>} : memref<20x128xf32, #tpu.memory_space<vmem>>, vector<16xf32>,
    %swap3A_239 = arith.constant 7 : i32
    %swap3A_240 = arith.index_cast %swap3A_239 : i32 to index
    %swap3A_241 = arith.constant 0 : index
    %swap3A_242 = tpu.vector_load %arg8[%swap3A_240, %swap3A_241] {strides = array<i32>} : memref<20x128xf32, #tpu.memory_space<vmem>>, vector<16xf32>,
    tpu.vector_store %arg8[%swap3A_240, %swap3A_241], %parallel_loop3A_211#7 {strides = array<i32>} : memref<20x128xf32, #tpu.memory_space<vmem>>, vector<16xf32>,
    %swap3A_243 = arith.constant 8 : i32
    %swap3A_244 = arith.index_cast %swap3A_243 : i32 to index
    %swap3A_245 = arith.constant 0 : index
    %swap3A_246 = tpu.vector_load %arg8[%swap3A_244, %swap3A_245] {strides = array<i32>} : memref<20x128xf32, #tpu.memory_space<vmem>>, vector<16xf32>,
    tpu.vector_store %arg8[%swap3A_244, %swap3A_245], %parallel_loop3A_211#8 {strides = array<i32>} : memref<20x128xf32, #tpu.memory_space<vmem>>, vector<16xf32>,
    %swap3A_247 = arith.constant 9 : i32
    %swap3A_248 = arith.index_cast %swap3A_247 : i32 to index
    %swap3A_249 = arith.constant 0 : index
    %swap3A_250 = tpu.vector_load %arg8[%swap3A_248, %swap3A_249] {strides = array<i32>} : memref<20x128xf32, #tpu.memory_space<vmem>>, vector<16xf32>,
    tpu.vector_store %arg8[%swap3A_248, %swap3A_249], %parallel_loop3A_211#9 {strides = array<i32>} : memref<20x128xf32, #tpu.memory_space<vmem>>, vector<16xf32>,
    %swap3A_251 = arith.constant 10 : i32
    %swap3A_252 = arith.index_cast %swap3A_251 : i32 to index
    %swap3A_253 = arith.constant 0 : index
    %swap3A_254 = tpu.vector_load %arg8[%swap3A_252, %swap3A_253] {strides = array<i32>} : memref<20x128xf32, #tpu.memory_space<vmem>>, vector<16xf32>,
    tpu.vector_store %arg8[%swap3A_252, %swap3A_253], %parallel_loop3A_211#10 {strides = array<i32>} : memref<20x128xf32, #tpu.memory_space<vmem>>, vector<16xf32>,
    %swap3A_255 = arith.constant 11 : i32
    %swap3A_256 = arith.index_cast %swap3A_255 : i32 to index
    %swap3A_257 = arith.constant 0 : index
    %swap3A_258 = tpu.vector_load %arg8[%swap3A_256, %swap3A_257] {strides = array<i32>} : memref<20x128xf32, #tpu.memory_space<vmem>>, vector<16xf32>,
    tpu.vector_store %arg8[%swap3A_256, %swap3A_257], %parallel_loop3A_211#11 {strides = array<i32>} : memref<20x128xf32, #tpu.memory_space<vmem>>, vector<16xf32>,
    %swap3A_259 = arith.constant 12 : i32
    %swap3A_260 = arith.index_cast %swap3A_259 : i32 to index
    %swap3A_261 = arith.constant 0 : index
    %swap3A_262 = tpu.vector_load %arg8[%swap3A_260, %swap3A_261] {strides = array<i32>} : memref<20x128xf32, #tpu.memory_space<vmem>>, vector<16xf32>,
    tpu.vector_store %arg8[%swap3A_260, %swap3A_261], %parallel_loop3A_211#12 {strides = array<i32>} : memref<20x128xf32, #tpu.memory_space<vmem>>, vector<16xf32>,
    %swap3A_263 = arith.constant 13 : i32
    %swap3A_264 = arith.index_cast %swap3A_263 : i32 to index
    %swap3A_265 = arith.constant 0 : index
    %swap3A_266 = tpu.vector_load %arg8[%swap3A_264, %swap3A_265] {strides = array<i32>} : memref<20x128xf32, #tpu.memory_space<vmem>>, vector<16xf32>,
    tpu.vector_store %arg8[%swap3A_264, %swap3A_265], %parallel_loop3A_211#13 {strides = array<i32>} : memref<20x128xf32, #tpu.memory_space<vmem>>, vector<16xf32>,
    %swap3A_267 = arith.constant 14 : i32
    %swap3A_268 = arith.index_cast %swap3A_267 : i32 to index
    %swap3A_269 = arith.constant 0 : index
    %swap3A_270 = tpu.vector_load %arg8[%swap3A_268, %swap3A_269] {strides = array<i32>} : memref<20x128xf32, #tpu.memory_space<vmem>>, vector<16xf32>,
    tpu.vector_store %arg8[%swap3A_268, %swap3A_269], %parallel_loop3A_211#14 {strides = array<i32>} : memref<20x128xf32, #tpu.memory_space<vmem>>, vector<16xf32>,
    %swap3A_271 = arith.constant 15 : i32
    %swap3A_272 = arith.index_cast %swap3A_271 : i32 to index
    %swap3A_273 = arith.constant 0 : index
    %swap3A_274 = tpu.vector_load %arg8[%swap3A_272, %swap3A_273] {strides = array<i32>} : memref<20x128xf32, #tpu.memory_space<vmem>>, vector<16xf32>,
    tpu.vector_store %arg8[%swap3A_272, %swap3A_273], %parallel_loop3A_211#15 {strides = array<i32>} : memref<20x128xf32, #tpu.memory_space<vmem>>, vector<16xf32>,
    %swap3A_275 = arith.constant 16 : i32
    %swap3A_276 = arith.index_cast %swap3A_275 : i32 to index
    %swap3A_277 = arith.constant 0 : index
    %swap3A_278 = tpu.vector_load %arg8[%swap3A_276, %swap3A_277] {strides = array<i32>} : memref<20x128xf32, #tpu.memory_space<vmem>>, vector<16xf32>,
    tpu.vector_store %arg8[%swap3A_276, %swap3A_277], %parallel_loop3A_211#16 {strides = array<i32>} : memref<20x128xf32, #tpu.memory_space<vmem>>, vector<16xf32>,
    %swap3A_279 = arith.constant 17 : i32
    %swap3A_280 = arith.index_cast %swap3A_279 : i32 to index
    %swap3A_281 = arith.constant 0 : index
    %swap3A_282 = tpu.vector_load %arg8[%swap3A_280, %swap3A_281] {strides = array<i32>} : memref<20x128xf32, #tpu.memory_space<vmem>>, vector<16xf32>,
    tpu.vector_store %arg8[%swap3A_280, %swap3A_281], %parallel_loop3A_211#17 {strides = array<i32>} : memref<20x128xf32, #tpu.memory_space<vmem>>, vector<16xf32>,
    %swap3A_283 = arith.constant 18 : i32
    %swap3A_284 = arith.index_cast %swap3A_283 : i32 to index
    %swap3A_285 = arith.constant 0 : index
    %swap3A_286 = tpu.vector_load %arg8[%swap3A_284, %swap3A_285] {strides = array<i32>} : memref<20x128xf32, #tpu.memory_space<vmem>>, vector<16xf32>,
    tpu.vector_store %arg8[%swap3A_284, %swap3A_285], %parallel_loop3A_211#18 {strides = array<i32>} : memref<20x128xf32, #tpu.memory_space<vmem>>, vector<16xf32>,
    %swap3A_287 = arith.constant 19 : i32
    %swap3A_288 = arith.index_cast %swap3A_287 : i32 to index
    %swap3A_289 = arith.constant 0 : index
    %swap3A_290 = tpu.vector_load %arg8[%swap3A_288, %swap3A_289] {strides = array<i32>} : memref<20x128xf32, #tpu.memory_space<vmem>>, vector<16xf32>,
    tpu.vector_store %arg8[%swap3A_288, %swap3A_289], %parallel_loop3A_211#19 {strides = array<i32>} : memref<20x128xf32, #tpu.memory_space<vmem>>, vector<16xf32>,
    %gather3A_291 = tpu.vector_load_idx %arg6[%iota3A, %broadcast_in_dim3A_149] : memref<16x20xf32, #tpu.memory_space<vmem>>[vector<16xi32>, vector<16xi32>], vector<16xf32>,
    %gather3A_292 = tpu.vector_load_idx %arg6[%iota3A, %broadcast_in_dim3A_151] : memref<16x20xf32, #tpu.memory_space<vmem>>[vector<16xi32>, vector<16xi32>], vector<16xf32>,
    %gather3A_293 = tpu.vector_load_idx %arg6[%iota3A, %broadcast_in_dim3A_153] : memref<16x20xf32, #tpu.memory_space<vmem>>[vector<16xi32>, vector<16xi32>], vector<16xf32>,
    %gather3A_294 = tpu.vector_load_idx %arg6[%iota3A, %broadcast_in_dim3A_155] : memref<16x20xf32, #tpu.memory_space<vmem>>[vector<16xi32>, vector<16xi32>], vector<16xf32>,
    %gather3A_295 = tpu.vector_load_idx %arg6[%iota3A, %broadcast_in_dim3A_157] : memref<16x20xf32, #tpu.memory_space<vmem>>[vector<16xi32>, vector<16xi32>], vector<16xf32>,
    %gather3A_296 = tpu.vector_load_idx %arg6[%iota3A, %broadcast_in_dim3A_159] : memref<16x20xf32, #tpu.memory_space<vmem>>[vector<16xi32>, vector<16xi32>], vector<16xf32>,
    %gather3A_297 = tpu.vector_load_idx %arg6[%iota3A, %broadcast_in_dim3A_161] : memref<16x20xf32, #tpu.memory_space<vmem>>[vector<16xi32>, vector<16xi32>], vector<16xf32>,
    %gather3A_298 = tpu.vector_load_idx %arg6[%iota3A, %broadcast_in_dim3A_163] : memref<16x20xf32, #tpu.memory_space<vmem>>[vector<16xi32>, vector<16xi32>], vector<16xf32>,
    %gather3A_299 = tpu.vector_load_idx %arg6[%iota3A, %broadcast_in_dim3A_165] : memref<16x20xf32, #tpu.memory_space<vmem>>[vector<16xi32>, vector<16xi32>], vector<16xf32>,
    %gather3A_300 = tpu.vector_load_idx %arg6[%iota3A, %broadcast_in_dim3A_167] : memref<16x20xf32, #tpu.memory_space<vmem>>[vector<16xi32>, vector<16xi32>], vector<16xf32>,
    %gather3A_301 = tpu.vector_load_idx %arg6[%iota3A, %broadcast_in_dim3A_169] : memref<16x20xf32, #tpu.memory_space<vmem>>[vector<16xi32>, vector<16xi32>], vector<16xf32>,
    %gather3A_302 = tpu.vector_load_idx %arg6[%iota3A, %broadcast_in_dim3A_171] : memref<16x20xf32, #tpu.memory_space<vmem>>[vector<16xi32>, vector<16xi32>], vector<16xf32>,
    %gather3A_303 = tpu.vector_load_idx %arg6[%iota3A, %broadcast_in_dim3A_173] : memref<16x20xf32, #tpu.memory_space<vmem>>[vector<16xi32>, vector<16xi32>], vector<16xf32>,
    %gather3A_304 = tpu.vector_load_idx %arg6[%iota3A, %broadcast_in_dim3A_175] : memref<16x20xf32, #tpu.memory_space<vmem>>[vector<16xi32>, vector<16xi32>], vector<16xf32>,
    %gather3A_305 = tpu.vector_load_idx %arg6[%iota3A, %broadcast_in_dim3A_177] : memref<16x20xf32, #tpu.memory_space<vmem>>[vector<16xi32>, vector<16xi32>], vector<16xf32>,
    %gather3A_306 = tpu.vector_load_idx %arg6[%iota3A, %broadcast_in_dim3A_179] : memref<16x20xf32, #tpu.memory_space<vmem>>[vector<16xi32>, vector<16xi32>], vector<16xf32>,
    %gather3A_307 = tpu.vector_load_idx %arg6[%iota3A, %broadcast_in_dim3A_181] : memref<16x20xf32, #tpu.memory_space<vmem>>[vector<16xi32>, vector<16xi32>], vector<16xf32>,
    %gather3A_308 = tpu.vector_load_idx %arg6[%iota3A, %broadcast_in_dim3A_183] : memref<16x20xf32, #tpu.memory_space<vmem>>[vector<16xi32>, vector<16xi32>], vector<16xf32>,
    %gather3A_309 = tpu.vector_load_idx %arg6[%iota3A, %broadcast_in_dim3A_185] : memref<16x20xf32, #tpu.memory_space<vmem>>[vector<16xi32>, vector<16xi32>], vector<16xf32>,
    %gather3A_310 = tpu.vector_load_idx %arg6[%iota3A, %broadcast_in_dim3A_187] : memref<16x20xf32, #tpu.memory_space<vmem>>[vector<16xi32>, vector<16xi32>], vector<16xf32>,
    %parallel_loop3A_311 = arith.constant 0 : i32
    %parallel_loop3A_312 = arith.constant 25 : i32
    %parallel_loop3A_313 = arith.constant 1 : i32
    %parallel_loop3A_314:20 = scf.for %parallel_loop3A_1019 = %parallel_loop3A_311 to %parallel_loop3A_312 step %parallel_loop3A_313 iter_args(%parallel_loop3A_1020 = %gather3A_291, %parallel_loop3A_1021 = %gather3A_292, %parallel_loop3A_1022 = %gather3A_293, %parallel_loop3A_1023 = %gather3A_294, %parallel_loop3A_1024 = %gather3A_295, %parallel_loop3A_1025 = %gather3A_296, %parallel_loop3A_1026 = %gather3A_297, %parallel_loop3A_1027 = %gather3A_298, %parallel_loop3A_1028 = %gather3A_299, %parallel_loop3A_1029 = %gather3A_300, %parallel_loop3A_1030 = %gather3A_301, %parallel_loop3A_1031 = %gather3A_302, %parallel_loop3A_1032 = %gather3A_303, %parallel_loop3A_1033 = %gather3A_304, %parallel_loop3A_1034 = %gather3A_305, %parallel_loop3A_1035 = %gather3A_306, %parallel_loop3A_1036 = %gather3A_307, %parallel_loop3A_1037 = %gather3A_308, %parallel_loop3A_1038 = %gather3A_309, %parallel_loop3A_1039 = %gather3A_310) -> (vector<16xf32>, vector<16xf32>, vector<16xf32>, vector<16xf32>, vector<16xf32>, vector<16xf32>, vector<16xf32>, vector<16xf32>, vector<16xf32>, vector<16xf32>, vector<16xf32>, vector<16xf32>, vector<16xf32>, vector<16xf32>, vector<16xf32>, vector<16xf32>, vector<16xf32>, vector<16xf32>, vector<16xf32>, vector<16xf32>)  : i32 {
      %parallel_loop3A_1040 = arith.constant 2 : i32
      %parallel_loop3A_1041 = arith.muli %parallel_loop3A_1040, %parallel_loop3A_1019 : i32
      %parallel_loop3A_1042 = arith.index_cast %parallel_loop3A_1041 : i32 to index
      %parallel_loop3A_1043 = arith.constant 16 : index
      %parallel_loop3A_1044 = tpu.vector_load %arg7[%parallel_loop3A_1042, %parallel_loop3A_1043] {strides = array<i32>} : memref<50x128xi32, #tpu.memory_space<vmem>>, vector<16xi32>,
      %parallel_loop3A_1045 = arith.constant 2 : i32
      %parallel_loop3A_1046 = arith.muli %parallel_loop3A_1045, %parallel_loop3A_1019 : i32
      %parallel_loop3A_1047 = arith.constant 1 : i32
      %parallel_loop3A_1048 = arith.addi %parallel_loop3A_1046, %parallel_loop3A_1047 : i32
      %parallel_loop3A_1049 = arith.index_cast %parallel_loop3A_1048 : i32 to index
      %parallel_loop3A_1050 = arith.constant 16 : index
      %parallel_loop3A_1051 = tpu.vector_load %arg7[%parallel_loop3A_1049, %parallel_loop3A_1050] {strides = array<i32>} : memref<50x128xi32, #tpu.memory_space<vmem>>, vector<16xi32>,
      %parallel_loop3A_1052 = tpu.vector_load_idx %arg10[%parallel_loop3A_1044] : memref<1024xi32, #tpu.memory_space<vmem>>[vector<16xi32>], vector<16xi32>,
      %parallel_loop3A_1053 = arith.constant 16 : i32
      %parallel_loop3A_1054 = vector.broadcast %parallel_loop3A_1053 : i32 to vector<16xi32>
      %parallel_loop3A_1055 = arith.shli %parallel_loop3A_1052, %parallel_loop3A_1054 : vector<16xi32>
      %parallel_loop3A_1056 = vector.bitcast %parallel_loop3A_1055 : vector<16xi32> to vector<16xf32>
      %parallel_loop3A_1057 = arith.andi %parallel_loop3A_1052, %broadcast_in_dim3A_189 : vector<16xi32>
      %parallel_loop3A_1058 = vector.bitcast %parallel_loop3A_1057 : vector<16xi32> to vector<16xf32>
      %parallel_loop3A_1059 = tpu.vector_load_idx %arg10[%parallel_loop3A_1051] : memref<1024xi32, #tpu.memory_space<vmem>>[vector<16xi32>], vector<16xi32>,
      %parallel_loop3A_1060 = arith.constant 16 : i32
      %parallel_loop3A_1061 = vector.broadcast %parallel_loop3A_1060 : i32 to vector<16xi32>
      %parallel_loop3A_1062 = arith.shli %parallel_loop3A_1059, %parallel_loop3A_1061 : vector<16xi32>
      %parallel_loop3A_1063 = vector.bitcast %parallel_loop3A_1062 : vector<16xi32> to vector<16xf32>
      %parallel_loop3A_1064 = arith.andi %parallel_loop3A_1059, %broadcast_in_dim3A_189 : vector<16xi32>
      %parallel_loop3A_1065 = vector.bitcast %parallel_loop3A_1064 : vector<16xi32> to vector<16xf32>
      %parallel_loop3A_1066 = arith.addf %parallel_loop3A_1056, %parallel_loop3A_1063 : vector<16xf32>
      %parallel_loop3A_1067 = arith.addf %parallel_loop3A_1058, %parallel_loop3A_1065 : vector<16xf32>
      %parallel_loop3A_1068 = tpu.vector_load_idx %arg11[%parallel_loop3A_1044] : memref<1024xi32, #tpu.memory_space<vmem>>[vector<16xi32>], vector<16xi32>,
      %parallel_loop3A_1069 = arith.constant 16 : i32
      %parallel_loop3A_1070 = vector.broadcast %parallel_loop3A_1069 : i32 to vector<16xi32>
      %parallel_loop3A_1071 = arith.shli %parallel_loop3A_1068, %parallel_loop3A_1070 : vector<16xi32>
      %parallel_loop3A_1072 = vector.bitcast %parallel_loop3A_1071 : vector<16xi32> to vector<16xf32>
      %parallel_loop3A_1073 = arith.andi %parallel_loop3A_1068, %broadcast_in_dim3A_189 : vector<16xi32>
      %parallel_loop3A_1074 = vector.bitcast %parallel_loop3A_1073 : vector<16xi32> to vector<16xf32>
      %parallel_loop3A_1075 = tpu.vector_load_idx %arg11[%parallel_loop3A_1051] : memref<1024xi32, #tpu.memory_space<vmem>>[vector<16xi32>], vector<16xi32>,
      %parallel_loop3A_1076 = arith.constant 16 : i32
      %parallel_loop3A_1077 = vector.broadcast %parallel_loop3A_1076 : i32 to vector<16xi32>
      %parallel_loop3A_1078 = arith.shli %parallel_loop3A_1075, %parallel_loop3A_1077 : vector<16xi32>
      %parallel_loop3A_1079 = vector.bitcast %parallel_loop3A_1078 : vector<16xi32> to vector<16xf32>
      %parallel_loop3A_1080 = arith.andi %parallel_loop3A_1075, %broadcast_in_dim3A_189 : vector<16xi32>
      %parallel_loop3A_1081 = vector.bitcast %parallel_loop3A_1080 : vector<16xi32> to vector<16xf32>
      %parallel_loop3A_1082 = arith.addf %parallel_loop3A_1072, %parallel_loop3A_1079 : vector<16xf32>
      %parallel_loop3A_1083 = arith.addf %parallel_loop3A_1074, %parallel_loop3A_1081 : vector<16xf32>
      %parallel_loop3A_1084 = tpu.vector_load_idx %arg12[%parallel_loop3A_1044] : memref<1024xi32, #tpu.memory_space<vmem>>[vector<16xi32>], vector<16xi32>,
      %parallel_loop3A_1085 = arith.constant 16 : i32
      %parallel_loop3A_1086 = vector.broadcast %parallel_loop3A_1085 : i32 to vector<16xi32>
      %parallel_loop3A_1087 = arith.shli %parallel_loop3A_1084, %parallel_loop3A_1086 : vector<16xi32>
      %parallel_loop3A_1088 = vector.bitcast %parallel_loop3A_1087 : vector<16xi32> to vector<16xf32>
      %parallel_loop3A_1089 = arith.andi %parallel_loop3A_1084, %broadcast_in_dim3A_189 : vector<16xi32>
      %parallel_loop3A_1090 = vector.bitcast %parallel_loop3A_1089 : vector<16xi32> to vector<16xf32>
      %parallel_loop3A_1091 = tpu.vector_load_idx %arg12[%parallel_loop3A_1051] : memref<1024xi32, #tpu.memory_space<vmem>>[vector<16xi32>], vector<16xi32>,
      %parallel_loop3A_1092 = arith.constant 16 : i32
      %parallel_loop3A_1093 = vector.broadcast %parallel_loop3A_1092 : i32 to vector<16xi32>
      %parallel_loop3A_1094 = arith.shli %parallel_loop3A_1091, %parallel_loop3A_1093 : vector<16xi32>
      %parallel_loop3A_1095 = vector.bitcast %parallel_loop3A_1094 : vector<16xi32> to vector<16xf32>
      %parallel_loop3A_1096 = arith.andi %parallel_loop3A_1091, %broadcast_in_dim3A_189 : vector<16xi32>
      %parallel_loop3A_1097 = vector.bitcast %parallel_loop3A_1096 : vector<16xi32> to vector<16xf32>
      %parallel_loop3A_1098 = arith.addf %parallel_loop3A_1088, %parallel_loop3A_1095 : vector<16xf32>
      %parallel_loop3A_1099 = arith.addf %parallel_loop3A_1090, %parallel_loop3A_1097 : vector<16xf32>
      %parallel_loop3A_1100 = tpu.vector_load_idx %arg13[%parallel_loop3A_1044] : memref<1024xi32, #tpu.memory_space<vmem>>[vector<16xi32>], vector<16xi32>,
      %parallel_loop3A_1101 = arith.constant 16 : i32
      %parallel_loop3A_1102 = vector.broadcast %parallel_loop3A_1101 : i32 to vector<16xi32>
      %parallel_loop3A_1103 = arith.shli %parallel_loop3A_1100, %parallel_loop3A_1102 : vector<16xi32>
      %parallel_loop3A_1104 = vector.bitcast %parallel_loop3A_1103 : vector<16xi32> to vector<16xf32>
      %parallel_loop3A_1105 = arith.andi %parallel_loop3A_1100, %broadcast_in_dim3A_189 : vector<16xi32>
      %parallel_loop3A_1106 = vector.bitcast %parallel_loop3A_1105 : vector<16xi32> to vector<16xf32>
      %parallel_loop3A_1107 = tpu.vector_load_idx %arg13[%parallel_loop3A_1051] : memref<1024xi32, #tpu.memory_space<vmem>>[vector<16xi32>], vector<16xi32>,
      %parallel_loop3A_1108 = arith.constant 16 : i32
      %parallel_loop3A_1109 = vector.broadcast %parallel_loop3A_1108 : i32 to vector<16xi32>
      %parallel_loop3A_1110 = arith.shli %parallel_loop3A_1107, %parallel_loop3A_1109 : vector<16xi32>
      %parallel_loop3A_1111 = vector.bitcast %parallel_loop3A_1110 : vector<16xi32> to vector<16xf32>
      %parallel_loop3A_1112 = arith.andi %parallel_loop3A_1107, %broadcast_in_dim3A_189 : vector<16xi32>
      %parallel_loop3A_1113 = vector.bitcast %parallel_loop3A_1112 : vector<16xi32> to vector<16xf32>
      %parallel_loop3A_1114 = arith.addf %parallel_loop3A_1104, %parallel_loop3A_1111 : vector<16xf32>
      %parallel_loop3A_1115 = arith.addf %parallel_loop3A_1106, %parallel_loop3A_1113 : vector<16xf32>
      %parallel_loop3A_1116 = tpu.vector_load_idx %arg14[%parallel_loop3A_1044] : memref<1024xi32, #tpu.memory_space<vmem>>[vector<16xi32>], vector<16xi32>,
      %parallel_loop3A_1117 = arith.constant 16 : i32
      %parallel_loop3A_1118 = vector.broadcast %parallel_loop3A_1117 : i32 to vector<16xi32>
      %parallel_loop3A_1119 = arith.shli %parallel_loop3A_1116, %parallel_loop3A_1118 : vector<16xi32>
      %parallel_loop3A_1120 = vector.bitcast %parallel_loop3A_1119 : vector<16xi32> to vector<16xf32>
      %parallel_loop3A_1121 = arith.andi %parallel_loop3A_1116, %broadcast_in_dim3A_189 : vector<16xi32>
      %parallel_loop3A_1122 = vector.bitcast %parallel_loop3A_1121 : vector<16xi32> to vector<16xf32>
      %parallel_loop3A_1123 = tpu.vector_load_idx %arg14[%parallel_loop3A_1051] : memref<1024xi32, #tpu.memory_space<vmem>>[vector<16xi32>], vector<16xi32>,
      %parallel_loop3A_1124 = arith.constant 16 : i32
      %parallel_loop3A_1125 = vector.broadcast %parallel_loop3A_1124 : i32 to vector<16xi32>
      %parallel_loop3A_1126 = arith.shli %parallel_loop3A_1123, %parallel_loop3A_1125 : vector<16xi32>
      %parallel_loop3A_1127 = vector.bitcast %parallel_loop3A_1126 : vector<16xi32> to vector<16xf32>
      %parallel_loop3A_1128 = arith.andi %parallel_loop3A_1123, %broadcast_in_dim3A_189 : vector<16xi32>
      %parallel_loop3A_1129 = vector.bitcast %parallel_loop3A_1128 : vector<16xi32> to vector<16xf32>
      %parallel_loop3A_1130 = arith.addf %parallel_loop3A_1120, %parallel_loop3A_1127 : vector<16xf32>
      %parallel_loop3A_1131 = arith.addf %parallel_loop3A_1122, %parallel_loop3A_1129 : vector<16xf32>
      %parallel_loop3A_1132 = tpu.vector_load_idx %arg15[%parallel_loop3A_1044] : memref<1024xi32, #tpu.memory_space<vmem>>[vector<16xi32>], vector<16xi32>,
      %parallel_loop3A_1133 = arith.constant 16 : i32
      %parallel_loop3A_1134 = vector.broadcast %parallel_loop3A_1133 : i32 to vector<16xi32>
      %parallel_loop3A_1135 = arith.shli %parallel_loop3A_1132, %parallel_loop3A_1134 : vector<16xi32>
      %parallel_loop3A_1136 = vector.bitcast %parallel_loop3A_1135 : vector<16xi32> to vector<16xf32>
      %parallel_loop3A_1137 = arith.andi %parallel_loop3A_1132, %broadcast_in_dim3A_189 : vector<16xi32>
      %parallel_loop3A_1138 = vector.bitcast %parallel_loop3A_1137 : vector<16xi32> to vector<16xf32>
      %parallel_loop3A_1139 = tpu.vector_load_idx %arg15[%parallel_loop3A_1051] : memref<1024xi32, #tpu.memory_space<vmem>>[vector<16xi32>], vector<16xi32>,
      %parallel_loop3A_1140 = arith.constant 16 : i32
      %parallel_loop3A_1141 = vector.broadcast %parallel_loop3A_1140 : i32 to vector<16xi32>
      %parallel_loop3A_1142 = arith.shli %parallel_loop3A_1139, %parallel_loop3A_1141 : vector<16xi32>
      %parallel_loop3A_1143 = vector.bitcast %parallel_loop3A_1142 : vector<16xi32> to vector<16xf32>
      %parallel_loop3A_1144 = arith.andi %parallel_loop3A_1139, %broadcast_in_dim3A_189 : vector<16xi32>
      %parallel_loop3A_1145 = vector.bitcast %parallel_loop3A_1144 : vector<16xi32> to vector<16xf32>
      %parallel_loop3A_1146 = arith.addf %parallel_loop3A_1136, %parallel_loop3A_1143 : vector<16xf32>
      %parallel_loop3A_1147 = arith.addf %parallel_loop3A_1138, %parallel_loop3A_1145 : vector<16xf32>
      %parallel_loop3A_1148 = tpu.vector_load_idx %arg16[%parallel_loop3A_1044] : memref<1024xi32, #tpu.memory_space<vmem>>[vector<16xi32>], vector<16xi32>,
      %parallel_loop3A_1149 = arith.constant 16 : i32
      %parallel_loop3A_1150 = vector.broadcast %parallel_loop3A_1149 : i32 to vector<16xi32>
      %parallel_loop3A_1151 = arith.shli %parallel_loop3A_1148, %parallel_loop3A_1150 : vector<16xi32>
      %parallel_loop3A_1152 = vector.bitcast %parallel_loop3A_1151 : vector<16xi32> to vector<16xf32>
      %parallel_loop3A_1153 = arith.andi %parallel_loop3A_1148, %broadcast_in_dim3A_189 : vector<16xi32>
      %parallel_loop3A_1154 = vector.bitcast %parallel_loop3A_1153 : vector<16xi32> to vector<16xf32>
      %parallel_loop3A_1155 = tpu.vector_load_idx %arg16[%parallel_loop3A_1051] : memref<1024xi32, #tpu.memory_space<vmem>>[vector<16xi32>], vector<16xi32>,
      %parallel_loop3A_1156 = arith.constant 16 : i32
      %parallel_loop3A_1157 = vector.broadcast %parallel_loop3A_1156 : i32 to vector<16xi32>
      %parallel_loop3A_1158 = arith.shli %parallel_loop3A_1155, %parallel_loop3A_1157 : vector<16xi32>
      %parallel_loop3A_1159 = vector.bitcast %parallel_loop3A_1158 : vector<16xi32> to vector<16xf32>
      %parallel_loop3A_1160 = arith.andi %parallel_loop3A_1155, %broadcast_in_dim3A_189 : vector<16xi32>
      %parallel_loop3A_1161 = vector.bitcast %parallel_loop3A_1160 : vector<16xi32> to vector<16xf32>
      %parallel_loop3A_1162 = arith.addf %parallel_loop3A_1152, %parallel_loop3A_1159 : vector<16xf32>
      %parallel_loop3A_1163 = arith.addf %parallel_loop3A_1154, %parallel_loop3A_1161 : vector<16xf32>
      %parallel_loop3A_1164 = tpu.vector_load_idx %arg17[%parallel_loop3A_1044] : memref<1024xi32, #tpu.memory_space<vmem>>[vector<16xi32>], vector<16xi32>,
      %parallel_loop3A_1165 = arith.constant 16 : i32
      %parallel_loop3A_1166 = vector.broadcast %parallel_loop3A_1165 : i32 to vector<16xi32>
      %parallel_loop3A_1167 = arith.shli %parallel_loop3A_1164, %parallel_loop3A_1166 : vector<16xi32>
      %parallel_loop3A_1168 = vector.bitcast %parallel_loop3A_1167 : vector<16xi32> to vector<16xf32>
      %parallel_loop3A_1169 = arith.andi %parallel_loop3A_1164, %broadcast_in_dim3A_189 : vector<16xi32>
      %parallel_loop3A_1170 = vector.bitcast %parallel_loop3A_1169 : vector<16xi32> to vector<16xf32>
      %parallel_loop3A_1171 = tpu.vector_load_idx %arg17[%parallel_loop3A_1051] : memref<1024xi32, #tpu.memory_space<vmem>>[vector<16xi32>], vector<16xi32>,
      %parallel_loop3A_1172 = arith.constant 16 : i32
      %parallel_loop3A_1173 = vector.broadcast %parallel_loop3A_1172 : i32 to vector<16xi32>
      %parallel_loop3A_1174 = arith.shli %parallel_loop3A_1171, %parallel_loop3A_1173 : vector<16xi32>
      %parallel_loop3A_1175 = vector.bitcast %parallel_loop3A_1174 : vector<16xi32> to vector<16xf32>
      %parallel_loop3A_1176 = arith.andi %parallel_loop3A_1171, %broadcast_in_dim3A_189 : vector<16xi32>
      %parallel_loop3A_1177 = vector.bitcast %parallel_loop3A_1176 : vector<16xi32> to vector<16xf32>
      %parallel_loop3A_1178 = arith.addf %parallel_loop3A_1168, %parallel_loop3A_1175 : vector<16xf32>
      %parallel_loop3A_1179 = arith.addf %parallel_loop3A_1170, %parallel_loop3A_1177 : vector<16xf32>
      %parallel_loop3A_1180 = tpu.vector_load_idx %arg18[%parallel_loop3A_1044] : memref<1024xi32, #tpu.memory_space<vmem>>[vector<16xi32>], vector<16xi32>,
      %parallel_loop3A_1181 = arith.constant 16 : i32
      %parallel_loop3A_1182 = vector.broadcast %parallel_loop3A_1181 : i32 to vector<16xi32>
      %parallel_loop3A_1183 = arith.shli %parallel_loop3A_1180, %parallel_loop3A_1182 : vector<16xi32>
      %parallel_loop3A_1184 = vector.bitcast %parallel_loop3A_1183 : vector<16xi32> to vector<16xf32>
      %parallel_loop3A_1185 = arith.andi %parallel_loop3A_1180, %broadcast_in_dim3A_189 : vector<16xi32>
      %parallel_loop3A_1186 = vector.bitcast %parallel_loop3A_1185 : vector<16xi32> to vector<16xf32>
      %parallel_loop3A_1187 = tpu.vector_load_idx %arg18[%parallel_loop3A_1051] : memref<1024xi32, #tpu.memory_space<vmem>>[vector<16xi32>], vector<16xi32>,
      %parallel_loop3A_1188 = arith.constant 16 : i32
      %parallel_loop3A_1189 = vector.broadcast %parallel_loop3A_1188 : i32 to vector<16xi32>
      %parallel_loop3A_1190 = arith.shli %parallel_loop3A_1187, %parallel_loop3A_1189 : vector<16xi32>
      %parallel_loop3A_1191 = vector.bitcast %parallel_loop3A_1190 : vector<16xi32> to vector<16xf32>
      %parallel_loop3A_1192 = arith.andi %parallel_loop3A_1187, %broadcast_in_dim3A_189 : vector<16xi32>
      %parallel_loop3A_1193 = vector.bitcast %parallel_loop3A_1192 : vector<16xi32> to vector<16xf32>
      %parallel_loop3A_1194 = arith.addf %parallel_loop3A_1184, %parallel_loop3A_1191 : vector<16xf32>
      %parallel_loop3A_1195 = arith.addf %parallel_loop3A_1186, %parallel_loop3A_1193 : vector<16xf32>
      %parallel_loop3A_1196 = tpu.vector_load_idx %arg19[%parallel_loop3A_1044] : memref<1024xi32, #tpu.memory_space<vmem>>[vector<16xi32>], vector<16xi32>,
      %parallel_loop3A_1197 = arith.constant 16 : i32
      %parallel_loop3A_1198 = vector.broadcast %parallel_loop3A_1197 : i32 to vector<16xi32>
      %parallel_loop3A_1199 = arith.shli %parallel_loop3A_1196, %parallel_loop3A_1198 : vector<16xi32>
      %parallel_loop3A_1200 = vector.bitcast %parallel_loop3A_1199 : vector<16xi32> to vector<16xf32>
      %parallel_loop3A_1201 = arith.andi %parallel_loop3A_1196, %broadcast_in_dim3A_189 : vector<16xi32>
      %parallel_loop3A_1202 = vector.bitcast %parallel_loop3A_1201 : vector<16xi32> to vector<16xf32>
      %parallel_loop3A_1203 = tpu.vector_load_idx %arg19[%parallel_loop3A_1051] : memref<1024xi32, #tpu.memory_space<vmem>>[vector<16xi32>], vector<16xi32>,
      %parallel_loop3A_1204 = arith.constant 16 : i32
      %parallel_loop3A_1205 = vector.broadcast %parallel_loop3A_1204 : i32 to vector<16xi32>
      %parallel_loop3A_1206 = arith.shli %parallel_loop3A_1203, %parallel_loop3A_1205 : vector<16xi32>
      %parallel_loop3A_1207 = vector.bitcast %parallel_loop3A_1206 : vector<16xi32> to vector<16xf32>
      %parallel_loop3A_1208 = arith.andi %parallel_loop3A_1203, %broadcast_in_dim3A_189 : vector<16xi32>
      %parallel_loop3A_1209 = vector.bitcast %parallel_loop3A_1208 : vector<16xi32> to vector<16xf32>
      %parallel_loop3A_1210 = arith.addf %parallel_loop3A_1200, %parallel_loop3A_1207 : vector<16xf32>
      %parallel_loop3A_1211 = arith.addf %parallel_loop3A_1202, %parallel_loop3A_1209 : vector<16xf32>
      %parallel_loop3A_1212 = arith.addf %parallel_loop3A_1020, %parallel_loop3A_1066 : vector<16xf32>
      %parallel_loop3A_1213 = arith.addf %parallel_loop3A_1021, %parallel_loop3A_1082 : vector<16xf32>
      %parallel_loop3A_1214 = arith.addf %parallel_loop3A_1022, %parallel_loop3A_1098 : vector<16xf32>
      %parallel_loop3A_1215 = arith.addf %parallel_loop3A_1023, %parallel_loop3A_1114 : vector<16xf32>
      %parallel_loop3A_1216 = arith.addf %parallel_loop3A_1024, %parallel_loop3A_1130 : vector<16xf32>
      %parallel_loop3A_1217 = arith.addf %parallel_loop3A_1025, %parallel_loop3A_1146 : vector<16xf32>
      %parallel_loop3A_1218 = arith.addf %parallel_loop3A_1026, %parallel_loop3A_1162 : vector<16xf32>
      %parallel_loop3A_1219 = arith.addf %parallel_loop3A_1027, %parallel_loop3A_1178 : vector<16xf32>
      %parallel_loop3A_1220 = arith.addf %parallel_loop3A_1028, %parallel_loop3A_1194 : vector<16xf32>
      %parallel_loop3A_1221 = arith.addf %parallel_loop3A_1029, %parallel_loop3A_1210 : vector<16xf32>
      %parallel_loop3A_1222 = arith.addf %parallel_loop3A_1030, %parallel_loop3A_1067 : vector<16xf32>
      %parallel_loop3A_1223 = arith.addf %parallel_loop3A_1031, %parallel_loop3A_1083 : vector<16xf32>
      %parallel_loop3A_1224 = arith.addf %parallel_loop3A_1032, %parallel_loop3A_1099 : vector<16xf32>
      %parallel_loop3A_1225 = arith.addf %parallel_loop3A_1033, %parallel_loop3A_1115 : vector<16xf32>
      %parallel_loop3A_1226 = arith.addf %parallel_loop3A_1034, %parallel_loop3A_1131 : vector<16xf32>
      %parallel_loop3A_1227 = arith.addf %parallel_loop3A_1035, %parallel_loop3A_1147 : vector<16xf32>
      %parallel_loop3A_1228 = arith.addf %parallel_loop3A_1036, %parallel_loop3A_1163 : vector<16xf32>
      %parallel_loop3A_1229 = arith.addf %parallel_loop3A_1037, %parallel_loop3A_1179 : vector<16xf32>
      %parallel_loop3A_1230 = arith.addf %parallel_loop3A_1038, %parallel_loop3A_1195 : vector<16xf32>
      %parallel_loop3A_1231 = arith.addf %parallel_loop3A_1039, %parallel_loop3A_1211 : vector<16xf32>
      scf.yield %parallel_loop3A_1212, %parallel_loop3A_1213, %parallel_loop3A_1214, %parallel_loop3A_1215, %parallel_loop3A_1216, %parallel_loop3A_1217, %parallel_loop3A_1218, %parallel_loop3A_1219, %parallel_loop3A_1220, %parallel_loop3A_1221, %parallel_loop3A_1222, %parallel_loop3A_1223, %parallel_loop3A_1224, %parallel_loop3A_1225, %parallel_loop3A_1226, %parallel_loop3A_1227, %parallel_loop3A_1228, %parallel_loop3A_1229, %parallel_loop3A_1230, %parallel_loop3A_1231 : vector<16xf32>, vector<16xf32>, vector<16xf32>, vector<16xf32>, vector<16xf32>, vector<16xf32>, vector<16xf32>, vector<16xf32>, vector<16xf32>, vector<16xf32>, vector<16xf32>, vector<16xf32>, vector<16xf32>, vector<16xf32>, vector<16xf32>, vector<16xf32>, vector<16xf32>, vector<16xf32>, vector<16xf32>, vector<16xf32>
    } {sc.loop_unroll_factor = 1 : i64, sc.parallel_access}
    %swap3A_315 = arith.constant 0 : i32
    %swap3A_316 = arith.index_cast %swap3A_315 : i32 to index
    %swap3A_317 = arith.constant 16 : index
    %swap3A_318 = tpu.vector_load %arg8[%swap3A_316, %swap3A_317] {strides = array<i32>} : memref<20x128xf32, #tpu.memory_space<vmem>>, vector<16xf32>,
    tpu.vector_store %arg8[%swap3A_316, %swap3A_317], %parallel_loop3A_314#0 {strides = array<i32>} : memref<20x128xf32, #tpu.memory_space<vmem>>, vector<16xf32>,
    %swap3A_319 = arith.constant 1 : i32
    %swap3A_320 = arith.index_cast %swap3A_319 : i32 to index
    %swap3A_321 = arith.constant 16 : index
    %swap3A_322 = tpu.vector_load %arg8[%swap3A_320, %swap3A_321] {strides = array<i32>} : memref<20x128xf32, #tpu.memory_space<vmem>>, vector<16xf32>,
    tpu.vector_store %arg8[%swap3A_320, %swap3A_321], %parallel_loop3A_314#1 {strides = array<i32>} : memref<20x128xf32, #tpu.memory_space<vmem>>, vector<16xf32>,
    %swap3A_323 = arith.constant 2 : i32
    %swap3A_324 = arith.index_cast %swap3A_323 : i32 to index
    %swap3A_325 = arith.constant 16 : index
    %swap3A_326 = tpu.vector_load %arg8[%swap3A_324, %swap3A_325] {strides = array<i32>} : memref<20x128xf32, #tpu.memory_space<vmem>>, vector<16xf32>,
    tpu.vector_store %arg8[%swap3A_324, %swap3A_325], %parallel_loop3A_314#2 {strides = array<i32>} : memref<20x128xf32, #tpu.memory_space<vmem>>, vector<16xf32>,
    %swap3A_327 = arith.constant 3 : i32
    %swap3A_328 = arith.index_cast %swap3A_327 : i32 to index
    %swap3A_329 = arith.constant 16 : index
    %swap3A_330 = tpu.vector_load %arg8[%swap3A_328, %swap3A_329] {strides = array<i32>} : memref<20x128xf32, #tpu.memory_space<vmem>>, vector<16xf32>,
    tpu.vector_store %arg8[%swap3A_328, %swap3A_329], %parallel_loop3A_314#3 {strides = array<i32>} : memref<20x128xf32, #tpu.memory_space<vmem>>, vector<16xf32>,
    %swap3A_331 = arith.constant 4 : i32
    %swap3A_332 = arith.index_cast %swap3A_331 : i32 to index
    %swap3A_333 = arith.constant 16 : index
    %swap3A_334 = tpu.vector_load %arg8[%swap3A_332, %swap3A_333] {strides = array<i32>} : memref<20x128xf32, #tpu.memory_space<vmem>>, vector<16xf32>,
    tpu.vector_store %arg8[%swap3A_332, %swap3A_333], %parallel_loop3A_314#4 {strides = array<i32>} : memref<20x128xf32, #tpu.memory_space<vmem>>, vector<16xf32>,
    %swap3A_335 = arith.constant 5 : i32
    %swap3A_336 = arith.index_cast %swap3A_335 : i32 to index
    %swap3A_337 = arith.constant 16 : index
    %swap3A_338 = tpu.vector_load %arg8[%swap3A_336, %swap3A_337] {strides = array<i32>} : memref<20x128xf32, #tpu.memory_space<vmem>>, vector<16xf32>,
    tpu.vector_store %arg8[%swap3A_336, %swap3A_337], %parallel_loop3A_314#5 {strides = array<i32>} : memref<20x128xf32, #tpu.memory_space<vmem>>, vector<16xf32>,
    %swap3A_339 = arith.constant 6 : i32
    %swap3A_340 = arith.index_cast %swap3A_339 : i32 to index
    %swap3A_341 = arith.constant 16 : index
    %swap3A_342 = tpu.vector_load %arg8[%swap3A_340, %swap3A_341] {strides = array<i32>} : memref<20x128xf32, #tpu.memory_space<vmem>>, vector<16xf32>,
    tpu.vector_store %arg8[%swap3A_340, %swap3A_341], %parallel_loop3A_314#6 {strides = array<i32>} : memref<20x128xf32, #tpu.memory_space<vmem>>, vector<16xf32>,
    %swap3A_343 = arith.constant 7 : i32
    %swap3A_344 = arith.index_cast %swap3A_343 : i32 to index
    %swap3A_345 = arith.constant 16 : index
    %swap3A_346 = tpu.vector_load %arg8[%swap3A_344, %swap3A_345] {strides = array<i32>} : memref<20x128xf32, #tpu.memory_space<vmem>>, vector<16xf32>,
    tpu.vector_store %arg8[%swap3A_344, %swap3A_345], %parallel_loop3A_314#7 {strides = array<i32>} : memref<20x128xf32, #tpu.memory_space<vmem>>, vector<16xf32>,
    %swap3A_347 = arith.constant 8 : i32
    %swap3A_348 = arith.index_cast %swap3A_347 : i32 to index
    %swap3A_349 = arith.constant 16 : index
    %swap3A_350 = tpu.vector_load %arg8[%swap3A_348, %swap3A_349] {strides = array<i32>} : memref<20x128xf32, #tpu.memory_space<vmem>>, vector<16xf32>,
    tpu.vector_store %arg8[%swap3A_348, %swap3A_349], %parallel_loop3A_314#8 {strides = array<i32>} : memref<20x128xf32, #tpu.memory_space<vmem>>, vector<16xf32>,
    %swap3A_351 = arith.constant 9 : i32
    %swap3A_352 = arith.index_cast %swap3A_351 : i32 to index
    %swap3A_353 = arith.constant 16 : index
    %swap3A_354 = tpu.vector_load %arg8[%swap3A_352, %swap3A_353] {strides = array<i32>} : memref<20x128xf32, #tpu.memory_space<vmem>>, vector<16xf32>,
    tpu.vector_store %arg8[%swap3A_352, %swap3A_353], %parallel_loop3A_314#9 {strides = array<i32>} : memref<20x128xf32, #tpu.memory_space<vmem>>, vector<16xf32>,
    %swap3A_355 = arith.constant 10 : i32
    %swap3A_356 = arith.index_cast %swap3A_355 : i32 to index
    %swap3A_357 = arith.constant 16 : index
    %swap3A_358 = tpu.vector_load %arg8[%swap3A_356, %swap3A_357] {strides = array<i32>} : memref<20x128xf32, #tpu.memory_space<vmem>>, vector<16xf32>,
    tpu.vector_store %arg8[%swap3A_356, %swap3A_357], %parallel_loop3A_314#10 {strides = array<i32>} : memref<20x128xf32, #tpu.memory_space<vmem>>, vector<16xf32>,
    %swap3A_359 = arith.constant 11 : i32
    %swap3A_360 = arith.index_cast %swap3A_359 : i32 to index
    %swap3A_361 = arith.constant 16 : index
    %swap3A_362 = tpu.vector_load %arg8[%swap3A_360, %swap3A_361] {strides = array<i32>} : memref<20x128xf32, #tpu.memory_space<vmem>>, vector<16xf32>,
    tpu.vector_store %arg8[%swap3A_360, %swap3A_361], %parallel_loop3A_314#11 {strides = array<i32>} : memref<20x128xf32, #tpu.memory_space<vmem>>, vector<16xf32>,
    %swap3A_363 = arith.constant 12 : i32
    %swap3A_364 = arith.index_cast %swap3A_363 : i32 to index
    %swap3A_365 = arith.constant 16 : index
    %swap3A_366 = tpu.vector_load %arg8[%swap3A_364, %swap3A_365] {strides = array<i32>} : memref<20x128xf32, #tpu.memory_space<vmem>>, vector<16xf32>,
    tpu.vector_store %arg8[%swap3A_364, %swap3A_365], %parallel_loop3A_314#12 {strides = array<i32>} : memref<20x128xf32, #tpu.memory_space<vmem>>, vector<16xf32>,
    %swap3A_367 = arith.constant 13 : i32
    %swap3A_368 = arith.index_cast %swap3A_367 : i32 to index
    %swap3A_369 = arith.constant 16 : index
    %swap3A_370 = tpu.vector_load %arg8[%swap3A_368, %swap3A_369] {strides = array<i32>} : memref<20x128xf32, #tpu.memory_space<vmem>>, vector<16xf32>,
    tpu.vector_store %arg8[%swap3A_368, %swap3A_369], %parallel_loop3A_314#13 {strides = array<i32>} : memref<20x128xf32, #tpu.memory_space<vmem>>, vector<16xf32>,
    %swap3A_371 = arith.constant 14 : i32
    %swap3A_372 = arith.index_cast %swap3A_371 : i32 to index
    %swap3A_373 = arith.constant 16 : index
    %swap3A_374 = tpu.vector_load %arg8[%swap3A_372, %swap3A_373] {strides = array<i32>} : memref<20x128xf32, #tpu.memory_space<vmem>>, vector<16xf32>,
    tpu.vector_store %arg8[%swap3A_372, %swap3A_373], %parallel_loop3A_314#14 {strides = array<i32>} : memref<20x128xf32, #tpu.memory_space<vmem>>, vector<16xf32>,
    %swap3A_375 = arith.constant 15 : i32
    %swap3A_376 = arith.index_cast %swap3A_375 : i32 to index
    %swap3A_377 = arith.constant 16 : index
    %swap3A_378 = tpu.vector_load %arg8[%swap3A_376, %swap3A_377] {strides = array<i32>} : memref<20x128xf32, #tpu.memory_space<vmem>>, vector<16xf32>,
    tpu.vector_store %arg8[%swap3A_376, %swap3A_377], %parallel_loop3A_314#15 {strides = array<i32>} : memref<20x128xf32, #tpu.memory_space<vmem>>, vector<16xf32>,
    %swap3A_379 = arith.constant 16 : i32
    %swap3A_380 = arith.index_cast %swap3A_379 : i32 to index
    %swap3A_381 = arith.constant 16 : index
    %swap3A_382 = tpu.vector_load %arg8[%swap3A_380, %swap3A_381] {strides = array<i32>} : memref<20x128xf32, #tpu.memory_space<vmem>>, vector<16xf32>,
    tpu.vector_store %arg8[%swap3A_380, %swap3A_381], %parallel_loop3A_314#16 {strides = array<i32>} : memref<20x128xf32, #tpu.memory_space<vmem>>, vector<16xf32>,
    %swap3A_383 = arith.constant 17 : i32
    %swap3A_384 = arith.index_cast %swap3A_383 : i32 to index
    %swap3A_385 = arith.constant 16 : index
    %swap3A_386 = tpu.vector_load %arg8[%swap3A_384, %swap3A_385] {strides = array<i32>} : memref<20x128xf32, #tpu.memory_space<vmem>>, vector<16xf32>,
    tpu.vector_store %arg8[%swap3A_384, %swap3A_385], %parallel_loop3A_314#17 {strides = array<i32>} : memref<20x128xf32, #tpu.memory_space<vmem>>, vector<16xf32>,
    %swap3A_387 = arith.constant 18 : i32
    %swap3A_388 = arith.index_cast %swap3A_387 : i32 to index
    %swap3A_389 = arith.constant 16 : index
    %swap3A_390 = tpu.vector_load %arg8[%swap3A_388, %swap3A_389] {strides = array<i32>} : memref<20x128xf32, #tpu.memory_space<vmem>>, vector<16xf32>,
    tpu.vector_store %arg8[%swap3A_388, %swap3A_389], %parallel_loop3A_314#18 {strides = array<i32>} : memref<20x128xf32, #tpu.memory_space<vmem>>, vector<16xf32>,
    %swap3A_391 = arith.constant 19 : i32
    %swap3A_392 = arith.index_cast %swap3A_391 : i32 to index
    %swap3A_393 = arith.constant 16 : index
    %swap3A_394 = tpu.vector_load %arg8[%swap3A_392, %swap3A_393] {strides = array<i32>} : memref<20x128xf32, #tpu.memory_space<vmem>>, vector<16xf32>,
    tpu.vector_store %arg8[%swap3A_392, %swap3A_393], %parallel_loop3A_314#19 {strides = array<i32>} : memref<20x128xf32, #tpu.memory_space<vmem>>, vector<16xf32>,
    %gather3A_395 = tpu.vector_load_idx %arg6[%iota3A, %broadcast_in_dim3A_149] : memref<16x20xf32, #tpu.memory_space<vmem>>[vector<16xi32>, vector<16xi32>], vector<16xf32>,
    %gather3A_396 = tpu.vector_load_idx %arg6[%iota3A, %broadcast_in_dim3A_151] : memref<16x20xf32, #tpu.memory_space<vmem>>[vector<16xi32>, vector<16xi32>], vector<16xf32>,
    %gather3A_397 = tpu.vector_load_idx %arg6[%iota3A, %broadcast_in_dim3A_153] : memref<16x20xf32, #tpu.memory_space<vmem>>[vector<16xi32>, vector<16xi32>], vector<16xf32>,
    %gather3A_398 = tpu.vector_load_idx %arg6[%iota3A, %broadcast_in_dim3A_155] : memref<16x20xf32, #tpu.memory_space<vmem>>[vector<16xi32>, vector<16xi32>], vector<16xf32>,
    %gather3A_399 = tpu.vector_load_idx %arg6[%iota3A, %broadcast_in_dim3A_157] : memref<16x20xf32, #tpu.memory_space<vmem>>[vector<16xi32>, vector<16xi32>], vector<16xf32>,
    %gather3A_400 = tpu.vector_load_idx %arg6[%iota3A, %broadcast_in_dim3A_159] : memref<16x20xf32, #tpu.memory_space<vmem>>[vector<16xi32>, vector<16xi32>], vector<16xf32>,
    %gather3A_401 = tpu.vector_load_idx %arg6[%iota3A, %broadcast_in_dim3A_161] : memref<16x20xf32, #tpu.memory_space<vmem>>[vector<16xi32>, vector<16xi32>], vector<16xf32>,
    %gather3A_402 = tpu.vector_load_idx %arg6[%iota3A, %broadcast_in_dim3A_163] : memref<16x20xf32, #tpu.memory_space<vmem>>[vector<16xi32>, vector<16xi32>], vector<16xf32>,
    %gather3A_403 = tpu.vector_load_idx %arg6[%iota3A, %broadcast_in_dim3A_165] : memref<16x20xf32, #tpu.memory_space<vmem>>[vector<16xi32>, vector<16xi32>], vector<16xf32>,
    %gather3A_404 = tpu.vector_load_idx %arg6[%iota3A, %broadcast_in_dim3A_167] : memref<16x20xf32, #tpu.memory_space<vmem>>[vector<16xi32>, vector<16xi32>], vector<16xf32>,
    %gather3A_405 = tpu.vector_load_idx %arg6[%iota3A, %broadcast_in_dim3A_169] : memref<16x20xf32, #tpu.memory_space<vmem>>[vector<16xi32>, vector<16xi32>], vector<16xf32>,
    %gather3A_406 = tpu.vector_load_idx %arg6[%iota3A, %broadcast_in_dim3A_171] : memref<16x20xf32, #tpu.memory_space<vmem>>[vector<16xi32>, vector<16xi32>], vector<16xf32>,
    %gather3A_407 = tpu.vector_load_idx %arg6[%iota3A, %broadcast_in_dim3A_173] : memref<16x20xf32, #tpu.memory_space<vmem>>[vector<16xi32>, vector<16xi32>], vector<16xf32>,
    %gather3A_408 = tpu.vector_load_idx %arg6[%iota3A, %broadcast_in_dim3A_175] : memref<16x20xf32, #tpu.memory_space<vmem>>[vector<16xi32>, vector<16xi32>], vector<16xf32>,
    %gather3A_409 = tpu.vector_load_idx %arg6[%iota3A, %broadcast_in_dim3A_177] : memref<16x20xf32, #tpu.memory_space<vmem>>[vector<16xi32>, vector<16xi32>], vector<16xf32>,
    %gather3A_410 = tpu.vector_load_idx %arg6[%iota3A, %broadcast_in_dim3A_179] : memref<16x20xf32, #tpu.memory_space<vmem>>[vector<16xi32>, vector<16xi32>], vector<16xf32>,
    %gather3A_411 = tpu.vector_load_idx %arg6[%iota3A, %broadcast_in_dim3A_181] : memref<16x20xf32, #tpu.memory_space<vmem>>[vector<16xi32>, vector<16xi32>], vector<16xf32>,
    %gather3A_412 = tpu.vector_load_idx %arg6[%iota3A, %broadcast_in_dim3A_183] : memref<16x20xf32, #tpu.memory_space<vmem>>[vector<16xi32>, vector<16xi32>], vector<16xf32>,
    %gather3A_413 = tpu.vector_load_idx %arg6[%iota3A, %broadcast_in_dim3A_185] : memref<16x20xf32, #tpu.memory_space<vmem>>[vector<16xi32>, vector<16xi32>], vector<16xf32>,
    %gather3A_414 = tpu.vector_load_idx %arg6[%iota3A, %broadcast_in_dim3A_187] : memref<16x20xf32, #tpu.memory_space<vmem>>[vector<16xi32>, vector<16xi32>], vector<16xf32>,
    %parallel_loop3A_415 = arith.constant 0 : i32
    %parallel_loop3A_416 = arith.constant 25 : i32
    %parallel_loop3A_417 = arith.constant 1 : i32
    %parallel_loop3A_418:20 = scf.for %parallel_loop3A_1019 = %parallel_loop3A_415 to %parallel_loop3A_416 step %parallel_loop3A_417 iter_args(%parallel_loop3A_1020 = %gather3A_395, %parallel_loop3A_1021 = %gather3A_396, %parallel_loop3A_1022 = %gather3A_397, %parallel_loop3A_1023 = %gather3A_398, %parallel_loop3A_1024 = %gather3A_399, %parallel_loop3A_1025 = %gather3A_400, %parallel_loop3A_1026 = %gather3A_401, %parallel_loop3A_1027 = %gather3A_402, %parallel_loop3A_1028 = %gather3A_403, %parallel_loop3A_1029 = %gather3A_404, %parallel_loop3A_1030 = %gather3A_405, %parallel_loop3A_1031 = %gather3A_406, %parallel_loop3A_1032 = %gather3A_407, %parallel_loop3A_1033 = %gather3A_408, %parallel_loop3A_1034 = %gather3A_409, %parallel_loop3A_1035 = %gather3A_410, %parallel_loop3A_1036 = %gather3A_411, %parallel_loop3A_1037 = %gather3A_412, %parallel_loop3A_1038 = %gather3A_413, %parallel_loop3A_1039 = %gather3A_414) -> (vector<16xf32>, vector<16xf32>, vector<16xf32>, vector<16xf32>, vector<16xf32>, vector<16xf32>, vector<16xf32>, vector<16xf32>, vector<16xf32>, vector<16xf32>, vector<16xf32>, vector<16xf32>, vector<16xf32>, vector<16xf32>, vector<16xf32>, vector<16xf32>, vector<16xf32>, vector<16xf32>, vector<16xf32>, vector<16xf32>)  : i32 {
      %parallel_loop3A_1040 = arith.constant 2 : i32
      %parallel_loop3A_1041 = arith.muli %parallel_loop3A_1040, %parallel_loop3A_1019 : i32
      %parallel_loop3A_1042 = arith.index_cast %parallel_loop3A_1041 : i32 to index
      %parallel_loop3A_1043 = arith.constant 32 : index
      %parallel_loop3A_1044 = tpu.vector_load %arg7[%parallel_loop3A_1042, %parallel_loop3A_1043] {strides = array<i32>} : memref<50x128xi32, #tpu.memory_space<vmem>>, vector<16xi32>,
      %parallel_loop3A_1045 = arith.constant 2 : i32
      %parallel_loop3A_1046 = arith.muli %parallel_loop3A_1045, %parallel_loop3A_1019 : i32
      %parallel_loop3A_1047 = arith.constant 1 : i32
      %parallel_loop3A_1048 = arith.addi %parallel_loop3A_1046, %parallel_loop3A_1047 : i32
      %parallel_loop3A_1049 = arith.index_cast %parallel_loop3A_1048 : i32 to index
      %parallel_loop3A_1050 = arith.constant 32 : index
      %parallel_loop3A_1051 = tpu.vector_load %arg7[%parallel_loop3A_1049, %parallel_loop3A_1050] {strides = array<i32>} : memref<50x128xi32, #tpu.memory_space<vmem>>, vector<16xi32>,
      %parallel_loop3A_1052 = tpu.vector_load_idx %arg10[%parallel_loop3A_1044] : memref<1024xi32, #tpu.memory_space<vmem>>[vector<16xi32>], vector<16xi32>,
      %parallel_loop3A_1053 = arith.constant 16 : i32
      %parallel_loop3A_1054 = vector.broadcast %parallel_loop3A_1053 : i32 to vector<16xi32>
      %parallel_loop3A_1055 = arith.shli %parallel_loop3A_1052, %parallel_loop3A_1054 : vector<16xi32>
      %parallel_loop3A_1056 = vector.bitcast %parallel_loop3A_1055 : vector<16xi32> to vector<16xf32>
      %parallel_loop3A_1057 = arith.andi %parallel_loop3A_1052, %broadcast_in_dim3A_189 : vector<16xi32>
      %parallel_loop3A_1058 = vector.bitcast %parallel_loop3A_1057 : vector<16xi32> to vector<16xf32>
      %parallel_loop3A_1059 = tpu.vector_load_idx %arg10[%parallel_loop3A_1051] : memref<1024xi32, #tpu.memory_space<vmem>>[vector<16xi32>], vector<16xi32>,
      %parallel_loop3A_1060 = arith.constant 16 : i32
      %parallel_loop3A_1061 = vector.broadcast %parallel_loop3A_1060 : i32 to vector<16xi32>
      %parallel_loop3A_1062 = arith.shli %parallel_loop3A_1059, %parallel_loop3A_1061 : vector<16xi32>
      %parallel_loop3A_1063 = vector.bitcast %parallel_loop3A_1062 : vector<16xi32> to vector<16xf32>
      %parallel_loop3A_1064 = arith.andi %parallel_loop3A_1059, %broadcast_in_dim3A_189 : vector<16xi32>
      %parallel_loop3A_1065 = vector.bitcast %parallel_loop3A_1064 : vector<16xi32> to vector<16xf32>
      %parallel_loop3A_1066 = arith.addf %parallel_loop3A_1056, %parallel_loop3A_1063 : vector<16xf32>
      %parallel_loop3A_1067 = arith.addf %parallel_loop3A_1058, %parallel_loop3A_1065 : vector<16xf32>
      %parallel_loop3A_1068 = tpu.vector_load_idx %arg11[%parallel_loop3A_1044] : memref<1024xi32, #tpu.memory_space<vmem>>[vector<16xi32>], vector<16xi32>,
      %parallel_loop3A_1069 = arith.constant 16 : i32
      %parallel_loop3A_1070 = vector.broadcast %parallel_loop3A_1069 : i32 to vector<16xi32>
      %parallel_loop3A_1071 = arith.shli %parallel_loop3A_1068, %parallel_loop3A_1070 : vector<16xi32>
      %parallel_loop3A_1072 = vector.bitcast %parallel_loop3A_1071 : vector<16xi32> to vector<16xf32>
      %parallel_loop3A_1073 = arith.andi %parallel_loop3A_1068, %broadcast_in_dim3A_189 : vector<16xi32>
      %parallel_loop3A_1074 = vector.bitcast %parallel_loop3A_1073 : vector<16xi32> to vector<16xf32>
      %parallel_loop3A_1075 = tpu.vector_load_idx %arg11[%parallel_loop3A_1051] : memref<1024xi32, #tpu.memory_space<vmem>>[vector<16xi32>], vector<16xi32>,
      %parallel_loop3A_1076 = arith.constant 16 : i32
      %parallel_loop3A_1077 = vector.broadcast %parallel_loop3A_1076 : i32 to vector<16xi32>
      %parallel_loop3A_1078 = arith.shli %parallel_loop3A_1075, %parallel_loop3A_1077 : vector<16xi32>
      %parallel_loop3A_1079 = vector.bitcast %parallel_loop3A_1078 : vector<16xi32> to vector<16xf32>
      %parallel_loop3A_1080 = arith.andi %parallel_loop3A_1075, %broadcast_in_dim3A_189 : vector<16xi32>
      %parallel_loop3A_1081 = vector.bitcast %parallel_loop3A_1080 : vector<16xi32> to vector<16xf32>
      %parallel_loop3A_1082 = arith.addf %parallel_loop3A_1072, %parallel_loop3A_1079 : vector<16xf32>
      %parallel_loop3A_1083 = arith.addf %parallel_loop3A_1074, %parallel_loop3A_1081 : vector<16xf32>
      %parallel_loop3A_1084 = tpu.vector_load_idx %arg12[%parallel_loop3A_1044] : memref<1024xi32, #tpu.memory_space<vmem>>[vector<16xi32>], vector<16xi32>,
      %parallel_loop3A_1085 = arith.constant 16 : i32
      %parallel_loop3A_1086 = vector.broadcast %parallel_loop3A_1085 : i32 to vector<16xi32>
      %parallel_loop3A_1087 = arith.shli %parallel_loop3A_1084, %parallel_loop3A_1086 : vector<16xi32>
      %parallel_loop3A_1088 = vector.bitcast %parallel_loop3A_1087 : vector<16xi32> to vector<16xf32>
      %parallel_loop3A_1089 = arith.andi %parallel_loop3A_1084, %broadcast_in_dim3A_189 : vector<16xi32>
      %parallel_loop3A_1090 = vector.bitcast %parallel_loop3A_1089 : vector<16xi32> to vector<16xf32>
      %parallel_loop3A_1091 = tpu.vector_load_idx %arg12[%parallel_loop3A_1051] : memref<1024xi32, #tpu.memory_space<vmem>>[vector<16xi32>], vector<16xi32>,
      %parallel_loop3A_1092 = arith.constant 16 : i32
      %parallel_loop3A_1093 = vector.broadcast %parallel_loop3A_1092 : i32 to vector<16xi32>
      %parallel_loop3A_1094 = arith.shli %parallel_loop3A_1091, %parallel_loop3A_1093 : vector<16xi32>
      %parallel_loop3A_1095 = vector.bitcast %parallel_loop3A_1094 : vector<16xi32> to vector<16xf32>
      %parallel_loop3A_1096 = arith.andi %parallel_loop3A_1091, %broadcast_in_dim3A_189 : vector<16xi32>
      %parallel_loop3A_1097 = vector.bitcast %parallel_loop3A_1096 : vector<16xi32> to vector<16xf32>
      %parallel_loop3A_1098 = arith.addf %parallel_loop3A_1088, %parallel_loop3A_1095 : vector<16xf32>
      %parallel_loop3A_1099 = arith.addf %parallel_loop3A_1090, %parallel_loop3A_1097 : vector<16xf32>
      %parallel_loop3A_1100 = tpu.vector_load_idx %arg13[%parallel_loop3A_1044] : memref<1024xi32, #tpu.memory_space<vmem>>[vector<16xi32>], vector<16xi32>,
      %parallel_loop3A_1101 = arith.constant 16 : i32
      %parallel_loop3A_1102 = vector.broadcast %parallel_loop3A_1101 : i32 to vector<16xi32>
      %parallel_loop3A_1103 = arith.shli %parallel_loop3A_1100, %parallel_loop3A_1102 : vector<16xi32>
      %parallel_loop3A_1104 = vector.bitcast %parallel_loop3A_1103 : vector<16xi32> to vector<16xf32>
      %parallel_loop3A_1105 = arith.andi %parallel_loop3A_1100, %broadcast_in_dim3A_189 : vector<16xi32>
      %parallel_loop3A_1106 = vector.bitcast %parallel_loop3A_1105 : vector<16xi32> to vector<16xf32>
      %parallel_loop3A_1107 = tpu.vector_load_idx %arg13[%parallel_loop3A_1051] : memref<1024xi32, #tpu.memory_space<vmem>>[vector<16xi32>], vector<16xi32>,
      %parallel_loop3A_1108 = arith.constant 16 : i32
      %parallel_loop3A_1109 = vector.broadcast %parallel_loop3A_1108 : i32 to vector<16xi32>
      %parallel_loop3A_1110 = arith.shli %parallel_loop3A_1107, %parallel_loop3A_1109 : vector<16xi32>
      %parallel_loop3A_1111 = vector.bitcast %parallel_loop3A_1110 : vector<16xi32> to vector<16xf32>
      %parallel_loop3A_1112 = arith.andi %parallel_loop3A_1107, %broadcast_in_dim3A_189 : vector<16xi32>
      %parallel_loop3A_1113 = vector.bitcast %parallel_loop3A_1112 : vector<16xi32> to vector<16xf32>
      %parallel_loop3A_1114 = arith.addf %parallel_loop3A_1104, %parallel_loop3A_1111 : vector<16xf32>
      %parallel_loop3A_1115 = arith.addf %parallel_loop3A_1106, %parallel_loop3A_1113 : vector<16xf32>
      %parallel_loop3A_1116 = tpu.vector_load_idx %arg14[%parallel_loop3A_1044] : memref<1024xi32, #tpu.memory_space<vmem>>[vector<16xi32>], vector<16xi32>,
      %parallel_loop3A_1117 = arith.constant 16 : i32
      %parallel_loop3A_1118 = vector.broadcast %parallel_loop3A_1117 : i32 to vector<16xi32>
      %parallel_loop3A_1119 = arith.shli %parallel_loop3A_1116, %parallel_loop3A_1118 : vector<16xi32>
      %parallel_loop3A_1120 = vector.bitcast %parallel_loop3A_1119 : vector<16xi32> to vector<16xf32>
      %parallel_loop3A_1121 = arith.andi %parallel_loop3A_1116, %broadcast_in_dim3A_189 : vector<16xi32>
      %parallel_loop3A_1122 = vector.bitcast %parallel_loop3A_1121 : vector<16xi32> to vector<16xf32>
      %parallel_loop3A_1123 = tpu.vector_load_idx %arg14[%parallel_loop3A_1051] : memref<1024xi32, #tpu.memory_space<vmem>>[vector<16xi32>], vector<16xi32>,
      %parallel_loop3A_1124 = arith.constant 16 : i32
      %parallel_loop3A_1125 = vector.broadcast %parallel_loop3A_1124 : i32 to vector<16xi32>
      %parallel_loop3A_1126 = arith.shli %parallel_loop3A_1123, %parallel_loop3A_1125 : vector<16xi32>
      %parallel_loop3A_1127 = vector.bitcast %parallel_loop3A_1126 : vector<16xi32> to vector<16xf32>
      %parallel_loop3A_1128 = arith.andi %parallel_loop3A_1123, %broadcast_in_dim3A_189 : vector<16xi32>
      %parallel_loop3A_1129 = vector.bitcast %parallel_loop3A_1128 : vector<16xi32> to vector<16xf32>
      %parallel_loop3A_1130 = arith.addf %parallel_loop3A_1120, %parallel_loop3A_1127 : vector<16xf32>
      %parallel_loop3A_1131 = arith.addf %parallel_loop3A_1122, %parallel_loop3A_1129 : vector<16xf32>
      %parallel_loop3A_1132 = tpu.vector_load_idx %arg15[%parallel_loop3A_1044] : memref<1024xi32, #tpu.memory_space<vmem>>[vector<16xi32>], vector<16xi32>,
      %parallel_loop3A_1133 = arith.constant 16 : i32
      %parallel_loop3A_1134 = vector.broadcast %parallel_loop3A_1133 : i32 to vector<16xi32>
      %parallel_loop3A_1135 = arith.shli %parallel_loop3A_1132, %parallel_loop3A_1134 : vector<16xi32>
      %parallel_loop3A_1136 = vector.bitcast %parallel_loop3A_1135 : vector<16xi32> to vector<16xf32>
      %parallel_loop3A_1137 = arith.andi %parallel_loop3A_1132, %broadcast_in_dim3A_189 : vector<16xi32>
      %parallel_loop3A_1138 = vector.bitcast %parallel_loop3A_1137 : vector<16xi32> to vector<16xf32>
      %parallel_loop3A_1139 = tpu.vector_load_idx %arg15[%parallel_loop3A_1051] : memref<1024xi32, #tpu.memory_space<vmem>>[vector<16xi32>], vector<16xi32>,
      %parallel_loop3A_1140 = arith.constant 16 : i32
      %parallel_loop3A_1141 = vector.broadcast %parallel_loop3A_1140 : i32 to vector<16xi32>
      %parallel_loop3A_1142 = arith.shli %parallel_loop3A_1139, %parallel_loop3A_1141 : vector<16xi32>
      %parallel_loop3A_1143 = vector.bitcast %parallel_loop3A_1142 : vector<16xi32> to vector<16xf32>
      %parallel_loop3A_1144 = arith.andi %parallel_loop3A_1139, %broadcast_in_dim3A_189 : vector<16xi32>
      %parallel_loop3A_1145 = vector.bitcast %parallel_loop3A_1144 : vector<16xi32> to vector<16xf32>
      %parallel_loop3A_1146 = arith.addf %parallel_loop3A_1136, %parallel_loop3A_1143 : vector<16xf32>
      %parallel_loop3A_1147 = arith.addf %parallel_loop3A_1138, %parallel_loop3A_1145 : vector<16xf32>
      %parallel_loop3A_1148 = tpu.vector_load_idx %arg16[%parallel_loop3A_1044] : memref<1024xi32, #tpu.memory_space<vmem>>[vector<16xi32>], vector<16xi32>,
      %parallel_loop3A_1149 = arith.constant 16 : i32
      %parallel_loop3A_1150 = vector.broadcast %parallel_loop3A_1149 : i32 to vector<16xi32>
      %parallel_loop3A_1151 = arith.shli %parallel_loop3A_1148, %parallel_loop3A_1150 : vector<16xi32>
      %parallel_loop3A_1152 = vector.bitcast %parallel_loop3A_1151 : vector<16xi32> to vector<16xf32>
      %parallel_loop3A_1153 = arith.andi %parallel_loop3A_1148, %broadcast_in_dim3A_189 : vector<16xi32>
      %parallel_loop3A_1154 = vector.bitcast %parallel_loop3A_1153 : vector<16xi32> to vector<16xf32>
      %parallel_loop3A_1155 = tpu.vector_load_idx %arg16[%parallel_loop3A_1051] : memref<1024xi32, #tpu.memory_space<vmem>>[vector<16xi32>], vector<16xi32>,
      %parallel_loop3A_1156 = arith.constant 16 : i32
      %parallel_loop3A_1157 = vector.broadcast %parallel_loop3A_1156 : i32 to vector<16xi32>
      %parallel_loop3A_1158 = arith.shli %parallel_loop3A_1155, %parallel_loop3A_1157 : vector<16xi32>
      %parallel_loop3A_1159 = vector.bitcast %parallel_loop3A_1158 : vector<16xi32> to vector<16xf32>
      %parallel_loop3A_1160 = arith.andi %parallel_loop3A_1155, %broadcast_in_dim3A_189 : vector<16xi32>
      %parallel_loop3A_1161 = vector.bitcast %parallel_loop3A_1160 : vector<16xi32> to vector<16xf32>
      %parallel_loop3A_1162 = arith.addf %parallel_loop3A_1152, %parallel_loop3A_1159 : vector<16xf32>
      %parallel_loop3A_1163 = arith.addf %parallel_loop3A_1154, %parallel_loop3A_1161 : vector<16xf32>
      %parallel_loop3A_1164 = tpu.vector_load_idx %arg17[%parallel_loop3A_1044] : memref<1024xi32, #tpu.memory_space<vmem>>[vector<16xi32>], vector<16xi32>,
      %parallel_loop3A_1165 = arith.constant 16 : i32
      %parallel_loop3A_1166 = vector.broadcast %parallel_loop3A_1165 : i32 to vector<16xi32>
      %parallel_loop3A_1167 = arith.shli %parallel_loop3A_1164, %parallel_loop3A_1166 : vector<16xi32>
      %parallel_loop3A_1168 = vector.bitcast %parallel_loop3A_1167 : vector<16xi32> to vector<16xf32>
      %parallel_loop3A_1169 = arith.andi %parallel_loop3A_1164, %broadcast_in_dim3A_189 : vector<16xi32>
      %parallel_loop3A_1170 = vector.bitcast %parallel_loop3A_1169 : vector<16xi32> to vector<16xf32>
      %parallel_loop3A_1171 = tpu.vector_load_idx %arg17[%parallel_loop3A_1051] : memref<1024xi32, #tpu.memory_space<vmem>>[vector<16xi32>], vector<16xi32>,
      %parallel_loop3A_1172 = arith.constant 16 : i32
      %parallel_loop3A_1173 = vector.broadcast %parallel_loop3A_1172 : i32 to vector<16xi32>
      %parallel_loop3A_1174 = arith.shli %parallel_loop3A_1171, %parallel_loop3A_1173 : vector<16xi32>
      %parallel_loop3A_1175 = vector.bitcast %parallel_loop3A_1174 : vector<16xi32> to vector<16xf32>
      %parallel_loop3A_1176 = arith.andi %parallel_loop3A_1171, %broadcast_in_dim3A_189 : vector<16xi32>
      %parallel_loop3A_1177 = vector.bitcast %parallel_loop3A_1176 : vector<16xi32> to vector<16xf32>
      %parallel_loop3A_1178 = arith.addf %parallel_loop3A_1168, %parallel_loop3A_1175 : vector<16xf32>
      %parallel_loop3A_1179 = arith.addf %parallel_loop3A_1170, %parallel_loop3A_1177 : vector<16xf32>
      %parallel_loop3A_1180 = tpu.vector_load_idx %arg18[%parallel_loop3A_1044] : memref<1024xi32, #tpu.memory_space<vmem>>[vector<16xi32>], vector<16xi32>,
      %parallel_loop3A_1181 = arith.constant 16 : i32
      %parallel_loop3A_1182 = vector.broadcast %parallel_loop3A_1181 : i32 to vector<16xi32>
      %parallel_loop3A_1183 = arith.shli %parallel_loop3A_1180, %parallel_loop3A_1182 : vector<16xi32>
      %parallel_loop3A_1184 = vector.bitcast %parallel_loop3A_1183 : vector<16xi32> to vector<16xf32>
      %parallel_loop3A_1185 = arith.andi %parallel_loop3A_1180, %broadcast_in_dim3A_189 : vector<16xi32>
      %parallel_loop3A_1186 = vector.bitcast %parallel_loop3A_1185 : vector<16xi32> to vector<16xf32>
      %parallel_loop3A_1187 = tpu.vector_load_idx %arg18[%parallel_loop3A_1051] : memref<1024xi32, #tpu.memory_space<vmem>>[vector<16xi32>], vector<16xi32>,
      %parallel_loop3A_1188 = arith.constant 16 : i32
      %parallel_loop3A_1189 = vector.broadcast %parallel_loop3A_1188 : i32 to vector<16xi32>
      %parallel_loop3A_1190 = arith.shli %parallel_loop3A_1187, %parallel_loop3A_1189 : vector<16xi32>
      %parallel_loop3A_1191 = vector.bitcast %parallel_loop3A_1190 : vector<16xi32> to vector<16xf32>
      %parallel_loop3A_1192 = arith.andi %parallel_loop3A_1187, %broadcast_in_dim3A_189 : vector<16xi32>
      %parallel_loop3A_1193 = vector.bitcast %parallel_loop3A_1192 : vector<16xi32> to vector<16xf32>
      %parallel_loop3A_1194 = arith.addf %parallel_loop3A_1184, %parallel_loop3A_1191 : vector<16xf32>
      %parallel_loop3A_1195 = arith.addf %parallel_loop3A_1186, %parallel_loop3A_1193 : vector<16xf32>
      %parallel_loop3A_1196 = tpu.vector_load_idx %arg19[%parallel_loop3A_1044] : memref<1024xi32, #tpu.memory_space<vmem>>[vector<16xi32>], vector<16xi32>,
      %parallel_loop3A_1197 = arith.constant 16 : i32
      %parallel_loop3A_1198 = vector.broadcast %parallel_loop3A_1197 : i32 to vector<16xi32>
      %parallel_loop3A_1199 = arith.shli %parallel_loop3A_1196, %parallel_loop3A_1198 : vector<16xi32>
      %parallel_loop3A_1200 = vector.bitcast %parallel_loop3A_1199 : vector<16xi32> to vector<16xf32>
      %parallel_loop3A_1201 = arith.andi %parallel_loop3A_1196, %broadcast_in_dim3A_189 : vector<16xi32>
      %parallel_loop3A_1202 = vector.bitcast %parallel_loop3A_1201 : vector<16xi32> to vector<16xf32>
      %parallel_loop3A_1203 = tpu.vector_load_idx %arg19[%parallel_loop3A_1051] : memref<1024xi32, #tpu.memory_space<vmem>>[vector<16xi32>], vector<16xi32>,
      %parallel_loop3A_1204 = arith.constant 16 : i32
      %parallel_loop3A_1205 = vector.broadcast %parallel_loop3A_1204 : i32 to vector<16xi32>
      %parallel_loop3A_1206 = arith.shli %parallel_loop3A_1203, %parallel_loop3A_1205 : vector<16xi32>
      %parallel_loop3A_1207 = vector.bitcast %parallel_loop3A_1206 : vector<16xi32> to vector<16xf32>
      %parallel_loop3A_1208 = arith.andi %parallel_loop3A_1203, %broadcast_in_dim3A_189 : vector<16xi32>
      %parallel_loop3A_1209 = vector.bitcast %parallel_loop3A_1208 : vector<16xi32> to vector<16xf32>
      %parallel_loop3A_1210 = arith.addf %parallel_loop3A_1200, %parallel_loop3A_1207 : vector<16xf32>
      %parallel_loop3A_1211 = arith.addf %parallel_loop3A_1202, %parallel_loop3A_1209 : vector<16xf32>
      %parallel_loop3A_1212 = arith.addf %parallel_loop3A_1020, %parallel_loop3A_1066 : vector<16xf32>
      %parallel_loop3A_1213 = arith.addf %parallel_loop3A_1021, %parallel_loop3A_1082 : vector<16xf32>
      %parallel_loop3A_1214 = arith.addf %parallel_loop3A_1022, %parallel_loop3A_1098 : vector<16xf32>
      %parallel_loop3A_1215 = arith.addf %parallel_loop3A_1023, %parallel_loop3A_1114 : vector<16xf32>
      %parallel_loop3A_1216 = arith.addf %parallel_loop3A_1024, %parallel_loop3A_1130 : vector<16xf32>
      %parallel_loop3A_1217 = arith.addf %parallel_loop3A_1025, %parallel_loop3A_1146 : vector<16xf32>
      %parallel_loop3A_1218 = arith.addf %parallel_loop3A_1026, %parallel_loop3A_1162 : vector<16xf32>
      %parallel_loop3A_1219 = arith.addf %parallel_loop3A_1027, %parallel_loop3A_1178 : vector<16xf32>
      %parallel_loop3A_1220 = arith.addf %parallel_loop3A_1028, %parallel_loop3A_1194 : vector<16xf32>
      %parallel_loop3A_1221 = arith.addf %parallel_loop3A_1029, %parallel_loop3A_1210 : vector<16xf32>
      %parallel_loop3A_1222 = arith.addf %parallel_loop3A_1030, %parallel_loop3A_1067 : vector<16xf32>
      %parallel_loop3A_1223 = arith.addf %parallel_loop3A_1031, %parallel_loop3A_1083 : vector<16xf32>
      %parallel_loop3A_1224 = arith.addf %parallel_loop3A_1032, %parallel_loop3A_1099 : vector<16xf32>
      %parallel_loop3A_1225 = arith.addf %parallel_loop3A_1033, %parallel_loop3A_1115 : vector<16xf32>
      %parallel_loop3A_1226 = arith.addf %parallel_loop3A_1034, %parallel_loop3A_1131 : vector<16xf32>
      %parallel_loop3A_1227 = arith.addf %parallel_loop3A_1035, %parallel_loop3A_1147 : vector<16xf32>
      %parallel_loop3A_1228 = arith.addf %parallel_loop3A_1036, %parallel_loop3A_1163 : vector<16xf32>
      %parallel_loop3A_1229 = arith.addf %parallel_loop3A_1037, %parallel_loop3A_1179 : vector<16xf32>
      %parallel_loop3A_1230 = arith.addf %parallel_loop3A_1038, %parallel_loop3A_1195 : vector<16xf32>
      %parallel_loop3A_1231 = arith.addf %parallel_loop3A_1039, %parallel_loop3A_1211 : vector<16xf32>
      scf.yield %parallel_loop3A_1212, %parallel_loop3A_1213, %parallel_loop3A_1214, %parallel_loop3A_1215, %parallel_loop3A_1216, %parallel_loop3A_1217, %parallel_loop3A_1218, %parallel_loop3A_1219, %parallel_loop3A_1220, %parallel_loop3A_1221, %parallel_loop3A_1222, %parallel_loop3A_1223, %parallel_loop3A_1224, %parallel_loop3A_1225, %parallel_loop3A_1226, %parallel_loop3A_1227, %parallel_loop3A_1228, %parallel_loop3A_1229, %parallel_loop3A_1230, %parallel_loop3A_1231 : vector<16xf32>, vector<16xf32>, vector<16xf32>, vector<16xf32>, vector<16xf32>, vector<16xf32>, vector<16xf32>, vector<16xf32>, vector<16xf32>, vector<16xf32>, vector<16xf32>, vector<16xf32>, vector<16xf32>, vector<16xf32>, vector<16xf32>, vector<16xf32>, vector<16xf32>, vector<16xf32>, vector<16xf32>, vector<16xf32>
    } {sc.loop_unroll_factor = 1 : i64, sc.parallel_access}
    %swap3A_419 = arith.constant 0 : i32
    %swap3A_420 = arith.index_cast %swap3A_419 : i32 to index
    %swap3A_421 = arith.constant 32 : index
    %swap3A_422 = tpu.vector_load %arg8[%swap3A_420, %swap3A_421] {strides = array<i32>} : memref<20x128xf32, #tpu.memory_space<vmem>>, vector<16xf32>,
    tpu.vector_store %arg8[%swap3A_420, %swap3A_421], %parallel_loop3A_418#0 {strides = array<i32>} : memref<20x128xf32, #tpu.memory_space<vmem>>, vector<16xf32>,
    %swap3A_423 = arith.constant 1 : i32
    %swap3A_424 = arith.index_cast %swap3A_423 : i32 to index
    %swap3A_425 = arith.constant 32 : index
    %swap3A_426 = tpu.vector_load %arg8[%swap3A_424, %swap3A_425] {strides = array<i32>} : memref<20x128xf32, #tpu.memory_space<vmem>>, vector<16xf32>,
    tpu.vector_store %arg8[%swap3A_424, %swap3A_425], %parallel_loop3A_418#1 {strides = array<i32>} : memref<20x128xf32, #tpu.memory_space<vmem>>, vector<16xf32>,
    %swap3A_427 = arith.constant 2 : i32
    %swap3A_428 = arith.index_cast %swap3A_427 : i32 to index
    %swap3A_429 = arith.constant 32 : index
    %swap3A_430 = tpu.vector_load %arg8[%swap3A_428, %swap3A_429] {strides = array<i32>} : memref<20x128xf32, #tpu.memory_space<vmem>>, vector<16xf32>,
    tpu.vector_store %arg8[%swap3A_428, %swap3A_429], %parallel_loop3A_418#2 {strides = array<i32>} : memref<20x128xf32, #tpu.memory_space<vmem>>, vector<16xf32>,
    %swap3A_431 = arith.constant 3 : i32
    %swap3A_432 = arith.index_cast %swap3A_431 : i32 to index
    %swap3A_433 = arith.constant 32 : index
    %swap3A_434 = tpu.vector_load %arg8[%swap3A_432, %swap3A_433] {strides = array<i32>} : memref<20x128xf32, #tpu.memory_space<vmem>>, vector<16xf32>,
    tpu.vector_store %arg8[%swap3A_432, %swap3A_433], %parallel_loop3A_418#3 {strides = array<i32>} : memref<20x128xf32, #tpu.memory_space<vmem>>, vector<16xf32>,
    %swap3A_435 = arith.constant 4 : i32
    %swap3A_436 = arith.index_cast %swap3A_435 : i32 to index
    %swap3A_437 = arith.constant 32 : index
    %swap3A_438 = tpu.vector_load %arg8[%swap3A_436, %swap3A_437] {strides = array<i32>} : memref<20x128xf32, #tpu.memory_space<vmem>>, vector<16xf32>,
    tpu.vector_store %arg8[%swap3A_436, %swap3A_437], %parallel_loop3A_418#4 {strides = array<i32>} : memref<20x128xf32, #tpu.memory_space<vmem>>, vector<16xf32>,
    %swap3A_439 = arith.constant 5 : i32
    %swap3A_440 = arith.index_cast %swap3A_439 : i32 to index
    %swap3A_441 = arith.constant 32 : index
    %swap3A_442 = tpu.vector_load %arg8[%swap3A_440, %swap3A_441] {strides = array<i32>} : memref<20x128xf32, #tpu.memory_space<vmem>>, vector<16xf32>,
    tpu.vector_store %arg8[%swap3A_440, %swap3A_441], %parallel_loop3A_418#5 {strides = array<i32>} : memref<20x128xf32, #tpu.memory_space<vmem>>, vector<16xf32>,
    %swap3A_443 = arith.constant 6 : i32
    %swap3A_444 = arith.index_cast %swap3A_443 : i32 to index
    %swap3A_445 = arith.constant 32 : index
    %swap3A_446 = tpu.vector_load %arg8[%swap3A_444, %swap3A_445] {strides = array<i32>} : memref<20x128xf32, #tpu.memory_space<vmem>>, vector<16xf32>,
    tpu.vector_store %arg8[%swap3A_444, %swap3A_445], %parallel_loop3A_418#6 {strides = array<i32>} : memref<20x128xf32, #tpu.memory_space<vmem>>, vector<16xf32>,
    %swap3A_447 = arith.constant 7 : i32
    %swap3A_448 = arith.index_cast %swap3A_447 : i32 to index
    %swap3A_449 = arith.constant 32 : index
    %swap3A_450 = tpu.vector_load %arg8[%swap3A_448, %swap3A_449] {strides = array<i32>} : memref<20x128xf32, #tpu.memory_space<vmem>>, vector<16xf32>,
    tpu.vector_store %arg8[%swap3A_448, %swap3A_449], %parallel_loop3A_418#7 {strides = array<i32>} : memref<20x128xf32, #tpu.memory_space<vmem>>, vector<16xf32>,
    %swap3A_451 = arith.constant 8 : i32
    %swap3A_452 = arith.index_cast %swap3A_451 : i32 to index
    %swap3A_453 = arith.constant 32 : index
    %swap3A_454 = tpu.vector_load %arg8[%swap3A_452, %swap3A_453] {strides = array<i32>} : memref<20x128xf32, #tpu.memory_space<vmem>>, vector<16xf32>,
    tpu.vector_store %arg8[%swap3A_452, %swap3A_453], %parallel_loop3A_418#8 {strides = array<i32>} : memref<20x128xf32, #tpu.memory_space<vmem>>, vector<16xf32>,
    %swap3A_455 = arith.constant 9 : i32
    %swap3A_456 = arith.index_cast %swap3A_455 : i32 to index
    %swap3A_457 = arith.constant 32 : index
    %swap3A_458 = tpu.vector_load %arg8[%swap3A_456, %swap3A_457] {strides = array<i32>} : memref<20x128xf32, #tpu.memory_space<vmem>>, vector<16xf32>,
    tpu.vector_store %arg8[%swap3A_456, %swap3A_457], %parallel_loop3A_418#9 {strides = array<i32>} : memref<20x128xf32, #tpu.memory_space<vmem>>, vector<16xf32>,
    %swap3A_459 = arith.constant 10 : i32
    %swap3A_460 = arith.index_cast %swap3A_459 : i32 to index
    %swap3A_461 = arith.constant 32 : index
    %swap3A_462 = tpu.vector_load %arg8[%swap3A_460, %swap3A_461] {strides = array<i32>} : memref<20x128xf32, #tpu.memory_space<vmem>>, vector<16xf32>,
    tpu.vector_store %arg8[%swap3A_460, %swap3A_461], %parallel_loop3A_418#10 {strides = array<i32>} : memref<20x128xf32, #tpu.memory_space<vmem>>, vector<16xf32>,
    %swap3A_463 = arith.constant 11 : i32
    %swap3A_464 = arith.index_cast %swap3A_463 : i32 to index
    %swap3A_465 = arith.constant 32 : index
    %swap3A_466 = tpu.vector_load %arg8[%swap3A_464, %swap3A_465] {strides = array<i32>} : memref<20x128xf32, #tpu.memory_space<vmem>>, vector<16xf32>,
    tpu.vector_store %arg8[%swap3A_464, %swap3A_465], %parallel_loop3A_418#11 {strides = array<i32>} : memref<20x128xf32, #tpu.memory_space<vmem>>, vector<16xf32>,
    %swap3A_467 = arith.constant 12 : i32
    %swap3A_468 = arith.index_cast %swap3A_467 : i32 to index
    %swap3A_469 = arith.constant 32 : index
    %swap3A_470 = tpu.vector_load %arg8[%swap3A_468, %swap3A_469] {strides = array<i32>} : memref<20x128xf32, #tpu.memory_space<vmem>>, vector<16xf32>,
    tpu.vector_store %arg8[%swap3A_468, %swap3A_469], %parallel_loop3A_418#12 {strides = array<i32>} : memref<20x128xf32, #tpu.memory_space<vmem>>, vector<16xf32>,
    %swap3A_471 = arith.constant 13 : i32
    %swap3A_472 = arith.index_cast %swap3A_471 : i32 to index
    %swap3A_473 = arith.constant 32 : index
    %swap3A_474 = tpu.vector_load %arg8[%swap3A_472, %swap3A_473] {strides = array<i32>} : memref<20x128xf32, #tpu.memory_space<vmem>>, vector<16xf32>,
    tpu.vector_store %arg8[%swap3A_472, %swap3A_473], %parallel_loop3A_418#13 {strides = array<i32>} : memref<20x128xf32, #tpu.memory_space<vmem>>, vector<16xf32>,
    %swap3A_475 = arith.constant 14 : i32
    %swap3A_476 = arith.index_cast %swap3A_475 : i32 to index
    %swap3A_477 = arith.constant 32 : index
    %swap3A_478 = tpu.vector_load %arg8[%swap3A_476, %swap3A_477] {strides = array<i32>} : memref<20x128xf32, #tpu.memory_space<vmem>>, vector<16xf32>,
    tpu.vector_store %arg8[%swap3A_476, %swap3A_477], %parallel_loop3A_418#14 {strides = array<i32>} : memref<20x128xf32, #tpu.memory_space<vmem>>, vector<16xf32>,
    %swap3A_479 = arith.constant 15 : i32
    %swap3A_480 = arith.index_cast %swap3A_479 : i32 to index
    %swap3A_481 = arith.constant 32 : index
    %swap3A_482 = tpu.vector_load %arg8[%swap3A_480, %swap3A_481] {strides = array<i32>} : memref<20x128xf32, #tpu.memory_space<vmem>>, vector<16xf32>,
    tpu.vector_store %arg8[%swap3A_480, %swap3A_481], %parallel_loop3A_418#15 {strides = array<i32>} : memref<20x128xf32, #tpu.memory_space<vmem>>, vector<16xf32>,
    %swap3A_483 = arith.constant 16 : i32
    %swap3A_484 = arith.index_cast %swap3A_483 : i32 to index
    %swap3A_485 = arith.constant 32 : index
    %swap3A_486 = tpu.vector_load %arg8[%swap3A_484, %swap3A_485] {strides = array<i32>} : memref<20x128xf32, #tpu.memory_space<vmem>>, vector<16xf32>,
    tpu.vector_store %arg8[%swap3A_484, %swap3A_485], %parallel_loop3A_418#16 {strides = array<i32>} : memref<20x128xf32, #tpu.memory_space<vmem>>, vector<16xf32>,
    %swap3A_487 = arith.constant 17 : i32
    %swap3A_488 = arith.index_cast %swap3A_487 : i32 to index
    %swap3A_489 = arith.constant 32 : index
    %swap3A_490 = tpu.vector_load %arg8[%swap3A_488, %swap3A_489] {strides = array<i32>} : memref<20x128xf32, #tpu.memory_space<vmem>>, vector<16xf32>,
    tpu.vector_store %arg8[%swap3A_488, %swap3A_489], %parallel_loop3A_418#17 {strides = array<i32>} : memref<20x128xf32, #tpu.memory_space<vmem>>, vector<16xf32>,
    %swap3A_491 = arith.constant 18 : i32
    %swap3A_492 = arith.index_cast %swap3A_491 : i32 to index
    %swap3A_493 = arith.constant 32 : index
    %swap3A_494 = tpu.vector_load %arg8[%swap3A_492, %swap3A_493] {strides = array<i32>} : memref<20x128xf32, #tpu.memory_space<vmem>>, vector<16xf32>,
    tpu.vector_store %arg8[%swap3A_492, %swap3A_493], %parallel_loop3A_418#18 {strides = array<i32>} : memref<20x128xf32, #tpu.memory_space<vmem>>, vector<16xf32>,
    %swap3A_495 = arith.constant 19 : i32
    %swap3A_496 = arith.index_cast %swap3A_495 : i32 to index
    %swap3A_497 = arith.constant 32 : index
    %swap3A_498 = tpu.vector_load %arg8[%swap3A_496, %swap3A_497] {strides = array<i32>} : memref<20x128xf32, #tpu.memory_space<vmem>>, vector<16xf32>,
    tpu.vector_store %arg8[%swap3A_496, %swap3A_497], %parallel_loop3A_418#19 {strides = array<i32>} : memref<20x128xf32, #tpu.memory_space<vmem>>, vector<16xf32>,
    %gather3A_499 = tpu.vector_load_idx %arg6[%iota3A, %broadcast_in_dim3A_149] : memref<16x20xf32, #tpu.memory_space<vmem>>[vector<16xi32>, vector<16xi32>], vector<16xf32>,
    %gather3A_500 = tpu.vector_load_idx %arg6[%iota3A, %broadcast_in_dim3A_151] : memref<16x20xf32, #tpu.memory_space<vmem>>[vector<16xi32>, vector<16xi32>], vector<16xf32>,
    %gather3A_501 = tpu.vector_load_idx %arg6[%iota3A, %broadcast_in_dim3A_153] : memref<16x20xf32, #tpu.memory_space<vmem>>[vector<16xi32>, vector<16xi32>], vector<16xf32>,
    %gather3A_502 = tpu.vector_load_idx %arg6[%iota3A, %broadcast_in_dim3A_155] : memref<16x20xf32, #tpu.memory_space<vmem>>[vector<16xi32>, vector<16xi32>], vector<16xf32>,
    %gather3A_503 = tpu.vector_load_idx %arg6[%iota3A, %broadcast_in_dim3A_157] : memref<16x20xf32, #tpu.memory_space<vmem>>[vector<16xi32>, vector<16xi32>], vector<16xf32>,
    %gather3A_504 = tpu.vector_load_idx %arg6[%iota3A, %broadcast_in_dim3A_159] : memref<16x20xf32, #tpu.memory_space<vmem>>[vector<16xi32>, vector<16xi32>], vector<16xf32>,
    %gather3A_505 = tpu.vector_load_idx %arg6[%iota3A, %broadcast_in_dim3A_161] : memref<16x20xf32, #tpu.memory_space<vmem>>[vector<16xi32>, vector<16xi32>], vector<16xf32>,
    %gather3A_506 = tpu.vector_load_idx %arg6[%iota3A, %broadcast_in_dim3A_163] : memref<16x20xf32, #tpu.memory_space<vmem>>[vector<16xi32>, vector<16xi32>], vector<16xf32>,
    %gather3A_507 = tpu.vector_load_idx %arg6[%iota3A, %broadcast_in_dim3A_165] : memref<16x20xf32, #tpu.memory_space<vmem>>[vector<16xi32>, vector<16xi32>], vector<16xf32>,
    %gather3A_508 = tpu.vector_load_idx %arg6[%iota3A, %broadcast_in_dim3A_167] : memref<16x20xf32, #tpu.memory_space<vmem>>[vector<16xi32>, vector<16xi32>], vector<16xf32>,
    %gather3A_509 = tpu.vector_load_idx %arg6[%iota3A, %broadcast_in_dim3A_169] : memref<16x20xf32, #tpu.memory_space<vmem>>[vector<16xi32>, vector<16xi32>], vector<16xf32>,
    %gather3A_510 = tpu.vector_load_idx %arg6[%iota3A, %broadcast_in_dim3A_171] : memref<16x20xf32, #tpu.memory_space<vmem>>[vector<16xi32>, vector<16xi32>], vector<16xf32>,
    %gather3A_511 = tpu.vector_load_idx %arg6[%iota3A, %broadcast_in_dim3A_173] : memref<16x20xf32, #tpu.memory_space<vmem>>[vector<16xi32>, vector<16xi32>], vector<16xf32>,
    %gather3A_512 = tpu.vector_load_idx %arg6[%iota3A, %broadcast_in_dim3A_175] : memref<16x20xf32, #tpu.memory_space<vmem>>[vector<16xi32>, vector<16xi32>], vector<16xf32>,
    %gather3A_513 = tpu.vector_load_idx %arg6[%iota3A, %broadcast_in_dim3A_177] : memref<16x20xf32, #tpu.memory_space<vmem>>[vector<16xi32>, vector<16xi32>], vector<16xf32>,
    %gather3A_514 = tpu.vector_load_idx %arg6[%iota3A, %broadcast_in_dim3A_179] : memref<16x20xf32, #tpu.memory_space<vmem>>[vector<16xi32>, vector<16xi32>], vector<16xf32>,
    %gather3A_515 = tpu.vector_load_idx %arg6[%iota3A, %broadcast_in_dim3A_181] : memref<16x20xf32, #tpu.memory_space<vmem>>[vector<16xi32>, vector<16xi32>], vector<16xf32>,
    %gather3A_516 = tpu.vector_load_idx %arg6[%iota3A, %broadcast_in_dim3A_183] : memref<16x20xf32, #tpu.memory_space<vmem>>[vector<16xi32>, vector<16xi32>], vector<16xf32>,
    %gather3A_517 = tpu.vector_load_idx %arg6[%iota3A, %broadcast_in_dim3A_185] : memref<16x20xf32, #tpu.memory_space<vmem>>[vector<16xi32>, vector<16xi32>], vector<16xf32>,
    %gather3A_518 = tpu.vector_load_idx %arg6[%iota3A, %broadcast_in_dim3A_187] : memref<16x20xf32, #tpu.memory_space<vmem>>[vector<16xi32>, vector<16xi32>], vector<16xf32>,
    %parallel_loop3A_519 = arith.constant 0 : i32
    %parallel_loop3A_520 = arith.constant 25 : i32
    %parallel_loop3A_521 = arith.constant 1 : i32
    %parallel_loop3A_522:20 = scf.for %parallel_loop3A_1019 = %parallel_loop3A_519 to %parallel_loop3A_520 step %parallel_loop3A_521 iter_args(%parallel_loop3A_1020 = %gather3A_499, %parallel_loop3A_1021 = %gather3A_500, %parallel_loop3A_1022 = %gather3A_501, %parallel_loop3A_1023 = %gather3A_502, %parallel_loop3A_1024 = %gather3A_503, %parallel_loop3A_1025 = %gather3A_504, %parallel_loop3A_1026 = %gather3A_505, %parallel_loop3A_1027 = %gather3A_506, %parallel_loop3A_1028 = %gather3A_507, %parallel_loop3A_1029 = %gather3A_508, %parallel_loop3A_1030 = %gather3A_509, %parallel_loop3A_1031 = %gather3A_510, %parallel_loop3A_1032 = %gather3A_511, %parallel_loop3A_1033 = %gather3A_512, %parallel_loop3A_1034 = %gather3A_513, %parallel_loop3A_1035 = %gather3A_514, %parallel_loop3A_1036 = %gather3A_515, %parallel_loop3A_1037 = %gather3A_516, %parallel_loop3A_1038 = %gather3A_517, %parallel_loop3A_1039 = %gather3A_518) -> (vector<16xf32>, vector<16xf32>, vector<16xf32>, vector<16xf32>, vector<16xf32>, vector<16xf32>, vector<16xf32>, vector<16xf32>, vector<16xf32>, vector<16xf32>, vector<16xf32>, vector<16xf32>, vector<16xf32>, vector<16xf32>, vector<16xf32>, vector<16xf32>, vector<16xf32>, vector<16xf32>, vector<16xf32>, vector<16xf32>)  : i32 {
      %parallel_loop3A_1040 = arith.constant 2 : i32
      %parallel_loop3A_1041 = arith.muli %parallel_loop3A_1040, %parallel_loop3A_1019 : i32
      %parallel_loop3A_1042 = arith.index_cast %parallel_loop3A_1041 : i32 to index
      %parallel_loop3A_1043 = arith.constant 48 : index
      %parallel_loop3A_1044 = tpu.vector_load %arg7[%parallel_loop3A_1042, %parallel_loop3A_1043] {strides = array<i32>} : memref<50x128xi32, #tpu.memory_space<vmem>>, vector<16xi32>,
      %parallel_loop3A_1045 = arith.constant 2 : i32
      %parallel_loop3A_1046 = arith.muli %parallel_loop3A_1045, %parallel_loop3A_1019 : i32
      %parallel_loop3A_1047 = arith.constant 1 : i32
      %parallel_loop3A_1048 = arith.addi %parallel_loop3A_1046, %parallel_loop3A_1047 : i32
      %parallel_loop3A_1049 = arith.index_cast %parallel_loop3A_1048 : i32 to index
      %parallel_loop3A_1050 = arith.constant 48 : index
      %parallel_loop3A_1051 = tpu.vector_load %arg7[%parallel_loop3A_1049, %parallel_loop3A_1050] {strides = array<i32>} : memref<50x128xi32, #tpu.memory_space<vmem>>, vector<16xi32>,
      %parallel_loop3A_1052 = tpu.vector_load_idx %arg10[%parallel_loop3A_1044] : memref<1024xi32, #tpu.memory_space<vmem>>[vector<16xi32>], vector<16xi32>,
      %parallel_loop3A_1053 = arith.constant 16 : i32
      %parallel_loop3A_1054 = vector.broadcast %parallel_loop3A_1053 : i32 to vector<16xi32>
      %parallel_loop3A_1055 = arith.shli %parallel_loop3A_1052, %parallel_loop3A_1054 : vector<16xi32>
      %parallel_loop3A_1056 = vector.bitcast %parallel_loop3A_1055 : vector<16xi32> to vector<16xf32>
      %parallel_loop3A_1057 = arith.andi %parallel_loop3A_1052, %broadcast_in_dim3A_189 : vector<16xi32>
      %parallel_loop3A_1058 = vector.bitcast %parallel_loop3A_1057 : vector<16xi32> to vector<16xf32>
      %parallel_loop3A_1059 = tpu.vector_load_idx %arg10[%parallel_loop3A_1051] : memref<1024xi32, #tpu.memory_space<vmem>>[vector<16xi32>], vector<16xi32>,
      %parallel_loop3A_1060 = arith.constant 16 : i32
      %parallel_loop3A_1061 = vector.broadcast %parallel_loop3A_1060 : i32 to vector<16xi32>
      %parallel_loop3A_1062 = arith.shli %parallel_loop3A_1059, %parallel_loop3A_1061 : vector<16xi32>
      %parallel_loop3A_1063 = vector.bitcast %parallel_loop3A_1062 : vector<16xi32> to vector<16xf32>
      %parallel_loop3A_1064 = arith.andi %parallel_loop3A_1059, %broadcast_in_dim3A_189 : vector<16xi32>
      %parallel_loop3A_1065 = vector.bitcast %parallel_loop3A_1064 : vector<16xi32> to vector<16xf32>
      %parallel_loop3A_1066 = arith.addf %parallel_loop3A_1056, %parallel_loop3A_1063 : vector<16xf32>
      %parallel_loop3A_1067 = arith.addf %parallel_loop3A_1058, %parallel_loop3A_1065 : vector<16xf32>
      %parallel_loop3A_1068 = tpu.vector_load_idx %arg11[%parallel_loop3A_1044] : memref<1024xi32, #tpu.memory_space<vmem>>[vector<16xi32>], vector<16xi32>,
      %parallel_loop3A_1069 = arith.constant 16 : i32
      %parallel_loop3A_1070 = vector.broadcast %parallel_loop3A_1069 : i32 to vector<16xi32>
      %parallel_loop3A_1071 = arith.shli %parallel_loop3A_1068, %parallel_loop3A_1070 : vector<16xi32>
      %parallel_loop3A_1072 = vector.bitcast %parallel_loop3A_1071 : vector<16xi32> to vector<16xf32>
      %parallel_loop3A_1073 = arith.andi %parallel_loop3A_1068, %broadcast_in_dim3A_189 : vector<16xi32>
      %parallel_loop3A_1074 = vector.bitcast %parallel_loop3A_1073 : vector<16xi32> to vector<16xf32>
      %parallel_loop3A_1075 = tpu.vector_load_idx %arg11[%parallel_loop3A_1051] : memref<1024xi32, #tpu.memory_space<vmem>>[vector<16xi32>], vector<16xi32>,
      %parallel_loop3A_1076 = arith.constant 16 : i32
      %parallel_loop3A_1077 = vector.broadcast %parallel_loop3A_1076 : i32 to vector<16xi32>
      %parallel_loop3A_1078 = arith.shli %parallel_loop3A_1075, %parallel_loop3A_1077 : vector<16xi32>
      %parallel_loop3A_1079 = vector.bitcast %parallel_loop3A_1078 : vector<16xi32> to vector<16xf32>
      %parallel_loop3A_1080 = arith.andi %parallel_loop3A_1075, %broadcast_in_dim3A_189 : vector<16xi32>
      %parallel_loop3A_1081 = vector.bitcast %parallel_loop3A_1080 : vector<16xi32> to vector<16xf32>
      %parallel_loop3A_1082 = arith.addf %parallel_loop3A_1072, %parallel_loop3A_1079 : vector<16xf32>
      %parallel_loop3A_1083 = arith.addf %parallel_loop3A_1074, %parallel_loop3A_1081 : vector<16xf32>
      %parallel_loop3A_1084 = tpu.vector_load_idx %arg12[%parallel_loop3A_1044] : memref<1024xi32, #tpu.memory_space<vmem>>[vector<16xi32>], vector<16xi32>,
      %parallel_loop3A_1085 = arith.constant 16 : i32
      %parallel_loop3A_1086 = vector.broadcast %parallel_loop3A_1085 : i32 to vector<16xi32>
      %parallel_loop3A_1087 = arith.shli %parallel_loop3A_1084, %parallel_loop3A_1086 : vector<16xi32>
      %parallel_loop3A_1088 = vector.bitcast %parallel_loop3A_1087 : vector<16xi32> to vector<16xf32>
      %parallel_loop3A_1089 = arith.andi %parallel_loop3A_1084, %broadcast_in_dim3A_189 : vector<16xi32>
      %parallel_loop3A_1090 = vector.bitcast %parallel_loop3A_1089 : vector<16xi32> to vector<16xf32>
      %parallel_loop3A_1091 = tpu.vector_load_idx %arg12[%parallel_loop3A_1051] : memref<1024xi32, #tpu.memory_space<vmem>>[vector<16xi32>], vector<16xi32>,
      %parallel_loop3A_1092 = arith.constant 16 : i32
      %parallel_loop3A_1093 = vector.broadcast %parallel_loop3A_1092 : i32 to vector<16xi32>
      %parallel_loop3A_1094 = arith.shli %parallel_loop3A_1091, %parallel_loop3A_1093 : vector<16xi32>
      %parallel_loop3A_1095 = vector.bitcast %parallel_loop3A_1094 : vector<16xi32> to vector<16xf32>
      %parallel_loop3A_1096 = arith.andi %parallel_loop3A_1091, %broadcast_in_dim3A_189 : vector<16xi32>
      %parallel_loop3A_1097 = vector.bitcast %parallel_loop3A_1096 : vector<16xi32> to vector<16xf32>
      %parallel_loop3A_1098 = arith.addf %parallel_loop3A_1088, %parallel_loop3A_1095 : vector<16xf32>
      %parallel_loop3A_1099 = arith.addf %parallel_loop3A_1090, %parallel_loop3A_1097 : vector<16xf32>
      %parallel_loop3A_1100 = tpu.vector_load_idx %arg13[%parallel_loop3A_1044] : memref<1024xi32, #tpu.memory_space<vmem>>[vector<16xi32>], vector<16xi32>,
      %parallel_loop3A_1101 = arith.constant 16 : i32
      %parallel_loop3A_1102 = vector.broadcast %parallel_loop3A_1101 : i32 to vector<16xi32>
      %parallel_loop3A_1103 = arith.shli %parallel_loop3A_1100, %parallel_loop3A_1102 : vector<16xi32>
      %parallel_loop3A_1104 = vector.bitcast %parallel_loop3A_1103 : vector<16xi32> to vector<16xf32>
      %parallel_loop3A_1105 = arith.andi %parallel_loop3A_1100, %broadcast_in_dim3A_189 : vector<16xi32>
      %parallel_loop3A_1106 = vector.bitcast %parallel_loop3A_1105 : vector<16xi32> to vector<16xf32>
      %parallel_loop3A_1107 = tpu.vector_load_idx %arg13[%parallel_loop3A_1051] : memref<1024xi32, #tpu.memory_space<vmem>>[vector<16xi32>], vector<16xi32>,
      %parallel_loop3A_1108 = arith.constant 16 : i32
      %parallel_loop3A_1109 = vector.broadcast %parallel_loop3A_1108 : i32 to vector<16xi32>
      %parallel_loop3A_1110 = arith.shli %parallel_loop3A_1107, %parallel_loop3A_1109 : vector<16xi32>
      %parallel_loop3A_1111 = vector.bitcast %parallel_loop3A_1110 : vector<16xi32> to vector<16xf32>
      %parallel_loop3A_1112 = arith.andi %parallel_loop3A_1107, %broadcast_in_dim3A_189 : vector<16xi32>
      %parallel_loop3A_1113 = vector.bitcast %parallel_loop3A_1112 : vector<16xi32> to vector<16xf32>
      %parallel_loop3A_1114 = arith.addf %parallel_loop3A_1104, %parallel_loop3A_1111 : vector<16xf32>
      %parallel_loop3A_1115 = arith.addf %parallel_loop3A_1106, %parallel_loop3A_1113 : vector<16xf32>
      %parallel_loop3A_1116 = tpu.vector_load_idx %arg14[%parallel_loop3A_1044] : memref<1024xi32, #tpu.memory_space<vmem>>[vector<16xi32>], vector<16xi32>,
      %parallel_loop3A_1117 = arith.constant 16 : i32
      %parallel_loop3A_1118 = vector.broadcast %parallel_loop3A_1117 : i32 to vector<16xi32>
      %parallel_loop3A_1119 = arith.shli %parallel_loop3A_1116, %parallel_loop3A_1118 : vector<16xi32>
      %parallel_loop3A_1120 = vector.bitcast %parallel_loop3A_1119 : vector<16xi32> to vector<16xf32>
      %parallel_loop3A_1121 = arith.andi %parallel_loop3A_1116, %broadcast_in_dim3A_189 : vector<16xi32>
      %parallel_loop3A_1122 = vector.bitcast %parallel_loop3A_1121 : vector<16xi32> to vector<16xf32>
      %parallel_loop3A_1123 = tpu.vector_load_idx %arg14[%parallel_loop3A_1051] : memref<1024xi32, #tpu.memory_space<vmem>>[vector<16xi32>], vector<16xi32>,
      %parallel_loop3A_1124 = arith.constant 16 : i32
      %parallel_loop3A_1125 = vector.broadcast %parallel_loop3A_1124 : i32 to vector<16xi32>
      %parallel_loop3A_1126 = arith.shli %parallel_loop3A_1123, %parallel_loop3A_1125 : vector<16xi32>
      %parallel_loop3A_1127 = vector.bitcast %parallel_loop3A_1126 : vector<16xi32> to vector<16xf32>
      %parallel_loop3A_1128 = arith.andi %parallel_loop3A_1123, %broadcast_in_dim3A_189 : vector<16xi32>
      %parallel_loop3A_1129 = vector.bitcast %parallel_loop3A_1128 : vector<16xi32> to vector<16xf32>
      %parallel_loop3A_1130 = arith.addf %parallel_loop3A_1120, %parallel_loop3A_1127 : vector<16xf32>
      %parallel_loop3A_1131 = arith.addf %parallel_loop3A_1122, %parallel_loop3A_1129 : vector<16xf32>
      %parallel_loop3A_1132 = tpu.vector_load_idx %arg15[%parallel_loop3A_1044] : memref<1024xi32, #tpu.memory_space<vmem>>[vector<16xi32>], vector<16xi32>,
      %parallel_loop3A_1133 = arith.constant 16 : i32
      %parallel_loop3A_1134 = vector.broadcast %parallel_loop3A_1133 : i32 to vector<16xi32>
      %parallel_loop3A_1135 = arith.shli %parallel_loop3A_1132, %parallel_loop3A_1134 : vector<16xi32>
      %parallel_loop3A_1136 = vector.bitcast %parallel_loop3A_1135 : vector<16xi32> to vector<16xf32>
      %parallel_loop3A_1137 = arith.andi %parallel_loop3A_1132, %broadcast_in_dim3A_189 : vector<16xi32>
      %parallel_loop3A_1138 = vector.bitcast %parallel_loop3A_1137 : vector<16xi32> to vector<16xf32>
      %parallel_loop3A_1139 = tpu.vector_load_idx %arg15[%parallel_loop3A_1051] : memref<1024xi32, #tpu.memory_space<vmem>>[vector<16xi32>], vector<16xi32>,
      %parallel_loop3A_1140 = arith.constant 16 : i32
      %parallel_loop3A_1141 = vector.broadcast %parallel_loop3A_1140 : i32 to vector<16xi32>
      %parallel_loop3A_1142 = arith.shli %parallel_loop3A_1139, %parallel_loop3A_1141 : vector<16xi32>
      %parallel_loop3A_1143 = vector.bitcast %parallel_loop3A_1142 : vector<16xi32> to vector<16xf32>
      %parallel_loop3A_1144 = arith.andi %parallel_loop3A_1139, %broadcast_in_dim3A_189 : vector<16xi32>
      %parallel_loop3A_1145 = vector.bitcast %parallel_loop3A_1144 : vector<16xi32> to vector<16xf32>
      %parallel_loop3A_1146 = arith.addf %parallel_loop3A_1136, %parallel_loop3A_1143 : vector<16xf32>
      %parallel_loop3A_1147 = arith.addf %parallel_loop3A_1138, %parallel_loop3A_1145 : vector<16xf32>
      %parallel_loop3A_1148 = tpu.vector_load_idx %arg16[%parallel_loop3A_1044] : memref<1024xi32, #tpu.memory_space<vmem>>[vector<16xi32>], vector<16xi32>,
      %parallel_loop3A_1149 = arith.constant 16 : i32
      %parallel_loop3A_1150 = vector.broadcast %parallel_loop3A_1149 : i32 to vector<16xi32>
      %parallel_loop3A_1151 = arith.shli %parallel_loop3A_1148, %parallel_loop3A_1150 : vector<16xi32>
      %parallel_loop3A_1152 = vector.bitcast %parallel_loop3A_1151 : vector<16xi32> to vector<16xf32>
      %parallel_loop3A_1153 = arith.andi %parallel_loop3A_1148, %broadcast_in_dim3A_189 : vector<16xi32>
      %parallel_loop3A_1154 = vector.bitcast %parallel_loop3A_1153 : vector<16xi32> to vector<16xf32>
      %parallel_loop3A_1155 = tpu.vector_load_idx %arg16[%parallel_loop3A_1051] : memref<1024xi32, #tpu.memory_space<vmem>>[vector<16xi32>], vector<16xi32>,
      %parallel_loop3A_1156 = arith.constant 16 : i32
      %parallel_loop3A_1157 = vector.broadcast %parallel_loop3A_1156 : i32 to vector<16xi32>
      %parallel_loop3A_1158 = arith.shli %parallel_loop3A_1155, %parallel_loop3A_1157 : vector<16xi32>
      %parallel_loop3A_1159 = vector.bitcast %parallel_loop3A_1158 : vector<16xi32> to vector<16xf32>
      %parallel_loop3A_1160 = arith.andi %parallel_loop3A_1155, %broadcast_in_dim3A_189 : vector<16xi32>
      %parallel_loop3A_1161 = vector.bitcast %parallel_loop3A_1160 : vector<16xi32> to vector<16xf32>
      %parallel_loop3A_1162 = arith.addf %parallel_loop3A_1152, %parallel_loop3A_1159 : vector<16xf32>
      %parallel_loop3A_1163 = arith.addf %parallel_loop3A_1154, %parallel_loop3A_1161 : vector<16xf32>
      %parallel_loop3A_1164 = tpu.vector_load_idx %arg17[%parallel_loop3A_1044] : memref<1024xi32, #tpu.memory_space<vmem>>[vector<16xi32>], vector<16xi32>,
      %parallel_loop3A_1165 = arith.constant 16 : i32
      %parallel_loop3A_1166 = vector.broadcast %parallel_loop3A_1165 : i32 to vector<16xi32>
      %parallel_loop3A_1167 = arith.shli %parallel_loop3A_1164, %parallel_loop3A_1166 : vector<16xi32>
      %parallel_loop3A_1168 = vector.bitcast %parallel_loop3A_1167 : vector<16xi32> to vector<16xf32>
      %parallel_loop3A_1169 = arith.andi %parallel_loop3A_1164, %broadcast_in_dim3A_189 : vector<16xi32>
      %parallel_loop3A_1170 = vector.bitcast %parallel_loop3A_1169 : vector<16xi32> to vector<16xf32>
      %parallel_loop3A_1171 = tpu.vector_load_idx %arg17[%parallel_loop3A_1051] : memref<1024xi32, #tpu.memory_space<vmem>>[vector<16xi32>], vector<16xi32>,
      %parallel_loop3A_1172 = arith.constant 16 : i32
      %parallel_loop3A_1173 = vector.broadcast %parallel_loop3A_1172 : i32 to vector<16xi32>
      %parallel_loop3A_1174 = arith.shli %parallel_loop3A_1171, %parallel_loop3A_1173 : vector<16xi32>
      %parallel_loop3A_1175 = vector.bitcast %parallel_loop3A_1174 : vector<16xi32> to vector<16xf32>
      %parallel_loop3A_1176 = arith.andi %parallel_loop3A_1171, %broadcast_in_dim3A_189 : vector<16xi32>
      %parallel_loop3A_1177 = vector.bitcast %parallel_loop3A_1176 : vector<16xi32> to vector<16xf32>
      %parallel_loop3A_1178 = arith.addf %parallel_loop3A_1168, %parallel_loop3A_1175 : vector<16xf32>
      %parallel_loop3A_1179 = arith.addf %parallel_loop3A_1170, %parallel_loop3A_1177 : vector<16xf32>
      %parallel_loop3A_1180 = tpu.vector_load_idx %arg18[%parallel_loop3A_1044] : memref<1024xi32, #tpu.memory_space<vmem>>[vector<16xi32>], vector<16xi32>,
      %parallel_loop3A_1181 = arith.constant 16 : i32
      %parallel_loop3A_1182 = vector.broadcast %parallel_loop3A_1181 : i32 to vector<16xi32>
      %parallel_loop3A_1183 = arith.shli %parallel_loop3A_1180, %parallel_loop3A_1182 : vector<16xi32>
      %parallel_loop3A_1184 = vector.bitcast %parallel_loop3A_1183 : vector<16xi32> to vector<16xf32>
      %parallel_loop3A_1185 = arith.andi %parallel_loop3A_1180, %broadcast_in_dim3A_189 : vector<16xi32>
      %parallel_loop3A_1186 = vector.bitcast %parallel_loop3A_1185 : vector<16xi32> to vector<16xf32>
      %parallel_loop3A_1187 = tpu.vector_load_idx %arg18[%parallel_loop3A_1051] : memref<1024xi32, #tpu.memory_space<vmem>>[vector<16xi32>], vector<16xi32>,
      %parallel_loop3A_1188 = arith.constant 16 : i32
      %parallel_loop3A_1189 = vector.broadcast %parallel_loop3A_1188 : i32 to vector<16xi32>
      %parallel_loop3A_1190 = arith.shli %parallel_loop3A_1187, %parallel_loop3A_1189 : vector<16xi32>
      %parallel_loop3A_1191 = vector.bitcast %parallel_loop3A_1190 : vector<16xi32> to vector<16xf32>
      %parallel_loop3A_1192 = arith.andi %parallel_loop3A_1187, %broadcast_in_dim3A_189 : vector<16xi32>
      %parallel_loop3A_1193 = vector.bitcast %parallel_loop3A_1192 : vector<16xi32> to vector<16xf32>
      %parallel_loop3A_1194 = arith.addf %parallel_loop3A_1184, %parallel_loop3A_1191 : vector<16xf32>
      %parallel_loop3A_1195 = arith.addf %parallel_loop3A_1186, %parallel_loop3A_1193 : vector<16xf32>
      %parallel_loop3A_1196 = tpu.vector_load_idx %arg19[%parallel_loop3A_1044] : memref<1024xi32, #tpu.memory_space<vmem>>[vector<16xi32>], vector<16xi32>,
      %parallel_loop3A_1197 = arith.constant 16 : i32
      %parallel_loop3A_1198 = vector.broadcast %parallel_loop3A_1197 : i32 to vector<16xi32>
      %parallel_loop3A_1199 = arith.shli %parallel_loop3A_1196, %parallel_loop3A_1198 : vector<16xi32>
      %parallel_loop3A_1200 = vector.bitcast %parallel_loop3A_1199 : vector<16xi32> to vector<16xf32>
      %parallel_loop3A_1201 = arith.andi %parallel_loop3A_1196, %broadcast_in_dim3A_189 : vector<16xi32>
      %parallel_loop3A_1202 = vector.bitcast %parallel_loop3A_1201 : vector<16xi32> to vector<16xf32>
      %parallel_loop3A_1203 = tpu.vector_load_idx %arg19[%parallel_loop3A_1051] : memref<1024xi32, #tpu.memory_space<vmem>>[vector<16xi32>], vector<16xi32>,
      %parallel_loop3A_1204 = arith.constant 16 : i32
      %parallel_loop3A_1205 = vector.broadcast %parallel_loop3A_1204 : i32 to vector<16xi32>
      %parallel_loop3A_1206 = arith.shli %parallel_loop3A_1203, %parallel_loop3A_1205 : vector<16xi32>
      %parallel_loop3A_1207 = vector.bitcast %parallel_loop3A_1206 : vector<16xi32> to vector<16xf32>
      %parallel_loop3A_1208 = arith.andi %parallel_loop3A_1203, %broadcast_in_dim3A_189 : vector<16xi32>
      %parallel_loop3A_1209 = vector.bitcast %parallel_loop3A_1208 : vector<16xi32> to vector<16xf32>
      %parallel_loop3A_1210 = arith.addf %parallel_loop3A_1200, %parallel_loop3A_1207 : vector<16xf32>
      %parallel_loop3A_1211 = arith.addf %parallel_loop3A_1202, %parallel_loop3A_1209 : vector<16xf32>
      %parallel_loop3A_1212 = arith.addf %parallel_loop3A_1020, %parallel_loop3A_1066 : vector<16xf32>
      %parallel_loop3A_1213 = arith.addf %parallel_loop3A_1021, %parallel_loop3A_1082 : vector<16xf32>
      %parallel_loop3A_1214 = arith.addf %parallel_loop3A_1022, %parallel_loop3A_1098 : vector<16xf32>
      %parallel_loop3A_1215 = arith.addf %parallel_loop3A_1023, %parallel_loop3A_1114 : vector<16xf32>
      %parallel_loop3A_1216 = arith.addf %parallel_loop3A_1024, %parallel_loop3A_1130 : vector<16xf32>
      %parallel_loop3A_1217 = arith.addf %parallel_loop3A_1025, %parallel_loop3A_1146 : vector<16xf32>
      %parallel_loop3A_1218 = arith.addf %parallel_loop3A_1026, %parallel_loop3A_1162 : vector<16xf32>
      %parallel_loop3A_1219 = arith.addf %parallel_loop3A_1027, %parallel_loop3A_1178 : vector<16xf32>
      %parallel_loop3A_1220 = arith.addf %parallel_loop3A_1028, %parallel_loop3A_1194 : vector<16xf32>
      %parallel_loop3A_1221 = arith.addf %parallel_loop3A_1029, %parallel_loop3A_1210 : vector<16xf32>
      %parallel_loop3A_1222 = arith.addf %parallel_loop3A_1030, %parallel_loop3A_1067 : vector<16xf32>
      %parallel_loop3A_1223 = arith.addf %parallel_loop3A_1031, %parallel_loop3A_1083 : vector<16xf32>
      %parallel_loop3A_1224 = arith.addf %parallel_loop3A_1032, %parallel_loop3A_1099 : vector<16xf32>
      %parallel_loop3A_1225 = arith.addf %parallel_loop3A_1033, %parallel_loop3A_1115 : vector<16xf32>
      %parallel_loop3A_1226 = arith.addf %parallel_loop3A_1034, %parallel_loop3A_1131 : vector<16xf32>
      %parallel_loop3A_1227 = arith.addf %parallel_loop3A_1035, %parallel_loop3A_1147 : vector<16xf32>
      %parallel_loop3A_1228 = arith.addf %parallel_loop3A_1036, %parallel_loop3A_1163 : vector<16xf32>
      %parallel_loop3A_1229 = arith.addf %parallel_loop3A_1037, %parallel_loop3A_1179 : vector<16xf32>
      %parallel_loop3A_1230 = arith.addf %parallel_loop3A_1038, %parallel_loop3A_1195 : vector<16xf32>
      %parallel_loop3A_1231 = arith.addf %parallel_loop3A_1039, %parallel_loop3A_1211 : vector<16xf32>
      scf.yield %parallel_loop3A_1212, %parallel_loop3A_1213, %parallel_loop3A_1214, %parallel_loop3A_1215, %parallel_loop3A_1216, %parallel_loop3A_1217, %parallel_loop3A_1218, %parallel_loop3A_1219, %parallel_loop3A_1220, %parallel_loop3A_1221, %parallel_loop3A_1222, %parallel_loop3A_1223, %parallel_loop3A_1224, %parallel_loop3A_1225, %parallel_loop3A_1226, %parallel_loop3A_1227, %parallel_loop3A_1228, %parallel_loop3A_1229, %parallel_loop3A_1230, %parallel_loop3A_1231 : vector<16xf32>, vector<16xf32>, vector<16xf32>, vector<16xf32>, vector<16xf32>, vector<16xf32>, vector<16xf32>, vector<16xf32>, vector<16xf32>, vector<16xf32>, vector<16xf32>, vector<16xf32>, vector<16xf32>, vector<16xf32>, vector<16xf32>, vector<16xf32>, vector<16xf32>, vector<16xf32>, vector<16xf32>, vector<16xf32>
    } {sc.loop_unroll_factor = 1 : i64, sc.parallel_access}
    %swap3A_523 = arith.constant 0 : i32
    %swap3A_524 = arith.index_cast %swap3A_523 : i32 to index
    %swap3A_525 = arith.constant 48 : index
    %swap3A_526 = tpu.vector_load %arg8[%swap3A_524, %swap3A_525] {strides = array<i32>} : memref<20x128xf32, #tpu.memory_space<vmem>>, vector<16xf32>,
    tpu.vector_store %arg8[%swap3A_524, %swap3A_525], %parallel_loop3A_522#0 {strides = array<i32>} : memref<20x128xf32, #tpu.memory_space<vmem>>, vector<16xf32>,
    %swap3A_527 = arith.constant 1 : i32
    %swap3A_528 = arith.index_cast %swap3A_527 : i32 to index
    %swap3A_529 = arith.constant 48 : index
    %swap3A_530 = tpu.vector_load %arg8[%swap3A_528, %swap3A_529] {strides = array<i32>} : memref<20x128xf32, #tpu.memory_space<vmem>>, vector<16xf32>,
    tpu.vector_store %arg8[%swap3A_528, %swap3A_529], %parallel_loop3A_522#1 {strides = array<i32>} : memref<20x128xf32, #tpu.memory_space<vmem>>, vector<16xf32>,
    %swap3A_531 = arith.constant 2 : i32
    %swap3A_532 = arith.index_cast %swap3A_531 : i32 to index
    %swap3A_533 = arith.constant 48 : index
    %swap3A_534 = tpu.vector_load %arg8[%swap3A_532, %swap3A_533] {strides = array<i32>} : memref<20x128xf32, #tpu.memory_space<vmem>>, vector<16xf32>,
    tpu.vector_store %arg8[%swap3A_532, %swap3A_533], %parallel_loop3A_522#2 {strides = array<i32>} : memref<20x128xf32, #tpu.memory_space<vmem>>, vector<16xf32>,
    %swap3A_535 = arith.constant 3 : i32
    %swap3A_536 = arith.index_cast %swap3A_535 : i32 to index
    %swap3A_537 = arith.constant 48 : index
    %swap3A_538 = tpu.vector_load %arg8[%swap3A_536, %swap3A_537] {strides = array<i32>} : memref<20x128xf32, #tpu.memory_space<vmem>>, vector<16xf32>,
    tpu.vector_store %arg8[%swap3A_536, %swap3A_537], %parallel_loop3A_522#3 {strides = array<i32>} : memref<20x128xf32, #tpu.memory_space<vmem>>, vector<16xf32>,
    %swap3A_539 = arith.constant 4 : i32
    %swap3A_540 = arith.index_cast %swap3A_539 : i32 to index
    %swap3A_541 = arith.constant 48 : index
    %swap3A_542 = tpu.vector_load %arg8[%swap3A_540, %swap3A_541] {strides = array<i32>} : memref<20x128xf32, #tpu.memory_space<vmem>>, vector<16xf32>,
    tpu.vector_store %arg8[%swap3A_540, %swap3A_541], %parallel_loop3A_522#4 {strides = array<i32>} : memref<20x128xf32, #tpu.memory_space<vmem>>, vector<16xf32>,
    %swap3A_543 = arith.constant 5 : i32
    %swap3A_544 = arith.index_cast %swap3A_543 : i32 to index
    %swap3A_545 = arith.constant 48 : index
    %swap3A_546 = tpu.vector_load %arg8[%swap3A_544, %swap3A_545] {strides = array<i32>} : memref<20x128xf32, #tpu.memory_space<vmem>>, vector<16xf32>,
    tpu.vector_store %arg8[%swap3A_544, %swap3A_545], %parallel_loop3A_522#5 {strides = array<i32>} : memref<20x128xf32, #tpu.memory_space<vmem>>, vector<16xf32>,
    %swap3A_547 = arith.constant 6 : i32
    %swap3A_548 = arith.index_cast %swap3A_547 : i32 to index
    %swap3A_549 = arith.constant 48 : index
    %swap3A_550 = tpu.vector_load %arg8[%swap3A_548, %swap3A_549] {strides = array<i32>} : memref<20x128xf32, #tpu.memory_space<vmem>>, vector<16xf32>,
    tpu.vector_store %arg8[%swap3A_548, %swap3A_549], %parallel_loop3A_522#6 {strides = array<i32>} : memref<20x128xf32, #tpu.memory_space<vmem>>, vector<16xf32>,
    %swap3A_551 = arith.constant 7 : i32
    %swap3A_552 = arith.index_cast %swap3A_551 : i32 to index
    %swap3A_553 = arith.constant 48 : index
    %swap3A_554 = tpu.vector_load %arg8[%swap3A_552, %swap3A_553] {strides = array<i32>} : memref<20x128xf32, #tpu.memory_space<vmem>>, vector<16xf32>,
    tpu.vector_store %arg8[%swap3A_552, %swap3A_553], %parallel_loop3A_522#7 {strides = array<i32>} : memref<20x128xf32, #tpu.memory_space<vmem>>, vector<16xf32>,
    %swap3A_555 = arith.constant 8 : i32
    %swap3A_556 = arith.index_cast %swap3A_555 : i32 to index
    %swap3A_557 = arith.constant 48 : index
    %swap3A_558 = tpu.vector_load %arg8[%swap3A_556, %swap3A_557] {strides = array<i32>} : memref<20x128xf32, #tpu.memory_space<vmem>>, vector<16xf32>,
    tpu.vector_store %arg8[%swap3A_556, %swap3A_557], %parallel_loop3A_522#8 {strides = array<i32>} : memref<20x128xf32, #tpu.memory_space<vmem>>, vector<16xf32>,
    %swap3A_559 = arith.constant 9 : i32
    %swap3A_560 = arith.index_cast %swap3A_559 : i32 to index
    %swap3A_561 = arith.constant 48 : index
    %swap3A_562 = tpu.vector_load %arg8[%swap3A_560, %swap3A_561] {strides = array<i32>} : memref<20x128xf32, #tpu.memory_space<vmem>>, vector<16xf32>,
    tpu.vector_store %arg8[%swap3A_560, %swap3A_561], %parallel_loop3A_522#9 {strides = array<i32>} : memref<20x128xf32, #tpu.memory_space<vmem>>, vector<16xf32>,
    %swap3A_563 = arith.constant 10 : i32
    %swap3A_564 = arith.index_cast %swap3A_563 : i32 to index
    %swap3A_565 = arith.constant 48 : index
    %swap3A_566 = tpu.vector_load %arg8[%swap3A_564, %swap3A_565] {strides = array<i32>} : memref<20x128xf32, #tpu.memory_space<vmem>>, vector<16xf32>,
    tpu.vector_store %arg8[%swap3A_564, %swap3A_565], %parallel_loop3A_522#10 {strides = array<i32>} : memref<20x128xf32, #tpu.memory_space<vmem>>, vector<16xf32>,
    %swap3A_567 = arith.constant 11 : i32
    %swap3A_568 = arith.index_cast %swap3A_567 : i32 to index
    %swap3A_569 = arith.constant 48 : index
    %swap3A_570 = tpu.vector_load %arg8[%swap3A_568, %swap3A_569] {strides = array<i32>} : memref<20x128xf32, #tpu.memory_space<vmem>>, vector<16xf32>,
    tpu.vector_store %arg8[%swap3A_568, %swap3A_569], %parallel_loop3A_522#11 {strides = array<i32>} : memref<20x128xf32, #tpu.memory_space<vmem>>, vector<16xf32>,
    %swap3A_571 = arith.constant 12 : i32
    %swap3A_572 = arith.index_cast %swap3A_571 : i32 to index
    %swap3A_573 = arith.constant 48 : index
    %swap3A_574 = tpu.vector_load %arg8[%swap3A_572, %swap3A_573] {strides = array<i32>} : memref<20x128xf32, #tpu.memory_space<vmem>>, vector<16xf32>,
    tpu.vector_store %arg8[%swap3A_572, %swap3A_573], %parallel_loop3A_522#12 {strides = array<i32>} : memref<20x128xf32, #tpu.memory_space<vmem>>, vector<16xf32>,
    %swap3A_575 = arith.constant 13 : i32
    %swap3A_576 = arith.index_cast %swap3A_575 : i32 to index
    %swap3A_577 = arith.constant 48 : index
    %swap3A_578 = tpu.vector_load %arg8[%swap3A_576, %swap3A_577] {strides = array<i32>} : memref<20x128xf32, #tpu.memory_space<vmem>>, vector<16xf32>,
    tpu.vector_store %arg8[%swap3A_576, %swap3A_577], %parallel_loop3A_522#13 {strides = array<i32>} : memref<20x128xf32, #tpu.memory_space<vmem>>, vector<16xf32>,
    %swap3A_579 = arith.constant 14 : i32
    %swap3A_580 = arith.index_cast %swap3A_579 : i32 to index
    %swap3A_581 = arith.constant 48 : index
    %swap3A_582 = tpu.vector_load %arg8[%swap3A_580, %swap3A_581] {strides = array<i32>} : memref<20x128xf32, #tpu.memory_space<vmem>>, vector<16xf32>,
    tpu.vector_store %arg8[%swap3A_580, %swap3A_581], %parallel_loop3A_522#14 {strides = array<i32>} : memref<20x128xf32, #tpu.memory_space<vmem>>, vector<16xf32>,
    %swap3A_583 = arith.constant 15 : i32
    %swap3A_584 = arith.index_cast %swap3A_583 : i32 to index
    %swap3A_585 = arith.constant 48 : index
    %swap3A_586 = tpu.vector_load %arg8[%swap3A_584, %swap3A_585] {strides = array<i32>} : memref<20x128xf32, #tpu.memory_space<vmem>>, vector<16xf32>,
    tpu.vector_store %arg8[%swap3A_584, %swap3A_585], %parallel_loop3A_522#15 {strides = array<i32>} : memref<20x128xf32, #tpu.memory_space<vmem>>, vector<16xf32>,
    %swap3A_587 = arith.constant 16 : i32
    %swap3A_588 = arith.index_cast %swap3A_587 : i32 to index
    %swap3A_589 = arith.constant 48 : index
    %swap3A_590 = tpu.vector_load %arg8[%swap3A_588, %swap3A_589] {strides = array<i32>} : memref<20x128xf32, #tpu.memory_space<vmem>>, vector<16xf32>,
    tpu.vector_store %arg8[%swap3A_588, %swap3A_589], %parallel_loop3A_522#16 {strides = array<i32>} : memref<20x128xf32, #tpu.memory_space<vmem>>, vector<16xf32>,
    %swap3A_591 = arith.constant 17 : i32
    %swap3A_592 = arith.index_cast %swap3A_591 : i32 to index
    %swap3A_593 = arith.constant 48 : index
    %swap3A_594 = tpu.vector_load %arg8[%swap3A_592, %swap3A_593] {strides = array<i32>} : memref<20x128xf32, #tpu.memory_space<vmem>>, vector<16xf32>,
    tpu.vector_store %arg8[%swap3A_592, %swap3A_593], %parallel_loop3A_522#17 {strides = array<i32>} : memref<20x128xf32, #tpu.memory_space<vmem>>, vector<16xf32>,
    %swap3A_595 = arith.constant 18 : i32
    %swap3A_596 = arith.index_cast %swap3A_595 : i32 to index
    %swap3A_597 = arith.constant 48 : index
    %swap3A_598 = tpu.vector_load %arg8[%swap3A_596, %swap3A_597] {strides = array<i32>} : memref<20x128xf32, #tpu.memory_space<vmem>>, vector<16xf32>,
    tpu.vector_store %arg8[%swap3A_596, %swap3A_597], %parallel_loop3A_522#18 {strides = array<i32>} : memref<20x128xf32, #tpu.memory_space<vmem>>, vector<16xf32>,
    %swap3A_599 = arith.constant 19 : i32
    %swap3A_600 = arith.index_cast %swap3A_599 : i32 to index
    %swap3A_601 = arith.constant 48 : index
    %swap3A_602 = tpu.vector_load %arg8[%swap3A_600, %swap3A_601] {strides = array<i32>} : memref<20x128xf32, #tpu.memory_space<vmem>>, vector<16xf32>,
    tpu.vector_store %arg8[%swap3A_600, %swap3A_601], %parallel_loop3A_522#19 {strides = array<i32>} : memref<20x128xf32, #tpu.memory_space<vmem>>, vector<16xf32>,
    %gather3A_603 = tpu.vector_load_idx %arg6[%iota3A, %broadcast_in_dim3A_149] : memref<16x20xf32, #tpu.memory_space<vmem>>[vector<16xi32>, vector<16xi32>], vector<16xf32>,
    %gather3A_604 = tpu.vector_load_idx %arg6[%iota3A, %broadcast_in_dim3A_151] : memref<16x20xf32, #tpu.memory_space<vmem>>[vector<16xi32>, vector<16xi32>], vector<16xf32>,
    %gather3A_605 = tpu.vector_load_idx %arg6[%iota3A, %broadcast_in_dim3A_153] : memref<16x20xf32, #tpu.memory_space<vmem>>[vector<16xi32>, vector<16xi32>], vector<16xf32>,
    %gather3A_606 = tpu.vector_load_idx %arg6[%iota3A, %broadcast_in_dim3A_155] : memref<16x20xf32, #tpu.memory_space<vmem>>[vector<16xi32>, vector<16xi32>], vector<16xf32>,
    %gather3A_607 = tpu.vector_load_idx %arg6[%iota3A, %broadcast_in_dim3A_157] : memref<16x20xf32, #tpu.memory_space<vmem>>[vector<16xi32>, vector<16xi32>], vector<16xf32>,
    %gather3A_608 = tpu.vector_load_idx %arg6[%iota3A, %broadcast_in_dim3A_159] : memref<16x20xf32, #tpu.memory_space<vmem>>[vector<16xi32>, vector<16xi32>], vector<16xf32>,
    %gather3A_609 = tpu.vector_load_idx %arg6[%iota3A, %broadcast_in_dim3A_161] : memref<16x20xf32, #tpu.memory_space<vmem>>[vector<16xi32>, vector<16xi32>], vector<16xf32>,
    %gather3A_610 = tpu.vector_load_idx %arg6[%iota3A, %broadcast_in_dim3A_163] : memref<16x20xf32, #tpu.memory_space<vmem>>[vector<16xi32>, vector<16xi32>], vector<16xf32>,
    %gather3A_611 = tpu.vector_load_idx %arg6[%iota3A, %broadcast_in_dim3A_165] : memref<16x20xf32, #tpu.memory_space<vmem>>[vector<16xi32>, vector<16xi32>], vector<16xf32>,
    %gather3A_612 = tpu.vector_load_idx %arg6[%iota3A, %broadcast_in_dim3A_167] : memref<16x20xf32, #tpu.memory_space<vmem>>[vector<16xi32>, vector<16xi32>], vector<16xf32>,
    %gather3A_613 = tpu.vector_load_idx %arg6[%iota3A, %broadcast_in_dim3A_169] : memref<16x20xf32, #tpu.memory_space<vmem>>[vector<16xi32>, vector<16xi32>], vector<16xf32>,
    %gather3A_614 = tpu.vector_load_idx %arg6[%iota3A, %broadcast_in_dim3A_171] : memref<16x20xf32, #tpu.memory_space<vmem>>[vector<16xi32>, vector<16xi32>], vector<16xf32>,
    %gather3A_615 = tpu.vector_load_idx %arg6[%iota3A, %broadcast_in_dim3A_173] : memref<16x20xf32, #tpu.memory_space<vmem>>[vector<16xi32>, vector<16xi32>], vector<16xf32>,
    %gather3A_616 = tpu.vector_load_idx %arg6[%iota3A, %broadcast_in_dim3A_175] : memref<16x20xf32, #tpu.memory_space<vmem>>[vector<16xi32>, vector<16xi32>], vector<16xf32>,
    %gather3A_617 = tpu.vector_load_idx %arg6[%iota3A, %broadcast_in_dim3A_177] : memref<16x20xf32, #tpu.memory_space<vmem>>[vector<16xi32>, vector<16xi32>], vector<16xf32>,
    %gather3A_618 = tpu.vector_load_idx %arg6[%iota3A, %broadcast_in_dim3A_179] : memref<16x20xf32, #tpu.memory_space<vmem>>[vector<16xi32>, vector<16xi32>], vector<16xf32>,
    %gather3A_619 = tpu.vector_load_idx %arg6[%iota3A, %broadcast_in_dim3A_181] : memref<16x20xf32, #tpu.memory_space<vmem>>[vector<16xi32>, vector<16xi32>], vector<16xf32>,
    %gather3A_620 = tpu.vector_load_idx %arg6[%iota3A, %broadcast_in_dim3A_183] : memref<16x20xf32, #tpu.memory_space<vmem>>[vector<16xi32>, vector<16xi32>], vector<16xf32>,
    %gather3A_621 = tpu.vector_load_idx %arg6[%iota3A, %broadcast_in_dim3A_185] : memref<16x20xf32, #tpu.memory_space<vmem>>[vector<16xi32>, vector<16xi32>], vector<16xf32>,
    %gather3A_622 = tpu.vector_load_idx %arg6[%iota3A, %broadcast_in_dim3A_187] : memref<16x20xf32, #tpu.memory_space<vmem>>[vector<16xi32>, vector<16xi32>], vector<16xf32>,
    %parallel_loop3A_623 = arith.constant 0 : i32
    %parallel_loop3A_624 = arith.constant 25 : i32
    %parallel_loop3A_625 = arith.constant 1 : i32
    %parallel_loop3A_626:20 = scf.for %parallel_loop3A_1019 = %parallel_loop3A_623 to %parallel_loop3A_624 step %parallel_loop3A_625 iter_args(%parallel_loop3A_1020 = %gather3A_603, %parallel_loop3A_1021 = %gather3A_604, %parallel_loop3A_1022 = %gather3A_605, %parallel_loop3A_1023 = %gather3A_606, %parallel_loop3A_1024 = %gather3A_607, %parallel_loop3A_1025 = %gather3A_608, %parallel_loop3A_1026 = %gather3A_609, %parallel_loop3A_1027 = %gather3A_610, %parallel_loop3A_1028 = %gather3A_611, %parallel_loop3A_1029 = %gather3A_612, %parallel_loop3A_1030 = %gather3A_613, %parallel_loop3A_1031 = %gather3A_614, %parallel_loop3A_1032 = %gather3A_615, %parallel_loop3A_1033 = %gather3A_616, %parallel_loop3A_1034 = %gather3A_617, %parallel_loop3A_1035 = %gather3A_618, %parallel_loop3A_1036 = %gather3A_619, %parallel_loop3A_1037 = %gather3A_620, %parallel_loop3A_1038 = %gather3A_621, %parallel_loop3A_1039 = %gather3A_622) -> (vector<16xf32>, vector<16xf32>, vector<16xf32>, vector<16xf32>, vector<16xf32>, vector<16xf32>, vector<16xf32>, vector<16xf32>, vector<16xf32>, vector<16xf32>, vector<16xf32>, vector<16xf32>, vector<16xf32>, vector<16xf32>, vector<16xf32>, vector<16xf32>, vector<16xf32>, vector<16xf32>, vector<16xf32>, vector<16xf32>)  : i32 {
      %parallel_loop3A_1040 = arith.constant 2 : i32
      %parallel_loop3A_1041 = arith.muli %parallel_loop3A_1040, %parallel_loop3A_1019 : i32
      %parallel_loop3A_1042 = arith.index_cast %parallel_loop3A_1041 : i32 to index
      %parallel_loop3A_1043 = arith.constant 64 : index
      %parallel_loop3A_1044 = tpu.vector_load %arg7[%parallel_loop3A_1042, %parallel_loop3A_1043] {strides = array<i32>} : memref<50x128xi32, #tpu.memory_space<vmem>>, vector<16xi32>,
      %parallel_loop3A_1045 = arith.constant 2 : i32
      %parallel_loop3A_1046 = arith.muli %parallel_loop3A_1045, %parallel_loop3A_1019 : i32
      %parallel_loop3A_1047 = arith.constant 1 : i32
      %parallel_loop3A_1048 = arith.addi %parallel_loop3A_1046, %parallel_loop3A_1047 : i32
      %parallel_loop3A_1049 = arith.index_cast %parallel_loop3A_1048 : i32 to index
      %parallel_loop3A_1050 = arith.constant 64 : index
      %parallel_loop3A_1051 = tpu.vector_load %arg7[%parallel_loop3A_1049, %parallel_loop3A_1050] {strides = array<i32>} : memref<50x128xi32, #tpu.memory_space<vmem>>, vector<16xi32>,
      %parallel_loop3A_1052 = tpu.vector_load_idx %arg10[%parallel_loop3A_1044] : memref<1024xi32, #tpu.memory_space<vmem>>[vector<16xi32>], vector<16xi32>,
      %parallel_loop3A_1053 = arith.constant 16 : i32
      %parallel_loop3A_1054 = vector.broadcast %parallel_loop3A_1053 : i32 to vector<16xi32>
      %parallel_loop3A_1055 = arith.shli %parallel_loop3A_1052, %parallel_loop3A_1054 : vector<16xi32>
      %parallel_loop3A_1056 = vector.bitcast %parallel_loop3A_1055 : vector<16xi32> to vector<16xf32>
      %parallel_loop3A_1057 = arith.andi %parallel_loop3A_1052, %broadcast_in_dim3A_189 : vector<16xi32>
      %parallel_loop3A_1058 = vector.bitcast %parallel_loop3A_1057 : vector<16xi32> to vector<16xf32>
      %parallel_loop3A_1059 = tpu.vector_load_idx %arg10[%parallel_loop3A_1051] : memref<1024xi32, #tpu.memory_space<vmem>>[vector<16xi32>], vector<16xi32>,
      %parallel_loop3A_1060 = arith.constant 16 : i32
      %parallel_loop3A_1061 = vector.broadcast %parallel_loop3A_1060 : i32 to vector<16xi32>
      %parallel_loop3A_1062 = arith.shli %parallel_loop3A_1059, %parallel_loop3A_1061 : vector<16xi32>
      %parallel_loop3A_1063 = vector.bitcast %parallel_loop3A_1062 : vector<16xi32> to vector<16xf32>
      %parallel_loop3A_1064 = arith.andi %parallel_loop3A_1059, %broadcast_in_dim3A_189 : vector<16xi32>
      %parallel_loop3A_1065 = vector.bitcast %parallel_loop3A_1064 : vector<16xi32> to vector<16xf32>
      %parallel_loop3A_1066 = arith.addf %parallel_loop3A_1056, %parallel_loop3A_1063 : vector<16xf32>
      %parallel_loop3A_1067 = arith.addf %parallel_loop3A_1058, %parallel_loop3A_1065 : vector<16xf32>
      %parallel_loop3A_1068 = tpu.vector_load_idx %arg11[%parallel_loop3A_1044] : memref<1024xi32, #tpu.memory_space<vmem>>[vector<16xi32>], vector<16xi32>,
      %parallel_loop3A_1069 = arith.constant 16 : i32
      %parallel_loop3A_1070 = vector.broadcast %parallel_loop3A_1069 : i32 to vector<16xi32>
      %parallel_loop3A_1071 = arith.shli %parallel_loop3A_1068, %parallel_loop3A_1070 : vector<16xi32>
      %parallel_loop3A_1072 = vector.bitcast %parallel_loop3A_1071 : vector<16xi32> to vector<16xf32>
      %parallel_loop3A_1073 = arith.andi %parallel_loop3A_1068, %broadcast_in_dim3A_189 : vector<16xi32>
      %parallel_loop3A_1074 = vector.bitcast %parallel_loop3A_1073 : vector<16xi32> to vector<16xf32>
      %parallel_loop3A_1075 = tpu.vector_load_idx %arg11[%parallel_loop3A_1051] : memref<1024xi32, #tpu.memory_space<vmem>>[vector<16xi32>], vector<16xi32>,
      %parallel_loop3A_1076 = arith.constant 16 : i32
      %parallel_loop3A_1077 = vector.broadcast %parallel_loop3A_1076 : i32 to vector<16xi32>
      %parallel_loop3A_1078 = arith.shli %parallel_loop3A_1075, %parallel_loop3A_1077 : vector<16xi32>
      %parallel_loop3A_1079 = vector.bitcast %parallel_loop3A_1078 : vector<16xi32> to vector<16xf32>
      %parallel_loop3A_1080 = arith.andi %parallel_loop3A_1075, %broadcast_in_dim3A_189 : vector<16xi32>
      %parallel_loop3A_1081 = vector.bitcast %parallel_loop3A_1080 : vector<16xi32> to vector<16xf32>
      %parallel_loop3A_1082 = arith.addf %parallel_loop3A_1072, %parallel_loop3A_1079 : vector<16xf32>
      %parallel_loop3A_1083 = arith.addf %parallel_loop3A_1074, %parallel_loop3A_1081 : vector<16xf32>
      %parallel_loop3A_1084 = tpu.vector_load_idx %arg12[%parallel_loop3A_1044] : memref<1024xi32, #tpu.memory_space<vmem>>[vector<16xi32>], vector<16xi32>,
      %parallel_loop3A_1085 = arith.constant 16 : i32
      %parallel_loop3A_1086 = vector.broadcast %parallel_loop3A_1085 : i32 to vector<16xi32>
      %parallel_loop3A_1087 = arith.shli %parallel_loop3A_1084, %parallel_loop3A_1086 : vector<16xi32>
      %parallel_loop3A_1088 = vector.bitcast %parallel_loop3A_1087 : vector<16xi32> to vector<16xf32>
      %parallel_loop3A_1089 = arith.andi %parallel_loop3A_1084, %broadcast_in_dim3A_189 : vector<16xi32>
      %parallel_loop3A_1090 = vector.bitcast %parallel_loop3A_1089 : vector<16xi32> to vector<16xf32>
      %parallel_loop3A_1091 = tpu.vector_load_idx %arg12[%parallel_loop3A_1051] : memref<1024xi32, #tpu.memory_space<vmem>>[vector<16xi32>], vector<16xi32>,
      %parallel_loop3A_1092 = arith.constant 16 : i32
      %parallel_loop3A_1093 = vector.broadcast %parallel_loop3A_1092 : i32 to vector<16xi32>
      %parallel_loop3A_1094 = arith.shli %parallel_loop3A_1091, %parallel_loop3A_1093 : vector<16xi32>
      %parallel_loop3A_1095 = vector.bitcast %parallel_loop3A_1094 : vector<16xi32> to vector<16xf32>
      %parallel_loop3A_1096 = arith.andi %parallel_loop3A_1091, %broadcast_in_dim3A_189 : vector<16xi32>
      %parallel_loop3A_1097 = vector.bitcast %parallel_loop3A_1096 : vector<16xi32> to vector<16xf32>
      %parallel_loop3A_1098 = arith.addf %parallel_loop3A_1088, %parallel_loop3A_1095 : vector<16xf32>
      %parallel_loop3A_1099 = arith.addf %parallel_loop3A_1090, %parallel_loop3A_1097 : vector<16xf32>
      %parallel_loop3A_1100 = tpu.vector_load_idx %arg13[%parallel_loop3A_1044] : memref<1024xi32, #tpu.memory_space<vmem>>[vector<16xi32>], vector<16xi32>,
      %parallel_loop3A_1101 = arith.constant 16 : i32
      %parallel_loop3A_1102 = vector.broadcast %parallel_loop3A_1101 : i32 to vector<16xi32>
      %parallel_loop3A_1103 = arith.shli %parallel_loop3A_1100, %parallel_loop3A_1102 : vector<16xi32>
      %parallel_loop3A_1104 = vector.bitcast %parallel_loop3A_1103 : vector<16xi32> to vector<16xf32>
      %parallel_loop3A_1105 = arith.andi %parallel_loop3A_1100, %broadcast_in_dim3A_189 : vector<16xi32>
      %parallel_loop3A_1106 = vector.bitcast %parallel_loop3A_1105 : vector<16xi32> to vector<16xf32>
      %parallel_loop3A_1107 = tpu.vector_load_idx %arg13[%parallel_loop3A_1051] : memref<1024xi32, #tpu.memory_space<vmem>>[vector<16xi32>], vector<16xi32>,
      %parallel_loop3A_1108 = arith.constant 16 : i32
      %parallel_loop3A_1109 = vector.broadcast %parallel_loop3A_1108 : i32 to vector<16xi32>
      %parallel_loop3A_1110 = arith.shli %parallel_loop3A_1107, %parallel_loop3A_1109 : vector<16xi32>
      %parallel_loop3A_1111 = vector.bitcast %parallel_loop3A_1110 : vector<16xi32> to vector<16xf32>
      %parallel_loop3A_1112 = arith.andi %parallel_loop3A_1107, %broadcast_in_dim3A_189 : vector<16xi32>
      %parallel_loop3A_1113 = vector.bitcast %parallel_loop3A_1112 : vector<16xi32> to vector<16xf32>
      %parallel_loop3A_1114 = arith.addf %parallel_loop3A_1104, %parallel_loop3A_1111 : vector<16xf32>
      %parallel_loop3A_1115 = arith.addf %parallel_loop3A_1106, %parallel_loop3A_1113 : vector<16xf32>
      %parallel_loop3A_1116 = tpu.vector_load_idx %arg14[%parallel_loop3A_1044] : memref<1024xi32, #tpu.memory_space<vmem>>[vector<16xi32>], vector<16xi32>,
      %parallel_loop3A_1117 = arith.constant 16 : i32
      %parallel_loop3A_1118 = vector.broadcast %parallel_loop3A_1117 : i32 to vector<16xi32>
      %parallel_loop3A_1119 = arith.shli %parallel_loop3A_1116, %parallel_loop3A_1118 : vector<16xi32>
      %parallel_loop3A_1120 = vector.bitcast %parallel_loop3A_1119 : vector<16xi32> to vector<16xf32>
      %parallel_loop3A_1121 = arith.andi %parallel_loop3A_1116, %broadcast_in_dim3A_189 : vector<16xi32>
      %parallel_loop3A_1122 = vector.bitcast %parallel_loop3A_1121 : vector<16xi32> to vector<16xf32>
      %parallel_loop3A_1123 = tpu.vector_load_idx %arg14[%parallel_loop3A_1051] : memref<1024xi32, #tpu.memory_space<vmem>>[vector<16xi32>], vector<16xi32>,
      %parallel_loop3A_1124 = arith.constant 16 : i32
      %parallel_loop3A_1125 = vector.broadcast %parallel_loop3A_1124 : i32 to vector<16xi32>
      %parallel_loop3A_1126 = arith.shli %parallel_loop3A_1123, %parallel_loop3A_1125 : vector<16xi32>
      %parallel_loop3A_1127 = vector.bitcast %parallel_loop3A_1126 : vector<16xi32> to vector<16xf32>
      %parallel_loop3A_1128 = arith.andi %parallel_loop3A_1123, %broadcast_in_dim3A_189 : vector<16xi32>
      %parallel_loop3A_1129 = vector.bitcast %parallel_loop3A_1128 : vector<16xi32> to vector<16xf32>
      %parallel_loop3A_1130 = arith.addf %parallel_loop3A_1120, %parallel_loop3A_1127 : vector<16xf32>
      %parallel_loop3A_1131 = arith.addf %parallel_loop3A_1122, %parallel_loop3A_1129 : vector<16xf32>
      %parallel_loop3A_1132 = tpu.vector_load_idx %arg15[%parallel_loop3A_1044] : memref<1024xi32, #tpu.memory_space<vmem>>[vector<16xi32>], vector<16xi32>,
      %parallel_loop3A_1133 = arith.constant 16 : i32
      %parallel_loop3A_1134 = vector.broadcast %parallel_loop3A_1133 : i32 to vector<16xi32>
      %parallel_loop3A_1135 = arith.shli %parallel_loop3A_1132, %parallel_loop3A_1134 : vector<16xi32>
      %parallel_loop3A_1136 = vector.bitcast %parallel_loop3A_1135 : vector<16xi32> to vector<16xf32>
      %parallel_loop3A_1137 = arith.andi %parallel_loop3A_1132, %broadcast_in_dim3A_189 : vector<16xi32>
      %parallel_loop3A_1138 = vector.bitcast %parallel_loop3A_1137 : vector<16xi32> to vector<16xf32>
      %parallel_loop3A_1139 = tpu.vector_load_idx %arg15[%parallel_loop3A_1051] : memref<1024xi32, #tpu.memory_space<vmem>>[vector<16xi32>], vector<16xi32>,
      %parallel_loop3A_1140 = arith.constant 16 : i32
      %parallel_loop3A_1141 = vector.broadcast %parallel_loop3A_1140 : i32 to vector<16xi32>
      %parallel_loop3A_1142 = arith.shli %parallel_loop3A_1139, %parallel_loop3A_1141 : vector<16xi32>
      %parallel_loop3A_1143 = vector.bitcast %parallel_loop3A_1142 : vector<16xi32> to vector<16xf32>
      %parallel_loop3A_1144 = arith.andi %parallel_loop3A_1139, %broadcast_in_dim3A_189 : vector<16xi32>
      %parallel_loop3A_1145 = vector.bitcast %parallel_loop3A_1144 : vector<16xi32> to vector<16xf32>
      %parallel_loop3A_1146 = arith.addf %parallel_loop3A_1136, %parallel_loop3A_1143 : vector<16xf32>
      %parallel_loop3A_1147 = arith.addf %parallel_loop3A_1138, %parallel_loop3A_1145 : vector<16xf32>
      %parallel_loop3A_1148 = tpu.vector_load_idx %arg16[%parallel_loop3A_1044] : memref<1024xi32, #tpu.memory_space<vmem>>[vector<16xi32>], vector<16xi32>,
      %parallel_loop3A_1149 = arith.constant 16 : i32
      %parallel_loop3A_1150 = vector.broadcast %parallel_loop3A_1149 : i32 to vector<16xi32>
      %parallel_loop3A_1151 = arith.shli %parallel_loop3A_1148, %parallel_loop3A_1150 : vector<16xi32>
      %parallel_loop3A_1152 = vector.bitcast %parallel_loop3A_1151 : vector<16xi32> to vector<16xf32>
      %parallel_loop3A_1153 = arith.andi %parallel_loop3A_1148, %broadcast_in_dim3A_189 : vector<16xi32>
      %parallel_loop3A_1154 = vector.bitcast %parallel_loop3A_1153 : vector<16xi32> to vector<16xf32>
      %parallel_loop3A_1155 = tpu.vector_load_idx %arg16[%parallel_loop3A_1051] : memref<1024xi32, #tpu.memory_space<vmem>>[vector<16xi32>], vector<16xi32>,
      %parallel_loop3A_1156 = arith.constant 16 : i32
      %parallel_loop3A_1157 = vector.broadcast %parallel_loop3A_1156 : i32 to vector<16xi32>
      %parallel_loop3A_1158 = arith.shli %parallel_loop3A_1155, %parallel_loop3A_1157 : vector<16xi32>
      %parallel_loop3A_1159 = vector.bitcast %parallel_loop3A_1158 : vector<16xi32> to vector<16xf32>
      %parallel_loop3A_1160 = arith.andi %parallel_loop3A_1155, %broadcast_in_dim3A_189 : vector<16xi32>
      %parallel_loop3A_1161 = vector.bitcast %parallel_loop3A_1160 : vector<16xi32> to vector<16xf32>
      %parallel_loop3A_1162 = arith.addf %parallel_loop3A_1152, %parallel_loop3A_1159 : vector<16xf32>
      %parallel_loop3A_1163 = arith.addf %parallel_loop3A_1154, %parallel_loop3A_1161 : vector<16xf32>
      %parallel_loop3A_1164 = tpu.vector_load_idx %arg17[%parallel_loop3A_1044] : memref<1024xi32, #tpu.memory_space<vmem>>[vector<16xi32>], vector<16xi32>,
      %parallel_loop3A_1165 = arith.constant 16 : i32
      %parallel_loop3A_1166 = vector.broadcast %parallel_loop3A_1165 : i32 to vector<16xi32>
      %parallel_loop3A_1167 = arith.shli %parallel_loop3A_1164, %parallel_loop3A_1166 : vector<16xi32>
      %parallel_loop3A_1168 = vector.bitcast %parallel_loop3A_1167 : vector<16xi32> to vector<16xf32>
      %parallel_loop3A_1169 = arith.andi %parallel_loop3A_1164, %broadcast_in_dim3A_189 : vector<16xi32>
      %parallel_loop3A_1170 = vector.bitcast %parallel_loop3A_1169 : vector<16xi32> to vector<16xf32>
      %parallel_loop3A_1171 = tpu.vector_load_idx %arg17[%parallel_loop3A_1051] : memref<1024xi32, #tpu.memory_space<vmem>>[vector<16xi32>], vector<16xi32>,
      %parallel_loop3A_1172 = arith.constant 16 : i32
      %parallel_loop3A_1173 = vector.broadcast %parallel_loop3A_1172 : i32 to vector<16xi32>
      %parallel_loop3A_1174 = arith.shli %parallel_loop3A_1171, %parallel_loop3A_1173 : vector<16xi32>
      %parallel_loop3A_1175 = vector.bitcast %parallel_loop3A_1174 : vector<16xi32> to vector<16xf32>
      %parallel_loop3A_1176 = arith.andi %parallel_loop3A_1171, %broadcast_in_dim3A_189 : vector<16xi32>
      %parallel_loop3A_1177 = vector.bitcast %parallel_loop3A_1176 : vector<16xi32> to vector<16xf32>
      %parallel_loop3A_1178 = arith.addf %parallel_loop3A_1168, %parallel_loop3A_1175 : vector<16xf32>
      %parallel_loop3A_1179 = arith.addf %parallel_loop3A_1170, %parallel_loop3A_1177 : vector<16xf32>
      %parallel_loop3A_1180 = tpu.vector_load_idx %arg18[%parallel_loop3A_1044] : memref<1024xi32, #tpu.memory_space<vmem>>[vector<16xi32>], vector<16xi32>,
      %parallel_loop3A_1181 = arith.constant 16 : i32
      %parallel_loop3A_1182 = vector.broadcast %parallel_loop3A_1181 : i32 to vector<16xi32>
      %parallel_loop3A_1183 = arith.shli %parallel_loop3A_1180, %parallel_loop3A_1182 : vector<16xi32>
      %parallel_loop3A_1184 = vector.bitcast %parallel_loop3A_1183 : vector<16xi32> to vector<16xf32>
      %parallel_loop3A_1185 = arith.andi %parallel_loop3A_1180, %broadcast_in_dim3A_189 : vector<16xi32>
      %parallel_loop3A_1186 = vector.bitcast %parallel_loop3A_1185 : vector<16xi32> to vector<16xf32>
      %parallel_loop3A_1187 = tpu.vector_load_idx %arg18[%parallel_loop3A_1051] : memref<1024xi32, #tpu.memory_space<vmem>>[vector<16xi32>], vector<16xi32>,
      %parallel_loop3A_1188 = arith.constant 16 : i32
      %parallel_loop3A_1189 = vector.broadcast %parallel_loop3A_1188 : i32 to vector<16xi32>
      %parallel_loop3A_1190 = arith.shli %parallel_loop3A_1187, %parallel_loop3A_1189 : vector<16xi32>
      %parallel_loop3A_1191 = vector.bitcast %parallel_loop3A_1190 : vector<16xi32> to vector<16xf32>
      %parallel_loop3A_1192 = arith.andi %parallel_loop3A_1187, %broadcast_in_dim3A_189 : vector<16xi32>
      %parallel_loop3A_1193 = vector.bitcast %parallel_loop3A_1192 : vector<16xi32> to vector<16xf32>
      %parallel_loop3A_1194 = arith.addf %parallel_loop3A_1184, %parallel_loop3A_1191 : vector<16xf32>
      %parallel_loop3A_1195 = arith.addf %parallel_loop3A_1186, %parallel_loop3A_1193 : vector<16xf32>
      %parallel_loop3A_1196 = tpu.vector_load_idx %arg19[%parallel_loop3A_1044] : memref<1024xi32, #tpu.memory_space<vmem>>[vector<16xi32>], vector<16xi32>,
      %parallel_loop3A_1197 = arith.constant 16 : i32
      %parallel_loop3A_1198 = vector.broadcast %parallel_loop3A_1197 : i32 to vector<16xi32>
      %parallel_loop3A_1199 = arith.shli %parallel_loop3A_1196, %parallel_loop3A_1198 : vector<16xi32>
      %parallel_loop3A_1200 = vector.bitcast %parallel_loop3A_1199 : vector<16xi32> to vector<16xf32>
      %parallel_loop3A_1201 = arith.andi %parallel_loop3A_1196, %broadcast_in_dim3A_189 : vector<16xi32>
      %parallel_loop3A_1202 = vector.bitcast %parallel_loop3A_1201 : vector<16xi32> to vector<16xf32>
      %parallel_loop3A_1203 = tpu.vector_load_idx %arg19[%parallel_loop3A_1051] : memref<1024xi32, #tpu.memory_space<vmem>>[vector<16xi32>], vector<16xi32>,
      %parallel_loop3A_1204 = arith.constant 16 : i32
      %parallel_loop3A_1205 = vector.broadcast %parallel_loop3A_1204 : i32 to vector<16xi32>
      %parallel_loop3A_1206 = arith.shli %parallel_loop3A_1203, %parallel_loop3A_1205 : vector<16xi32>
      %parallel_loop3A_1207 = vector.bitcast %parallel_loop3A_1206 : vector<16xi32> to vector<16xf32>
      %parallel_loop3A_1208 = arith.andi %parallel_loop3A_1203, %broadcast_in_dim3A_189 : vector<16xi32>
      %parallel_loop3A_1209 = vector.bitcast %parallel_loop3A_1208 : vector<16xi32> to vector<16xf32>
      %parallel_loop3A_1210 = arith.addf %parallel_loop3A_1200, %parallel_loop3A_1207 : vector<16xf32>
      %parallel_loop3A_1211 = arith.addf %parallel_loop3A_1202, %parallel_loop3A_1209 : vector<16xf32>
      %parallel_loop3A_1212 = arith.addf %parallel_loop3A_1020, %parallel_loop3A_1066 : vector<16xf32>
      %parallel_loop3A_1213 = arith.addf %parallel_loop3A_1021, %parallel_loop3A_1082 : vector<16xf32>
      %parallel_loop3A_1214 = arith.addf %parallel_loop3A_1022, %parallel_loop3A_1098 : vector<16xf32>
      %parallel_loop3A_1215 = arith.addf %parallel_loop3A_1023, %parallel_loop3A_1114 : vector<16xf32>
      %parallel_loop3A_1216 = arith.addf %parallel_loop3A_1024, %parallel_loop3A_1130 : vector<16xf32>
      %parallel_loop3A_1217 = arith.addf %parallel_loop3A_1025, %parallel_loop3A_1146 : vector<16xf32>
      %parallel_loop3A_1218 = arith.addf %parallel_loop3A_1026, %parallel_loop3A_1162 : vector<16xf32>
      %parallel_loop3A_1219 = arith.addf %parallel_loop3A_1027, %parallel_loop3A_1178 : vector<16xf32>
      %parallel_loop3A_1220 = arith.addf %parallel_loop3A_1028, %parallel_loop3A_1194 : vector<16xf32>
      %parallel_loop3A_1221 = arith.addf %parallel_loop3A_1029, %parallel_loop3A_1210 : vector<16xf32>
      %parallel_loop3A_1222 = arith.addf %parallel_loop3A_1030, %parallel_loop3A_1067 : vector<16xf32>
      %parallel_loop3A_1223 = arith.addf %parallel_loop3A_1031, %parallel_loop3A_1083 : vector<16xf32>
      %parallel_loop3A_1224 = arith.addf %parallel_loop3A_1032, %parallel_loop3A_1099 : vector<16xf32>
      %parallel_loop3A_1225 = arith.addf %parallel_loop3A_1033, %parallel_loop3A_1115 : vector<16xf32>
      %parallel_loop3A_1226 = arith.addf %parallel_loop3A_1034, %parallel_loop3A_1131 : vector<16xf32>
      %parallel_loop3A_1227 = arith.addf %parallel_loop3A_1035, %parallel_loop3A_1147 : vector<16xf32>
      %parallel_loop3A_1228 = arith.addf %parallel_loop3A_1036, %parallel_loop3A_1163 : vector<16xf32>
      %parallel_loop3A_1229 = arith.addf %parallel_loop3A_1037, %parallel_loop3A_1179 : vector<16xf32>
      %parallel_loop3A_1230 = arith.addf %parallel_loop3A_1038, %parallel_loop3A_1195 : vector<16xf32>
      %parallel_loop3A_1231 = arith.addf %parallel_loop3A_1039, %parallel_loop3A_1211 : vector<16xf32>
      scf.yield %parallel_loop3A_1212, %parallel_loop3A_1213, %parallel_loop3A_1214, %parallel_loop3A_1215, %parallel_loop3A_1216, %parallel_loop3A_1217, %parallel_loop3A_1218, %parallel_loop3A_1219, %parallel_loop3A_1220, %parallel_loop3A_1221, %parallel_loop3A_1222, %parallel_loop3A_1223, %parallel_loop3A_1224, %parallel_loop3A_1225, %parallel_loop3A_1226, %parallel_loop3A_1227, %parallel_loop3A_1228, %parallel_loop3A_1229, %parallel_loop3A_1230, %parallel_loop3A_1231 : vector<16xf32>, vector<16xf32>, vector<16xf32>, vector<16xf32>, vector<16xf32>, vector<16xf32>, vector<16xf32>, vector<16xf32>, vector<16xf32>, vector<16xf32>, vector<16xf32>, vector<16xf32>, vector<16xf32>, vector<16xf32>, vector<16xf32>, vector<16xf32>, vector<16xf32>, vector<16xf32>, vector<16xf32>, vector<16xf32>
    } {sc.loop_unroll_factor = 1 : i64, sc.parallel_access}
    %swap3A_627 = arith.constant 0 : i32
    %swap3A_628 = arith.index_cast %swap3A_627 : i32 to index
    %swap3A_629 = arith.constant 64 : index
    %swap3A_630 = tpu.vector_load %arg8[%swap3A_628, %swap3A_629] {strides = array<i32>} : memref<20x128xf32, #tpu.memory_space<vmem>>, vector<16xf32>,
    tpu.vector_store %arg8[%swap3A_628, %swap3A_629], %parallel_loop3A_626#0 {strides = array<i32>} : memref<20x128xf32, #tpu.memory_space<vmem>>, vector<16xf32>,
    %swap3A_631 = arith.constant 1 : i32
    %swap3A_632 = arith.index_cast %swap3A_631 : i32 to index
    %swap3A_633 = arith.constant 64 : index
    %swap3A_634 = tpu.vector_load %arg8[%swap3A_632, %swap3A_633] {strides = array<i32>} : memref<20x128xf32, #tpu.memory_space<vmem>>, vector<16xf32>,
    tpu.vector_store %arg8[%swap3A_632, %swap3A_633], %parallel_loop3A_626#1 {strides = array<i32>} : memref<20x128xf32, #tpu.memory_space<vmem>>, vector<16xf32>,
    %swap3A_635 = arith.constant 2 : i32
    %swap3A_636 = arith.index_cast %swap3A_635 : i32 to index
    %swap3A_637 = arith.constant 64 : index
    %swap3A_638 = tpu.vector_load %arg8[%swap3A_636, %swap3A_637] {strides = array<i32>} : memref<20x128xf32, #tpu.memory_space<vmem>>, vector<16xf32>,
    tpu.vector_store %arg8[%swap3A_636, %swap3A_637], %parallel_loop3A_626#2 {strides = array<i32>} : memref<20x128xf32, #tpu.memory_space<vmem>>, vector<16xf32>,
    %swap3A_639 = arith.constant 3 : i32
    %swap3A_640 = arith.index_cast %swap3A_639 : i32 to index
    %swap3A_641 = arith.constant 64 : index
    %swap3A_642 = tpu.vector_load %arg8[%swap3A_640, %swap3A_641] {strides = array<i32>} : memref<20x128xf32, #tpu.memory_space<vmem>>, vector<16xf32>,
    tpu.vector_store %arg8[%swap3A_640, %swap3A_641], %parallel_loop3A_626#3 {strides = array<i32>} : memref<20x128xf32, #tpu.memory_space<vmem>>, vector<16xf32>,
    %swap3A_643 = arith.constant 4 : i32
    %swap3A_644 = arith.index_cast %swap3A_643 : i32 to index
    %swap3A_645 = arith.constant 64 : index
    %swap3A_646 = tpu.vector_load %arg8[%swap3A_644, %swap3A_645] {strides = array<i32>} : memref<20x128xf32, #tpu.memory_space<vmem>>, vector<16xf32>,
    tpu.vector_store %arg8[%swap3A_644, %swap3A_645], %parallel_loop3A_626#4 {strides = array<i32>} : memref<20x128xf32, #tpu.memory_space<vmem>>, vector<16xf32>,
    %swap3A_647 = arith.constant 5 : i32
    %swap3A_648 = arith.index_cast %swap3A_647 : i32 to index
    %swap3A_649 = arith.constant 64 : index
    %swap3A_650 = tpu.vector_load %arg8[%swap3A_648, %swap3A_649] {strides = array<i32>} : memref<20x128xf32, #tpu.memory_space<vmem>>, vector<16xf32>,
    tpu.vector_store %arg8[%swap3A_648, %swap3A_649], %parallel_loop3A_626#5 {strides = array<i32>} : memref<20x128xf32, #tpu.memory_space<vmem>>, vector<16xf32>,
    %swap3A_651 = arith.constant 6 : i32
    %swap3A_652 = arith.index_cast %swap3A_651 : i32 to index
    %swap3A_653 = arith.constant 64 : index
    %swap3A_654 = tpu.vector_load %arg8[%swap3A_652, %swap3A_653] {strides = array<i32>} : memref<20x128xf32, #tpu.memory_space<vmem>>, vector<16xf32>,
    tpu.vector_store %arg8[%swap3A_652, %swap3A_653], %parallel_loop3A_626#6 {strides = array<i32>} : memref<20x128xf32, #tpu.memory_space<vmem>>, vector<16xf32>,
    %swap3A_655 = arith.constant 7 : i32
    %swap3A_656 = arith.index_cast %swap3A_655 : i32 to index
    %swap3A_657 = arith.constant 64 : index
    %swap3A_658 = tpu.vector_load %arg8[%swap3A_656, %swap3A_657] {strides = array<i32>} : memref<20x128xf32, #tpu.memory_space<vmem>>, vector<16xf32>,
    tpu.vector_store %arg8[%swap3A_656, %swap3A_657], %parallel_loop3A_626#7 {strides = array<i32>} : memref<20x128xf32, #tpu.memory_space<vmem>>, vector<16xf32>,
    %swap3A_659 = arith.constant 8 : i32
    %swap3A_660 = arith.index_cast %swap3A_659 : i32 to index
    %swap3A_661 = arith.constant 64 : index
    %swap3A_662 = tpu.vector_load %arg8[%swap3A_660, %swap3A_661] {strides = array<i32>} : memref<20x128xf32, #tpu.memory_space<vmem>>, vector<16xf32>,
    tpu.vector_store %arg8[%swap3A_660, %swap3A_661], %parallel_loop3A_626#8 {strides = array<i32>} : memref<20x128xf32, #tpu.memory_space<vmem>>, vector<16xf32>,
    %swap3A_663 = arith.constant 9 : i32
    %swap3A_664 = arith.index_cast %swap3A_663 : i32 to index
    %swap3A_665 = arith.constant 64 : index
    %swap3A_666 = tpu.vector_load %arg8[%swap3A_664, %swap3A_665] {strides = array<i32>} : memref<20x128xf32, #tpu.memory_space<vmem>>, vector<16xf32>,
    tpu.vector_store %arg8[%swap3A_664, %swap3A_665], %parallel_loop3A_626#9 {strides = array<i32>} : memref<20x128xf32, #tpu.memory_space<vmem>>, vector<16xf32>,
    %swap3A_667 = arith.constant 10 : i32
    %swap3A_668 = arith.index_cast %swap3A_667 : i32 to index
    %swap3A_669 = arith.constant 64 : index
    %swap3A_670 = tpu.vector_load %arg8[%swap3A_668, %swap3A_669] {strides = array<i32>} : memref<20x128xf32, #tpu.memory_space<vmem>>, vector<16xf32>,
    tpu.vector_store %arg8[%swap3A_668, %swap3A_669], %parallel_loop3A_626#10 {strides = array<i32>} : memref<20x128xf32, #tpu.memory_space<vmem>>, vector<16xf32>,
    %swap3A_671 = arith.constant 11 : i32
    %swap3A_672 = arith.index_cast %swap3A_671 : i32 to index
    %swap3A_673 = arith.constant 64 : index
    %swap3A_674 = tpu.vector_load %arg8[%swap3A_672, %swap3A_673] {strides = array<i32>} : memref<20x128xf32, #tpu.memory_space<vmem>>, vector<16xf32>,
    tpu.vector_store %arg8[%swap3A_672, %swap3A_673], %parallel_loop3A_626#11 {strides = array<i32>} : memref<20x128xf32, #tpu.memory_space<vmem>>, vector<16xf32>,
    %swap3A_675 = arith.constant 12 : i32
    %swap3A_676 = arith.index_cast %swap3A_675 : i32 to index
    %swap3A_677 = arith.constant 64 : index
    %swap3A_678 = tpu.vector_load %arg8[%swap3A_676, %swap3A_677] {strides = array<i32>} : memref<20x128xf32, #tpu.memory_space<vmem>>, vector<16xf32>,
    tpu.vector_store %arg8[%swap3A_676, %swap3A_677], %parallel_loop3A_626#12 {strides = array<i32>} : memref<20x128xf32, #tpu.memory_space<vmem>>, vector<16xf32>,
    %swap3A_679 = arith.constant 13 : i32
    %swap3A_680 = arith.index_cast %swap3A_679 : i32 to index
    %swap3A_681 = arith.constant 64 : index
    %swap3A_682 = tpu.vector_load %arg8[%swap3A_680, %swap3A_681] {strides = array<i32>} : memref<20x128xf32, #tpu.memory_space<vmem>>, vector<16xf32>,
    tpu.vector_store %arg8[%swap3A_680, %swap3A_681], %parallel_loop3A_626#13 {strides = array<i32>} : memref<20x128xf32, #tpu.memory_space<vmem>>, vector<16xf32>,
    %swap3A_683 = arith.constant 14 : i32
    %swap3A_684 = arith.index_cast %swap3A_683 : i32 to index
    %swap3A_685 = arith.constant 64 : index
    %swap3A_686 = tpu.vector_load %arg8[%swap3A_684, %swap3A_685] {strides = array<i32>} : memref<20x128xf32, #tpu.memory_space<vmem>>, vector<16xf32>,
    tpu.vector_store %arg8[%swap3A_684, %swap3A_685], %parallel_loop3A_626#14 {strides = array<i32>} : memref<20x128xf32, #tpu.memory_space<vmem>>, vector<16xf32>,
    %swap3A_687 = arith.constant 15 : i32
    %swap3A_688 = arith.index_cast %swap3A_687 : i32 to index
    %swap3A_689 = arith.constant 64 : index
    %swap3A_690 = tpu.vector_load %arg8[%swap3A_688, %swap3A_689] {strides = array<i32>} : memref<20x128xf32, #tpu.memory_space<vmem>>, vector<16xf32>,
    tpu.vector_store %arg8[%swap3A_688, %swap3A_689], %parallel_loop3A_626#15 {strides = array<i32>} : memref<20x128xf32, #tpu.memory_space<vmem>>, vector<16xf32>,
    %swap3A_691 = arith.constant 16 : i32
    %swap3A_692 = arith.index_cast %swap3A_691 : i32 to index
    %swap3A_693 = arith.constant 64 : index
    %swap3A_694 = tpu.vector_load %arg8[%swap3A_692, %swap3A_693] {strides = array<i32>} : memref<20x128xf32, #tpu.memory_space<vmem>>, vector<16xf32>,
    tpu.vector_store %arg8[%swap3A_692, %swap3A_693], %parallel_loop3A_626#16 {strides = array<i32>} : memref<20x128xf32, #tpu.memory_space<vmem>>, vector<16xf32>,
    %swap3A_695 = arith.constant 17 : i32
    %swap3A_696 = arith.index_cast %swap3A_695 : i32 to index
    %swap3A_697 = arith.constant 64 : index
    %swap3A_698 = tpu.vector_load %arg8[%swap3A_696, %swap3A_697] {strides = array<i32>} : memref<20x128xf32, #tpu.memory_space<vmem>>, vector<16xf32>,
    tpu.vector_store %arg8[%swap3A_696, %swap3A_697], %parallel_loop3A_626#17 {strides = array<i32>} : memref<20x128xf32, #tpu.memory_space<vmem>>, vector<16xf32>,
    %swap3A_699 = arith.constant 18 : i32
    %swap3A_700 = arith.index_cast %swap3A_699 : i32 to index
    %swap3A_701 = arith.constant 64 : index
    %swap3A_702 = tpu.vector_load %arg8[%swap3A_700, %swap3A_701] {strides = array<i32>} : memref<20x128xf32, #tpu.memory_space<vmem>>, vector<16xf32>,
    tpu.vector_store %arg8[%swap3A_700, %swap3A_701], %parallel_loop3A_626#18 {strides = array<i32>} : memref<20x128xf32, #tpu.memory_space<vmem>>, vector<16xf32>,
    %swap3A_703 = arith.constant 19 : i32
    %swap3A_704 = arith.index_cast %swap3A_703 : i32 to index
    %swap3A_705 = arith.constant 64 : index
    %swap3A_706 = tpu.vector_load %arg8[%swap3A_704, %swap3A_705] {strides = array<i32>} : memref<20x128xf32, #tpu.memory_space<vmem>>, vector<16xf32>,
    tpu.vector_store %arg8[%swap3A_704, %swap3A_705], %parallel_loop3A_626#19 {strides = array<i32>} : memref<20x128xf32, #tpu.memory_space<vmem>>, vector<16xf32>,
    %gather3A_707 = tpu.vector_load_idx %arg6[%iota3A, %broadcast_in_dim3A_149] : memref<16x20xf32, #tpu.memory_space<vmem>>[vector<16xi32>, vector<16xi32>], vector<16xf32>,
    %gather3A_708 = tpu.vector_load_idx %arg6[%iota3A, %broadcast_in_dim3A_151] : memref<16x20xf32, #tpu.memory_space<vmem>>[vector<16xi32>, vector<16xi32>], vector<16xf32>,
    %gather3A_709 = tpu.vector_load_idx %arg6[%iota3A, %broadcast_in_dim3A_153] : memref<16x20xf32, #tpu.memory_space<vmem>>[vector<16xi32>, vector<16xi32>], vector<16xf32>,
    %gather3A_710 = tpu.vector_load_idx %arg6[%iota3A, %broadcast_in_dim3A_155] : memref<16x20xf32, #tpu.memory_space<vmem>>[vector<16xi32>, vector<16xi32>], vector<16xf32>,
    %gather3A_711 = tpu.vector_load_idx %arg6[%iota3A, %broadcast_in_dim3A_157] : memref<16x20xf32, #tpu.memory_space<vmem>>[vector<16xi32>, vector<16xi32>], vector<16xf32>,
    %gather3A_712 = tpu.vector_load_idx %arg6[%iota3A, %broadcast_in_dim3A_159] : memref<16x20xf32, #tpu.memory_space<vmem>>[vector<16xi32>, vector<16xi32>], vector<16xf32>,
    %gather3A_713 = tpu.vector_load_idx %arg6[%iota3A, %broadcast_in_dim3A_161] : memref<16x20xf32, #tpu.memory_space<vmem>>[vector<16xi32>, vector<16xi32>], vector<16xf32>,
    %gather3A_714 = tpu.vector_load_idx %arg6[%iota3A, %broadcast_in_dim3A_163] : memref<16x20xf32, #tpu.memory_space<vmem>>[vector<16xi32>, vector<16xi32>], vector<16xf32>,
    %gather3A_715 = tpu.vector_load_idx %arg6[%iota3A, %broadcast_in_dim3A_165] : memref<16x20xf32, #tpu.memory_space<vmem>>[vector<16xi32>, vector<16xi32>], vector<16xf32>,
    %gather3A_716 = tpu.vector_load_idx %arg6[%iota3A, %broadcast_in_dim3A_167] : memref<16x20xf32, #tpu.memory_space<vmem>>[vector<16xi32>, vector<16xi32>], vector<16xf32>,
    %gather3A_717 = tpu.vector_load_idx %arg6[%iota3A, %broadcast_in_dim3A_169] : memref<16x20xf32, #tpu.memory_space<vmem>>[vector<16xi32>, vector<16xi32>], vector<16xf32>,
    %gather3A_718 = tpu.vector_load_idx %arg6[%iota3A, %broadcast_in_dim3A_171] : memref<16x20xf32, #tpu.memory_space<vmem>>[vector<16xi32>, vector<16xi32>], vector<16xf32>,
    %gather3A_719 = tpu.vector_load_idx %arg6[%iota3A, %broadcast_in_dim3A_173] : memref<16x20xf32, #tpu.memory_space<vmem>>[vector<16xi32>, vector<16xi32>], vector<16xf32>,
    %gather3A_720 = tpu.vector_load_idx %arg6[%iota3A, %broadcast_in_dim3A_175] : memref<16x20xf32, #tpu.memory_space<vmem>>[vector<16xi32>, vector<16xi32>], vector<16xf32>,
    %gather3A_721 = tpu.vector_load_idx %arg6[%iota3A, %broadcast_in_dim3A_177] : memref<16x20xf32, #tpu.memory_space<vmem>>[vector<16xi32>, vector<16xi32>], vector<16xf32>,
    %gather3A_722 = tpu.vector_load_idx %arg6[%iota3A, %broadcast_in_dim3A_179] : memref<16x20xf32, #tpu.memory_space<vmem>>[vector<16xi32>, vector<16xi32>], vector<16xf32>,
    %gather3A_723 = tpu.vector_load_idx %arg6[%iota3A, %broadcast_in_dim3A_181] : memref<16x20xf32, #tpu.memory_space<vmem>>[vector<16xi32>, vector<16xi32>], vector<16xf32>,
    %gather3A_724 = tpu.vector_load_idx %arg6[%iota3A, %broadcast_in_dim3A_183] : memref<16x20xf32, #tpu.memory_space<vmem>>[vector<16xi32>, vector<16xi32>], vector<16xf32>,
    %gather3A_725 = tpu.vector_load_idx %arg6[%iota3A, %broadcast_in_dim3A_185] : memref<16x20xf32, #tpu.memory_space<vmem>>[vector<16xi32>, vector<16xi32>], vector<16xf32>,
    %gather3A_726 = tpu.vector_load_idx %arg6[%iota3A, %broadcast_in_dim3A_187] : memref<16x20xf32, #tpu.memory_space<vmem>>[vector<16xi32>, vector<16xi32>], vector<16xf32>,
    %parallel_loop3A_727 = arith.constant 0 : i32
    %parallel_loop3A_728 = arith.constant 25 : i32
    %parallel_loop3A_729 = arith.constant 1 : i32
    %parallel_loop3A_730:20 = scf.for %parallel_loop3A_1019 = %parallel_loop3A_727 to %parallel_loop3A_728 step %parallel_loop3A_729 iter_args(%parallel_loop3A_1020 = %gather3A_707, %parallel_loop3A_1021 = %gather3A_708, %parallel_loop3A_1022 = %gather3A_709, %parallel_loop3A_1023 = %gather3A_710, %parallel_loop3A_1024 = %gather3A_711, %parallel_loop3A_1025 = %gather3A_712, %parallel_loop3A_1026 = %gather3A_713, %parallel_loop3A_1027 = %gather3A_714, %parallel_loop3A_1028 = %gather3A_715, %parallel_loop3A_1029 = %gather3A_716, %parallel_loop3A_1030 = %gather3A_717, %parallel_loop3A_1031 = %gather3A_718, %parallel_loop3A_1032 = %gather3A_719, %parallel_loop3A_1033 = %gather3A_720, %parallel_loop3A_1034 = %gather3A_721, %parallel_loop3A_1035 = %gather3A_722, %parallel_loop3A_1036 = %gather3A_723, %parallel_loop3A_1037 = %gather3A_724, %parallel_loop3A_1038 = %gather3A_725, %parallel_loop3A_1039 = %gather3A_726) -> (vector<16xf32>, vector<16xf32>, vector<16xf32>, vector<16xf32>, vector<16xf32>, vector<16xf32>, vector<16xf32>, vector<16xf32>, vector<16xf32>, vector<16xf32>, vector<16xf32>, vector<16xf32>, vector<16xf32>, vector<16xf32>, vector<16xf32>, vector<16xf32>, vector<16xf32>, vector<16xf32>, vector<16xf32>, vector<16xf32>)  : i32 {
      %parallel_loop3A_1040 = arith.constant 2 : i32
      %parallel_loop3A_1041 = arith.muli %parallel_loop3A_1040, %parallel_loop3A_1019 : i32
      %parallel_loop3A_1042 = arith.index_cast %parallel_loop3A_1041 : i32 to index
      %parallel_loop3A_1043 = arith.constant 80 : index
      %parallel_loop3A_1044 = tpu.vector_load %arg7[%parallel_loop3A_1042, %parallel_loop3A_1043] {strides = array<i32>} : memref<50x128xi32, #tpu.memory_space<vmem>>, vector<16xi32>,
      %parallel_loop3A_1045 = arith.constant 2 : i32
      %parallel_loop3A_1046 = arith.muli %parallel_loop3A_1045, %parallel_loop3A_1019 : i32
      %parallel_loop3A_1047 = arith.constant 1 : i32
      %parallel_loop3A_1048 = arith.addi %parallel_loop3A_1046, %parallel_loop3A_1047 : i32
      %parallel_loop3A_1049 = arith.index_cast %parallel_loop3A_1048 : i32 to index
      %parallel_loop3A_1050 = arith.constant 80 : index
      %parallel_loop3A_1051 = tpu.vector_load %arg7[%parallel_loop3A_1049, %parallel_loop3A_1050] {strides = array<i32>} : memref<50x128xi32, #tpu.memory_space<vmem>>, vector<16xi32>,
      %parallel_loop3A_1052 = tpu.vector_load_idx %arg10[%parallel_loop3A_1044] : memref<1024xi32, #tpu.memory_space<vmem>>[vector<16xi32>], vector<16xi32>,
      %parallel_loop3A_1053 = arith.constant 16 : i32
      %parallel_loop3A_1054 = vector.broadcast %parallel_loop3A_1053 : i32 to vector<16xi32>
      %parallel_loop3A_1055 = arith.shli %parallel_loop3A_1052, %parallel_loop3A_1054 : vector<16xi32>
      %parallel_loop3A_1056 = vector.bitcast %parallel_loop3A_1055 : vector<16xi32> to vector<16xf32>
      %parallel_loop3A_1057 = arith.andi %parallel_loop3A_1052, %broadcast_in_dim3A_189 : vector<16xi32>
      %parallel_loop3A_1058 = vector.bitcast %parallel_loop3A_1057 : vector<16xi32> to vector<16xf32>
      %parallel_loop3A_1059 = tpu.vector_load_idx %arg10[%parallel_loop3A_1051] : memref<1024xi32, #tpu.memory_space<vmem>>[vector<16xi32>], vector<16xi32>,
      %parallel_loop3A_1060 = arith.constant 16 : i32
      %parallel_loop3A_1061 = vector.broadcast %parallel_loop3A_1060 : i32 to vector<16xi32>
      %parallel_loop3A_1062 = arith.shli %parallel_loop3A_1059, %parallel_loop3A_1061 : vector<16xi32>
      %parallel_loop3A_1063 = vector.bitcast %parallel_loop3A_1062 : vector<16xi32> to vector<16xf32>
      %parallel_loop3A_1064 = arith.andi %parallel_loop3A_1059, %broadcast_in_dim3A_189 : vector<16xi32>
      %parallel_loop3A_1065 = vector.bitcast %parallel_loop3A_1064 : vector<16xi32> to vector<16xf32>
      %parallel_loop3A_1066 = arith.addf %parallel_loop3A_1056, %parallel_loop3A_1063 : vector<16xf32>
      %parallel_loop3A_1067 = arith.addf %parallel_loop3A_1058, %parallel_loop3A_1065 : vector<16xf32>
      %parallel_loop3A_1068 = tpu.vector_load_idx %arg11[%parallel_loop3A_1044] : memref<1024xi32, #tpu.memory_space<vmem>>[vector<16xi32>], vector<16xi32>,
      %parallel_loop3A_1069 = arith.constant 16 : i32
      %parallel_loop3A_1070 = vector.broadcast %parallel_loop3A_1069 : i32 to vector<16xi32>
      %parallel_loop3A_1071 = arith.shli %parallel_loop3A_1068, %parallel_loop3A_1070 : vector<16xi32>
      %parallel_loop3A_1072 = vector.bitcast %parallel_loop3A_1071 : vector<16xi32> to vector<16xf32>
      %parallel_loop3A_1073 = arith.andi %parallel_loop3A_1068, %broadcast_in_dim3A_189 : vector<16xi32>
      %parallel_loop3A_1074 = vector.bitcast %parallel_loop3A_1073 : vector<16xi32> to vector<16xf32>
      %parallel_loop3A_1075 = tpu.vector_load_idx %arg11[%parallel_loop3A_1051] : memref<1024xi32, #tpu.memory_space<vmem>>[vector<16xi32>], vector<16xi32>,
      %parallel_loop3A_1076 = arith.constant 16 : i32
      %parallel_loop3A_1077 = vector.broadcast %parallel_loop3A_1076 : i32 to vector<16xi32>
      %parallel_loop3A_1078 = arith.shli %parallel_loop3A_1075, %parallel_loop3A_1077 : vector<16xi32>
      %parallel_loop3A_1079 = vector.bitcast %parallel_loop3A_1078 : vector<16xi32> to vector<16xf32>
      %parallel_loop3A_1080 = arith.andi %parallel_loop3A_1075, %broadcast_in_dim3A_189 : vector<16xi32>
      %parallel_loop3A_1081 = vector.bitcast %parallel_loop3A_1080 : vector<16xi32> to vector<16xf32>
      %parallel_loop3A_1082 = arith.addf %parallel_loop3A_1072, %parallel_loop3A_1079 : vector<16xf32>
      %parallel_loop3A_1083 = arith.addf %parallel_loop3A_1074, %parallel_loop3A_1081 : vector<16xf32>
      %parallel_loop3A_1084 = tpu.vector_load_idx %arg12[%parallel_loop3A_1044] : memref<1024xi32, #tpu.memory_space<vmem>>[vector<16xi32>], vector<16xi32>,
      %parallel_loop3A_1085 = arith.constant 16 : i32
      %parallel_loop3A_1086 = vector.broadcast %parallel_loop3A_1085 : i32 to vector<16xi32>
      %parallel_loop3A_1087 = arith.shli %parallel_loop3A_1084, %parallel_loop3A_1086 : vector<16xi32>
      %parallel_loop3A_1088 = vector.bitcast %parallel_loop3A_1087 : vector<16xi32> to vector<16xf32>
      %parallel_loop3A_1089 = arith.andi %parallel_loop3A_1084, %broadcast_in_dim3A_189 : vector<16xi32>
      %parallel_loop3A_1090 = vector.bitcast %parallel_loop3A_1089 : vector<16xi32> to vector<16xf32>
      %parallel_loop3A_1091 = tpu.vector_load_idx %arg12[%parallel_loop3A_1051] : memref<1024xi32, #tpu.memory_space<vmem>>[vector<16xi32>], vector<16xi32>,
      %parallel_loop3A_1092 = arith.constant 16 : i32
      %parallel_loop3A_1093 = vector.broadcast %parallel_loop3A_1092 : i32 to vector<16xi32>
      %parallel_loop3A_1094 = arith.shli %parallel_loop3A_1091, %parallel_loop3A_1093 : vector<16xi32>
      %parallel_loop3A_1095 = vector.bitcast %parallel_loop3A_1094 : vector<16xi32> to vector<16xf32>
      %parallel_loop3A_1096 = arith.andi %parallel_loop3A_1091, %broadcast_in_dim3A_189 : vector<16xi32>
      %parallel_loop3A_1097 = vector.bitcast %parallel_loop3A_1096 : vector<16xi32> to vector<16xf32>
      %parallel_loop3A_1098 = arith.addf %parallel_loop3A_1088, %parallel_loop3A_1095 : vector<16xf32>
      %parallel_loop3A_1099 = arith.addf %parallel_loop3A_1090, %parallel_loop3A_1097 : vector<16xf32>
      %parallel_loop3A_1100 = tpu.vector_load_idx %arg13[%parallel_loop3A_1044] : memref<1024xi32, #tpu.memory_space<vmem>>[vector<16xi32>], vector<16xi32>,
      %parallel_loop3A_1101 = arith.constant 16 : i32
      %parallel_loop3A_1102 = vector.broadcast %parallel_loop3A_1101 : i32 to vector<16xi32>
      %parallel_loop3A_1103 = arith.shli %parallel_loop3A_1100, %parallel_loop3A_1102 : vector<16xi32>
      %parallel_loop3A_1104 = vector.bitcast %parallel_loop3A_1103 : vector<16xi32> to vector<16xf32>
      %parallel_loop3A_1105 = arith.andi %parallel_loop3A_1100, %broadcast_in_dim3A_189 : vector<16xi32>
      %parallel_loop3A_1106 = vector.bitcast %parallel_loop3A_1105 : vector<16xi32> to vector<16xf32>
      %parallel_loop3A_1107 = tpu.vector_load_idx %arg13[%parallel_loop3A_1051] : memref<1024xi32, #tpu.memory_space<vmem>>[vector<16xi32>], vector<16xi32>,
      %parallel_loop3A_1108 = arith.constant 16 : i32
      %parallel_loop3A_1109 = vector.broadcast %parallel_loop3A_1108 : i32 to vector<16xi32>
      %parallel_loop3A_1110 = arith.shli %parallel_loop3A_1107, %parallel_loop3A_1109 : vector<16xi32>
      %parallel_loop3A_1111 = vector.bitcast %parallel_loop3A_1110 : vector<16xi32> to vector<16xf32>
      %parallel_loop3A_1112 = arith.andi %parallel_loop3A_1107, %broadcast_in_dim3A_189 : vector<16xi32>
      %parallel_loop3A_1113 = vector.bitcast %parallel_loop3A_1112 : vector<16xi32> to vector<16xf32>
      %parallel_loop3A_1114 = arith.addf %parallel_loop3A_1104, %parallel_loop3A_1111 : vector<16xf32>
      %parallel_loop3A_1115 = arith.addf %parallel_loop3A_1106, %parallel_loop3A_1113 : vector<16xf32>
      %parallel_loop3A_1116 = tpu.vector_load_idx %arg14[%parallel_loop3A_1044] : memref<1024xi32, #tpu.memory_space<vmem>>[vector<16xi32>], vector<16xi32>,
      %parallel_loop3A_1117 = arith.constant 16 : i32
      %parallel_loop3A_1118 = vector.broadcast %parallel_loop3A_1117 : i32 to vector<16xi32>
      %parallel_loop3A_1119 = arith.shli %parallel_loop3A_1116, %parallel_loop3A_1118 : vector<16xi32>
      %parallel_loop3A_1120 = vector.bitcast %parallel_loop3A_1119 : vector<16xi32> to vector<16xf32>
      %parallel_loop3A_1121 = arith.andi %parallel_loop3A_1116, %broadcast_in_dim3A_189 : vector<16xi32>
      %parallel_loop3A_1122 = vector.bitcast %parallel_loop3A_1121 : vector<16xi32> to vector<16xf32>
      %parallel_loop3A_1123 = tpu.vector_load_idx %arg14[%parallel_loop3A_1051] : memref<1024xi32, #tpu.memory_space<vmem>>[vector<16xi32>], vector<16xi32>,
      %parallel_loop3A_1124 = arith.constant 16 : i32
      %parallel_loop3A_1125 = vector.broadcast %parallel_loop3A_1124 : i32 to vector<16xi32>
      %parallel_loop3A_1126 = arith.shli %parallel_loop3A_1123, %parallel_loop3A_1125 : vector<16xi32>
      %parallel_loop3A_1127 = vector.bitcast %parallel_loop3A_1126 : vector<16xi32> to vector<16xf32>
      %parallel_loop3A_1128 = arith.andi %parallel_loop3A_1123, %broadcast_in_dim3A_189 : vector<16xi32>
      %parallel_loop3A_1129 = vector.bitcast %parallel_loop3A_1128 : vector<16xi32> to vector<16xf32>
      %parallel_loop3A_1130 = arith.addf %parallel_loop3A_1120, %parallel_loop3A_1127 : vector<16xf32>
      %parallel_loop3A_1131 = arith.addf %parallel_loop3A_1122, %parallel_loop3A_1129 : vector<16xf32>
      %parallel_loop3A_1132 = tpu.vector_load_idx %arg15[%parallel_loop3A_1044] : memref<1024xi32, #tpu.memory_space<vmem>>[vector<16xi32>], vector<16xi32>,
      %parallel_loop3A_1133 = arith.constant 16 : i32
      %parallel_loop3A_1134 = vector.broadcast %parallel_loop3A_1133 : i32 to vector<16xi32>
      %parallel_loop3A_1135 = arith.shli %parallel_loop3A_1132, %parallel_loop3A_1134 : vector<16xi32>
      %parallel_loop3A_1136 = vector.bitcast %parallel_loop3A_1135 : vector<16xi32> to vector<16xf32>
      %parallel_loop3A_1137 = arith.andi %parallel_loop3A_1132, %broadcast_in_dim3A_189 : vector<16xi32>
      %parallel_loop3A_1138 = vector.bitcast %parallel_loop3A_1137 : vector<16xi32> to vector<16xf32>
      %parallel_loop3A_1139 = tpu.vector_load_idx %arg15[%parallel_loop3A_1051] : memref<1024xi32, #tpu.memory_space<vmem>>[vector<16xi32>], vector<16xi32>,
      %parallel_loop3A_1140 = arith.constant 16 : i32
      %parallel_loop3A_1141 = vector.broadcast %parallel_loop3A_1140 : i32 to vector<16xi32>
      %parallel_loop3A_1142 = arith.shli %parallel_loop3A_1139, %parallel_loop3A_1141 : vector<16xi32>
      %parallel_loop3A_1143 = vector.bitcast %parallel_loop3A_1142 : vector<16xi32> to vector<16xf32>
      %parallel_loop3A_1144 = arith.andi %parallel_loop3A_1139, %broadcast_in_dim3A_189 : vector<16xi32>
      %parallel_loop3A_1145 = vector.bitcast %parallel_loop3A_1144 : vector<16xi32> to vector<16xf32>
      %parallel_loop3A_1146 = arith.addf %parallel_loop3A_1136, %parallel_loop3A_1143 : vector<16xf32>
      %parallel_loop3A_1147 = arith.addf %parallel_loop3A_1138, %parallel_loop3A_1145 : vector<16xf32>
      %parallel_loop3A_1148 = tpu.vector_load_idx %arg16[%parallel_loop3A_1044] : memref<1024xi32, #tpu.memory_space<vmem>>[vector<16xi32>], vector<16xi32>,
      %parallel_loop3A_1149 = arith.constant 16 : i32
      %parallel_loop3A_1150 = vector.broadcast %parallel_loop3A_1149 : i32 to vector<16xi32>
      %parallel_loop3A_1151 = arith.shli %parallel_loop3A_1148, %parallel_loop3A_1150 : vector<16xi32>
      %parallel_loop3A_1152 = vector.bitcast %parallel_loop3A_1151 : vector<16xi32> to vector<16xf32>
      %parallel_loop3A_1153 = arith.andi %parallel_loop3A_1148, %broadcast_in_dim3A_189 : vector<16xi32>
      %parallel_loop3A_1154 = vector.bitcast %parallel_loop3A_1153 : vector<16xi32> to vector<16xf32>
      %parallel_loop3A_1155 = tpu.vector_load_idx %arg16[%parallel_loop3A_1051] : memref<1024xi32, #tpu.memory_space<vmem>>[vector<16xi32>], vector<16xi32>,
      %parallel_loop3A_1156 = arith.constant 16 : i32
      %parallel_loop3A_1157 = vector.broadcast %parallel_loop3A_1156 : i32 to vector<16xi32>
      %parallel_loop3A_1158 = arith.shli %parallel_loop3A_1155, %parallel_loop3A_1157 : vector<16xi32>
      %parallel_loop3A_1159 = vector.bitcast %parallel_loop3A_1158 : vector<16xi32> to vector<16xf32>
      %parallel_loop3A_1160 = arith.andi %parallel_loop3A_1155, %broadcast_in_dim3A_189 : vector<16xi32>
      %parallel_loop3A_1161 = vector.bitcast %parallel_loop3A_1160 : vector<16xi32> to vector<16xf32>
      %parallel_loop3A_1162 = arith.addf %parallel_loop3A_1152, %parallel_loop3A_1159 : vector<16xf32>
      %parallel_loop3A_1163 = arith.addf %parallel_loop3A_1154, %parallel_loop3A_1161 : vector<16xf32>
      %parallel_loop3A_1164 = tpu.vector_load_idx %arg17[%parallel_loop3A_1044] : memref<1024xi32, #tpu.memory_space<vmem>>[vector<16xi32>], vector<16xi32>,
      %parallel_loop3A_1165 = arith.constant 16 : i32
      %parallel_loop3A_1166 = vector.broadcast %parallel_loop3A_1165 : i32 to vector<16xi32>
      %parallel_loop3A_1167 = arith.shli %parallel_loop3A_1164, %parallel_loop3A_1166 : vector<16xi32>
      %parallel_loop3A_1168 = vector.bitcast %parallel_loop3A_1167 : vector<16xi32> to vector<16xf32>
      %parallel_loop3A_1169 = arith.andi %parallel_loop3A_1164, %broadcast_in_dim3A_189 : vector<16xi32>
      %parallel_loop3A_1170 = vector.bitcast %parallel_loop3A_1169 : vector<16xi32> to vector<16xf32>
      %parallel_loop3A_1171 = tpu.vector_load_idx %arg17[%parallel_loop3A_1051] : memref<1024xi32, #tpu.memory_space<vmem>>[vector<16xi32>], vector<16xi32>,
      %parallel_loop3A_1172 = arith.constant 16 : i32
      %parallel_loop3A_1173 = vector.broadcast %parallel_loop3A_1172 : i32 to vector<16xi32>
      %parallel_loop3A_1174 = arith.shli %parallel_loop3A_1171, %parallel_loop3A_1173 : vector<16xi32>
      %parallel_loop3A_1175 = vector.bitcast %parallel_loop3A_1174 : vector<16xi32> to vector<16xf32>
      %parallel_loop3A_1176 = arith.andi %parallel_loop3A_1171, %broadcast_in_dim3A_189 : vector<16xi32>
      %parallel_loop3A_1177 = vector.bitcast %parallel_loop3A_1176 : vector<16xi32> to vector<16xf32>
      %parallel_loop3A_1178 = arith.addf %parallel_loop3A_1168, %parallel_loop3A_1175 : vector<16xf32>
      %parallel_loop3A_1179 = arith.addf %parallel_loop3A_1170, %parallel_loop3A_1177 : vector<16xf32>
      %parallel_loop3A_1180 = tpu.vector_load_idx %arg18[%parallel_loop3A_1044] : memref<1024xi32, #tpu.memory_space<vmem>>[vector<16xi32>], vector<16xi32>,
      %parallel_loop3A_1181 = arith.constant 16 : i32
      %parallel_loop3A_1182 = vector.broadcast %parallel_loop3A_1181 : i32 to vector<16xi32>
      %parallel_loop3A_1183 = arith.shli %parallel_loop3A_1180, %parallel_loop3A_1182 : vector<16xi32>
      %parallel_loop3A_1184 = vector.bitcast %parallel_loop3A_1183 : vector<16xi32> to vector<16xf32>
      %parallel_loop3A_1185 = arith.andi %parallel_loop3A_1180, %broadcast_in_dim3A_189 : vector<16xi32>
      %parallel_loop3A_1186 = vector.bitcast %parallel_loop3A_1185 : vector<16xi32> to vector<16xf32>
      %parallel_loop3A_1187 = tpu.vector_load_idx %arg18[%parallel_loop3A_1051] : memref<1024xi32, #tpu.memory_space<vmem>>[vector<16xi32>], vector<16xi32>,
      %parallel_loop3A_1188 = arith.constant 16 : i32
      %parallel_loop3A_1189 = vector.broadcast %parallel_loop3A_1188 : i32 to vector<16xi32>
      %parallel_loop3A_1190 = arith.shli %parallel_loop3A_1187, %parallel_loop3A_1189 : vector<16xi32>
      %parallel_loop3A_1191 = vector.bitcast %parallel_loop3A_1190 : vector<16xi32> to vector<16xf32>
      %parallel_loop3A_1192 = arith.andi %parallel_loop3A_1187, %broadcast_in_dim3A_189 : vector<16xi32>
      %parallel_loop3A_1193 = vector.bitcast %parallel_loop3A_1192 : vector<16xi32> to vector<16xf32>
      %parallel_loop3A_1194 = arith.addf %parallel_loop3A_1184, %parallel_loop3A_1191 : vector<16xf32>
      %parallel_loop3A_1195 = arith.addf %parallel_loop3A_1186, %parallel_loop3A_1193 : vector<16xf32>
      %parallel_loop3A_1196 = tpu.vector_load_idx %arg19[%parallel_loop3A_1044] : memref<1024xi32, #tpu.memory_space<vmem>>[vector<16xi32>], vector<16xi32>,
      %parallel_loop3A_1197 = arith.constant 16 : i32
      %parallel_loop3A_1198 = vector.broadcast %parallel_loop3A_1197 : i32 to vector<16xi32>
      %parallel_loop3A_1199 = arith.shli %parallel_loop3A_1196, %parallel_loop3A_1198 : vector<16xi32>
      %parallel_loop3A_1200 = vector.bitcast %parallel_loop3A_1199 : vector<16xi32> to vector<16xf32>
      %parallel_loop3A_1201 = arith.andi %parallel_loop3A_1196, %broadcast_in_dim3A_189 : vector<16xi32>
      %parallel_loop3A_1202 = vector.bitcast %parallel_loop3A_1201 : vector<16xi32> to vector<16xf32>
      %parallel_loop3A_1203 = tpu.vector_load_idx %arg19[%parallel_loop3A_1051] : memref<1024xi32, #tpu.memory_space<vmem>>[vector<16xi32>], vector<16xi32>,
      %parallel_loop3A_1204 = arith.constant 16 : i32
      %parallel_loop3A_1205 = vector.broadcast %parallel_loop3A_1204 : i32 to vector<16xi32>
      %parallel_loop3A_1206 = arith.shli %parallel_loop3A_1203, %parallel_loop3A_1205 : vector<16xi32>
      %parallel_loop3A_1207 = vector.bitcast %parallel_loop3A_1206 : vector<16xi32> to vector<16xf32>
      %parallel_loop3A_1208 = arith.andi %parallel_loop3A_1203, %broadcast_in_dim3A_189 : vector<16xi32>
      %parallel_loop3A_1209 = vector.bitcast %parallel_loop3A_1208 : vector<16xi32> to vector<16xf32>
      %parallel_loop3A_1210 = arith.addf %parallel_loop3A_1200, %parallel_loop3A_1207 : vector<16xf32>
      %parallel_loop3A_1211 = arith.addf %parallel_loop3A_1202, %parallel_loop3A_1209 : vector<16xf32>
      %parallel_loop3A_1212 = arith.addf %parallel_loop3A_1020, %parallel_loop3A_1066 : vector<16xf32>
      %parallel_loop3A_1213 = arith.addf %parallel_loop3A_1021, %parallel_loop3A_1082 : vector<16xf32>
      %parallel_loop3A_1214 = arith.addf %parallel_loop3A_1022, %parallel_loop3A_1098 : vector<16xf32>
      %parallel_loop3A_1215 = arith.addf %parallel_loop3A_1023, %parallel_loop3A_1114 : vector<16xf32>
      %parallel_loop3A_1216 = arith.addf %parallel_loop3A_1024, %parallel_loop3A_1130 : vector<16xf32>
      %parallel_loop3A_1217 = arith.addf %parallel_loop3A_1025, %parallel_loop3A_1146 : vector<16xf32>
      %parallel_loop3A_1218 = arith.addf %parallel_loop3A_1026, %parallel_loop3A_1162 : vector<16xf32>
      %parallel_loop3A_1219 = arith.addf %parallel_loop3A_1027, %parallel_loop3A_1178 : vector<16xf32>
      %parallel_loop3A_1220 = arith.addf %parallel_loop3A_1028, %parallel_loop3A_1194 : vector<16xf32>
      %parallel_loop3A_1221 = arith.addf %parallel_loop3A_1029, %parallel_loop3A_1210 : vector<16xf32>
      %parallel_loop3A_1222 = arith.addf %parallel_loop3A_1030, %parallel_loop3A_1067 : vector<16xf32>
      %parallel_loop3A_1223 = arith.addf %parallel_loop3A_1031, %parallel_loop3A_1083 : vector<16xf32>
      %parallel_loop3A_1224 = arith.addf %parallel_loop3A_1032, %parallel_loop3A_1099 : vector<16xf32>
      %parallel_loop3A_1225 = arith.addf %parallel_loop3A_1033, %parallel_loop3A_1115 : vector<16xf32>
      %parallel_loop3A_1226 = arith.addf %parallel_loop3A_1034, %parallel_loop3A_1131 : vector<16xf32>
      %parallel_loop3A_1227 = arith.addf %parallel_loop3A_1035, %parallel_loop3A_1147 : vector<16xf32>
      %parallel_loop3A_1228 = arith.addf %parallel_loop3A_1036, %parallel_loop3A_1163 : vector<16xf32>
      %parallel_loop3A_1229 = arith.addf %parallel_loop3A_1037, %parallel_loop3A_1179 : vector<16xf32>
      %parallel_loop3A_1230 = arith.addf %parallel_loop3A_1038, %parallel_loop3A_1195 : vector<16xf32>
      %parallel_loop3A_1231 = arith.addf %parallel_loop3A_1039, %parallel_loop3A_1211 : vector<16xf32>
      scf.yield %parallel_loop3A_1212, %parallel_loop3A_1213, %parallel_loop3A_1214, %parallel_loop3A_1215, %parallel_loop3A_1216, %parallel_loop3A_1217, %parallel_loop3A_1218, %parallel_loop3A_1219, %parallel_loop3A_1220, %parallel_loop3A_1221, %parallel_loop3A_1222, %parallel_loop3A_1223, %parallel_loop3A_1224, %parallel_loop3A_1225, %parallel_loop3A_1226, %parallel_loop3A_1227, %parallel_loop3A_1228, %parallel_loop3A_1229, %parallel_loop3A_1230, %parallel_loop3A_1231 : vector<16xf32>, vector<16xf32>, vector<16xf32>, vector<16xf32>, vector<16xf32>, vector<16xf32>, vector<16xf32>, vector<16xf32>, vector<16xf32>, vector<16xf32>, vector<16xf32>, vector<16xf32>, vector<16xf32>, vector<16xf32>, vector<16xf32>, vector<16xf32>, vector<16xf32>, vector<16xf32>, vector<16xf32>, vector<16xf32>
    } {sc.loop_unroll_factor = 1 : i64, sc.parallel_access}
    %swap3A_731 = arith.constant 0 : i32
    %swap3A_732 = arith.index_cast %swap3A_731 : i32 to index
    %swap3A_733 = arith.constant 80 : index
    %swap3A_734 = tpu.vector_load %arg8[%swap3A_732, %swap3A_733] {strides = array<i32>} : memref<20x128xf32, #tpu.memory_space<vmem>>, vector<16xf32>,
    tpu.vector_store %arg8[%swap3A_732, %swap3A_733], %parallel_loop3A_730#0 {strides = array<i32>} : memref<20x128xf32, #tpu.memory_space<vmem>>, vector<16xf32>,
    %swap3A_735 = arith.constant 1 : i32
    %swap3A_736 = arith.index_cast %swap3A_735 : i32 to index
    %swap3A_737 = arith.constant 80 : index
    %swap3A_738 = tpu.vector_load %arg8[%swap3A_736, %swap3A_737] {strides = array<i32>} : memref<20x128xf32, #tpu.memory_space<vmem>>, vector<16xf32>,
    tpu.vector_store %arg8[%swap3A_736, %swap3A_737], %parallel_loop3A_730#1 {strides = array<i32>} : memref<20x128xf32, #tpu.memory_space<vmem>>, vector<16xf32>,
    %swap3A_739 = arith.constant 2 : i32
    %swap3A_740 = arith.index_cast %swap3A_739 : i32 to index
    %swap3A_741 = arith.constant 80 : index
    %swap3A_742 = tpu.vector_load %arg8[%swap3A_740, %swap3A_741] {strides = array<i32>} : memref<20x128xf32, #tpu.memory_space<vmem>>, vector<16xf32>,
    tpu.vector_store %arg8[%swap3A_740, %swap3A_741], %parallel_loop3A_730#2 {strides = array<i32>} : memref<20x128xf32, #tpu.memory_space<vmem>>, vector<16xf32>,
    %swap3A_743 = arith.constant 3 : i32
    %swap3A_744 = arith.index_cast %swap3A_743 : i32 to index
    %swap3A_745 = arith.constant 80 : index
    %swap3A_746 = tpu.vector_load %arg8[%swap3A_744, %swap3A_745] {strides = array<i32>} : memref<20x128xf32, #tpu.memory_space<vmem>>, vector<16xf32>,
    tpu.vector_store %arg8[%swap3A_744, %swap3A_745], %parallel_loop3A_730#3 {strides = array<i32>} : memref<20x128xf32, #tpu.memory_space<vmem>>, vector<16xf32>,
    %swap3A_747 = arith.constant 4 : i32
    %swap3A_748 = arith.index_cast %swap3A_747 : i32 to index
    %swap3A_749 = arith.constant 80 : index
    %swap3A_750 = tpu.vector_load %arg8[%swap3A_748, %swap3A_749] {strides = array<i32>} : memref<20x128xf32, #tpu.memory_space<vmem>>, vector<16xf32>,
    tpu.vector_store %arg8[%swap3A_748, %swap3A_749], %parallel_loop3A_730#4 {strides = array<i32>} : memref<20x128xf32, #tpu.memory_space<vmem>>, vector<16xf32>,
    %swap3A_751 = arith.constant 5 : i32
    %swap3A_752 = arith.index_cast %swap3A_751 : i32 to index
    %swap3A_753 = arith.constant 80 : index
    %swap3A_754 = tpu.vector_load %arg8[%swap3A_752, %swap3A_753] {strides = array<i32>} : memref<20x128xf32, #tpu.memory_space<vmem>>, vector<16xf32>,
    tpu.vector_store %arg8[%swap3A_752, %swap3A_753], %parallel_loop3A_730#5 {strides = array<i32>} : memref<20x128xf32, #tpu.memory_space<vmem>>, vector<16xf32>,
    %swap3A_755 = arith.constant 6 : i32
    %swap3A_756 = arith.index_cast %swap3A_755 : i32 to index
    %swap3A_757 = arith.constant 80 : index
    %swap3A_758 = tpu.vector_load %arg8[%swap3A_756, %swap3A_757] {strides = array<i32>} : memref<20x128xf32, #tpu.memory_space<vmem>>, vector<16xf32>,
    tpu.vector_store %arg8[%swap3A_756, %swap3A_757], %parallel_loop3A_730#6 {strides = array<i32>} : memref<20x128xf32, #tpu.memory_space<vmem>>, vector<16xf32>,
    %swap3A_759 = arith.constant 7 : i32
    %swap3A_760 = arith.index_cast %swap3A_759 : i32 to index
    %swap3A_761 = arith.constant 80 : index
    %swap3A_762 = tpu.vector_load %arg8[%swap3A_760, %swap3A_761] {strides = array<i32>} : memref<20x128xf32, #tpu.memory_space<vmem>>, vector<16xf32>,
    tpu.vector_store %arg8[%swap3A_760, %swap3A_761], %parallel_loop3A_730#7 {strides = array<i32>} : memref<20x128xf32, #tpu.memory_space<vmem>>, vector<16xf32>,
    %swap3A_763 = arith.constant 8 : i32
    %swap3A_764 = arith.index_cast %swap3A_763 : i32 to index
    %swap3A_765 = arith.constant 80 : index
    %swap3A_766 = tpu.vector_load %arg8[%swap3A_764, %swap3A_765] {strides = array<i32>} : memref<20x128xf32, #tpu.memory_space<vmem>>, vector<16xf32>,
    tpu.vector_store %arg8[%swap3A_764, %swap3A_765], %parallel_loop3A_730#8 {strides = array<i32>} : memref<20x128xf32, #tpu.memory_space<vmem>>, vector<16xf32>,
    %swap3A_767 = arith.constant 9 : i32
    %swap3A_768 = arith.index_cast %swap3A_767 : i32 to index
    %swap3A_769 = arith.constant 80 : index
    %swap3A_770 = tpu.vector_load %arg8[%swap3A_768, %swap3A_769] {strides = array<i32>} : memref<20x128xf32, #tpu.memory_space<vmem>>, vector<16xf32>,
    tpu.vector_store %arg8[%swap3A_768, %swap3A_769], %parallel_loop3A_730#9 {strides = array<i32>} : memref<20x128xf32, #tpu.memory_space<vmem>>, vector<16xf32>,
    %swap3A_771 = arith.constant 10 : i32
    %swap3A_772 = arith.index_cast %swap3A_771 : i32 to index
    %swap3A_773 = arith.constant 80 : index
    %swap3A_774 = tpu.vector_load %arg8[%swap3A_772, %swap3A_773] {strides = array<i32>} : memref<20x128xf32, #tpu.memory_space<vmem>>, vector<16xf32>,
    tpu.vector_store %arg8[%swap3A_772, %swap3A_773], %parallel_loop3A_730#10 {strides = array<i32>} : memref<20x128xf32, #tpu.memory_space<vmem>>, vector<16xf32>,
    %swap3A_775 = arith.constant 11 : i32
    %swap3A_776 = arith.index_cast %swap3A_775 : i32 to index
    %swap3A_777 = arith.constant 80 : index
    %swap3A_778 = tpu.vector_load %arg8[%swap3A_776, %swap3A_777] {strides = array<i32>} : memref<20x128xf32, #tpu.memory_space<vmem>>, vector<16xf32>,
    tpu.vector_store %arg8[%swap3A_776, %swap3A_777], %parallel_loop3A_730#11 {strides = array<i32>} : memref<20x128xf32, #tpu.memory_space<vmem>>, vector<16xf32>,
    %swap3A_779 = arith.constant 12 : i32
    %swap3A_780 = arith.index_cast %swap3A_779 : i32 to index
    %swap3A_781 = arith.constant 80 : index
    %swap3A_782 = tpu.vector_load %arg8[%swap3A_780, %swap3A_781] {strides = array<i32>} : memref<20x128xf32, #tpu.memory_space<vmem>>, vector<16xf32>,
    tpu.vector_store %arg8[%swap3A_780, %swap3A_781], %parallel_loop3A_730#12 {strides = array<i32>} : memref<20x128xf32, #tpu.memory_space<vmem>>, vector<16xf32>,
    %swap3A_783 = arith.constant 13 : i32
    %swap3A_784 = arith.index_cast %swap3A_783 : i32 to index
    %swap3A_785 = arith.constant 80 : index
    %swap3A_786 = tpu.vector_load %arg8[%swap3A_784, %swap3A_785] {strides = array<i32>} : memref<20x128xf32, #tpu.memory_space<vmem>>, vector<16xf32>,
    tpu.vector_store %arg8[%swap3A_784, %swap3A_785], %parallel_loop3A_730#13 {strides = array<i32>} : memref<20x128xf32, #tpu.memory_space<vmem>>, vector<16xf32>,
    %swap3A_787 = arith.constant 14 : i32
    %swap3A_788 = arith.index_cast %swap3A_787 : i32 to index
    %swap3A_789 = arith.constant 80 : index
    %swap3A_790 = tpu.vector_load %arg8[%swap3A_788, %swap3A_789] {strides = array<i32>} : memref<20x128xf32, #tpu.memory_space<vmem>>, vector<16xf32>,
    tpu.vector_store %arg8[%swap3A_788, %swap3A_789], %parallel_loop3A_730#14 {strides = array<i32>} : memref<20x128xf32, #tpu.memory_space<vmem>>, vector<16xf32>,
    %swap3A_791 = arith.constant 15 : i32
    %swap3A_792 = arith.index_cast %swap3A_791 : i32 to index
    %swap3A_793 = arith.constant 80 : index
    %swap3A_794 = tpu.vector_load %arg8[%swap3A_792, %swap3A_793] {strides = array<i32>} : memref<20x128xf32, #tpu.memory_space<vmem>>, vector<16xf32>,
    tpu.vector_store %arg8[%swap3A_792, %swap3A_793], %parallel_loop3A_730#15 {strides = array<i32>} : memref<20x128xf32, #tpu.memory_space<vmem>>, vector<16xf32>,
    %swap3A_795 = arith.constant 16 : i32
    %swap3A_796 = arith.index_cast %swap3A_795 : i32 to index
    %swap3A_797 = arith.constant 80 : index
    %swap3A_798 = tpu.vector_load %arg8[%swap3A_796, %swap3A_797] {strides = array<i32>} : memref<20x128xf32, #tpu.memory_space<vmem>>, vector<16xf32>,
    tpu.vector_store %arg8[%swap3A_796, %swap3A_797], %parallel_loop3A_730#16 {strides = array<i32>} : memref<20x128xf32, #tpu.memory_space<vmem>>, vector<16xf32>,
    %swap3A_799 = arith.constant 17 : i32
    %swap3A_800 = arith.index_cast %swap3A_799 : i32 to index
    %swap3A_801 = arith.constant 80 : index
    %swap3A_802 = tpu.vector_load %arg8[%swap3A_800, %swap3A_801] {strides = array<i32>} : memref<20x128xf32, #tpu.memory_space<vmem>>, vector<16xf32>,
    tpu.vector_store %arg8[%swap3A_800, %swap3A_801], %parallel_loop3A_730#17 {strides = array<i32>} : memref<20x128xf32, #tpu.memory_space<vmem>>, vector<16xf32>,
    %swap3A_803 = arith.constant 18 : i32
    %swap3A_804 = arith.index_cast %swap3A_803 : i32 to index
    %swap3A_805 = arith.constant 80 : index
    %swap3A_806 = tpu.vector_load %arg8[%swap3A_804, %swap3A_805] {strides = array<i32>} : memref<20x128xf32, #tpu.memory_space<vmem>>, vector<16xf32>,
    tpu.vector_store %arg8[%swap3A_804, %swap3A_805], %parallel_loop3A_730#18 {strides = array<i32>} : memref<20x128xf32, #tpu.memory_space<vmem>>, vector<16xf32>,
    %swap3A_807 = arith.constant 19 : i32
    %swap3A_808 = arith.index_cast %swap3A_807 : i32 to index
    %swap3A_809 = arith.constant 80 : index
    %swap3A_810 = tpu.vector_load %arg8[%swap3A_808, %swap3A_809] {strides = array<i32>} : memref<20x128xf32, #tpu.memory_space<vmem>>, vector<16xf32>,
    tpu.vector_store %arg8[%swap3A_808, %swap3A_809], %parallel_loop3A_730#19 {strides = array<i32>} : memref<20x128xf32, #tpu.memory_space<vmem>>, vector<16xf32>,
    %gather3A_811 = tpu.vector_load_idx %arg6[%iota3A, %broadcast_in_dim3A_149] : memref<16x20xf32, #tpu.memory_space<vmem>>[vector<16xi32>, vector<16xi32>], vector<16xf32>,
    %gather3A_812 = tpu.vector_load_idx %arg6[%iota3A, %broadcast_in_dim3A_151] : memref<16x20xf32, #tpu.memory_space<vmem>>[vector<16xi32>, vector<16xi32>], vector<16xf32>,
    %gather3A_813 = tpu.vector_load_idx %arg6[%iota3A, %broadcast_in_dim3A_153] : memref<16x20xf32, #tpu.memory_space<vmem>>[vector<16xi32>, vector<16xi32>], vector<16xf32>,
    %gather3A_814 = tpu.vector_load_idx %arg6[%iota3A, %broadcast_in_dim3A_155] : memref<16x20xf32, #tpu.memory_space<vmem>>[vector<16xi32>, vector<16xi32>], vector<16xf32>,
    %gather3A_815 = tpu.vector_load_idx %arg6[%iota3A, %broadcast_in_dim3A_157] : memref<16x20xf32, #tpu.memory_space<vmem>>[vector<16xi32>, vector<16xi32>], vector<16xf32>,
    %gather3A_816 = tpu.vector_load_idx %arg6[%iota3A, %broadcast_in_dim3A_159] : memref<16x20xf32, #tpu.memory_space<vmem>>[vector<16xi32>, vector<16xi32>], vector<16xf32>,
    %gather3A_817 = tpu.vector_load_idx %arg6[%iota3A, %broadcast_in_dim3A_161] : memref<16x20xf32, #tpu.memory_space<vmem>>[vector<16xi32>, vector<16xi32>], vector<16xf32>,
    %gather3A_818 = tpu.vector_load_idx %arg6[%iota3A, %broadcast_in_dim3A_163] : memref<16x20xf32, #tpu.memory_space<vmem>>[vector<16xi32>, vector<16xi32>], vector<16xf32>,
    %gather3A_819 = tpu.vector_load_idx %arg6[%iota3A, %broadcast_in_dim3A_165] : memref<16x20xf32, #tpu.memory_space<vmem>>[vector<16xi32>, vector<16xi32>], vector<16xf32>,
    %gather3A_820 = tpu.vector_load_idx %arg6[%iota3A, %broadcast_in_dim3A_167] : memref<16x20xf32, #tpu.memory_space<vmem>>[vector<16xi32>, vector<16xi32>], vector<16xf32>,
    %gather3A_821 = tpu.vector_load_idx %arg6[%iota3A, %broadcast_in_dim3A_169] : memref<16x20xf32, #tpu.memory_space<vmem>>[vector<16xi32>, vector<16xi32>], vector<16xf32>,
    %gather3A_822 = tpu.vector_load_idx %arg6[%iota3A, %broadcast_in_dim3A_171] : memref<16x20xf32, #tpu.memory_space<vmem>>[vector<16xi32>, vector<16xi32>], vector<16xf32>,
    %gather3A_823 = tpu.vector_load_idx %arg6[%iota3A, %broadcast_in_dim3A_173] : memref<16x20xf32, #tpu.memory_space<vmem>>[vector<16xi32>, vector<16xi32>], vector<16xf32>,
    %gather3A_824 = tpu.vector_load_idx %arg6[%iota3A, %broadcast_in_dim3A_175] : memref<16x20xf32, #tpu.memory_space<vmem>>[vector<16xi32>, vector<16xi32>], vector<16xf32>,
    %gather3A_825 = tpu.vector_load_idx %arg6[%iota3A, %broadcast_in_dim3A_177] : memref<16x20xf32, #tpu.memory_space<vmem>>[vector<16xi32>, vector<16xi32>], vector<16xf32>,
    %gather3A_826 = tpu.vector_load_idx %arg6[%iota3A, %broadcast_in_dim3A_179] : memref<16x20xf32, #tpu.memory_space<vmem>>[vector<16xi32>, vector<16xi32>], vector<16xf32>,
    %gather3A_827 = tpu.vector_load_idx %arg6[%iota3A, %broadcast_in_dim3A_181] : memref<16x20xf32, #tpu.memory_space<vmem>>[vector<16xi32>, vector<16xi32>], vector<16xf32>,
    %gather3A_828 = tpu.vector_load_idx %arg6[%iota3A, %broadcast_in_dim3A_183] : memref<16x20xf32, #tpu.memory_space<vmem>>[vector<16xi32>, vector<16xi32>], vector<16xf32>,
    %gather3A_829 = tpu.vector_load_idx %arg6[%iota3A, %broadcast_in_dim3A_185] : memref<16x20xf32, #tpu.memory_space<vmem>>[vector<16xi32>, vector<16xi32>], vector<16xf32>,
    %gather3A_830 = tpu.vector_load_idx %arg6[%iota3A, %broadcast_in_dim3A_187] : memref<16x20xf32, #tpu.memory_space<vmem>>[vector<16xi32>, vector<16xi32>], vector<16xf32>,
    %parallel_loop3A_831 = arith.constant 0 : i32
    %parallel_loop3A_832 = arith.constant 25 : i32
    %parallel_loop3A_833 = arith.constant 1 : i32
    %parallel_loop3A_834:20 = scf.for %parallel_loop3A_1019 = %parallel_loop3A_831 to %parallel_loop3A_832 step %parallel_loop3A_833 iter_args(%parallel_loop3A_1020 = %gather3A_811, %parallel_loop3A_1021 = %gather3A_812, %parallel_loop3A_1022 = %gather3A_813, %parallel_loop3A_1023 = %gather3A_814, %parallel_loop3A_1024 = %gather3A_815, %parallel_loop3A_1025 = %gather3A_816, %parallel_loop3A_1026 = %gather3A_817, %parallel_loop3A_1027 = %gather3A_818, %parallel_loop3A_1028 = %gather3A_819, %parallel_loop3A_1029 = %gather3A_820, %parallel_loop3A_1030 = %gather3A_821, %parallel_loop3A_1031 = %gather3A_822, %parallel_loop3A_1032 = %gather3A_823, %parallel_loop3A_1033 = %gather3A_824, %parallel_loop3A_1034 = %gather3A_825, %parallel_loop3A_1035 = %gather3A_826, %parallel_loop3A_1036 = %gather3A_827, %parallel_loop3A_1037 = %gather3A_828, %parallel_loop3A_1038 = %gather3A_829, %parallel_loop3A_1039 = %gather3A_830) -> (vector<16xf32>, vector<16xf32>, vector<16xf32>, vector<16xf32>, vector<16xf32>, vector<16xf32>, vector<16xf32>, vector<16xf32>, vector<16xf32>, vector<16xf32>, vector<16xf32>, vector<16xf32>, vector<16xf32>, vector<16xf32>, vector<16xf32>, vector<16xf32>, vector<16xf32>, vector<16xf32>, vector<16xf32>, vector<16xf32>)  : i32 {
      %parallel_loop3A_1040 = arith.constant 2 : i32
      %parallel_loop3A_1041 = arith.muli %parallel_loop3A_1040, %parallel_loop3A_1019 : i32
      %parallel_loop3A_1042 = arith.index_cast %parallel_loop3A_1041 : i32 to index
      %parallel_loop3A_1043 = arith.constant 96 : index
      %parallel_loop3A_1044 = tpu.vector_load %arg7[%parallel_loop3A_1042, %parallel_loop3A_1043] {strides = array<i32>} : memref<50x128xi32, #tpu.memory_space<vmem>>, vector<16xi32>,
      %parallel_loop3A_1045 = arith.constant 2 : i32
      %parallel_loop3A_1046 = arith.muli %parallel_loop3A_1045, %parallel_loop3A_1019 : i32
      %parallel_loop3A_1047 = arith.constant 1 : i32
      %parallel_loop3A_1048 = arith.addi %parallel_loop3A_1046, %parallel_loop3A_1047 : i32
      %parallel_loop3A_1049 = arith.index_cast %parallel_loop3A_1048 : i32 to index
      %parallel_loop3A_1050 = arith.constant 96 : index
      %parallel_loop3A_1051 = tpu.vector_load %arg7[%parallel_loop3A_1049, %parallel_loop3A_1050] {strides = array<i32>} : memref<50x128xi32, #tpu.memory_space<vmem>>, vector<16xi32>,
      %parallel_loop3A_1052 = tpu.vector_load_idx %arg10[%parallel_loop3A_1044] : memref<1024xi32, #tpu.memory_space<vmem>>[vector<16xi32>], vector<16xi32>,
      %parallel_loop3A_1053 = arith.constant 16 : i32
      %parallel_loop3A_1054 = vector.broadcast %parallel_loop3A_1053 : i32 to vector<16xi32>
      %parallel_loop3A_1055 = arith.shli %parallel_loop3A_1052, %parallel_loop3A_1054 : vector<16xi32>
      %parallel_loop3A_1056 = vector.bitcast %parallel_loop3A_1055 : vector<16xi32> to vector<16xf32>
      %parallel_loop3A_1057 = arith.andi %parallel_loop3A_1052, %broadcast_in_dim3A_189 : vector<16xi32>
      %parallel_loop3A_1058 = vector.bitcast %parallel_loop3A_1057 : vector<16xi32> to vector<16xf32>
      %parallel_loop3A_1059 = tpu.vector_load_idx %arg10[%parallel_loop3A_1051] : memref<1024xi32, #tpu.memory_space<vmem>>[vector<16xi32>], vector<16xi32>,
      %parallel_loop3A_1060 = arith.constant 16 : i32
      %parallel_loop3A_1061 = vector.broadcast %parallel_loop3A_1060 : i32 to vector<16xi32>
      %parallel_loop3A_1062 = arith.shli %parallel_loop3A_1059, %parallel_loop3A_1061 : vector<16xi32>
      %parallel_loop3A_1063 = vector.bitcast %parallel_loop3A_1062 : vector<16xi32> to vector<16xf32>
      %parallel_loop3A_1064 = arith.andi %parallel_loop3A_1059, %broadcast_in_dim3A_189 : vector<16xi32>
      %parallel_loop3A_1065 = vector.bitcast %parallel_loop3A_1064 : vector<16xi32> to vector<16xf32>
      %parallel_loop3A_1066 = arith.addf %parallel_loop3A_1056, %parallel_loop3A_1063 : vector<16xf32>
      %parallel_loop3A_1067 = arith.addf %parallel_loop3A_1058, %parallel_loop3A_1065 : vector<16xf32>
      %parallel_loop3A_1068 = tpu.vector_load_idx %arg11[%parallel_loop3A_1044] : memref<1024xi32, #tpu.memory_space<vmem>>[vector<16xi32>], vector<16xi32>,
      %parallel_loop3A_1069 = arith.constant 16 : i32
      %parallel_loop3A_1070 = vector.broadcast %parallel_loop3A_1069 : i32 to vector<16xi32>
      %parallel_loop3A_1071 = arith.shli %parallel_loop3A_1068, %parallel_loop3A_1070 : vector<16xi32>
      %parallel_loop3A_1072 = vector.bitcast %parallel_loop3A_1071 : vector<16xi32> to vector<16xf32>
      %parallel_loop3A_1073 = arith.andi %parallel_loop3A_1068, %broadcast_in_dim3A_189 : vector<16xi32>
      %parallel_loop3A_1074 = vector.bitcast %parallel_loop3A_1073 : vector<16xi32> to vector<16xf32>
      %parallel_loop3A_1075 = tpu.vector_load_idx %arg11[%parallel_loop3A_1051] : memref<1024xi32, #tpu.memory_space<vmem>>[vector<16xi32>], vector<16xi32>,
      %parallel_loop3A_1076 = arith.constant 16 : i32
      %parallel_loop3A_1077 = vector.broadcast %parallel_loop3A_1076 : i32 to vector<16xi32>
      %parallel_loop3A_1078 = arith.shli %parallel_loop3A_1075, %parallel_loop3A_1077 : vector<16xi32>
      %parallel_loop3A_1079 = vector.bitcast %parallel_loop3A_1078 : vector<16xi32> to vector<16xf32>
      %parallel_loop3A_1080 = arith.andi %parallel_loop3A_1075, %broadcast_in_dim3A_189 : vector<16xi32>
      %parallel_loop3A_1081 = vector.bitcast %parallel_loop3A_1080 : vector<16xi32> to vector<16xf32>
      %parallel_loop3A_1082 = arith.addf %parallel_loop3A_1072, %parallel_loop3A_1079 : vector<16xf32>
      %parallel_loop3A_1083 = arith.addf %parallel_loop3A_1074, %parallel_loop3A_1081 : vector<16xf32>
      %parallel_loop3A_1084 = tpu.vector_load_idx %arg12[%parallel_loop3A_1044] : memref<1024xi32, #tpu.memory_space<vmem>>[vector<16xi32>], vector<16xi32>,
      %parallel_loop3A_1085 = arith.constant 16 : i32
      %parallel_loop3A_1086 = vector.broadcast %parallel_loop3A_1085 : i32 to vector<16xi32>
      %parallel_loop3A_1087 = arith.shli %parallel_loop3A_1084, %parallel_loop3A_1086 : vector<16xi32>
      %parallel_loop3A_1088 = vector.bitcast %parallel_loop3A_1087 : vector<16xi32> to vector<16xf32>
      %parallel_loop3A_1089 = arith.andi %parallel_loop3A_1084, %broadcast_in_dim3A_189 : vector<16xi32>
      %parallel_loop3A_1090 = vector.bitcast %parallel_loop3A_1089 : vector<16xi32> to vector<16xf32>
      %parallel_loop3A_1091 = tpu.vector_load_idx %arg12[%parallel_loop3A_1051] : memref<1024xi32, #tpu.memory_space<vmem>>[vector<16xi32>], vector<16xi32>,
      %parallel_loop3A_1092 = arith.constant 16 : i32
      %parallel_loop3A_1093 = vector.broadcast %parallel_loop3A_1092 : i32 to vector<16xi32>
      %parallel_loop3A_1094 = arith.shli %parallel_loop3A_1091, %parallel_loop3A_1093 : vector<16xi32>
      %parallel_loop3A_1095 = vector.bitcast %parallel_loop3A_1094 : vector<16xi32> to vector<16xf32>
      %parallel_loop3A_1096 = arith.andi %parallel_loop3A_1091, %broadcast_in_dim3A_189 : vector<16xi32>
      %parallel_loop3A_1097 = vector.bitcast %parallel_loop3A_1096 : vector<16xi32> to vector<16xf32>
      %parallel_loop3A_1098 = arith.addf %parallel_loop3A_1088, %parallel_loop3A_1095 : vector<16xf32>
      %parallel_loop3A_1099 = arith.addf %parallel_loop3A_1090, %parallel_loop3A_1097 : vector<16xf32>
      %parallel_loop3A_1100 = tpu.vector_load_idx %arg13[%parallel_loop3A_1044] : memref<1024xi32, #tpu.memory_space<vmem>>[vector<16xi32>], vector<16xi32>,
      %parallel_loop3A_1101 = arith.constant 16 : i32
      %parallel_loop3A_1102 = vector.broadcast %parallel_loop3A_1101 : i32 to vector<16xi32>
      %parallel_loop3A_1103 = arith.shli %parallel_loop3A_1100, %parallel_loop3A_1102 : vector<16xi32>
      %parallel_loop3A_1104 = vector.bitcast %parallel_loop3A_1103 : vector<16xi32> to vector<16xf32>
      %parallel_loop3A_1105 = arith.andi %parallel_loop3A_1100, %broadcast_in_dim3A_189 : vector<16xi32>
      %parallel_loop3A_1106 = vector.bitcast %parallel_loop3A_1105 : vector<16xi32> to vector<16xf32>
      %parallel_loop3A_1107 = tpu.vector_load_idx %arg13[%parallel_loop3A_1051] : memref<1024xi32, #tpu.memory_space<vmem>>[vector<16xi32>], vector<16xi32>,
      %parallel_loop3A_1108 = arith.constant 16 : i32
      %parallel_loop3A_1109 = vector.broadcast %parallel_loop3A_1108 : i32 to vector<16xi32>
      %parallel_loop3A_1110 = arith.shli %parallel_loop3A_1107, %parallel_loop3A_1109 : vector<16xi32>
      %parallel_loop3A_1111 = vector.bitcast %parallel_loop3A_1110 : vector<16xi32> to vector<16xf32>
      %parallel_loop3A_1112 = arith.andi %parallel_loop3A_1107, %broadcast_in_dim3A_189 : vector<16xi32>
      %parallel_loop3A_1113 = vector.bitcast %parallel_loop3A_1112 : vector<16xi32> to vector<16xf32>
      %parallel_loop3A_1114 = arith.addf %parallel_loop3A_1104, %parallel_loop3A_1111 : vector<16xf32>
      %parallel_loop3A_1115 = arith.addf %parallel_loop3A_1106, %parallel_loop3A_1113 : vector<16xf32>
      %parallel_loop3A_1116 = tpu.vector_load_idx %arg14[%parallel_loop3A_1044] : memref<1024xi32, #tpu.memory_space<vmem>>[vector<16xi32>], vector<16xi32>,
      %parallel_loop3A_1117 = arith.constant 16 : i32
      %parallel_loop3A_1118 = vector.broadcast %parallel_loop3A_1117 : i32 to vector<16xi32>
      %parallel_loop3A_1119 = arith.shli %parallel_loop3A_1116, %parallel_loop3A_1118 : vector<16xi32>
      %parallel_loop3A_1120 = vector.bitcast %parallel_loop3A_1119 : vector<16xi32> to vector<16xf32>
      %parallel_loop3A_1121 = arith.andi %parallel_loop3A_1116, %broadcast_in_dim3A_189 : vector<16xi32>
      %parallel_loop3A_1122 = vector.bitcast %parallel_loop3A_1121 : vector<16xi32> to vector<16xf32>
      %parallel_loop3A_1123 = tpu.vector_load_idx %arg14[%parallel_loop3A_1051] : memref<1024xi32, #tpu.memory_space<vmem>>[vector<16xi32>], vector<16xi32>,
      %parallel_loop3A_1124 = arith.constant 16 : i32
      %parallel_loop3A_1125 = vector.broadcast %parallel_loop3A_1124 : i32 to vector<16xi32>
      %parallel_loop3A_1126 = arith.shli %parallel_loop3A_1123, %parallel_loop3A_1125 : vector<16xi32>
      %parallel_loop3A_1127 = vector.bitcast %parallel_loop3A_1126 : vector<16xi32> to vector<16xf32>
      %parallel_loop3A_1128 = arith.andi %parallel_loop3A_1123, %broadcast_in_dim3A_189 : vector<16xi32>
      %parallel_loop3A_1129 = vector.bitcast %parallel_loop3A_1128 : vector<16xi32> to vector<16xf32>
      %parallel_loop3A_1130 = arith.addf %parallel_loop3A_1120, %parallel_loop3A_1127 : vector<16xf32>
      %parallel_loop3A_1131 = arith.addf %parallel_loop3A_1122, %parallel_loop3A_1129 : vector<16xf32>
      %parallel_loop3A_1132 = tpu.vector_load_idx %arg15[%parallel_loop3A_1044] : memref<1024xi32, #tpu.memory_space<vmem>>[vector<16xi32>], vector<16xi32>,
      %parallel_loop3A_1133 = arith.constant 16 : i32
      %parallel_loop3A_1134 = vector.broadcast %parallel_loop3A_1133 : i32 to vector<16xi32>
      %parallel_loop3A_1135 = arith.shli %parallel_loop3A_1132, %parallel_loop3A_1134 : vector<16xi32>
      %parallel_loop3A_1136 = vector.bitcast %parallel_loop3A_1135 : vector<16xi32> to vector<16xf32>
      %parallel_loop3A_1137 = arith.andi %parallel_loop3A_1132, %broadcast_in_dim3A_189 : vector<16xi32>
      %parallel_loop3A_1138 = vector.bitcast %parallel_loop3A_1137 : vector<16xi32> to vector<16xf32>
      %parallel_loop3A_1139 = tpu.vector_load_idx %arg15[%parallel_loop3A_1051] : memref<1024xi32, #tpu.memory_space<vmem>>[vector<16xi32>], vector<16xi32>,
      %parallel_loop3A_1140 = arith.constant 16 : i32
      %parallel_loop3A_1141 = vector.broadcast %parallel_loop3A_1140 : i32 to vector<16xi32>
      %parallel_loop3A_1142 = arith.shli %parallel_loop3A_1139, %parallel_loop3A_1141 : vector<16xi32>
      %parallel_loop3A_1143 = vector.bitcast %parallel_loop3A_1142 : vector<16xi32> to vector<16xf32>
      %parallel_loop3A_1144 = arith.andi %parallel_loop3A_1139, %broadcast_in_dim3A_189 : vector<16xi32>
      %parallel_loop3A_1145 = vector.bitcast %parallel_loop3A_1144 : vector<16xi32> to vector<16xf32>
      %parallel_loop3A_1146 = arith.addf %parallel_loop3A_1136, %parallel_loop3A_1143 : vector<16xf32>
      %parallel_loop3A_1147 = arith.addf %parallel_loop3A_1138, %parallel_loop3A_1145 : vector<16xf32>
      %parallel_loop3A_1148 = tpu.vector_load_idx %arg16[%parallel_loop3A_1044] : memref<1024xi32, #tpu.memory_space<vmem>>[vector<16xi32>], vector<16xi32>,
      %parallel_loop3A_1149 = arith.constant 16 : i32
      %parallel_loop3A_1150 = vector.broadcast %parallel_loop3A_1149 : i32 to vector<16xi32>
      %parallel_loop3A_1151 = arith.shli %parallel_loop3A_1148, %parallel_loop3A_1150 : vector<16xi32>
      %parallel_loop3A_1152 = vector.bitcast %parallel_loop3A_1151 : vector<16xi32> to vector<16xf32>
      %parallel_loop3A_1153 = arith.andi %parallel_loop3A_1148, %broadcast_in_dim3A_189 : vector<16xi32>
      %parallel_loop3A_1154 = vector.bitcast %parallel_loop3A_1153 : vector<16xi32> to vector<16xf32>
      %parallel_loop3A_1155 = tpu.vector_load_idx %arg16[%parallel_loop3A_1051] : memref<1024xi32, #tpu.memory_space<vmem>>[vector<16xi32>], vector<16xi32>,
      %parallel_loop3A_1156 = arith.constant 16 : i32
      %parallel_loop3A_1157 = vector.broadcast %parallel_loop3A_1156 : i32 to vector<16xi32>
      %parallel_loop3A_1158 = arith.shli %parallel_loop3A_1155, %parallel_loop3A_1157 : vector<16xi32>
      %parallel_loop3A_1159 = vector.bitcast %parallel_loop3A_1158 : vector<16xi32> to vector<16xf32>
      %parallel_loop3A_1160 = arith.andi %parallel_loop3A_1155, %broadcast_in_dim3A_189 : vector<16xi32>
      %parallel_loop3A_1161 = vector.bitcast %parallel_loop3A_1160 : vector<16xi32> to vector<16xf32>
      %parallel_loop3A_1162 = arith.addf %parallel_loop3A_1152, %parallel_loop3A_1159 : vector<16xf32>
      %parallel_loop3A_1163 = arith.addf %parallel_loop3A_1154, %parallel_loop3A_1161 : vector<16xf32>
      %parallel_loop3A_1164 = tpu.vector_load_idx %arg17[%parallel_loop3A_1044] : memref<1024xi32, #tpu.memory_space<vmem>>[vector<16xi32>], vector<16xi32>,
      %parallel_loop3A_1165 = arith.constant 16 : i32
      %parallel_loop3A_1166 = vector.broadcast %parallel_loop3A_1165 : i32 to vector<16xi32>
      %parallel_loop3A_1167 = arith.shli %parallel_loop3A_1164, %parallel_loop3A_1166 : vector<16xi32>
      %parallel_loop3A_1168 = vector.bitcast %parallel_loop3A_1167 : vector<16xi32> to vector<16xf32>
      %parallel_loop3A_1169 = arith.andi %parallel_loop3A_1164, %broadcast_in_dim3A_189 : vector<16xi32>
      %parallel_loop3A_1170 = vector.bitcast %parallel_loop3A_1169 : vector<16xi32> to vector<16xf32>
      %parallel_loop3A_1171 = tpu.vector_load_idx %arg17[%parallel_loop3A_1051] : memref<1024xi32, #tpu.memory_space<vmem>>[vector<16xi32>], vector<16xi32>,
      %parallel_loop3A_1172 = arith.constant 16 : i32
      %parallel_loop3A_1173 = vector.broadcast %parallel_loop3A_1172 : i32 to vector<16xi32>
      %parallel_loop3A_1174 = arith.shli %parallel_loop3A_1171, %parallel_loop3A_1173 : vector<16xi32>
      %parallel_loop3A_1175 = vector.bitcast %parallel_loop3A_1174 : vector<16xi32> to vector<16xf32>
      %parallel_loop3A_1176 = arith.andi %parallel_loop3A_1171, %broadcast_in_dim3A_189 : vector<16xi32>
      %parallel_loop3A_1177 = vector.bitcast %parallel_loop3A_1176 : vector<16xi32> to vector<16xf32>
      %parallel_loop3A_1178 = arith.addf %parallel_loop3A_1168, %parallel_loop3A_1175 : vector<16xf32>
      %parallel_loop3A_1179 = arith.addf %parallel_loop3A_1170, %parallel_loop3A_1177 : vector<16xf32>
      %parallel_loop3A_1180 = tpu.vector_load_idx %arg18[%parallel_loop3A_1044] : memref<1024xi32, #tpu.memory_space<vmem>>[vector<16xi32>], vector<16xi32>,
      %parallel_loop3A_1181 = arith.constant 16 : i32
      %parallel_loop3A_1182 = vector.broadcast %parallel_loop3A_1181 : i32 to vector<16xi32>
      %parallel_loop3A_1183 = arith.shli %parallel_loop3A_1180, %parallel_loop3A_1182 : vector<16xi32>
      %parallel_loop3A_1184 = vector.bitcast %parallel_loop3A_1183 : vector<16xi32> to vector<16xf32>
      %parallel_loop3A_1185 = arith.andi %parallel_loop3A_1180, %broadcast_in_dim3A_189 : vector<16xi32>
      %parallel_loop3A_1186 = vector.bitcast %parallel_loop3A_1185 : vector<16xi32> to vector<16xf32>
      %parallel_loop3A_1187 = tpu.vector_load_idx %arg18[%parallel_loop3A_1051] : memref<1024xi32, #tpu.memory_space<vmem>>[vector<16xi32>], vector<16xi32>,
      %parallel_loop3A_1188 = arith.constant 16 : i32
      %parallel_loop3A_1189 = vector.broadcast %parallel_loop3A_1188 : i32 to vector<16xi32>
      %parallel_loop3A_1190 = arith.shli %parallel_loop3A_1187, %parallel_loop3A_1189 : vector<16xi32>
      %parallel_loop3A_1191 = vector.bitcast %parallel_loop3A_1190 : vector<16xi32> to vector<16xf32>
      %parallel_loop3A_1192 = arith.andi %parallel_loop3A_1187, %broadcast_in_dim3A_189 : vector<16xi32>
      %parallel_loop3A_1193 = vector.bitcast %parallel_loop3A_1192 : vector<16xi32> to vector<16xf32>
      %parallel_loop3A_1194 = arith.addf %parallel_loop3A_1184, %parallel_loop3A_1191 : vector<16xf32>
      %parallel_loop3A_1195 = arith.addf %parallel_loop3A_1186, %parallel_loop3A_1193 : vector<16xf32>
      %parallel_loop3A_1196 = tpu.vector_load_idx %arg19[%parallel_loop3A_1044] : memref<1024xi32, #tpu.memory_space<vmem>>[vector<16xi32>], vector<16xi32>,
      %parallel_loop3A_1197 = arith.constant 16 : i32
      %parallel_loop3A_1198 = vector.broadcast %parallel_loop3A_1197 : i32 to vector<16xi32>
      %parallel_loop3A_1199 = arith.shli %parallel_loop3A_1196, %parallel_loop3A_1198 : vector<16xi32>
      %parallel_loop3A_1200 = vector.bitcast %parallel_loop3A_1199 : vector<16xi32> to vector<16xf32>
      %parallel_loop3A_1201 = arith.andi %parallel_loop3A_1196, %broadcast_in_dim3A_189 : vector<16xi32>
      %parallel_loop3A_1202 = vector.bitcast %parallel_loop3A_1201 : vector<16xi32> to vector<16xf32>
      %parallel_loop3A_1203 = tpu.vector_load_idx %arg19[%parallel_loop3A_1051] : memref<1024xi32, #tpu.memory_space<vmem>>[vector<16xi32>], vector<16xi32>,
      %parallel_loop3A_1204 = arith.constant 16 : i32
      %parallel_loop3A_1205 = vector.broadcast %parallel_loop3A_1204 : i32 to vector<16xi32>
      %parallel_loop3A_1206 = arith.shli %parallel_loop3A_1203, %parallel_loop3A_1205 : vector<16xi32>
      %parallel_loop3A_1207 = vector.bitcast %parallel_loop3A_1206 : vector<16xi32> to vector<16xf32>
      %parallel_loop3A_1208 = arith.andi %parallel_loop3A_1203, %broadcast_in_dim3A_189 : vector<16xi32>
      %parallel_loop3A_1209 = vector.bitcast %parallel_loop3A_1208 : vector<16xi32> to vector<16xf32>
      %parallel_loop3A_1210 = arith.addf %parallel_loop3A_1200, %parallel_loop3A_1207 : vector<16xf32>
      %parallel_loop3A_1211 = arith.addf %parallel_loop3A_1202, %parallel_loop3A_1209 : vector<16xf32>
      %parallel_loop3A_1212 = arith.addf %parallel_loop3A_1020, %parallel_loop3A_1066 : vector<16xf32>
      %parallel_loop3A_1213 = arith.addf %parallel_loop3A_1021, %parallel_loop3A_1082 : vector<16xf32>
      %parallel_loop3A_1214 = arith.addf %parallel_loop3A_1022, %parallel_loop3A_1098 : vector<16xf32>
      %parallel_loop3A_1215 = arith.addf %parallel_loop3A_1023, %parallel_loop3A_1114 : vector<16xf32>
      %parallel_loop3A_1216 = arith.addf %parallel_loop3A_1024, %parallel_loop3A_1130 : vector<16xf32>
      %parallel_loop3A_1217 = arith.addf %parallel_loop3A_1025, %parallel_loop3A_1146 : vector<16xf32>
      %parallel_loop3A_1218 = arith.addf %parallel_loop3A_1026, %parallel_loop3A_1162 : vector<16xf32>
      %parallel_loop3A_1219 = arith.addf %parallel_loop3A_1027, %parallel_loop3A_1178 : vector<16xf32>
      %parallel_loop3A_1220 = arith.addf %parallel_loop3A_1028, %parallel_loop3A_1194 : vector<16xf32>
      %parallel_loop3A_1221 = arith.addf %parallel_loop3A_1029, %parallel_loop3A_1210 : vector<16xf32>
      %parallel_loop3A_1222 = arith.addf %parallel_loop3A_1030, %parallel_loop3A_1067 : vector<16xf32>
      %parallel_loop3A_1223 = arith.addf %parallel_loop3A_1031, %parallel_loop3A_1083 : vector<16xf32>
      %parallel_loop3A_1224 = arith.addf %parallel_loop3A_1032, %parallel_loop3A_1099 : vector<16xf32>
      %parallel_loop3A_1225 = arith.addf %parallel_loop3A_1033, %parallel_loop3A_1115 : vector<16xf32>
      %parallel_loop3A_1226 = arith.addf %parallel_loop3A_1034, %parallel_loop3A_1131 : vector<16xf32>
      %parallel_loop3A_1227 = arith.addf %parallel_loop3A_1035, %parallel_loop3A_1147 : vector<16xf32>
      %parallel_loop3A_1228 = arith.addf %parallel_loop3A_1036, %parallel_loop3A_1163 : vector<16xf32>
      %parallel_loop3A_1229 = arith.addf %parallel_loop3A_1037, %parallel_loop3A_1179 : vector<16xf32>
      %parallel_loop3A_1230 = arith.addf %parallel_loop3A_1038, %parallel_loop3A_1195 : vector<16xf32>
      %parallel_loop3A_1231 = arith.addf %parallel_loop3A_1039, %parallel_loop3A_1211 : vector<16xf32>
      scf.yield %parallel_loop3A_1212, %parallel_loop3A_1213, %parallel_loop3A_1214, %parallel_loop3A_1215, %parallel_loop3A_1216, %parallel_loop3A_1217, %parallel_loop3A_1218, %parallel_loop3A_1219, %parallel_loop3A_1220, %parallel_loop3A_1221, %parallel_loop3A_1222, %parallel_loop3A_1223, %parallel_loop3A_1224, %parallel_loop3A_1225, %parallel_loop3A_1226, %parallel_loop3A_1227, %parallel_loop3A_1228, %parallel_loop3A_1229, %parallel_loop3A_1230, %parallel_loop3A_1231 : vector<16xf32>, vector<16xf32>, vector<16xf32>, vector<16xf32>, vector<16xf32>, vector<16xf32>, vector<16xf32>, vector<16xf32>, vector<16xf32>, vector<16xf32>, vector<16xf32>, vector<16xf32>, vector<16xf32>, vector<16xf32>, vector<16xf32>, vector<16xf32>, vector<16xf32>, vector<16xf32>, vector<16xf32>, vector<16xf32>
    } {sc.loop_unroll_factor = 1 : i64, sc.parallel_access}
    %swap3A_835 = arith.constant 0 : i32
    %swap3A_836 = arith.index_cast %swap3A_835 : i32 to index
    %swap3A_837 = arith.constant 96 : index
    %swap3A_838 = tpu.vector_load %arg8[%swap3A_836, %swap3A_837] {strides = array<i32>} : memref<20x128xf32, #tpu.memory_space<vmem>>, vector<16xf32>,
    tpu.vector_store %arg8[%swap3A_836, %swap3A_837], %parallel_loop3A_834#0 {strides = array<i32>} : memref<20x128xf32, #tpu.memory_space<vmem>>, vector<16xf32>,
    %swap3A_839 = arith.constant 1 : i32
    %swap3A_840 = arith.index_cast %swap3A_839 : i32 to index
    %swap3A_841 = arith.constant 96 : index
    %swap3A_842 = tpu.vector_load %arg8[%swap3A_840, %swap3A_841] {strides = array<i32>} : memref<20x128xf32, #tpu.memory_space<vmem>>, vector<16xf32>,
    tpu.vector_store %arg8[%swap3A_840, %swap3A_841], %parallel_loop3A_834#1 {strides = array<i32>} : memref<20x128xf32, #tpu.memory_space<vmem>>, vector<16xf32>,
    %swap3A_843 = arith.constant 2 : i32
    %swap3A_844 = arith.index_cast %swap3A_843 : i32 to index
    %swap3A_845 = arith.constant 96 : index
    %swap3A_846 = tpu.vector_load %arg8[%swap3A_844, %swap3A_845] {strides = array<i32>} : memref<20x128xf32, #tpu.memory_space<vmem>>, vector<16xf32>,
    tpu.vector_store %arg8[%swap3A_844, %swap3A_845], %parallel_loop3A_834#2 {strides = array<i32>} : memref<20x128xf32, #tpu.memory_space<vmem>>, vector<16xf32>,
    %swap3A_847 = arith.constant 3 : i32
    %swap3A_848 = arith.index_cast %swap3A_847 : i32 to index
    %swap3A_849 = arith.constant 96 : index
    %swap3A_850 = tpu.vector_load %arg8[%swap3A_848, %swap3A_849] {strides = array<i32>} : memref<20x128xf32, #tpu.memory_space<vmem>>, vector<16xf32>,
    tpu.vector_store %arg8[%swap3A_848, %swap3A_849], %parallel_loop3A_834#3 {strides = array<i32>} : memref<20x128xf32, #tpu.memory_space<vmem>>, vector<16xf32>,
    %swap3A_851 = arith.constant 4 : i32
    %swap3A_852 = arith.index_cast %swap3A_851 : i32 to index
    %swap3A_853 = arith.constant 96 : index
    %swap3A_854 = tpu.vector_load %arg8[%swap3A_852, %swap3A_853] {strides = array<i32>} : memref<20x128xf32, #tpu.memory_space<vmem>>, vector<16xf32>,
    tpu.vector_store %arg8[%swap3A_852, %swap3A_853], %parallel_loop3A_834#4 {strides = array<i32>} : memref<20x128xf32, #tpu.memory_space<vmem>>, vector<16xf32>,
    %swap3A_855 = arith.constant 5 : i32
    %swap3A_856 = arith.index_cast %swap3A_855 : i32 to index
    %swap3A_857 = arith.constant 96 : index
    %swap3A_858 = tpu.vector_load %arg8[%swap3A_856, %swap3A_857] {strides = array<i32>} : memref<20x128xf32, #tpu.memory_space<vmem>>, vector<16xf32>,
    tpu.vector_store %arg8[%swap3A_856, %swap3A_857], %parallel_loop3A_834#5 {strides = array<i32>} : memref<20x128xf32, #tpu.memory_space<vmem>>, vector<16xf32>,
    %swap3A_859 = arith.constant 6 : i32
    %swap3A_860 = arith.index_cast %swap3A_859 : i32 to index
    %swap3A_861 = arith.constant 96 : index
    %swap3A_862 = tpu.vector_load %arg8[%swap3A_860, %swap3A_861] {strides = array<i32>} : memref<20x128xf32, #tpu.memory_space<vmem>>, vector<16xf32>,
    tpu.vector_store %arg8[%swap3A_860, %swap3A_861], %parallel_loop3A_834#6 {strides = array<i32>} : memref<20x128xf32, #tpu.memory_space<vmem>>, vector<16xf32>,
    %swap3A_863 = arith.constant 7 : i32
    %swap3A_864 = arith.index_cast %swap3A_863 : i32 to index
    %swap3A_865 = arith.constant 96 : index
    %swap3A_866 = tpu.vector_load %arg8[%swap3A_864, %swap3A_865] {strides = array<i32>} : memref<20x128xf32, #tpu.memory_space<vmem>>, vector<16xf32>,
    tpu.vector_store %arg8[%swap3A_864, %swap3A_865], %parallel_loop3A_834#7 {strides = array<i32>} : memref<20x128xf32, #tpu.memory_space<vmem>>, vector<16xf32>,
    %swap3A_867 = arith.constant 8 : i32
    %swap3A_868 = arith.index_cast %swap3A_867 : i32 to index
    %swap3A_869 = arith.constant 96 : index
    %swap3A_870 = tpu.vector_load %arg8[%swap3A_868, %swap3A_869] {strides = array<i32>} : memref<20x128xf32, #tpu.memory_space<vmem>>, vector<16xf32>,
    tpu.vector_store %arg8[%swap3A_868, %swap3A_869], %parallel_loop3A_834#8 {strides = array<i32>} : memref<20x128xf32, #tpu.memory_space<vmem>>, vector<16xf32>,
    %swap3A_871 = arith.constant 9 : i32
    %swap3A_872 = arith.index_cast %swap3A_871 : i32 to index
    %swap3A_873 = arith.constant 96 : index
    %swap3A_874 = tpu.vector_load %arg8[%swap3A_872, %swap3A_873] {strides = array<i32>} : memref<20x128xf32, #tpu.memory_space<vmem>>, vector<16xf32>,
    tpu.vector_store %arg8[%swap3A_872, %swap3A_873], %parallel_loop3A_834#9 {strides = array<i32>} : memref<20x128xf32, #tpu.memory_space<vmem>>, vector<16xf32>,
    %swap3A_875 = arith.constant 10 : i32
    %swap3A_876 = arith.index_cast %swap3A_875 : i32 to index
    %swap3A_877 = arith.constant 96 : index
    %swap3A_878 = tpu.vector_load %arg8[%swap3A_876, %swap3A_877] {strides = array<i32>} : memref<20x128xf32, #tpu.memory_space<vmem>>, vector<16xf32>,
    tpu.vector_store %arg8[%swap3A_876, %swap3A_877], %parallel_loop3A_834#10 {strides = array<i32>} : memref<20x128xf32, #tpu.memory_space<vmem>>, vector<16xf32>,
    %swap3A_879 = arith.constant 11 : i32
    %swap3A_880 = arith.index_cast %swap3A_879 : i32 to index
    %swap3A_881 = arith.constant 96 : index
    %swap3A_882 = tpu.vector_load %arg8[%swap3A_880, %swap3A_881] {strides = array<i32>} : memref<20x128xf32, #tpu.memory_space<vmem>>, vector<16xf32>,
    tpu.vector_store %arg8[%swap3A_880, %swap3A_881], %parallel_loop3A_834#11 {strides = array<i32>} : memref<20x128xf32, #tpu.memory_space<vmem>>, vector<16xf32>,
    %swap3A_883 = arith.constant 12 : i32
    %swap3A_884 = arith.index_cast %swap3A_883 : i32 to index
    %swap3A_885 = arith.constant 96 : index
    %swap3A_886 = tpu.vector_load %arg8[%swap3A_884, %swap3A_885] {strides = array<i32>} : memref<20x128xf32, #tpu.memory_space<vmem>>, vector<16xf32>,
    tpu.vector_store %arg8[%swap3A_884, %swap3A_885], %parallel_loop3A_834#12 {strides = array<i32>} : memref<20x128xf32, #tpu.memory_space<vmem>>, vector<16xf32>,
    %swap3A_887 = arith.constant 13 : i32
    %swap3A_888 = arith.index_cast %swap3A_887 : i32 to index
    %swap3A_889 = arith.constant 96 : index
    %swap3A_890 = tpu.vector_load %arg8[%swap3A_888, %swap3A_889] {strides = array<i32>} : memref<20x128xf32, #tpu.memory_space<vmem>>, vector<16xf32>,
    tpu.vector_store %arg8[%swap3A_888, %swap3A_889], %parallel_loop3A_834#13 {strides = array<i32>} : memref<20x128xf32, #tpu.memory_space<vmem>>, vector<16xf32>,
    %swap3A_891 = arith.constant 14 : i32
    %swap3A_892 = arith.index_cast %swap3A_891 : i32 to index
    %swap3A_893 = arith.constant 96 : index
    %swap3A_894 = tpu.vector_load %arg8[%swap3A_892, %swap3A_893] {strides = array<i32>} : memref<20x128xf32, #tpu.memory_space<vmem>>, vector<16xf32>,
    tpu.vector_store %arg8[%swap3A_892, %swap3A_893], %parallel_loop3A_834#14 {strides = array<i32>} : memref<20x128xf32, #tpu.memory_space<vmem>>, vector<16xf32>,
    %swap3A_895 = arith.constant 15 : i32
    %swap3A_896 = arith.index_cast %swap3A_895 : i32 to index
    %swap3A_897 = arith.constant 96 : index
    %swap3A_898 = tpu.vector_load %arg8[%swap3A_896, %swap3A_897] {strides = array<i32>} : memref<20x128xf32, #tpu.memory_space<vmem>>, vector<16xf32>,
    tpu.vector_store %arg8[%swap3A_896, %swap3A_897], %parallel_loop3A_834#15 {strides = array<i32>} : memref<20x128xf32, #tpu.memory_space<vmem>>, vector<16xf32>,
    %swap3A_899 = arith.constant 16 : i32
    %swap3A_900 = arith.index_cast %swap3A_899 : i32 to index
    %swap3A_901 = arith.constant 96 : index
    %swap3A_902 = tpu.vector_load %arg8[%swap3A_900, %swap3A_901] {strides = array<i32>} : memref<20x128xf32, #tpu.memory_space<vmem>>, vector<16xf32>,
    tpu.vector_store %arg8[%swap3A_900, %swap3A_901], %parallel_loop3A_834#16 {strides = array<i32>} : memref<20x128xf32, #tpu.memory_space<vmem>>, vector<16xf32>,
    %swap3A_903 = arith.constant 17 : i32
    %swap3A_904 = arith.index_cast %swap3A_903 : i32 to index
    %swap3A_905 = arith.constant 96 : index
    %swap3A_906 = tpu.vector_load %arg8[%swap3A_904, %swap3A_905] {strides = array<i32>} : memref<20x128xf32, #tpu.memory_space<vmem>>, vector<16xf32>,
    tpu.vector_store %arg8[%swap3A_904, %swap3A_905], %parallel_loop3A_834#17 {strides = array<i32>} : memref<20x128xf32, #tpu.memory_space<vmem>>, vector<16xf32>,
    %swap3A_907 = arith.constant 18 : i32
    %swap3A_908 = arith.index_cast %swap3A_907 : i32 to index
    %swap3A_909 = arith.constant 96 : index
    %swap3A_910 = tpu.vector_load %arg8[%swap3A_908, %swap3A_909] {strides = array<i32>} : memref<20x128xf32, #tpu.memory_space<vmem>>, vector<16xf32>,
    tpu.vector_store %arg8[%swap3A_908, %swap3A_909], %parallel_loop3A_834#18 {strides = array<i32>} : memref<20x128xf32, #tpu.memory_space<vmem>>, vector<16xf32>,
    %swap3A_911 = arith.constant 19 : i32
    %swap3A_912 = arith.index_cast %swap3A_911 : i32 to index
    %swap3A_913 = arith.constant 96 : index
    %swap3A_914 = tpu.vector_load %arg8[%swap3A_912, %swap3A_913] {strides = array<i32>} : memref<20x128xf32, #tpu.memory_space<vmem>>, vector<16xf32>,
    tpu.vector_store %arg8[%swap3A_912, %swap3A_913], %parallel_loop3A_834#19 {strides = array<i32>} : memref<20x128xf32, #tpu.memory_space<vmem>>, vector<16xf32>,
    %gather3A_915 = tpu.vector_load_idx %arg6[%iota3A, %broadcast_in_dim3A_149] : memref<16x20xf32, #tpu.memory_space<vmem>>[vector<16xi32>, vector<16xi32>], vector<16xf32>,
    %gather3A_916 = tpu.vector_load_idx %arg6[%iota3A, %broadcast_in_dim3A_151] : memref<16x20xf32, #tpu.memory_space<vmem>>[vector<16xi32>, vector<16xi32>], vector<16xf32>,
    %gather3A_917 = tpu.vector_load_idx %arg6[%iota3A, %broadcast_in_dim3A_153] : memref<16x20xf32, #tpu.memory_space<vmem>>[vector<16xi32>, vector<16xi32>], vector<16xf32>,
    %gather3A_918 = tpu.vector_load_idx %arg6[%iota3A, %broadcast_in_dim3A_155] : memref<16x20xf32, #tpu.memory_space<vmem>>[vector<16xi32>, vector<16xi32>], vector<16xf32>,
    %gather3A_919 = tpu.vector_load_idx %arg6[%iota3A, %broadcast_in_dim3A_157] : memref<16x20xf32, #tpu.memory_space<vmem>>[vector<16xi32>, vector<16xi32>], vector<16xf32>,
    %gather3A_920 = tpu.vector_load_idx %arg6[%iota3A, %broadcast_in_dim3A_159] : memref<16x20xf32, #tpu.memory_space<vmem>>[vector<16xi32>, vector<16xi32>], vector<16xf32>,
    %gather3A_921 = tpu.vector_load_idx %arg6[%iota3A, %broadcast_in_dim3A_161] : memref<16x20xf32, #tpu.memory_space<vmem>>[vector<16xi32>, vector<16xi32>], vector<16xf32>,
    %gather3A_922 = tpu.vector_load_idx %arg6[%iota3A, %broadcast_in_dim3A_163] : memref<16x20xf32, #tpu.memory_space<vmem>>[vector<16xi32>, vector<16xi32>], vector<16xf32>,
    %gather3A_923 = tpu.vector_load_idx %arg6[%iota3A, %broadcast_in_dim3A_165] : memref<16x20xf32, #tpu.memory_space<vmem>>[vector<16xi32>, vector<16xi32>], vector<16xf32>,
    %gather3A_924 = tpu.vector_load_idx %arg6[%iota3A, %broadcast_in_dim3A_167] : memref<16x20xf32, #tpu.memory_space<vmem>>[vector<16xi32>, vector<16xi32>], vector<16xf32>,
    %gather3A_925 = tpu.vector_load_idx %arg6[%iota3A, %broadcast_in_dim3A_169] : memref<16x20xf32, #tpu.memory_space<vmem>>[vector<16xi32>, vector<16xi32>], vector<16xf32>,
    %gather3A_926 = tpu.vector_load_idx %arg6[%iota3A, %broadcast_in_dim3A_171] : memref<16x20xf32, #tpu.memory_space<vmem>>[vector<16xi32>, vector<16xi32>], vector<16xf32>,
    %gather3A_927 = tpu.vector_load_idx %arg6[%iota3A, %broadcast_in_dim3A_173] : memref<16x20xf32, #tpu.memory_space<vmem>>[vector<16xi32>, vector<16xi32>], vector<16xf32>,
    %gather3A_928 = tpu.vector_load_idx %arg6[%iota3A, %broadcast_in_dim3A_175] : memref<16x20xf32, #tpu.memory_space<vmem>>[vector<16xi32>, vector<16xi32>], vector<16xf32>,
    %gather3A_929 = tpu.vector_load_idx %arg6[%iota3A, %broadcast_in_dim3A_177] : memref<16x20xf32, #tpu.memory_space<vmem>>[vector<16xi32>, vector<16xi32>], vector<16xf32>,
    %gather3A_930 = tpu.vector_load_idx %arg6[%iota3A, %broadcast_in_dim3A_179] : memref<16x20xf32, #tpu.memory_space<vmem>>[vector<16xi32>, vector<16xi32>], vector<16xf32>,
    %gather3A_931 = tpu.vector_load_idx %arg6[%iota3A, %broadcast_in_dim3A_181] : memref<16x20xf32, #tpu.memory_space<vmem>>[vector<16xi32>, vector<16xi32>], vector<16xf32>,
    %gather3A_932 = tpu.vector_load_idx %arg6[%iota3A, %broadcast_in_dim3A_183] : memref<16x20xf32, #tpu.memory_space<vmem>>[vector<16xi32>, vector<16xi32>], vector<16xf32>,
    %gather3A_933 = tpu.vector_load_idx %arg6[%iota3A, %broadcast_in_dim3A_185] : memref<16x20xf32, #tpu.memory_space<vmem>>[vector<16xi32>, vector<16xi32>], vector<16xf32>,
    %gather3A_934 = tpu.vector_load_idx %arg6[%iota3A, %broadcast_in_dim3A_187] : memref<16x20xf32, #tpu.memory_space<vmem>>[vector<16xi32>, vector<16xi32>], vector<16xf32>,
    %parallel_loop3A_935 = arith.constant 0 : i32
    %parallel_loop3A_936 = arith.constant 25 : i32
    %parallel_loop3A_937 = arith.constant 1 : i32
    %parallel_loop3A_938:20 = scf.for %parallel_loop3A_1019 = %parallel_loop3A_935 to %parallel_loop3A_936 step %parallel_loop3A_937 iter_args(%parallel_loop3A_1020 = %gather3A_915, %parallel_loop3A_1021 = %gather3A_916, %parallel_loop3A_1022 = %gather3A_917, %parallel_loop3A_1023 = %gather3A_918, %parallel_loop3A_1024 = %gather3A_919, %parallel_loop3A_1025 = %gather3A_920, %parallel_loop3A_1026 = %gather3A_921, %parallel_loop3A_1027 = %gather3A_922, %parallel_loop3A_1028 = %gather3A_923, %parallel_loop3A_1029 = %gather3A_924, %parallel_loop3A_1030 = %gather3A_925, %parallel_loop3A_1031 = %gather3A_926, %parallel_loop3A_1032 = %gather3A_927, %parallel_loop3A_1033 = %gather3A_928, %parallel_loop3A_1034 = %gather3A_929, %parallel_loop3A_1035 = %gather3A_930, %parallel_loop3A_1036 = %gather3A_931, %parallel_loop3A_1037 = %gather3A_932, %parallel_loop3A_1038 = %gather3A_933, %parallel_loop3A_1039 = %gather3A_934) -> (vector<16xf32>, vector<16xf32>, vector<16xf32>, vector<16xf32>, vector<16xf32>, vector<16xf32>, vector<16xf32>, vector<16xf32>, vector<16xf32>, vector<16xf32>, vector<16xf32>, vector<16xf32>, vector<16xf32>, vector<16xf32>, vector<16xf32>, vector<16xf32>, vector<16xf32>, vector<16xf32>, vector<16xf32>, vector<16xf32>)  : i32 {
      %parallel_loop3A_1040 = arith.constant 2 : i32
      %parallel_loop3A_1041 = arith.muli %parallel_loop3A_1040, %parallel_loop3A_1019 : i32
      %parallel_loop3A_1042 = arith.index_cast %parallel_loop3A_1041 : i32 to index
      %parallel_loop3A_1043 = arith.constant 112 : index
      %parallel_loop3A_1044 = tpu.vector_load %arg7[%parallel_loop3A_1042, %parallel_loop3A_1043] {strides = array<i32>} : memref<50x128xi32, #tpu.memory_space<vmem>>, vector<16xi32>,
      %parallel_loop3A_1045 = arith.constant 2 : i32
      %parallel_loop3A_1046 = arith.muli %parallel_loop3A_1045, %parallel_loop3A_1019 : i32
      %parallel_loop3A_1047 = arith.constant 1 : i32
      %parallel_loop3A_1048 = arith.addi %parallel_loop3A_1046, %parallel_loop3A_1047 : i32
      %parallel_loop3A_1049 = arith.index_cast %parallel_loop3A_1048 : i32 to index
      %parallel_loop3A_1050 = arith.constant 112 : index
      %parallel_loop3A_1051 = tpu.vector_load %arg7[%parallel_loop3A_1049, %parallel_loop3A_1050] {strides = array<i32>} : memref<50x128xi32, #tpu.memory_space<vmem>>, vector<16xi32>,
      %parallel_loop3A_1052 = tpu.vector_load_idx %arg10[%parallel_loop3A_1044] : memref<1024xi32, #tpu.memory_space<vmem>>[vector<16xi32>], vector<16xi32>,
      %parallel_loop3A_1053 = arith.constant 16 : i32
      %parallel_loop3A_1054 = vector.broadcast %parallel_loop3A_1053 : i32 to vector<16xi32>
      %parallel_loop3A_1055 = arith.shli %parallel_loop3A_1052, %parallel_loop3A_1054 : vector<16xi32>
      %parallel_loop3A_1056 = vector.bitcast %parallel_loop3A_1055 : vector<16xi32> to vector<16xf32>
      %parallel_loop3A_1057 = arith.andi %parallel_loop3A_1052, %broadcast_in_dim3A_189 : vector<16xi32>
      %parallel_loop3A_1058 = vector.bitcast %parallel_loop3A_1057 : vector<16xi32> to vector<16xf32>
      %parallel_loop3A_1059 = tpu.vector_load_idx %arg10[%parallel_loop3A_1051] : memref<1024xi32, #tpu.memory_space<vmem>>[vector<16xi32>], vector<16xi32>,
      %parallel_loop3A_1060 = arith.constant 16 : i32
      %parallel_loop3A_1061 = vector.broadcast %parallel_loop3A_1060 : i32 to vector<16xi32>
      %parallel_loop3A_1062 = arith.shli %parallel_loop3A_1059, %parallel_loop3A_1061 : vector<16xi32>
      %parallel_loop3A_1063 = vector.bitcast %parallel_loop3A_1062 : vector<16xi32> to vector<16xf32>
      %parallel_loop3A_1064 = arith.andi %parallel_loop3A_1059, %broadcast_in_dim3A_189 : vector<16xi32>
      %parallel_loop3A_1065 = vector.bitcast %parallel_loop3A_1064 : vector<16xi32> to vector<16xf32>
      %parallel_loop3A_1066 = arith.addf %parallel_loop3A_1056, %parallel_loop3A_1063 : vector<16xf32>
      %parallel_loop3A_1067 = arith.addf %parallel_loop3A_1058, %parallel_loop3A_1065 : vector<16xf32>
      %parallel_loop3A_1068 = tpu.vector_load_idx %arg11[%parallel_loop3A_1044] : memref<1024xi32, #tpu.memory_space<vmem>>[vector<16xi32>], vector<16xi32>,
      %parallel_loop3A_1069 = arith.constant 16 : i32
      %parallel_loop3A_1070 = vector.broadcast %parallel_loop3A_1069 : i32 to vector<16xi32>
      %parallel_loop3A_1071 = arith.shli %parallel_loop3A_1068, %parallel_loop3A_1070 : vector<16xi32>
      %parallel_loop3A_1072 = vector.bitcast %parallel_loop3A_1071 : vector<16xi32> to vector<16xf32>
      %parallel_loop3A_1073 = arith.andi %parallel_loop3A_1068, %broadcast_in_dim3A_189 : vector<16xi32>
      %parallel_loop3A_1074 = vector.bitcast %parallel_loop3A_1073 : vector<16xi32> to vector<16xf32>
      %parallel_loop3A_1075 = tpu.vector_load_idx %arg11[%parallel_loop3A_1051] : memref<1024xi32, #tpu.memory_space<vmem>>[vector<16xi32>], vector<16xi32>,
      %parallel_loop3A_1076 = arith.constant 16 : i32
      %parallel_loop3A_1077 = vector.broadcast %parallel_loop3A_1076 : i32 to vector<16xi32>
      %parallel_loop3A_1078 = arith.shli %parallel_loop3A_1075, %parallel_loop3A_1077 : vector<16xi32>
      %parallel_loop3A_1079 = vector.bitcast %parallel_loop3A_1078 : vector<16xi32> to vector<16xf32>
      %parallel_loop3A_1080 = arith.andi %parallel_loop3A_1075, %broadcast_in_dim3A_189 : vector<16xi32>
      %parallel_loop3A_1081 = vector.bitcast %parallel_loop3A_1080 : vector<16xi32> to vector<16xf32>
      %parallel_loop3A_1082 = arith.addf %parallel_loop3A_1072, %parallel_loop3A_1079 : vector<16xf32>
      %parallel_loop3A_1083 = arith.addf %parallel_loop3A_1074, %parallel_loop3A_1081 : vector<16xf32>
      %parallel_loop3A_1084 = tpu.vector_load_idx %arg12[%parallel_loop3A_1044] : memref<1024xi32, #tpu.memory_space<vmem>>[vector<16xi32>], vector<16xi32>,
      %parallel_loop3A_1085 = arith.constant 16 : i32
      %parallel_loop3A_1086 = vector.broadcast %parallel_loop3A_1085 : i32 to vector<16xi32>
      %parallel_loop3A_1087 = arith.shli %parallel_loop3A_1084, %parallel_loop3A_1086 : vector<16xi32>
      %parallel_loop3A_1088 = vector.bitcast %parallel_loop3A_1087 : vector<16xi32> to vector<16xf32>
      %parallel_loop3A_1089 = arith.andi %parallel_loop3A_1084, %broadcast_in_dim3A_189 : vector<16xi32>
      %parallel_loop3A_1090 = vector.bitcast %parallel_loop3A_1089 : vector<16xi32> to vector<16xf32>
      %parallel_loop3A_1091 = tpu.vector_load_idx %arg12[%parallel_loop3A_1051] : memref<1024xi32, #tpu.memory_space<vmem>>[vector<16xi32>], vector<16xi32>,
      %parallel_loop3A_1092 = arith.constant 16 : i32
      %parallel_loop3A_1093 = vector.broadcast %parallel_loop3A_1092 : i32 to vector<16xi32>
      %parallel_loop3A_1094 = arith.shli %parallel_loop3A_1091, %parallel_loop3A_1093 : vector<16xi32>
      %parallel_loop3A_1095 = vector.bitcast %parallel_loop3A_1094 : vector<16xi32> to vector<16xf32>
      %parallel_loop3A_1096 = arith.andi %parallel_loop3A_1091, %broadcast_in_dim3A_189 : vector<16xi32>
      %parallel_loop3A_1097 = vector.bitcast %parallel_loop3A_1096 : vector<16xi32> to vector<16xf32>
      %parallel_loop3A_1098 = arith.addf %parallel_loop3A_1088, %parallel_loop3A_1095 : vector<16xf32>
      %parallel_loop3A_1099 = arith.addf %parallel_loop3A_1090, %parallel_loop3A_1097 : vector<16xf32>
      %parallel_loop3A_1100 = tpu.vector_load_idx %arg13[%parallel_loop3A_1044] : memref<1024xi32, #tpu.memory_space<vmem>>[vector<16xi32>], vector<16xi32>,
      %parallel_loop3A_1101 = arith.constant 16 : i32
      %parallel_loop3A_1102 = vector.broadcast %parallel_loop3A_1101 : i32 to vector<16xi32>
      %parallel_loop3A_1103 = arith.shli %parallel_loop3A_1100, %parallel_loop3A_1102 : vector<16xi32>
      %parallel_loop3A_1104 = vector.bitcast %parallel_loop3A_1103 : vector<16xi32> to vector<16xf32>
      %parallel_loop3A_1105 = arith.andi %parallel_loop3A_1100, %broadcast_in_dim3A_189 : vector<16xi32>
      %parallel_loop3A_1106 = vector.bitcast %parallel_loop3A_1105 : vector<16xi32> to vector<16xf32>
      %parallel_loop3A_1107 = tpu.vector_load_idx %arg13[%parallel_loop3A_1051] : memref<1024xi32, #tpu.memory_space<vmem>>[vector<16xi32>], vector<16xi32>,
      %parallel_loop3A_1108 = arith.constant 16 : i32
      %parallel_loop3A_1109 = vector.broadcast %parallel_loop3A_1108 : i32 to vector<16xi32>
      %parallel_loop3A_1110 = arith.shli %parallel_loop3A_1107, %parallel_loop3A_1109 : vector<16xi32>
      %parallel_loop3A_1111 = vector.bitcast %parallel_loop3A_1110 : vector<16xi32> to vector<16xf32>
      %parallel_loop3A_1112 = arith.andi %parallel_loop3A_1107, %broadcast_in_dim3A_189 : vector<16xi32>
      %parallel_loop3A_1113 = vector.bitcast %parallel_loop3A_1112 : vector<16xi32> to vector<16xf32>
      %parallel_loop3A_1114 = arith.addf %parallel_loop3A_1104, %parallel_loop3A_1111 : vector<16xf32>
      %parallel_loop3A_1115 = arith.addf %parallel_loop3A_1106, %parallel_loop3A_1113 : vector<16xf32>
      %parallel_loop3A_1116 = tpu.vector_load_idx %arg14[%parallel_loop3A_1044] : memref<1024xi32, #tpu.memory_space<vmem>>[vector<16xi32>], vector<16xi32>,
      %parallel_loop3A_1117 = arith.constant 16 : i32
      %parallel_loop3A_1118 = vector.broadcast %parallel_loop3A_1117 : i32 to vector<16xi32>
      %parallel_loop3A_1119 = arith.shli %parallel_loop3A_1116, %parallel_loop3A_1118 : vector<16xi32>
      %parallel_loop3A_1120 = vector.bitcast %parallel_loop3A_1119 : vector<16xi32> to vector<16xf32>
      %parallel_loop3A_1121 = arith.andi %parallel_loop3A_1116, %broadcast_in_dim3A_189 : vector<16xi32>
      %parallel_loop3A_1122 = vector.bitcast %parallel_loop3A_1121 : vector<16xi32> to vector<16xf32>
      %parallel_loop3A_1123 = tpu.vector_load_idx %arg14[%parallel_loop3A_1051] : memref<1024xi32, #tpu.memory_space<vmem>>[vector<16xi32>], vector<16xi32>,
      %parallel_loop3A_1124 = arith.constant 16 : i32
      %parallel_loop3A_1125 = vector.broadcast %parallel_loop3A_1124 : i32 to vector<16xi32>
      %parallel_loop3A_1126 = arith.shli %parallel_loop3A_1123, %parallel_loop3A_1125 : vector<16xi32>
      %parallel_loop3A_1127 = vector.bitcast %parallel_loop3A_1126 : vector<16xi32> to vector<16xf32>
      %parallel_loop3A_1128 = arith.andi %parallel_loop3A_1123, %broadcast_in_dim3A_189 : vector<16xi32>
      %parallel_loop3A_1129 = vector.bitcast %parallel_loop3A_1128 : vector<16xi32> to vector<16xf32>
      %parallel_loop3A_1130 = arith.addf %parallel_loop3A_1120, %parallel_loop3A_1127 : vector<16xf32>
      %parallel_loop3A_1131 = arith.addf %parallel_loop3A_1122, %parallel_loop3A_1129 : vector<16xf32>
      %parallel_loop3A_1132 = tpu.vector_load_idx %arg15[%parallel_loop3A_1044] : memref<1024xi32, #tpu.memory_space<vmem>>[vector<16xi32>], vector<16xi32>,
      %parallel_loop3A_1133 = arith.constant 16 : i32
      %parallel_loop3A_1134 = vector.broadcast %parallel_loop3A_1133 : i32 to vector<16xi32>
      %parallel_loop3A_1135 = arith.shli %parallel_loop3A_1132, %parallel_loop3A_1134 : vector<16xi32>
      %parallel_loop3A_1136 = vector.bitcast %parallel_loop3A_1135 : vector<16xi32> to vector<16xf32>
      %parallel_loop3A_1137 = arith.andi %parallel_loop3A_1132, %broadcast_in_dim3A_189 : vector<16xi32>
      %parallel_loop3A_1138 = vector.bitcast %parallel_loop3A_1137 : vector<16xi32> to vector<16xf32>
      %parallel_loop3A_1139 = tpu.vector_load_idx %arg15[%parallel_loop3A_1051] : memref<1024xi32, #tpu.memory_space<vmem>>[vector<16xi32>], vector<16xi32>,
      %parallel_loop3A_1140 = arith.constant 16 : i32
      %parallel_loop3A_1141 = vector.broadcast %parallel_loop3A_1140 : i32 to vector<16xi32>
      %parallel_loop3A_1142 = arith.shli %parallel_loop3A_1139, %parallel_loop3A_1141 : vector<16xi32>
      %parallel_loop3A_1143 = vector.bitcast %parallel_loop3A_1142 : vector<16xi32> to vector<16xf32>
      %parallel_loop3A_1144 = arith.andi %parallel_loop3A_1139, %broadcast_in_dim3A_189 : vector<16xi32>
      %parallel_loop3A_1145 = vector.bitcast %parallel_loop3A_1144 : vector<16xi32> to vector<16xf32>
      %parallel_loop3A_1146 = arith.addf %parallel_loop3A_1136, %parallel_loop3A_1143 : vector<16xf32>
      %parallel_loop3A_1147 = arith.addf %parallel_loop3A_1138, %parallel_loop3A_1145 : vector<16xf32>
      %parallel_loop3A_1148 = tpu.vector_load_idx %arg16[%parallel_loop3A_1044] : memref<1024xi32, #tpu.memory_space<vmem>>[vector<16xi32>], vector<16xi32>,
      %parallel_loop3A_1149 = arith.constant 16 : i32
      %parallel_loop3A_1150 = vector.broadcast %parallel_loop3A_1149 : i32 to vector<16xi32>
      %parallel_loop3A_1151 = arith.shli %parallel_loop3A_1148, %parallel_loop3A_1150 : vector<16xi32>
      %parallel_loop3A_1152 = vector.bitcast %parallel_loop3A_1151 : vector<16xi32> to vector<16xf32>
      %parallel_loop3A_1153 = arith.andi %parallel_loop3A_1148, %broadcast_in_dim3A_189 : vector<16xi32>
      %parallel_loop3A_1154 = vector.bitcast %parallel_loop3A_1153 : vector<16xi32> to vector<16xf32>
      %parallel_loop3A_1155 = tpu.vector_load_idx %arg16[%parallel_loop3A_1051] : memref<1024xi32, #tpu.memory_space<vmem>>[vector<16xi32>], vector<16xi32>,
      %parallel_loop3A_1156 = arith.constant 16 : i32
      %parallel_loop3A_1157 = vector.broadcast %parallel_loop3A_1156 : i32 to vector<16xi32>
      %parallel_loop3A_1158 = arith.shli %parallel_loop3A_1155, %parallel_loop3A_1157 : vector<16xi32>
      %parallel_loop3A_1159 = vector.bitcast %parallel_loop3A_1158 : vector<16xi32> to vector<16xf32>
      %parallel_loop3A_1160 = arith.andi %parallel_loop3A_1155, %broadcast_in_dim3A_189 : vector<16xi32>
      %parallel_loop3A_1161 = vector.bitcast %parallel_loop3A_1160 : vector<16xi32> to vector<16xf32>
      %parallel_loop3A_1162 = arith.addf %parallel_loop3A_1152, %parallel_loop3A_1159 : vector<16xf32>
      %parallel_loop3A_1163 = arith.addf %parallel_loop3A_1154, %parallel_loop3A_1161 : vector<16xf32>
      %parallel_loop3A_1164 = tpu.vector_load_idx %arg17[%parallel_loop3A_1044] : memref<1024xi32, #tpu.memory_space<vmem>>[vector<16xi32>], vector<16xi32>,
      %parallel_loop3A_1165 = arith.constant 16 : i32
      %parallel_loop3A_1166 = vector.broadcast %parallel_loop3A_1165 : i32 to vector<16xi32>
      %parallel_loop3A_1167 = arith.shli %parallel_loop3A_1164, %parallel_loop3A_1166 : vector<16xi32>
      %parallel_loop3A_1168 = vector.bitcast %parallel_loop3A_1167 : vector<16xi32> to vector<16xf32>
      %parallel_loop3A_1169 = arith.andi %parallel_loop3A_1164, %broadcast_in_dim3A_189 : vector<16xi32>
      %parallel_loop3A_1170 = vector.bitcast %parallel_loop3A_1169 : vector<16xi32> to vector<16xf32>
      %parallel_loop3A_1171 = tpu.vector_load_idx %arg17[%parallel_loop3A_1051] : memref<1024xi32, #tpu.memory_space<vmem>>[vector<16xi32>], vector<16xi32>,
      %parallel_loop3A_1172 = arith.constant 16 : i32
      %parallel_loop3A_1173 = vector.broadcast %parallel_loop3A_1172 : i32 to vector<16xi32>
      %parallel_loop3A_1174 = arith.shli %parallel_loop3A_1171, %parallel_loop3A_1173 : vector<16xi32>
      %parallel_loop3A_1175 = vector.bitcast %parallel_loop3A_1174 : vector<16xi32> to vector<16xf32>
      %parallel_loop3A_1176 = arith.andi %parallel_loop3A_1171, %broadcast_in_dim3A_189 : vector<16xi32>
      %parallel_loop3A_1177 = vector.bitcast %parallel_loop3A_1176 : vector<16xi32> to vector<16xf32>
      %parallel_loop3A_1178 = arith.addf %parallel_loop3A_1168, %parallel_loop3A_1175 : vector<16xf32>
      %parallel_loop3A_1179 = arith.addf %parallel_loop3A_1170, %parallel_loop3A_1177 : vector<16xf32>
      %parallel_loop3A_1180 = tpu.vector_load_idx %arg18[%parallel_loop3A_1044] : memref<1024xi32, #tpu.memory_space<vmem>>[vector<16xi32>], vector<16xi32>,
      %parallel_loop3A_1181 = arith.constant 16 : i32
      %parallel_loop3A_1182 = vector.broadcast %parallel_loop3A_1181 : i32 to vector<16xi32>
      %parallel_loop3A_1183 = arith.shli %parallel_loop3A_1180, %parallel_loop3A_1182 : vector<16xi32>
      %parallel_loop3A_1184 = vector.bitcast %parallel_loop3A_1183 : vector<16xi32> to vector<16xf32>
      %parallel_loop3A_1185 = arith.andi %parallel_loop3A_1180, %broadcast_in_dim3A_189 : vector<16xi32>
      %parallel_loop3A_1186 = vector.bitcast %parallel_loop3A_1185 : vector<16xi32> to vector<16xf32>
      %parallel_loop3A_1187 = tpu.vector_load_idx %arg18[%parallel_loop3A_1051] : memref<1024xi32, #tpu.memory_space<vmem>>[vector<16xi32>], vector<16xi32>,
      %parallel_loop3A_1188 = arith.constant 16 : i32
      %parallel_loop3A_1189 = vector.broadcast %parallel_loop3A_1188 : i32 to vector<16xi32>
      %parallel_loop3A_1190 = arith.shli %parallel_loop3A_1187, %parallel_loop3A_1189 : vector<16xi32>
      %parallel_loop3A_1191 = vector.bitcast %parallel_loop3A_1190 : vector<16xi32> to vector<16xf32>
      %parallel_loop3A_1192 = arith.andi %parallel_loop3A_1187, %broadcast_in_dim3A_189 : vector<16xi32>
      %parallel_loop3A_1193 = vector.bitcast %parallel_loop3A_1192 : vector<16xi32> to vector<16xf32>
      %parallel_loop3A_1194 = arith.addf %parallel_loop3A_1184, %parallel_loop3A_1191 : vector<16xf32>
      %parallel_loop3A_1195 = arith.addf %parallel_loop3A_1186, %parallel_loop3A_1193 : vector<16xf32>
      %parallel_loop3A_1196 = tpu.vector_load_idx %arg19[%parallel_loop3A_1044] : memref<1024xi32, #tpu.memory_space<vmem>>[vector<16xi32>], vector<16xi32>,
      %parallel_loop3A_1197 = arith.constant 16 : i32
      %parallel_loop3A_1198 = vector.broadcast %parallel_loop3A_1197 : i32 to vector<16xi32>
      %parallel_loop3A_1199 = arith.shli %parallel_loop3A_1196, %parallel_loop3A_1198 : vector<16xi32>
      %parallel_loop3A_1200 = vector.bitcast %parallel_loop3A_1199 : vector<16xi32> to vector<16xf32>
      %parallel_loop3A_1201 = arith.andi %parallel_loop3A_1196, %broadcast_in_dim3A_189 : vector<16xi32>
      %parallel_loop3A_1202 = vector.bitcast %parallel_loop3A_1201 : vector<16xi32> to vector<16xf32>
      %parallel_loop3A_1203 = tpu.vector_load_idx %arg19[%parallel_loop3A_1051] : memref<1024xi32, #tpu.memory_space<vmem>>[vector<16xi32>], vector<16xi32>,
      %parallel_loop3A_1204 = arith.constant 16 : i32
      %parallel_loop3A_1205 = vector.broadcast %parallel_loop3A_1204 : i32 to vector<16xi32>
      %parallel_loop3A_1206 = arith.shli %parallel_loop3A_1203, %parallel_loop3A_1205 : vector<16xi32>
      %parallel_loop3A_1207 = vector.bitcast %parallel_loop3A_1206 : vector<16xi32> to vector<16xf32>
      %parallel_loop3A_1208 = arith.andi %parallel_loop3A_1203, %broadcast_in_dim3A_189 : vector<16xi32>
      %parallel_loop3A_1209 = vector.bitcast %parallel_loop3A_1208 : vector<16xi32> to vector<16xf32>
      %parallel_loop3A_1210 = arith.addf %parallel_loop3A_1200, %parallel_loop3A_1207 : vector<16xf32>
      %parallel_loop3A_1211 = arith.addf %parallel_loop3A_1202, %parallel_loop3A_1209 : vector<16xf32>
      %parallel_loop3A_1212 = arith.addf %parallel_loop3A_1020, %parallel_loop3A_1066 : vector<16xf32>
      %parallel_loop3A_1213 = arith.addf %parallel_loop3A_1021, %parallel_loop3A_1082 : vector<16xf32>
      %parallel_loop3A_1214 = arith.addf %parallel_loop3A_1022, %parallel_loop3A_1098 : vector<16xf32>
      %parallel_loop3A_1215 = arith.addf %parallel_loop3A_1023, %parallel_loop3A_1114 : vector<16xf32>
      %parallel_loop3A_1216 = arith.addf %parallel_loop3A_1024, %parallel_loop3A_1130 : vector<16xf32>
      %parallel_loop3A_1217 = arith.addf %parallel_loop3A_1025, %parallel_loop3A_1146 : vector<16xf32>
      %parallel_loop3A_1218 = arith.addf %parallel_loop3A_1026, %parallel_loop3A_1162 : vector<16xf32>
      %parallel_loop3A_1219 = arith.addf %parallel_loop3A_1027, %parallel_loop3A_1178 : vector<16xf32>
      %parallel_loop3A_1220 = arith.addf %parallel_loop3A_1028, %parallel_loop3A_1194 : vector<16xf32>
      %parallel_loop3A_1221 = arith.addf %parallel_loop3A_1029, %parallel_loop3A_1210 : vector<16xf32>
      %parallel_loop3A_1222 = arith.addf %parallel_loop3A_1030, %parallel_loop3A_1067 : vector<16xf32>
      %parallel_loop3A_1223 = arith.addf %parallel_loop3A_1031, %parallel_loop3A_1083 : vector<16xf32>
      %parallel_loop3A_1224 = arith.addf %parallel_loop3A_1032, %parallel_loop3A_1099 : vector<16xf32>
      %parallel_loop3A_1225 = arith.addf %parallel_loop3A_1033, %parallel_loop3A_1115 : vector<16xf32>
      %parallel_loop3A_1226 = arith.addf %parallel_loop3A_1034, %parallel_loop3A_1131 : vector<16xf32>
      %parallel_loop3A_1227 = arith.addf %parallel_loop3A_1035, %parallel_loop3A_1147 : vector<16xf32>
      %parallel_loop3A_1228 = arith.addf %parallel_loop3A_1036, %parallel_loop3A_1163 : vector<16xf32>
      %parallel_loop3A_1229 = arith.addf %parallel_loop3A_1037, %parallel_loop3A_1179 : vector<16xf32>
      %parallel_loop3A_1230 = arith.addf %parallel_loop3A_1038, %parallel_loop3A_1195 : vector<16xf32>
      %parallel_loop3A_1231 = arith.addf %parallel_loop3A_1039, %parallel_loop3A_1211 : vector<16xf32>
      scf.yield %parallel_loop3A_1212, %parallel_loop3A_1213, %parallel_loop3A_1214, %parallel_loop3A_1215, %parallel_loop3A_1216, %parallel_loop3A_1217, %parallel_loop3A_1218, %parallel_loop3A_1219, %parallel_loop3A_1220, %parallel_loop3A_1221, %parallel_loop3A_1222, %parallel_loop3A_1223, %parallel_loop3A_1224, %parallel_loop3A_1225, %parallel_loop3A_1226, %parallel_loop3A_1227, %parallel_loop3A_1228, %parallel_loop3A_1229, %parallel_loop3A_1230, %parallel_loop3A_1231 : vector<16xf32>, vector<16xf32>, vector<16xf32>, vector<16xf32>, vector<16xf32>, vector<16xf32>, vector<16xf32>, vector<16xf32>, vector<16xf32>, vector<16xf32>, vector<16xf32>, vector<16xf32>, vector<16xf32>, vector<16xf32>, vector<16xf32>, vector<16xf32>, vector<16xf32>, vector<16xf32>, vector<16xf32>, vector<16xf32>
    } {sc.loop_unroll_factor = 1 : i64, sc.parallel_access}
    %swap3A_939 = arith.constant 0 : i32
    %swap3A_940 = arith.index_cast %swap3A_939 : i32 to index
    %swap3A_941 = arith.constant 112 : index
    %swap3A_942 = tpu.vector_load %arg8[%swap3A_940, %swap3A_941] {strides = array<i32>} : memref<20x128xf32, #tpu.memory_space<vmem>>, vector<16xf32>,
    tpu.vector_store %arg8[%swap3A_940, %swap3A_941], %parallel_loop3A_938#0 {strides = array<i32>} : memref<20x128xf32, #tpu.memory_space<vmem>>, vector<16xf32>,
    %swap3A_943 = arith.constant 1 : i32
    %swap3A_944 = arith.index_cast %swap3A_943 : i32 to index
    %swap3A_945 = arith.constant 112 : index
    %swap3A_946 = tpu.vector_load %arg8[%swap3A_944, %swap3A_945] {strides = array<i32>} : memref<20x128xf32, #tpu.memory_space<vmem>>, vector<16xf32>,
    tpu.vector_store %arg8[%swap3A_944, %swap3A_945], %parallel_loop3A_938#1 {strides = array<i32>} : memref<20x128xf32, #tpu.memory_space<vmem>>, vector<16xf32>,
    %swap3A_947 = arith.constant 2 : i32
    %swap3A_948 = arith.index_cast %swap3A_947 : i32 to index
    %swap3A_949 = arith.constant 112 : index
    %swap3A_950 = tpu.vector_load %arg8[%swap3A_948, %swap3A_949] {strides = array<i32>} : memref<20x128xf32, #tpu.memory_space<vmem>>, vector<16xf32>,
    tpu.vector_store %arg8[%swap3A_948, %swap3A_949], %parallel_loop3A_938#2 {strides = array<i32>} : memref<20x128xf32, #tpu.memory_space<vmem>>, vector<16xf32>,
    %swap3A_951 = arith.constant 3 : i32
    %swap3A_952 = arith.index_cast %swap3A_951 : i32 to index
    %swap3A_953 = arith.constant 112 : index
    %swap3A_954 = tpu.vector_load %arg8[%swap3A_952, %swap3A_953] {strides = array<i32>} : memref<20x128xf32, #tpu.memory_space<vmem>>, vector<16xf32>,
    tpu.vector_store %arg8[%swap3A_952, %swap3A_953], %parallel_loop3A_938#3 {strides = array<i32>} : memref<20x128xf32, #tpu.memory_space<vmem>>, vector<16xf32>,
    %swap3A_955 = arith.constant 4 : i32
    %swap3A_956 = arith.index_cast %swap3A_955 : i32 to index
    %swap3A_957 = arith.constant 112 : index
    %swap3A_958 = tpu.vector_load %arg8[%swap3A_956, %swap3A_957] {strides = array<i32>} : memref<20x128xf32, #tpu.memory_space<vmem>>, vector<16xf32>,
    tpu.vector_store %arg8[%swap3A_956, %swap3A_957], %parallel_loop3A_938#4 {strides = array<i32>} : memref<20x128xf32, #tpu.memory_space<vmem>>, vector<16xf32>,
    %swap3A_959 = arith.constant 5 : i32
    %swap3A_960 = arith.index_cast %swap3A_959 : i32 to index
    %swap3A_961 = arith.constant 112 : index
    %swap3A_962 = tpu.vector_load %arg8[%swap3A_960, %swap3A_961] {strides = array<i32>} : memref<20x128xf32, #tpu.memory_space<vmem>>, vector<16xf32>,
    tpu.vector_store %arg8[%swap3A_960, %swap3A_961], %parallel_loop3A_938#5 {strides = array<i32>} : memref<20x128xf32, #tpu.memory_space<vmem>>, vector<16xf32>,
    %swap3A_963 = arith.constant 6 : i32
    %swap3A_964 = arith.index_cast %swap3A_963 : i32 to index
    %swap3A_965 = arith.constant 112 : index
    %swap3A_966 = tpu.vector_load %arg8[%swap3A_964, %swap3A_965] {strides = array<i32>} : memref<20x128xf32, #tpu.memory_space<vmem>>, vector<16xf32>,
    tpu.vector_store %arg8[%swap3A_964, %swap3A_965], %parallel_loop3A_938#6 {strides = array<i32>} : memref<20x128xf32, #tpu.memory_space<vmem>>, vector<16xf32>,
    %swap3A_967 = arith.constant 7 : i32
    %swap3A_968 = arith.index_cast %swap3A_967 : i32 to index
    %swap3A_969 = arith.constant 112 : index
    %swap3A_970 = tpu.vector_load %arg8[%swap3A_968, %swap3A_969] {strides = array<i32>} : memref<20x128xf32, #tpu.memory_space<vmem>>, vector<16xf32>,
    tpu.vector_store %arg8[%swap3A_968, %swap3A_969], %parallel_loop3A_938#7 {strides = array<i32>} : memref<20x128xf32, #tpu.memory_space<vmem>>, vector<16xf32>,
    %swap3A_971 = arith.constant 8 : i32
    %swap3A_972 = arith.index_cast %swap3A_971 : i32 to index
    %swap3A_973 = arith.constant 112 : index
    %swap3A_974 = tpu.vector_load %arg8[%swap3A_972, %swap3A_973] {strides = array<i32>} : memref<20x128xf32, #tpu.memory_space<vmem>>, vector<16xf32>,
    tpu.vector_store %arg8[%swap3A_972, %swap3A_973], %parallel_loop3A_938#8 {strides = array<i32>} : memref<20x128xf32, #tpu.memory_space<vmem>>, vector<16xf32>,
    %swap3A_975 = arith.constant 9 : i32
    %swap3A_976 = arith.index_cast %swap3A_975 : i32 to index
    %swap3A_977 = arith.constant 112 : index
    %swap3A_978 = tpu.vector_load %arg8[%swap3A_976, %swap3A_977] {strides = array<i32>} : memref<20x128xf32, #tpu.memory_space<vmem>>, vector<16xf32>,
    tpu.vector_store %arg8[%swap3A_976, %swap3A_977], %parallel_loop3A_938#9 {strides = array<i32>} : memref<20x128xf32, #tpu.memory_space<vmem>>, vector<16xf32>,
    %swap3A_979 = arith.constant 10 : i32
    %swap3A_980 = arith.index_cast %swap3A_979 : i32 to index
    %swap3A_981 = arith.constant 112 : index
    %swap3A_982 = tpu.vector_load %arg8[%swap3A_980, %swap3A_981] {strides = array<i32>} : memref<20x128xf32, #tpu.memory_space<vmem>>, vector<16xf32>,
    tpu.vector_store %arg8[%swap3A_980, %swap3A_981], %parallel_loop3A_938#10 {strides = array<i32>} : memref<20x128xf32, #tpu.memory_space<vmem>>, vector<16xf32>,
    %swap3A_983 = arith.constant 11 : i32
    %swap3A_984 = arith.index_cast %swap3A_983 : i32 to index
    %swap3A_985 = arith.constant 112 : index
    %swap3A_986 = tpu.vector_load %arg8[%swap3A_984, %swap3A_985] {strides = array<i32>} : memref<20x128xf32, #tpu.memory_space<vmem>>, vector<16xf32>,
    tpu.vector_store %arg8[%swap3A_984, %swap3A_985], %parallel_loop3A_938#11 {strides = array<i32>} : memref<20x128xf32, #tpu.memory_space<vmem>>, vector<16xf32>,
    %swap3A_987 = arith.constant 12 : i32
    %swap3A_988 = arith.index_cast %swap3A_987 : i32 to index
    %swap3A_989 = arith.constant 112 : index
    %swap3A_990 = tpu.vector_load %arg8[%swap3A_988, %swap3A_989] {strides = array<i32>} : memref<20x128xf32, #tpu.memory_space<vmem>>, vector<16xf32>,
    tpu.vector_store %arg8[%swap3A_988, %swap3A_989], %parallel_loop3A_938#12 {strides = array<i32>} : memref<20x128xf32, #tpu.memory_space<vmem>>, vector<16xf32>,
    %swap3A_991 = arith.constant 13 : i32
    %swap3A_992 = arith.index_cast %swap3A_991 : i32 to index
    %swap3A_993 = arith.constant 112 : index
    %swap3A_994 = tpu.vector_load %arg8[%swap3A_992, %swap3A_993] {strides = array<i32>} : memref<20x128xf32, #tpu.memory_space<vmem>>, vector<16xf32>,
    tpu.vector_store %arg8[%swap3A_992, %swap3A_993], %parallel_loop3A_938#13 {strides = array<i32>} : memref<20x128xf32, #tpu.memory_space<vmem>>, vector<16xf32>,
    %swap3A_995 = arith.constant 14 : i32
    %swap3A_996 = arith.index_cast %swap3A_995 : i32 to index
    %swap3A_997 = arith.constant 112 : index
    %swap3A_998 = tpu.vector_load %arg8[%swap3A_996, %swap3A_997] {strides = array<i32>} : memref<20x128xf32, #tpu.memory_space<vmem>>, vector<16xf32>,
    tpu.vector_store %arg8[%swap3A_996, %swap3A_997], %parallel_loop3A_938#14 {strides = array<i32>} : memref<20x128xf32, #tpu.memory_space<vmem>>, vector<16xf32>,
    %swap3A_999 = arith.constant 15 : i32
    %swap3A_1000 = arith.index_cast %swap3A_999 : i32 to index
    %swap3A_1001 = arith.constant 112 : index
    %swap3A_1002 = tpu.vector_load %arg8[%swap3A_1000, %swap3A_1001] {strides = array<i32>} : memref<20x128xf32, #tpu.memory_space<vmem>>, vector<16xf32>,
    tpu.vector_store %arg8[%swap3A_1000, %swap3A_1001], %parallel_loop3A_938#15 {strides = array<i32>} : memref<20x128xf32, #tpu.memory_space<vmem>>, vector<16xf32>,
    %swap3A_1003 = arith.constant 16 : i32
    %swap3A_1004 = arith.index_cast %swap3A_1003 : i32 to index
    %swap3A_1005 = arith.constant 112 : index
    %swap3A_1006 = tpu.vector_load %arg8[%swap3A_1004, %swap3A_1005] {strides = array<i32>} : memref<20x128xf32, #tpu.memory_space<vmem>>, vector<16xf32>,
    tpu.vector_store %arg8[%swap3A_1004, %swap3A_1005], %parallel_loop3A_938#16 {strides = array<i32>} : memref<20x128xf32, #tpu.memory_space<vmem>>, vector<16xf32>,
    %swap3A_1007 = arith.constant 17 : i32
    %swap3A_1008 = arith.index_cast %swap3A_1007 : i32 to index
    %swap3A_1009 = arith.constant 112 : index
    %swap3A_1010 = tpu.vector_load %arg8[%swap3A_1008, %swap3A_1009] {strides = array<i32>} : memref<20x128xf32, #tpu.memory_space<vmem>>, vector<16xf32>,
    tpu.vector_store %arg8[%swap3A_1008, %swap3A_1009], %parallel_loop3A_938#17 {strides = array<i32>} : memref<20x128xf32, #tpu.memory_space<vmem>>, vector<16xf32>,
    %swap3A_1011 = arith.constant 18 : i32
    %swap3A_1012 = arith.index_cast %swap3A_1011 : i32 to index
    %swap3A_1013 = arith.constant 112 : index
    %swap3A_1014 = tpu.vector_load %arg8[%swap3A_1012, %swap3A_1013] {strides = array<i32>} : memref<20x128xf32, #tpu.memory_space<vmem>>, vector<16xf32>,
    tpu.vector_store %arg8[%swap3A_1012, %swap3A_1013], %parallel_loop3A_938#18 {strides = array<i32>} : memref<20x128xf32, #tpu.memory_space<vmem>>, vector<16xf32>,
    %swap3A_1015 = arith.constant 19 : i32
    %swap3A_1016 = arith.index_cast %swap3A_1015 : i32 to index
    %swap3A_1017 = arith.constant 112 : index
    %swap3A_1018 = tpu.vector_load %arg8[%swap3A_1016, %swap3A_1017] {strides = array<i32>} : memref<20x128xf32, #tpu.memory_space<vmem>>, vector<16xf32>,
    tpu.vector_store %arg8[%swap3A_1016, %swap3A_1017], %parallel_loop3A_938#19 {strides = array<i32>} : memref<20x128xf32, #tpu.memory_space<vmem>>, vector<16xf32>,
    "tpu.region"() ({
      %run_scoped3A = tpu.sem_alloc : memref<!tpu.dma_semaphore, #tpu.memory_space<semaphore_mem>>
      %dma_start3A_1019 = arith.constant 0 : i32
      %dma_start3A_1020 = tpu.memref_slice %arg5[%dma_start3A_1019, %mul3A_2] : memref<20x4096xf32, #tpu.memory_space<hbm>> -> memref<20x128xf32, #tpu.memory_space<hbm>>
      %dma_start3A_1021 = arith.constant 0 : i32
      %dma_start3A_1022 = tpu.memref_slice %arg5[%dma_start3A_1021, %mul3A_2] : memref<20x4096xf32, #tpu.memory_space<hbm>> -> memref<20x128xf32, #tpu.memory_space<hbm>>
      tpu.enqueue_dma source(%arg8 : memref<20x128xf32, #tpu.memory_space<vmem>>) target(%dma_start3A_1022 : memref<20x128xf32, #tpu.memory_space<hbm>>) target_semaphore(%run_scoped3A : memref<!tpu.dma_semaphore, #tpu.memory_space<semaphore_mem>>)
      %dma_wait3A_1023 = arith.constant 0 : i32
      %dma_wait3A_1024 = tpu.memref_slice %arg5[%dma_wait3A_1023, %mul3A_2] : memref<20x4096xf32, #tpu.memory_space<hbm>> -> memref<20x128xf32, #tpu.memory_space<hbm>>
      %dma_wait3A_1025 = arith.constant 0 : i32
      %dma_wait3A_1026 = tpu.memref_slice %arg5[%dma_wait3A_1025, %mul3A_2] : memref<20x4096xf32, #tpu.memory_space<hbm>> -> memref<20x128xf32, #tpu.memory_space<hbm>>
      tpu.wait_dma2 semaphore(%run_scoped3A : memref<!tpu.dma_semaphore, #tpu.memory_space<semaphore_mem>>) src(%arg8 : memref<20x128xf32, #tpu.memory_space<vmem>>) dst(%dma_wait3A_1026 : memref<20x128xf32, #tpu.memory_space<hbm>>)
      tpu.yield
    }) : () -> ()
    return
  }
}

module attributes {stable_mosaic.version = 14 : i64} {
  func.func @_tc_project(%arg0: memref<300x1000xf32, #tpu.memory_space<vmem>>, %arg1: memref<20x300xf32, #tpu.memory_space<vmem>>, %arg2: memref<1x20xf32, #tpu.memory_space<vmem>>, %arg3: memref<10x1024xi32, #tpu.memory_space<vmem>>, %arg4: memref<16x20xf32, #tpu.memory_space<vmem>>) attributes {dimension_semantics = [], scalar_prefetch = 0 : i64, scratch_operands = 0 : i64, tpu.core_type = #tpu.core_type<tc>} {
    %get3A = arith.constant 0 : index
    %get3A_0 = arith.constant 0 : index
    %get3A_1 = vector.load %arg1[%get3A, %get3A_0] : memref<20x300xf32, #tpu.memory_space<vmem>>, vector<20x300xf32>
    %get3A_2 = arith.constant 0 : index
    %get3A_3 = arith.constant 0 : index
    %get3A_4 = vector.load %arg0[%get3A_2, %get3A_3] : memref<300x1000xf32, #tpu.memory_space<vmem>>, vector<300x1000xf32>
    %dot_general3A = arith.constant dense<0.000000e+00> : vector<20x1000xf32>
    %dot_general3A_5 = tpu.matmul %get3A_1, %get3A_4, %dot_general3A {dimension_numbers = #tpu.dot_dimension_numbers<[1], [0], [0], [1], [0, 0, 1, 1], [], []>, transpose_lhs_hint = false} : vector<20x300xf32>, vector<300x1000xf32>, vector<20x1000xf32> -> vector<20x1000xf32>
    %mul3A = arith.constant 2.000000e-02 : f32
    %mul3A_6 = vector.broadcast %mul3A : f32 to vector<20x1000xf32>
    %mul3A_7 = arith.mulf %dot_general3A_5, %mul3A_6 : vector<20x1000xf32>
    %slice3A = vector.extract_strided_slice %mul3A_7 {offsets = [0, 0], sizes = [10, 1000], strides = [1, 1]} : vector<20x1000xf32> to vector<10x1000xf32>
    %convert_element_type3A = arith.truncf %slice3A : vector<10x1000xf32> to vector<10x1000xbf16>
    %slice3A_8 = vector.extract_strided_slice %mul3A_7 {offsets = [10, 0], sizes = [10, 1000], strides = [1, 1]} : vector<20x1000xf32> to vector<10x1000xf32>
    %convert_element_type3A_9 = arith.truncf %slice3A_8 : vector<10x1000xf32> to vector<10x1000xbf16>
    %bitcast_convert_type3A = tpu.bitcast %convert_element_type3A : vector<10x1000xbf16> -> vector<10x1000xi16>
    %convert_element_type3A_10 = arith.extui %bitcast_convert_type3A : vector<10x1000xi16> to vector<10x1000xi32>
    %bitcast_convert_type3A_11 = tpu.bitcast %convert_element_type3A_9 : vector<10x1000xbf16> -> vector<10x1000xi16>
    %convert_element_type3A_12 = arith.extui %bitcast_convert_type3A_11 : vector<10x1000xi16> to vector<10x1000xi32>
    %shift_left3A = arith.constant 16 : i32
    %shift_left3A_13 = vector.broadcast %shift_left3A : i32 to vector<10x1000xi32>
    %shift_left3A_14 = arith.shli %convert_element_type3A_12, %shift_left3A_13 : vector<10x1000xi32>
    %or3A = arith.ori %convert_element_type3A_10, %shift_left3A_14 : vector<10x1000xi32>
    %bitcast_convert_type3A_15 = tpu.bitcast %or3A : vector<10x1000xi32> -> vector<10x1000xi32>
    %swap3A = arith.constant 0 : index
    %swap3A_16 = arith.constant 0 : index
    %swap3A_17 = vector.load %arg3[%swap3A, %swap3A_16] : memref<10x1024xi32, #tpu.memory_space<vmem>>, vector<10x1000xi32>
    tpu.vector_store %arg3[%swap3A, %swap3A_16], %bitcast_convert_type3A_15 {strides = array<i32>} : memref<10x1024xi32, #tpu.memory_space<vmem>>, vector<10x1000xi32>,
    %broadcast_in_dim3A = arith.constant 0 : i32
    %broadcast_in_dim3A_18 = vector.broadcast %broadcast_in_dim3A : i32 to vector<10x24xi32>
    %swap3A_19 = arith.constant 0 : index
    %swap3A_20 = arith.constant 1000 : index
    %swap3A_21 = vector.load %arg3[%swap3A_19, %swap3A_20] : memref<10x1024xi32, #tpu.memory_space<vmem>>, vector<10x24xi32>
    tpu.vector_store %arg3[%swap3A_19, %swap3A_20], %broadcast_in_dim3A_18 {strides = array<i32>} : memref<10x1024xi32, #tpu.memory_space<vmem>>, vector<10x24xi32>,
    %get3A_22 = arith.constant 0 : index
    %get3A_23 = arith.constant 0 : index
    %get3A_24 = vector.load %arg2[%get3A_22, %get3A_23] : memref<1x20xf32, #tpu.memory_space<vmem>>, vector<1x20xf32>
    %broadcast_in_dim3A_25 = vector.shape_cast %get3A_24 : vector<1x20xf32> to vector<1x20xf32>
    %broadcast_in_dim3A_26 = vector.broadcast %broadcast_in_dim3A_25 : vector<1x20xf32> to vector<16x20xf32>
    %swap3A_27 = arith.constant 0 : index
    %swap3A_28 = arith.constant 0 : index
    %swap3A_29 = vector.load %arg4[%swap3A_27, %swap3A_28] : memref<16x20xf32, #tpu.memory_space<vmem>>, vector<16x20xf32>
    tpu.vector_store %arg4[%swap3A_27, %swap3A_28], %broadcast_in_dim3A_26 {strides = array<i32>} : memref<16x20xf32, #tpu.memory_space<vmem>>, vector<16x20xf32>,
    return
  }
}

</mosaic_0001>

<sc_bundles>
// kernel: kernel.4.cloned.1.call-start
scs
__scs_entry_jumppad:
0x0: {  	(pc) =	sbr.rel $0x88, $3  }
0x1: {  	(tag) =	ssettag $0x0;
	lr =	simm.s32 $0x1  }
0x2: {  	[smem:$0x3F9D] =	sst lr;
	_ =	strace $0xD0000000  }
0x3: {  	_ = 	snop  }
0x4: {  	_ = 	snop  }
0x5: {  	_ = 	snop  }
0x6: {  	_ = 	snop  }
0x7: {  	_ = 	snop  }
__scs_overlays_trampoline_lowered:
0x8: {  	[smem:$0x3FAC] =	sst s0  }
0x9: {  	[smem:$0x3FAD] =	sst s1  }
0xa: {  	[smem:$0x3FAE] =	sst s2  }
0xb: {  	[smem:$0x3FAF] =	sst s3  }
0xc: {  	[smem:$0x3FB0] =	sst s4  }
0xd: {  	[smem:$0x3FB1] =	sst s5  }
0xe: {  	[smem:$0x3FB2] =	sst s6  }
0xf: {  	[smem:$0x3FB3] =	sst s7  }
0x10: {  	[smem:$0x3FB4] =	sst s8  }
0x11: {  	[smem:$0x3FB5] =	sst s9;
	s0 =	simm.s32 @!p0 $0x0  }
0x12: {  	s1 =	sld [smem:$0x3F9B];
	s0 =	simm.s32 @p0 $0x1  }
0x13: {  	[smem:$0x3FB6] =	sst s0;
	s0 =	simm.s32 @!p1 $0x0  }
0x14: {  	s2 =	sld [smem:$0x3F9A];
	s0 =	simm.s32 @p1 $0x1  }
0x15: {  	[smem:$0x3FB7] =	sst s0;
	s0 =	simm.s32 @!p2 $0x0  }
0x16: {  	s3 =	sld [smem:$0x3FDB];
	s0 =	simm.s32 @p2 $0x1  }
0x17: {  	s4 =	simm.s32 $0x1BF5;
	[smem:$0x3FB9] =	sst s0  }
0x18: {  	s0 =	sld [smem:$0x3F9C];
	_ =	swait.ge [sflag:s4], $0x0  }
0x19: {  	s7 =	sld [smem:$0x3F9D]  }
0x1a: {  	s8 =	sadd.s32 $0xFFFFE003, lr  }
0x1b: {  	s9 =	sadd.s32 $0xFFFFFEF7, lr;
	s5 =	simm.s32 $0xFFFFFFFF;
	p2 =	slt.u32 s8, $0xFFFFF086  }
0x1c: {  	p1 =	slt.u32 s9, $0xF7A;
	s5 =	simm.s32 @!p2 $0x0  }
0x1d: {  	s5 =	simm.s32 @p1 $0x1;
	p0 =	seq.s32 s7, s2  }
0x1e: {  	s7 =	smul.u32 @!p0 $0xF7A, s2;
	p2 =	seq.s32 @!p0 s5, $0x0  }
0x1f: {  	s9 =	smul.u32 $0xF7A, s1;
	s8 =	simm.s32 @!p0 $0x1BF5;
	p2 =	por !p2, p0  }
0x20: {  	[sflag:s8] =	ssyncset.s32 @!p0 $0xFFFFF086;
	s6 =	sadd.s32 @!p0 s3, s7;
	s7 =	simm.s32 @!p0 $0x108  }
0x21: {  	s3 =	sadd.s32 s3, s9;
	s6 =	sadd.s32 @!p0 $0x88, s6;
	s7 =	simm.s32 @p2 $0x1082  }
0x22: {  	[simem:s7], [sflag:s8] =	dma.local @!p0 [hbm:s6], $0xF7A  }
0x23: {  	s9 =	sor.u32 $0xD0000000, s2;
	s6 =	simm.s32 $0x108;
	_ =	swait.ge @!p0 [sflag:s8], $0x0  }
0x24: {  	s3 =	sadd.s32 $0x88, s3;
	s6 =	simm.s32 @!p1 $0x1082;
	[sflag:s4] =	ssyncset.s32 $0xFFFFF086  }
0x25: {  	[simem:s6], [sflag:s4] =	dma.local [hbm:s3], $0xF7A  }
0x26: {  	[smem:$0x3F9D] =	sst s1;
	(tag) =	ssettag s2;
	_ =	strace s9  }
0x27: {  	s1 =	sld [smem:$0x3FAD]  }
0x28: {  	s2 =	sld [smem:$0x3FAE]  }
0x29: {  	s4 =	sld [smem:$0x3FB0]  }
0x2a: {  	p0 =	seq.s32 s5, $0x0;
	s5 =	sld [smem:$0x3FB1]  }
0x2b: {  	s6 =	sld [smem:$0x3FB2]  }
0x2c: {  	s7 =	sld [smem:$0x3FB3]  }
0x2d: {  	s3 =	simm.s32 $0x108;
	s8 =	sld [smem:$0x3FB4]  }
0x2e: {  	s3 =	simm.s32 @!p0 $0x1082;
	s9 =	sld [smem:$0x3FB5]  }
0x2f: {  	lr =	sadd.s32 s0, s3;
	s0 =	sld [smem:$0x3FAC]  }
0x30: {  	s3 =	sld [smem:$0x3FAF]  }
0x31: {  	[smem:$0x3FB8] =	sst s10  }
0x32: {  	s10 =	sld [smem:$0x3FB6];
	_ =	sdelay $0x3  }
0x33: {  	p0 =	seq.s32 s10, $0x1;
	s10 =	sld [smem:$0x3FB8];
	_ =	sdelay $0x3  }
0x34: {  	[smem:$0x3FB8] =	sst s10  }
0x35: {  	s10 =	sld [smem:$0x3FB7];
	_ =	sdelay $0x3  }
0x36: {  	p1 =	seq.s32 s10, $0x1;
	s10 =	sld [smem:$0x3FB8];
	_ =	sdelay $0x3  }
0x37: {  	[smem:$0x3FB8] =	sst s10  }
0x38: {  	s10 =	sld [smem:$0x3FB9]  }
0x39: {  	_ = 	snop;
	(pc) =	sbr.ind lr, $3  }
0x3a: {  	_ = 	snop  }
0x3b: {  	_ = 	snop  }
0x3c: {  	p2 =	seq.s32 s10, $0x1;
	s10 =	sld [smem:$0x3FB8]  }
0x3d: {  	_ =	shalt  }
0x3e: {  	_ =	shalt  }
0x3f: {  	_ =	shalt  }
0x40: {  	_ =	shalt  }
0x41: {  	_ =	shalt  }
0x42: {  	_ =	shalt  }
0x43: {  	_ =	shalt  }
0x44: {  	_ =	shalt  }
0x45: {  	_ =	shalt  }
0x46: {  	_ =	shalt  }
0x47: {  	_ =	shalt  }
0x48: {  	_ =	shalt  }
0x49: {  	_ =	shalt  }
0x4a: {  	_ =	shalt  }
0x4b: {  	_ =	shalt  }
0x4c: {  	_ =	shalt  }
0x4d: {  	_ =	shalt  }
0x4e: {  	_ =	shalt  }
0x4f: {  	_ =	shalt  }
0x50: {  	_ =	shalt  }
0x51: {  	_ =	shalt  }
0x52: {  	_ =	shalt  }
0x53: {  	_ =	shalt  }
0x54: {  	_ =	shalt  }
0x55: {  	_ =	shalt  }
0x56: {  	_ =	shalt  }
0x57: {  	_ =	shalt  }
0x58: {  	_ =	shalt  }
0x59: {  	_ =	shalt  }
0x5a: {  	_ =	shalt  }
0x5b: {  	_ =	shalt  }
0x5c: {  	_ =	shalt  }
0x5d: {  	_ =	shalt  }
0x5e: {  	_ =	shalt  }
0x5f: {  	_ =	shalt  }
0x60: {  	_ =	shalt  }
0x61: {  	_ =	shalt  }
0x62: {  	_ =	shalt  }
0x63: {  	_ =	shalt  }
0x64: {  	_ =	shalt  }
0x65: {  	_ =	shalt  }
0x66: {  	_ =	shalt  }
0x67: {  	_ =	shalt  }
0x68: {  	_ =	shalt  }
0x69: {  	_ =	shalt  }
0x6a: {  	_ =	shalt  }
0x6b: {  	_ =	shalt  }
0x6c: {  	_ =	shalt  }
0x6d: {  	_ =	shalt  }
0x6e: {  	_ =	shalt  }
0x6f: {  	_ =	shalt  }
0x70: {  	_ =	shalt  }
0x71: {  	_ =	shalt  }
0x72: {  	_ =	shalt  }
0x73: {  	_ =	shalt  }
0x74: {  	_ =	shalt  }
0x75: {  	_ =	shalt  }
0x76: {  	_ =	shalt  }
0x77: {  	_ =	shalt  }
0x78: {  	_ =	shalt  }
0x79: {  	_ =	shalt  }
0x7a: {  	_ =	shalt  }
0x7b: {  	_ =	shalt  }
0x7c: {  	_ =	shalt  }
0x7d: {  	_ =	shalt  }
0x7e: {  	_ =	shalt  }
0x7f: {  	_ =	shalt  }
0x80: {  	_ =	shalt  }
0x81: {  	_ =	shalt  }
0x82: {  	_ =	shalt  }
0x83: {  	_ =	shalt  }
0x84: {  	_ =	shalt  }
0x85: {  	_ =	shalt  }
0x86: {  	_ =	shalt  }
0x87: {  	_ =	shalt  }
.Lfunc_end0:
.L_simem_size_0:
called_computation_lowered:
.L_overlay_start_0:
0x88: {  	s2 =	sld [smem:$0x3FD9]  }
0x89: {  	s3 =	sld [smem:$0x3FFE];
	_ =	sdelay $0x1  }
0x8a: {  	s1 =	srdreg.scid  }
0x8b: {  	s0 =	sand.u32 $0x1, s1  }
0x8c: {  	s17 =	sshll.u32 s0, $0xA;
	s2 =	sadd.s32 s3, s2  }
0x8d: {  	s2 =	sadd.s32 s2, s17  }
0x8e: {  	[smem:$0x3FC4] =	sst s2  }
0x8f: {  	_ = 	snop  }
0x90: {  	s2 =	sld [smem:$0x3FC9]  }
0x91: {  	s18 =	sld [smem:$0x3FD0];
	(tm) =	ssettm $0x1  }
0x92: {  	s4 =	sld [smem:$0x3FFB];
	_ =	sdelay $0x3  }
0x93: {  	_ =	strace s4  }
0x94: {  	s4 =	sld [smem:$0x3FFC];
	_ =	sdelay $0x3  }
0x95: {  	_ =	strace s4  }
0x96: {  	s4 =	sld [smem:$0x3FFD];
	_ =	sdelay $0x3  }
0x97: {  	_ =	strace s4  }
0x98: {  	_ =	strace $0x8FFFFFFF  }
0x99: {  	s19 =	sld [smem:$0x3FDB];
	_ =	sdelay $0x1  }
0x9a: {  	s5 =	simm.s32 $_scs_section_size  }
0x9b: {  	s6 =	simm.s32 $_size__tile_overlayer_lowered;
	s7 =	simm.s32 $_tile_overlayer_lowered  }
0x9c: {  	s22 =	simm.s32 $0x1BFF;
	s21 =	sshll.u32 s7, $0x1;
	s4 =	sadd.s32 s5, s19  }
0x9d: {  	s8 =	simm.s32 $0x0;
	s20 =	sshll.u32 s6, $0x1;
	s6 =	sadd.s32 s21, s4  }
0x9e: {  	[timem:s8], [sflag:s22] =	dma.local [hbm:s6], s20  }
0x9f: {  	_ =	swait.ge [sflag:s22], s20  }
0xa0: {  	s5 =	ssub.s32 $0x0, s20;
	[sflag:s22] =	ssyncset.done $0x0  }
0xa1: {  	[sflag:s22] =	ssyncadd.s32 s5;
	_ =	sdelay $0x1  }
0xa2: {  	s23 =	simm.s32 $0x1B8B  }
0xa3: {  	_ =	swait.ge [sflag:s23], $0x1  }
0xa4: {  	[sflag:s23] =	ssyncset.done $0x0  }
0xa5: {  	s25 =	simm.s32 $0x1B8E;
	s24 =	sld [smem:$0x3FFE];
	[sflag:s23] =	ssyncadd.s32 $0xFFFFFFFF  }
0xa6: {  	s26 =	simm.s32 $execute0_lowered;
	[smem:$0x3FD2] =	sst s25  }
0xa7: {  	s6 =	sshll.u32 s26, $0x1;
	_ =	strace $0x80000046;
	[dreg:$0x1] =	wrdreg $0xFFFFFFFF  }
0xa8: {  	s28 =	simm.s32 $_size_execute0_lowered;
	s4 =	sadd.s32 s4, s6;
	[dreg:$0x0] =	wrdreg $0x0  }
0xa9: {  	s6 =	sshll.u32 s28, $0x1;
	[dreg:$0x2] =	wrdreg s4  }
0xaa: {  	[dreg:$0x3] =	wrdreg s6  }
0xab: {  	[dreg:$0x4] =	wrdreg $0xC0  }
0xac: {  	_ =	task [dreg:s8], $0x5FFFF  }
0xad: {  	[dreg:$0x1] =	wrdreg $0xFFFFFFFF  }
0xae: {  	[dreg:$0x0] =	wrdreg $0x60  }
0xaf: {  	[dreg:$0x2] =	wrdreg s24  }
0xb0: {  	[dreg:$0x3] =	wrdreg s2  }
0xb1: {  	[dreg:$0x4] =	wrdreg s18  }
0xb2: {  	[dreg:$0x5] =	wrdreg $0x9  }
0xb3: {  	_ =	task.clear_ibuf [dreg:s8], $0x6FFFF;
	_ =	strace $0x90000046  }
0xb4: {  	s29 =	simm.s32 $0x9;
	_ =	strace $0x80000048  }
0xb5: {  	_ =	swait.ge [sflag:s29], $0x1  }
0xb6: {  	[sflag:s29] =	ssyncadd.s32 $0xFFFFFFFF  }
0xb7: {  	_ =	strace $0x90000048  }
0xb8: {  	_ =	sfence  }
0xb9: {  	s30 =	sld [smem:$0x0];
	_ =	sdelay $0x2  }
0xba: {  	s31 =	sshll.u32 s1, $0xD;
	s1 =	sshrl.u32 s1, $0x2  }
0xbb: {  	s3 =	sand.u32 $0x4000, s31;
	s1 =	sadd.s32 s1, s30  }
0xbc: {  	s0 =	sor.u32 s3, s0;
	s1 =	sshll.u32 s1, $0x11  }
0xbd: {  	s0 =	sor.u32 s1, s0  }
0xbe: {  	s0 =	sadd.s32 $0x8F2B, s0  }
0xbf: {  	[sflag:s0] =	ssyncadd.remote.s32 $0x1  }
0xc0: {  	_ =	sfence.sel $0xFFFF  }
0xc1: {  	[dreg:$0x0] =	wrdreg $0xFFFFFFFF;
	(pc) =	sbr.abs _section_cstart, $3  }
0xc2: {  	[dreg:$0x1] =	wrdreg $0xFFFFFFFF  }
0xc3: {  	_ =	task.clear_ibuf [dreg:s8], $0x2FFFF;
	_ =	strace $0x9FFFFFFF  }
0xc4: {  	(tm) =	ssettm $0x7FFFFFFF  }
0xc5: {  	_ =	shalt  }
tec
execute0_lowered:
.L_overlay_start_1:
0x0: {  	(tag) =	ssettag $0x1  }
0x1: {  	v0 =	vlaneseq.u32  }
0x2: {  	s0 =	rddreg [dreg:$0x0];
	v0 =	vmul.u32 $0x80, v0  }
0x3: {  	s1 =	rddreg [dreg:$0x1];
	s2 =	simm.s32 $0x0  }
0x4: {  	[smem:$0x7FF] =	sst s2;
	v1 =	vor.u32 $0x1, v0  }
0x5: {  	s3 =	rddreg [dreg:$0x2];
	_ =	strace $0x80000047;
	[tilespmem:$0x1FF00] =	vst v1;
	v1 =	vor.u32 $0x2, v0  }
0x6: {  	s4 =	srdreg.scid;
	s5 =	stileid.u32;
	[tilespmem:$0x1FF10] =	vst v1;
	v1 =	vor.u32 $0x3, v0  }
0x7: {  	s18 =	simm.s32 $0x400;
	s28 =	simm.s32 $0x4000;
	s29 =	simm.s32 $0x4400;
	[tilespmem:$0x1FF20] =	vst v1;
	v1 =	vor.u32 $0x4, v0  }
0x8: {  	s30 =	simm.s32 $0x4800;
	s31 =	simm.s32 $0x4C00;
	s20 =	simm.s32 $0x1;
	[tilespmem:$0x1FF30] =	vst v1;
	v1 =	vor.u32 $0x5, v0  }
0x9: {  	s21 =	simm.s32 $0x2;
	s19 =	simm.s32 $0x0;
	s4 =	sand.u32 $0x1, s4;
	[tilespmem:$0x1FF40] =	vst v1;
	v1 =	vor.u32 $0x6, v0  }
0xa: {  	s5 =	sshll.u32 s5, $0x8;
	s7 =	sadd.s32 $0x1000, s0;
	s23 =	sadd.s32 $0x1800, s0;
	[tilespmem:$0x1FF50] =	vst v1;
	v1 =	vor.u32 $0x7, v0  }
0xb: {  	s8 =	sadd.s32 $0x1020, s0;
	s9 =	sadd.s32 $0x1030, s0;
	s10 =	sadd.s32 $0x1040, s0;
	[tilespmem:$0x1FF60] =	vst v1;
	v1 =	vor.u32 $0x8, v0  }
0xc: {  	s11 =	sadd.s32 $0x1050, s0;
	s12 =	sadd.s32 $0x1060, s0;
	s13 =	sadd.s32 $0x1070, s0;
	[tilespmem:$0x1FF70] =	vst v1;
	v1 =	vor.u32 $0x9, v0  }
0xd: {  	s14 =	sadd.s32 $0x1400, s0;
	s15 =	sadd.s32 $0x1410, s0;
	[dreg:$0x4] =	wrdreg s7;
	[tilespmem:$0x1FF80] =	vst v1;
	v1 =	vor.u32 $0xA, v0  }
0xe: {  	s6 =	sshll.u32 s4, $0x7;
	s22 =	ssub.s32 $0x2, s4;
	[dreg:$0x5] =	wrdreg s23;
	[tilespmem:$0x1FF90] =	vst v1;
	v1 =	vor.u32 $0xB, v0  }
0xf: {  	s7 =	sadd.s32 $0x1010, s0;
	s4 =	simm.s32 $0x8000;
	s23 =	simm.s32 $0x3000;
	[tilespmem:$0x1FFA0] =	vst v1;
	v1 =	vor.u32 $0xC, v0  }
0x10: {  	s0 =	simm.s32 $0x5000;
	s16 =	sor.u32 s6, s5;
	s24 =	sshrl.u32 s22, $0x1;
	[tilespmem:$0x1FFB0] =	vst v1;
	v1 =	vor.u32 $0xD, v0  }
0x11: {  	s6 =	simm.s32 $0x2C00;
	s5 =	sadd.s32 s1, s16;
	s25 =	ssub.s32 s22, s24;
	[tilespmem:$0x1FFC0] =	vst v1;
	v1 =	vor.u32 $0xE, v0  }
0x12: {  	s16 =	sadd.s32 s3, s16;
	s22 =	simm.s32 $0x80;
	s24 =	simm.s32 $0x3400;
	[tilespmem:$0x1FFD0] =	vst v1;
	v1 =	vor.u32 $0xF, v0  }
0x13: {  	s1 =	simm.s32 $0x5400;
	s26 =	sadd.s32 $0x6000, s5;
	s17 =	smax.u32 s25, $0x1;
	[tilespmem:$0x1FFE0] =	vst v1;
	v1 =	vor.u32 $0x10, v0  }
0x14: {  	v17 =	vor.u32 $0x11, v0;
	v18 =	vor.u32 $0x12, v0;
	v19 =	vor.u32 $0x13, v0;
	s25 =	simm.s32 $0x3800;
	[dreg:$0x6] =	wrdreg s26;
	s26 =	simm.s32 $0x3C00;
	[tilespmem:$0x1FFF0] =	vst v1  }
.LBB2_1:
0x15: {  	s3 =	simm.s32 $0x800  }
0x16: {  	[tilespmem:s3], [sflag:$0x1] =	stream.strided.gather [hbm4b:s5+s18], $0x1800, s4, s18, $0x38;
	[tilespmem:$0x5800] =	vst v63  }
0x17: {  	s3 =	simm.s32 $0x2000;
	s4 =	rddreg [dreg:$0x6]  }
0x18: {  	[tilespmem:s3], [sflag:$0x1] =	stream.linear.gather [hbm4b:s4+s2], $0x100, $0x38;
	[tilespmem:$0x5800] =	vst v63  }
0x19: {  	s4 =	rddreg [dreg:$0x5]  }
0x1a: {  	[tilespmem:s2], [sflag:$0x1] =	stream.linear.gather [hbm4b:s4+s2], $0x800, $0x38;
	[tilespmem:$0x5800] =	vst v63  }
0x1b: {  	s4 =	rddreg [dreg:$0x4]  }
0x1c: {  	[tilespmem:s23], [sflag:$0x1] =	stream.strided.gather [hbm4b:s4+s22], $0x400, s18, s22, $0x38;
	[tilespmem:$0x5800] =	vst v63  }
0x1d: {  	_ = 	snop  }
0x1e: {  	[tilespmem:s24], [sflag:$0x1] =	stream.strided.gather [hbm4b:s7+s22], $0x400, s18, s22, $0x38;
	[tilespmem:$0x5800] =	vst v63  }
0x1f: {  	_ = 	snop  }
0x20: {  	[tilespmem:s25], [sflag:$0x1] =	stream.strided.gather [hbm4b:s8+s22], $0x400, s18, s22, $0x38;
	[tilespmem:$0x5800] =	vst v63  }
0x21: {  	_ = 	snop  }
0x22: {  	[tilespmem:s26], [sflag:$0x1] =	stream.strided.gather [hbm4b:s9+s22], $0x400, s18, s22, $0x38;
	[tilespmem:$0x5800] =	vst v63  }
0x23: {  	_ = 	snop  }
0x24: {  	[tilespmem:s28], [sflag:$0x1] =	stream.strided.gather [hbm4b:s10+s22], $0x400, s18, s22, $0x38;
	[tilespmem:$0x5800] =	vst v63  }
0x25: {  	_ = 	snop  }
0x26: {  	[tilespmem:s29], [sflag:$0x1] =	stream.strided.gather [hbm4b:s11+s22], $0x400, s18, s22, $0x38;
	[tilespmem:$0x5800] =	vst v63  }
0x27: {  	_ = 	snop  }
0x28: {  	[tilespmem:s30], [sflag:$0x1] =	stream.strided.gather [hbm4b:s12+s22], $0x400, s18, s22, $0x38;
	[tilespmem:$0x5800] =	vst v63  }
0x29: {  	_ = 	snop  }
0x2a: {  	[tilespmem:s31], [sflag:$0x1] =	stream.strided.gather [hbm4b:s13+s22], $0x400, s18, s22, $0x38;
	[tilespmem:$0x5800] =	vst v63  }
0x2b: {  	_ = 	snop  }
0x2c: {  	[tilespmem:s0], [sflag:$0x1] =	stream.strided.gather [hbm4b:s14+s22], $0x400, s18, s22, $0x38;
	[tilespmem:$0x5800] =	vst v63  }
0x2d: {  	_ = 	snop  }
0x2e: {  	[tilespmem:s1], [sflag:$0x1] =	stream.strided.gather [hbm4b:s15+s22], $0x400, s18, s22, $0x38;
	[tilespmem:$0x5800] =	vst v63  }
0x2f: {  	_ =	swait.ge [sflag:s20], $0x1900  }
0x30: {  	[sflag:s20] =	ssyncset.done $0x0  }
0x31: {  	[sflag:s20] =	ssyncadd.s32 $0xFFFFE700  }
0x32: {  	_ =	swait.ge [sflag:s20], $0x800  }
0x33: {  	[sflag:s20] =	ssyncset.done $0x0  }
0x34: {  	[sflag:s20] =	ssyncadd.s32 $0xFFFFF800  }
0x35: {  	_ =	swait.ge [sflag:s20], $0x400  }
0x36: {  	[sflag:s20] =	ssyncset.done $0x0  }
0x37: {  	[sflag:s20] =	ssyncadd.s32 $0xFFFFFC00  }
0x38: {  	_ =	swait.ge [sflag:s20], $0x400  }
0x39: {  	[sflag:s20] =	ssyncset.done $0x0  }
0x3a: {  	[sflag:s20] =	ssyncadd.s32 $0xFFFFFC00  }
0x3b: {  	_ =	swait.ge [sflag:s20], $0x400  }
0x3c: {  	[sflag:s20] =	ssyncset.done $0x0  }
0x3d: {  	[sflag:s20] =	ssyncadd.s32 $0xFFFFFC00  }
0x3e: {  	_ =	swait.ge [sflag:s20], $0x400  }
0x3f: {  	[sflag:s20] =	ssyncset.done $0x0  }
0x40: {  	[sflag:s20] =	ssyncadd.s32 $0xFFFFFC00  }
0x41: {  	_ =	swait.ge [sflag:s20], $0x400  }
0x42: {  	[sflag:s20] =	ssyncset.done $0x0  }
0x43: {  	[sflag:s20] =	ssyncadd.s32 $0xFFFFFC00  }
0x44: {  	_ =	swait.ge [sflag:s20], $0x400  }
0x45: {  	[sflag:s20] =	ssyncset.done $0x0  }
0x46: {  	[sflag:s20] =	ssyncadd.s32 $0xFFFFFC00  }
0x47: {  	_ =	swait.ge [sflag:s20], $0x400  }
0x48: {  	[sflag:s20] =	ssyncset.done $0x0  }
0x49: {  	[sflag:s20] =	ssyncadd.s32 $0xFFFFFC00  }
0x4a: {  	_ =	swait.ge [sflag:s20], $0x400  }
0x4b: {  	[sflag:s20] =	ssyncset.done $0x0  }
0x4c: {  	[sflag:s20] =	ssyncadd.s32 $0xFFFFFC00  }
0x4d: {  	_ =	swait.ge [sflag:s20], $0x400  }
0x4e: {  	[sflag:s20] =	ssyncset.done $0x0  }
0x4f: {  	[sflag:s20] =	ssyncadd.s32 $0xFFFFFC00  }
0x50: {  	_ =	swait.ge [sflag:s20], $0x400  }
0x51: {  	v6 =	vld [tilespmem:$0x1FF70];
	_ =	sdelay $0x5  }
0x52: {  	[sflag:s20] =	ssyncset.done $0x0  }
0x53: {  	[sflag:s20] =	ssyncadd.s32 $0xFFFFFC00  }
0x54: {  	v37 =	vld.idx.msk [tilespmem:v6+s2+$0x0], $0xffff  }
0x55: {  	v6 =	vld [tilespmem:$0x1FF80];
	_ =	sdelay $0x7  }
0x56: {  	v20 =	vld.idx.msk [tilespmem:v6+s2+$0x0], $0xffff  }
0x57: {  	v6 =	vld [tilespmem:$0x1FF90];
	_ =	sdelay $0x4  }
0x58: {  	v1 =	vld [tilespmem:$0x1FF00]  }
0x59: {  	v2 =	vld [tilespmem:$0x1FF10]  }
0x5a: {  	v3 =	vld [tilespmem:$0x1FF20]  }
0x5b: {  	v48 =	vld.idx.msk [tilespmem:v6+s2+$0x0], $0xffff  }
0x5c: {  	v6 =	vld [tilespmem:$0x1FFA0]  }
0x5d: {  	v4 =	vld [tilespmem:$0x1FF40]  }
0x5e: {  	v5 =	vld [tilespmem:$0x1FF50]  }
0x5f: {  	s4 =	simm.s32 $0x0;
	v33 =	vld.idx.msk [tilespmem:v0+s2+$0x0], $0xffff  }
0x60: {  	v22 =	vld [tilespmem:s4+$0x800]  }
0x61: {  	v23 =	vld [tilespmem:s4+$0x880]  }
0x62: {  	v35 =	vld.idx.msk [tilespmem:v17+s2+$0x0], $0xffff;
	s4 =	simm.s32 $0x100  }
0x63: {  	v60 =	vld [tilespmem:s4+$0x800]  }
0x64: {  	v21 =	vld.idx.msk [tilespmem:v6+s2+$0x0], $0xffff  }
0x65: {  	v6 =	vld [tilespmem:$0x1FFB0]  }
0x66: {  	v1 =	vld.idx.msk [tilespmem:v1+s2+$0x0], $0xffff  }
0x67: {  	v2 =	vld.idx.msk [tilespmem:v2+s2+$0x0], $0xffff  }
0x68: {  	v41 =	vld.idx.msk [tilespmem:v3+s2+$0x0], $0xffff  }
0x69: {  	v3 =	vld [tilespmem:$0x1FF30]  }
0x6a: {  	v4 =	vld.idx.msk [tilespmem:v4+s2+$0x0], $0xffff  }
0x6b: {  	v45 =	vld.idx.msk [tilespmem:v5+s2+$0x0], $0xffff  }
0x6c: {  	v5 =	vld [tilespmem:$0x1FF60]  }
0x6d: {  	v42 =	vld.idx.msk [tilespmem:v6+s2+$0x0], $0xffff  }
0x6e: {  	v6 =	vld [tilespmem:$0x1FFC0]  }
0x6f: {  	v29 =	vld.idx.msk [tilespmem:v22+s29+$0x0], $0xffff  }
0x70: {  	v30 =	vld.idx.msk [tilespmem:v23+s29+$0x0], $0xffff  }
0x71: {  	v26 =	vld.idx.msk [tilespmem:v22+s1+$0x0], $0xffff  }
0x72: {  	v31 =	vld.idx.msk [tilespmem:v23+s28+$0x0], $0xffff  }
0x73: {  	v34 =	vld.idx.msk [tilespmem:v22+s31+$0x0], $0xffff  }
0x74: {  	v38 =	vld.idx.msk [tilespmem:v22+s0+$0x0], $0xffff  }
0x75: {  	v36 =	vld.idx.msk [tilespmem:v23+s24+$0x0], $0xffff  }
0x76: {  	v25 =	vld.idx.msk [tilespmem:v6+s2+$0x0], $0xffff  }
0x77: {  	v6 =	vld [tilespmem:$0x1FFD0]  }
0x78: {  	v39 =	vld.idx.msk [tilespmem:v22+s24+$0x0], $0xffff  }
0x79: {  	v40 =	vld.idx.msk [tilespmem:v22+s26+$0x0], $0xffff  }
0x7a: {  	v43 =	vld.idx.msk [tilespmem:v22+s30+$0x0], $0xffff  }
0x7b: {  	v44 =	vld.idx.msk [tilespmem:v23+s0+$0x0], $0xffff  }
0x7c: {  	v46 =	vld.idx.msk [tilespmem:v23+s25+$0x0], $0xffff  }
0x7d: {  	v49 =	vld.idx.msk [tilespmem:v22+s25+$0x0], $0xffff  }
0x7e: {  	v52 =	vld.idx.msk [tilespmem:v22+s23+$0x0], $0xffff  }
0x7f: {  	v27 =	vld.idx.msk [tilespmem:v6+s2+$0x0], $0xffff  }
0x80: {  	v6 =	vld [tilespmem:$0x1FFE0]  }
0x81: {  	v22 =	vld.idx.msk [tilespmem:v22+s28+$0x0], $0xffff  }
0x82: {  	v55 =	vld.idx.msk [tilespmem:v23+s23+$0x0], $0xffff  }
0x83: {  	v59 =	vld.idx.msk [tilespmem:v23+s26+$0x0], $0xffff;
	v47 =	vand.u32 $0xFFFF0000, v34;
	v24 =	vand.u32 $0xFFFF0000, v26  }
0x84: {  	v62 =	vld.idx.msk [tilespmem:v23+s31+$0x0], $0xffff;
	v50 =	vshll.u32 v34, $0x10;
	v26 =	vshll.u32 v26, $0x10;
	v51 =	vshll.u32 v31, $0x10  }
0x85: {  	v9 =	vld.idx.msk [tilespmem:v23+s1+$0x0], $0xffff;
	v53 =	vand.u32 $0xFFFF0000, v31;
	v31 =	vand.u32 $0xFFFF0000, v29;
	v12 =	vand.u32 $0xFFFF0000, v30  }
0x86: {  	v10 =	vld.idx.msk [tilespmem:v60+s29+$0x0], $0xffff;
	v29 =	vshll.u32 v29, $0x10;
	v54 =	vshll.u32 v38, $0x10;
	v30 =	vshll.u32 v30, $0x10  }
0x87: {  	v13 =	vshll.u32 v44, $0x10;
	v56 =	vshll.u32 v36, $0x10;
	v57 =	vand.u32 $0xFFFF0000, v46;
	v34 =	vld.idx.msk [tilespmem:v19+s2+$0x0], $0xffff  }
0x88: {  	v58 =	vand.u32 $0xFFFF0000, v40;
	v61 =	vand.u32 $0xFFFF0000, v39;
	v63 =	vand.u32 $0xFFFF0000, v49;
	v28 =	vld.idx.msk [tilespmem:v6+s2+$0x0], $0xffff  }
0x89: {  	v14 =	vshll.u32 v55, $0x10;
	v7 =	vand.u32 $0xFFFF0000, v43;
	v29 =	vadd.f32 v30, v29;
	v6 =	vld [tilespmem:$0x1FFF0]  }
0x8a: {  	v44 =	vand.u32 $0xFFFF0000, v44;
	v55 =	vand.u32 $0xFFFF0000, v55;
	v3 =	vld.idx.msk [tilespmem:v3+s2+$0x0], $0xffff;
	v54 =	vadd.f32 v13, v54  }
0x8b: {  	v5 =	vld.idx.msk [tilespmem:v5+s2+$0x0], $0xffff;
	v31 =	vadd.f32 v12, v31;
	v30 =	vadd.f32 v29, v4;
	v29 =	vshll.u32 v52, $0x10  }
0x8c: {  	v12 =	vld.idx.msk [tilespmem:v60+s31+$0x0], $0xffff;
	v37 =	vadd.f32 v54, v37;
	v8 =	vadd.f32 v14, v29;
	v29 =	vshll.u32 v22, $0x10  }
0x8d: {  	v22 =	vand.u32 $0xFFFF0000, v22;
	v28 =	vadd.f32 v31, v28;
	v31 =	vand.u32 $0xFFFF0000, v36;
	v36 =	vld [tilespmem:s4+$0x880]  }
0x8e: {  	v14 =	vadd.f32 v57, v63;
	v63 =	vshll.u32 v43, $0x10;
	v43 =	vld.idx.msk [tilespmem:v60+s26+$0x0], $0xffff;
	v4 =	vadd.f32 v31, v61  }
0x8f: {  	v31 =	vshll.u32 v39, $0x10;
	v61 =	vld.idx.msk [tilespmem:v23+s30+$0x0], $0xffff;
	v39 =	vadd.f32 v51, v29;
	v29 =	vand.u32 $0xFFFF0000, v62  }
0x90: {  	v13 =	vshll.u32 v59, $0x10;
	v22 =	vadd.f32 v53, v22;
	v47 =	vadd.f32 v29, v47;
	v29 =	vld.idx.msk [tilespmem:v60+s0+$0x0], $0xffff  }
0x91: {  	v53 =	vand.u32 $0xFFFF0000, v52;
	v32 =	vld.idx.msk [tilespmem:v6+s2+$0x0], $0xffff;
	v21 =	vadd.f32 v4, v21;
	v4 =	vadd.f32 v56, v31  }
0x92: {  	v42 =	vadd.f32 v14, v42;
	v23 =	vand.u32 $0xFFFF0000, v59;
	v6 =	vld.idx.msk [tilespmem:v18+s2+$0x0], $0xffff;
	v39 =	vadd.f32 v39, v3  }
0x93: {  	v31 =	vadd.f32 v4, v1;
	v1 =	vshll.u32 v62, $0x10;
	v62 =	vshll.u32 v49, $0x10;
	v49 =	vld.idx.msk [tilespmem:v60+s1+$0x0], $0xffff  }
0x94: {  	v4 =	vadd.f32 v23, v58;
	v23 =	vshll.u32 v46, $0x10;
	v46 =	vld.idx.msk [tilespmem:v60+s24+$0x0], $0xffff;
	v1 =	vadd.f32 v1, v50  }
0x95: {  	v3 =	vshll.u32 v40, $0x10;
	v51 =	vadd.f32 v23, v62;
	v23 =	vadd.f32 v22, v27;
	v11 =	vld.idx.msk [tilespmem:v36+s29+$0x0], $0xffff  }
0x96: {  	v50 =	vand.u32 $0xFFFF0000, v61;
	v22 =	vadd.f32 v47, v35;
	v25 =	vadd.f32 v4, v25;
	v62 =	vld.idx.msk [tilespmem:v36+s28+$0x0], $0xffff  }
0x97: {  	v4 =	vadd.f32 v50, v7;
	v7 =	vand.u32 $0xFFFF0000, v38;
	v50 =	vadd.f32 v8, v33;
	v56 =	vld.idx.msk [tilespmem:v36+s24+$0x0], $0xffff  }
0x98: {  	v38 =	vand.u32 $0xFFFF0000, v12;
	v7 =	vadd.f32 v44, v7;
	v35 =	vadd.f32 v1, v5;
	v40 =	vld.idx.msk [tilespmem:v36+s0+$0x0], $0xffff  }
0x99: {  	v1 =	vshll.u32 v61, $0x10;
	v44 =	vadd.f32 v51, v2;
	v58 =	vld.idx.msk [tilespmem:v36+s25+$0x0], $0xffff;
	v51 =	vshll.u32 v12, $0x10  }
0x9a: {  	v5 =	vadd.f32 v55, v53;
	v54 =	vld.idx.msk [tilespmem:v36+s1+$0x0], $0xffff;
	v2 =	vadd.f32 v13, v3;
	v61 =	vshll.u32 v29, $0x10  }
0x9b: {  	v55 =	vld.idx.msk [tilespmem:v60+s25+$0x0], $0xffff;
	v3 =	vand.u32 $0xFFFF0000, v10;
	v27 =	vadd.f32 v4, v32;
	v4 =	vadd.f32 v1, v63  }
0x9c: {  	v53 =	vld.idx.msk [tilespmem:v36+s31+$0x0], $0xffff;
	v1 =	vshll.u32 v10, $0x10;
	v52 =	vand.u32 $0xFFFF0000, v49;
	v47 =	vadd.f32 v2, v41  }
0x9d: {  	v32 =	vld.idx.msk [tilespmem:v60+s30+$0x0], $0xffff;
	v59 =	vshll.u32 v49, $0x10;
	v41 =	vadd.f32 v5, v48;
	v33 =	vadd.f32 v7, v6  }
0x9e: {  	v48 =	vld.idx.msk [tilespmem:v36+s30+$0x0], $0xffff;
	v5 =	vand.u32 $0xFFFF0000, v9;
	v45 =	vadd.f32 v4, v45;
	v4 =	vand.u32 $0xFFFF0000, v11  }
0x9f: {  	v57 =	vshll.u32 v62, $0x10;
	v49 =	vand.u32 $0xFFFF0000, v62;
	v62 =	vld.idx.msk [tilespmem:v60+s23+$0x0], $0xffff;
	v3 =	vadd.f32 v4, v3  }
0xa0: {  	s3 =	simm.s32 $0x800;
	v2 =	vshll.u32 v11, $0x10;
	v63 =	vshll.u32 v40, $0x10;
	v60 =	vld.idx.msk [tilespmem:v60+s28+$0x0], $0xffff;
	v4 =	vshll.u32 v9, $0x10  }
.LBB2_2:
0xa1: {  	s4 =	sshra.s32 s3, $0x2;
	p0 =	sne.s32 s3, $0x6000;
	s3 =	sadd.s32 $0x400, s3;
	v6 =	vld.idx.msk [tilespmem:v36+s23+$0x0], $0xffff;
	v7 =	vshll.u32 v56, $0x10;
	v28 =	vadd.f32 v3, v28;
	v3 =	vadd.f32 v5, v24;
	v24 =	vmovc v52  }
0xa2: {  	v8 =	vand.u32 $0xFFFF0000, v56;
	v1 =	vadd.f32 v2, v1;
	v2 =	vadd.f32 v4, v26;
	v26 =	vmovc v59;
	v9 =	vmovc v54;
	v5 =	vld [tilespmem:s4+$0x800]  }
0xa3: {  	v10 =	vand.u32 $0xFFFF0000, v58;
	v11 =	vand.u32 $0xFFFF0000, v43;
	v4 =	vld [tilespmem:s4+$0x880];
	v34 =	vadd.f32 v3, v34  }
0xa4: {  	v13 =	vand.u32 $0xFFFF0000, v32;
	v3 =	vand.u32 $0xFFFF0000, v55;
	v30 =	vadd.f32 v1, v30;
	v12 =	vld.idx.msk [tilespmem:v36+s26+$0x0], $0xffff  }
0xa5: {  	v14 =	vshll.u32 v53, $0x10;
	v1 =	vand.u32 $0xFFFF0000, v46;
	v20 =	vadd.f32 v2, v20  }
0xa6: {  	v2 =	vshll.u32 v62, $0x10;
	v1 =	vadd.f32 v8, v1;
	v8 =	vshll.u32 v60, $0x10  }
0xa7: {  	v54 =	vshll.u32 v58, $0x10;
	v58 =	vadd.f32 v63, v61;
	v52 =	vshll.u32 v6, $0x10  }
0xa8: {  	v46 =	vshll.u32 v46, $0x10;
	v55 =	vshll.u32 v55, $0x10;
	v21 =	vadd.f32 v1, v21;
	v36 =	vmovc v4  }
0xa9: {  	v1 =	vadd.f32 v7, v46;
	v63 =	vadd.f32 v52, v2;
	v2 =	vand.u32 $0xFFFF0000, v48  }
0xaa: {  	v8 =	vadd.f32 v57, v8;
	v52 =	vand.u32 $0xFFFF0000, v60;
	v46 =	vand.u32 $0xFFFF0000, v12;
	v7 =	vld.idx.msk [tilespmem:v5+s29+$0x0], $0xffff  }
0xab: {  	v53 =	vand.u32 $0xFFFF0000, v53;
	v57 =	vand.u32 $0xFFFF0000, v62;
	v31 =	vadd.f32 v1, v31;
	v4 =	vld.idx.msk [tilespmem:v4+s29+$0x0], $0xffff  }
0xac: {  	v40 =	vand.u32 $0xFFFF0000, v40;
	v11 =	vadd.f32 v46, v11;
	v46 =	vadd.f32 v49, v52;
	v1 =	vld.idx.msk [tilespmem:v5+s1+$0x0], $0xffff  }
0xad: {  	v14 =	vadd.f32 v14, v51;
	v38 =	vadd.f32 v53, v38;
	v6 =	vand.u32 $0xFFFF0000, v6;
	v49 =	vld.idx.msk [tilespmem:v36+s28+$0x0], $0xffff  }
0xae: {  	v12 =	vshll.u32 v12, $0x10;
	v52 =	vadd.f32 v54, v55;
	v23 =	vadd.f32 v46, v23;
	v51 =	vld.idx.msk [tilespmem:v5+s31+$0x0], $0xffff  }
0xaf: {  	v10 =	vadd.f32 v10, v3;
	v3 =	vshll.u32 v43, $0x10;
	v25 =	vadd.f32 v11, v25;
	v53 =	vld.idx.msk [tilespmem:v5+s0+$0x0], $0xffff  }
0xb0: {  	v22 =	vadd.f32 v38, v22;
	v2 =	vadd.f32 v2, v13;
	v11 =	vand.u32 $0xFFFF0000, v29;
	v56 =	vld.idx.msk [tilespmem:v36+s24+$0x0], $0xffff  }
0xb1: {  	v35 =	vadd.f32 v14, v35;
	v13 =	vshll.u32 v32, $0x10;
	v11 =	vadd.f32 v40, v11;
	v46 =	vld.idx.msk [tilespmem:v5+s24+$0x0], $0xffff  }
0xb2: {  	v14 =	vshll.u32 v48, $0x10;
	v39 =	vadd.f32 v8, v39;
	v27 =	vadd.f32 v2, v27;
	v43 =	vld.idx.msk [tilespmem:v5+s26+$0x0], $0xffff  }
0xb3: {  	v2 =	vadd.f32 v14, v13;
	v44 =	vadd.f32 v52, v44;
	v32 =	vld.idx.msk [tilespmem:v5+s30+$0x0], $0xffff  }
0xb4: {  	v37 =	vadd.f32 v58, v37;
	v52 =	vand.u32 $0xFFFF0000, v1;
	v38 =	vand.u32 $0xFFFF0000, v51;
	v40 =	vld.idx.msk [tilespmem:v36+s0+$0x0], $0xffff  }
0xb5: {  	v6 =	vadd.f32 v6, v57;
	v59 =	vshll.u32 v1, $0x10;
	v51 =	vshll.u32 v51, $0x10;
	v29 =	vmovc v53;
	v58 =	vld.idx.msk [tilespmem:v36+s25+$0x0], $0xffff  }
0xb6: {  	v3 =	vadd.f32 v12, v3;
	v57 =	vshll.u32 v49, $0x10;
	v49 =	vand.u32 $0xFFFF0000, v49;
	v54 =	vld.idx.msk [tilespmem:v36+s1+$0x0], $0xffff  }
.Ltmp0:
0xb7: {  	v45 =	vadd.f32 v2, v45;
	v1 =	vshll.u32 v7, $0x10;
	v61 =	vshll.u32 v29, $0x10;
	v55 =	vld.idx.msk [tilespmem:v5+s25+$0x0], $0xffff;
	(pc) =	sbr.rel @p0 .LBB2_2-.Ltmp0, $4  }
0xb8: {  	v50 =	vadd.f32 v63, v50;
	v2 =	vshll.u32 v4, $0x10;
	v7 =	vand.u32 $0xFFFF0000, v7;
	v53 =	vld.idx.msk [tilespmem:v36+s31+$0x0], $0xffff  }
0xb9: {  	v41 =	vadd.f32 v6, v41;
	v47 =	vadd.f32 v3, v47;
	v4 =	vand.u32 $0xFFFF0000, v4;
	v48 =	vld.idx.msk [tilespmem:v36+s30+$0x0], $0xffff  }
0xba: {  	v33 =	vadd.f32 v11, v33;
	v3 =	vadd.f32 v4, v7;
	v63 =	vshll.u32 v40, $0x10;
	v62 =	vld.idx.msk [tilespmem:v5+s23+$0x0], $0xffff  }
0xbb: {  	v42 =	vadd.f32 v10, v42;
	v4 =	vshll.u32 v9, $0x10;
	v60 =	vld.idx.msk [tilespmem:v5+s28+$0x0], $0xffff;
	v5 =	vand.u32 $0xFFFF0000, v9  }
0xbc: {  	_ = 	snop  }
0xbd: {  	v5 =	vadd.f32 v5, v24;
	v1 =	vadd.f32 v2, v1  }
0xbe: {  	v2 =	vadd.f32 v4, v26;
	v3 =	vadd.f32 v3, v28;
	v7 =	vshll.u32 v56, $0x10  }
0xbf: {  	v10 =	vshll.u32 v58, $0x10;
	v11 =	vshll.u32 v46, $0x10;
	v12 =	vshll.u32 v55, $0x10  }
0xc0: {  	v6 =	vld.idx.msk [tilespmem:v36+s23+$0x0], $0xffff;
	v7 =	vadd.f32 v7, v11;
	v10 =	vadd.f32 v10, v12  }
0xc1: {  	v4 =	vadd.f32 v5, v34;
	v1 =	vadd.f32 v1, v30  }
0xc2: {  	v2 =	vadd.f32 v2, v20;
	v34 =	vand.u32 $0xFFFF0000, v58;
	v14 =	vshll.u32 v48, $0x10  }
0xc3: {  	v5 =	vld.idx.msk [tilespmem:v36+s26+$0x0], $0xffff;
	v48 =	vand.u32 $0xFFFF0000, v48;
	v8 =	vshll.u32 v62, $0x10;
	v7 =	vadd.f32 v7, v31  }
0xc4: {  	v10 =	vadd.f32 v10, v44;
	v44 =	vand.u32 $0xFFFF0000, v62;
	v13 =	vshll.u32 v60, $0x10  }
0xc5: {  	[tilespmem:$0x2680] =	vst v1;
	v1 =	vand.u32 $0xFFFF0000, v46;
	v9 =	vshll.u32 v6, $0x10;
	v13 =	vadd.f32 v57, v13  }
0xc6: {  	[tilespmem:$0x2480] =	vst v7;
	v7 =	vshll.u32 v53, $0x10;
	v6 =	vand.u32 $0xFFFF0000, v6;
	v8 =	vadd.f32 v9, v8  }
0xc7: {  	v9 =	vand.u32 $0xFFFF0000, v56;
	v56 =	vshll.u32 v43, $0x10;
	v7 =	vadd.f32 v7, v51  }
0xc8: {  	v6 =	vadd.f32 v6, v44;
	v36 =	vshll.u32 v5, $0x10;
	v13 =	vadd.f32 v13, v39  }
0xc9: {  	v39 =	vand.u32 $0xFFFF0000, v43;
	v1 =	vadd.f32 v9, v1;
	v8 =	vadd.f32 v8, v50  }
0xca: {  	[tilespmem:$0x2B80] =	vst v3;
	v5 =	vand.u32 $0xFFFF0000, v5;
	v11 =	vadd.f32 v36, v56;
	v7 =	vadd.f32 v7, v35  }
0xcb: {  	v36 =	vshll.u32 v32, $0x10;
	v6 =	vadd.f32 v6, v41;
	v5 =	vadd.f32 v5, v39;
	[tilespmem:$0x2400] =	vst v8  }
0xcc: {  	v46 =	vand.u32 $0xFFFF0000, v55;
	v1 =	vadd.f32 v1, v21;
	v8 =	vadd.f32 v14, v36;
	[tilespmem:$0x2780] =	vst v7  }
0xcd: {  	v7 =	vadd.f32 v34, v46;
	[tilespmem:$0x2900] =	vst v6;
	v6 =	vand.u32 $0xFFFF0000, v32;
	v5 =	vadd.f32 v5, v25  }
0xce: {  	v20 =	vshll.u32 v54, $0x10;
	[tilespmem:$0x2500] =	vst v10;
	v6 =	vadd.f32 v48, v6;
	v8 =	vadd.f32 v8, v45  }
0xcf: {  	[tilespmem:$0x2980] =	vst v1;
	v1 =	vand.u32 $0xFFFF0000, v53;
	v45 =	vadd.f32 v20, v59;
	v7 =	vadd.f32 v7, v42  }
0xd0: {  	v55 =	vld [tilespmem:$0x1FFF0];
	v1 =	vadd.f32 v1, v38;
	[tilespmem:$0x2A80] =	vst v5;
	v6 =	vadd.f32 v6, v27  }
0xd1: {  	v51 =	vld [tilespmem:$0x1FFB0];
	v2 =	vadd.f32 v45, v2;
	[tilespmem:$0x2A00] =	vst v7  }
0xd2: {  	v11 =	vadd.f32 v11, v47;
	v47 =	vand.u32 $0xFFFF0000, v60;
	v53 =	vld [tilespmem:$0x1FFD0];
	v1 =	vadd.f32 v1, v22;
	[tilespmem:$0x2C00] =	vst v6  }
0xd3: {  	v7 =	vand.u32 $0xFFFF0000, v40;
	v6 =	vld [tilespmem:$0x1FF70];
	[tilespmem:$0x2880] =	vst v2;
	v2 =	vadd.f32 v49, v47;
	v49 =	vand.u32 $0xFFFF0000, v29  }
0xd4: {  	v43 =	vadd.f32 v63, v61;
	[tilespmem:$0x2C80] =	vst v1;
	v1 =	vld [tilespmem:$0x1FF00];
	v5 =	vadd.f32 v7, v49  }
0xd5: {  	[tilespmem:$0x2600] =	vst v13;
	v7 =	vand.u32 $0xFFFF0000, v54;
	v54 =	vld [tilespmem:$0x1FFE0];
	v2 =	vadd.f32 v2, v23  }
0xd6: {  	v14 =	vadd.f32 v43, v37;
	[tilespmem:$0x2580] =	vst v11;
	v3 =	vadd.f32 v5, v33;
	v5 =	vld [tilespmem:$0x1FF50]  }
0xd7: {  	[tilespmem:$0x2B00] =	vst v2;
	v2 =	vadd.f32 v7, v52;
	v7 =	vld [tilespmem:$0x1FF80]  }
0xd8: {  	[tilespmem:$0x2800] =	vst v14;
	v52 =	vld [tilespmem:$0x1FFC0]  }
0xd9: {  	[tilespmem:$0x2D00] =	vst v3;
	v3 =	vld [tilespmem:$0x1FF20];
	v2 =	vadd.f32 v2, v4  }
0xda: {  	[tilespmem:$0x2700] =	vst v8;
	v4 =	vld [tilespmem:$0x1FF40]  }
0xdb: {  	s3 =	simm.s32 $0x0;
	[tilespmem:$0x2D80] =	vst v2;
	v2 =	vld [tilespmem:$0x1FF10]  }
0xdc: {  	v33 =	vld.idx.msk [tilespmem:v0+s3+$0x0], $0xffff  }
0xdd: {  	v1 =	vld.idx.msk [tilespmem:v1+s3+$0x0], $0xffff  }
0xde: {  	s4 =	simm.s32 $0x0;
	v6 =	vld.idx.msk [tilespmem:v6+s3+$0x0], $0xffff  }
0xdf: {  	v50 =	vld [tilespmem:s4+$0x810]  }
0xe0: {  	v9 =	vld [tilespmem:s4+$0x890]  }
0xe1: {  	v42 =	vld.idx.msk [tilespmem:v51+s3+$0x0], $0xffff  }
0xe2: {  	v11 =	vld.idx.msk [tilespmem:v53+s3+$0x0], $0xffff  }
0xe3: {  	v12 =	vld.idx.msk [tilespmem:v54+s3+$0x0], $0xffff  }
0xe4: {  	v13 =	vld.idx.msk [tilespmem:v55+s3+$0x0], $0xffff  }
0xe5: {  	v14 =	vld.idx.msk [tilespmem:v17+s3+$0x0], $0xffff;
	s4 =	simm.s32 $0x100  }
0xe6: {  	v60 =	vld [tilespmem:s4+$0x810]  }
0xe7: {  	v36 =	vld [tilespmem:s4+$0x890]  }
0xe8: {  	v45 =	vld.idx.msk [tilespmem:v5+s3+$0x0], $0xffff  }
0xe9: {  	v5 =	vld [tilespmem:$0x1FF60]  }
0xea: {  	v20 =	vld.idx.msk [tilespmem:v7+s3+$0x0], $0xffff  }
0xeb: {  	v7 =	vld [tilespmem:$0x1FF90]  }
0xec: {  	v10 =	vld.idx.msk [tilespmem:v52+s3+$0x0], $0xffff  }
0xed: {  	v41 =	vld.idx.msk [tilespmem:v3+s3+$0x0], $0xffff  }
0xee: {  	v3 =	vld [tilespmem:$0x1FF30]  }
0xef: {  	v4 =	vld.idx.msk [tilespmem:v4+s3+$0x0], $0xffff  }
0xf0: {  	v2 =	vld.idx.msk [tilespmem:v2+s3+$0x0], $0xffff  }
0xf1: {  	v21 =	vld.idx.msk [tilespmem:v50+s29+$0x0], $0xffff  }
0xf2: {  	v22 =	vld.idx.msk [tilespmem:v9+s29+$0x0], $0xffff  }
0xf3: {  	v23 =	vld.idx.msk [tilespmem:v50+s1+$0x0], $0xffff  }
0xf4: {  	v25 =	vld.idx.msk [tilespmem:v9+s28+$0x0], $0xffff  }
0xf5: {  	v26 =	vld.idx.msk [tilespmem:v50+s31+$0x0], $0xffff  }
0xf6: {  	v27 =	vld.idx.msk [tilespmem:v50+s0+$0x0], $0xffff  }
0xf7: {  	v29 =	vld.idx.msk [tilespmem:v9+s24+$0x0], $0xffff  }
0xf8: {  	v31 =	vld.idx.msk [tilespmem:v50+s24+$0x0], $0xffff  }
0xf9: {  	v32 =	vld.idx.msk [tilespmem:v50+s26+$0x0], $0xffff  }
0xfa: {  	v35 =	vld.idx.msk [tilespmem:v50+s30+$0x0], $0xffff  }
0xfb: {  	v37 =	vld.idx.msk [tilespmem:v9+s0+$0x0], $0xffff  }
0xfc: {  	v38 =	vld.idx.msk [tilespmem:v9+s25+$0x0], $0xffff  }
0xfd: {  	v40 =	vld.idx.msk [tilespmem:v50+s25+$0x0], $0xffff  }
0xfe: {  	v48 =	vld.idx.msk [tilespmem:v7+s3+$0x0], $0xffff  }
0xff: {  	v7 =	vld [tilespmem:$0x1FFA0]  }
0x100: {  	v44 =	vld.idx.msk [tilespmem:v50+s23+$0x0], $0xffff;
	v39 =	vand.u32 $0xFFFF0000, v26;
	v24 =	vand.u32 $0xFFFF0000, v23  }
0x101: {  	v8 =	vld.idx.msk [tilespmem:v50+s28+$0x0], $0xffff;
	v43 =	vshll.u32 v26, $0x10;
	v26 =	vshll.u32 v23, $0x10;
	v23 =	vshll.u32 v25, $0x10  }
0x102: {  	v46 =	vld.idx.msk [tilespmem:v9+s23+$0x0], $0xffff;
	v25 =	vand.u32 $0xFFFF0000, v25;
	v28 =	vand.u32 $0xFFFF0000, v21;
	v30 =	vand.u32 $0xFFFF0000, v22  }
0x103: {  	v50 =	vld.idx.msk [tilespmem:v9+s26+$0x0], $0xffff;
	v21 =	vshll.u32 v21, $0x10;
	v34 =	vshll.u32 v27, $0x10;
	v22 =	vshll.u32 v22, $0x10  }
0x104: {  	v54 =	vld.idx.msk [tilespmem:v60+s1+$0x0], $0xffff;
	v56 =	vshll.u32 v37, $0x10;
	v49 =	vshll.u32 v29, $0x10;
	v57 =	vand.u32 $0xFFFF0000, v29  }
0x105: {  	v59 =	vld.idx.msk [tilespmem:v9+s31+$0x0], $0xffff;
	v29 =	vand.u32 $0xFFFF0000, v32;
	v58 =	vand.u32 $0xFFFF0000, v31;
	v53 =	vand.u32 $0xFFFF0000, v40  }
0x106: {  	v15 =	vld.idx.msk [tilespmem:v36+s29+$0x0], $0xffff;
	v63 =	vshll.u32 v44, $0x10;
	v31 =	vshll.u32 v31, $0x10;
	v55 =	vand.u32 $0xFFFF0000, v44  }
0x107: {  	v28 =	vadd.f32 v30, v28;
	v21 =	vadd.f32 v22, v21;
	v22 =	vand.u32 $0xFFFF0000, v38;
	v7 =	vld.idx.msk [tilespmem:v7+s3+$0x0], $0xffff  }
0x108: {  	v61 =	vld.idx.msk [tilespmem:v36+s28+$0x0], $0xffff;
	v37 =	vand.u32 $0xFFFF0000, v37;
	v47 =	vadd.f32 v56, v34;
	v16 =	vadd.f32 v22, v53  }
0x109: {  	v5 =	vld.idx.msk [tilespmem:v5+s3+$0x0], $0xffff;
	v52 =	vand.u32 $0xFFFF0000, v54;
	v28 =	vadd.f32 v28, v12;
	v30 =	vadd.f32 v21, v4  }
0x10a: {  	v3 =	vld.idx.msk [tilespmem:v3+s3+$0x0], $0xffff;
	v4 =	vadd.f32 v57, v58;
	v57 =	vshll.u32 v46, $0x10;
	v58 =	vand.u32 $0xFFFF0000, v27  }
0x10b: {  	v34 =	vld.idx.msk [tilespmem:v19+s3+$0x0], $0xffff;
	v62 =	vadd.f32 v57, v63;
	v57 =	vand.u32 $0xFFFF0000, v46;
	v42 =	vadd.f32 v16, v42  }
0x10c: {  	v56 =	vld.idx.msk [tilespmem:v36+s24+$0x0], $0xffff;
	v21 =	vadd.f32 v4, v7;
	v4 =	vadd.f32 v49, v31;
	v31 =	vshll.u32 v8, $0x10  }
0x10d: {  	v53 =	vld.idx.msk [tilespmem:v36+s31+$0x0], $0xffff;
	v8 =	vand.u32 $0xFFFF0000, v8;
	v51 =	vadd.f32 v23, v31;
	v23 =	vand.u32 $0xFFFF0000, v50  }
0x10e: {  	v12 =	vld.idx.msk [tilespmem:v18+s3+$0x0], $0xffff;
	v8 =	vadd.f32 v25, v8;
	v25 =	vand.u32 $0xFFFF0000, v59;
	v31 =	vadd.f32 v4, v1  }
0x10f: {  	v7 =	vld.idx.msk [tilespmem:v9+s30+$0x0], $0xffff;
	v1 =	vshll.u32 v59, $0x10;
	v4 =	vadd.f32 v23, v29;
	v23 =	vshll.u32 v38, $0x10  }
0x110: {  	v63 =	vld.idx.msk [tilespmem:v60+s29+$0x0], $0xffff;
	v29 =	vshll.u32 v40, $0x10;
	v38 =	vadd.f32 v25, v39;
	v1 =	vadd.f32 v1, v43  }
0x111: {  	v46 =	vld.idx.msk [tilespmem:v60+s24+$0x0], $0xffff;
	v49 =	vand.u32 $0xFFFF0000, v35;
	v40 =	vadd.f32 v23, v29;
	v23 =	vadd.f32 v8, v11  }
0x112: {  	v9 =	vld.idx.msk [tilespmem:v9+s1+$0x0], $0xffff;
	v11 =	vshll.u32 v50, $0x10;
	v50 =	vadd.f32 v62, v33;
	v25 =	vadd.f32 v4, v10  }
0x113: {  	v59 =	vshll.u32 v35, $0x10;
	v8 =	vld.idx.msk [tilespmem:v60+s31+$0x0], $0xffff;
	v22 =	vadd.f32 v38, v14;
	v10 =	vadd.f32 v37, v58  }
0x114: {  	v29 =	vld.idx.msk [tilespmem:v60+s0+$0x0], $0xffff;
	v37 =	vadd.f32 v47, v6;
	v39 =	vand.u32 $0xFFFF0000, v7;
	v35 =	vadd.f32 v1, v5  }
0x115: {  	v43 =	vld.idx.msk [tilespmem:v60+s26+$0x0], $0xffff;
	v1 =	vshll.u32 v7, $0x10;
	v44 =	vadd.f32 v40, v2;
	v5 =	vadd.f32 v57, v55  }
0x116: {  	v62 =	vld.idx.msk [tilespmem:v60+s23+$0x0], $0xffff;
	v57 =	vshll.u32 v61, $0x10;
	v4 =	vadd.f32 v39, v49;
	v39 =	vadd.f32 v51, v3  }
0x117: {  	v58 =	vld.idx.msk [tilespmem:v36+s25+$0x0], $0xffff;
	v3 =	vshll.u32 v32, $0x10;
	v49 =	vand.u32 $0xFFFF0000, v61;
	v33 =	vadd.f32 v10, v12  }
0x118: {  	v40 =	vld.idx.msk [tilespmem:v36+s0+$0x0], $0xffff;
	v2 =	vadd.f32 v11, v3;
	v3 =	vand.u32 $0xFFFF0000, v63;
	v27 =	vadd.f32 v4, v13  }
0x119: {  	v55 =	vld.idx.msk [tilespmem:v60+s25+$0x0], $0xffff;
	v4 =	vadd.f32 v1, v59;
	v38 =	vand.u32 $0xFFFF0000, v8;
	v51 =	vshll.u32 v8, $0x10  }
0x11a: {  	v59 =	vshll.u32 v54, $0x10;
	v54 =	vld.idx.msk [tilespmem:v36+s1+$0x0], $0xffff;
	v1 =	vshll.u32 v63, $0x10;
	v61 =	vshll.u32 v29, $0x10  }
0x11b: {  	v32 =	vld.idx.msk [tilespmem:v60+s30+$0x0], $0xffff;
	v47 =	vadd.f32 v2, v41;
	v45 =	vadd.f32 v4, v45;
	v4 =	vand.u32 $0xFFFF0000, v15  }
0x11c: {  	v60 =	vld.idx.msk [tilespmem:v60+s28+$0x0], $0xffff;
	v2 =	vshll.u32 v15, $0x10;
	v41 =	vadd.f32 v5, v48;
	v3 =	vadd.f32 v4, v3  }
0x11d: {  	s3 =	simm.s32 $0x800;
	v48 =	vld.idx.msk [tilespmem:v36+s30+$0x0], $0xffff;
	v5 =	vand.u32 $0xFFFF0000, v9;
	v63 =	vshll.u32 v40, $0x10;
	v4 =	vshll.u32 v9, $0x10  }
.LBB2_4:
0x11e: {  	s4 =	sshra.s32 s3, $0x2;
	p0 =	sne.s32 s3, $0x6000;
	s3 =	sadd.s32 $0x400, s3;
	v6 =	vld.idx.msk [tilespmem:v36+s23+$0x0], $0xffff;
	v7 =	vshll.u32 v56, $0x10;
	v28 =	vadd.f32 v3, v28;
	v3 =	vadd.f32 v5, v24;
	v24 =	vmovc v52  }
0x11f: {  	v8 =	vand.u32 $0xFFFF0000, v56;
	v1 =	vadd.f32 v2, v1;
	v2 =	vadd.f32 v4, v26;
	v26 =	vmovc v59;
	v9 =	vmovc v54;
	v5 =	vld [tilespmem:s4+$0x810]  }
0x120: {  	v10 =	vand.u32 $0xFFFF0000, v58;
	v11 =	vand.u32 $0xFFFF0000, v43;
	v4 =	vld [tilespmem:s4+$0x890];
	v34 =	vadd.f32 v3, v34  }
0x121: {  	v13 =	vand.u32 $0xFFFF0000, v32;
	v3 =	vand.u32 $0xFFFF0000, v55;
	v30 =	vadd.f32 v1, v30;
	v12 =	vld.idx.msk [tilespmem:v36+s26+$0x0], $0xffff  }
0x122: {  	v14 =	vshll.u32 v53, $0x10;
	v1 =	vand.u32 $0xFFFF0000, v46;
	v20 =	vadd.f32 v2, v20  }
0x123: {  	v2 =	vshll.u32 v62, $0x10;
	v1 =	vadd.f32 v8, v1;
	v8 =	vshll.u32 v60, $0x10  }
0x124: {  	v16 =	vshll.u32 v58, $0x10;
	v54 =	vadd.f32 v63, v61;
	v15 =	vshll.u32 v6, $0x10  }
0x125: {  	v52 =	vshll.u32 v55, $0x10;
	v46 =	vshll.u32 v46, $0x10;
	v21 =	vadd.f32 v1, v21;
	v36 =	vmovc v4  }
0x126: {  	v1 =	vadd.f32 v7, v46;
	v15 =	vadd.f32 v15, v2;
	v2 =	vand.u32 $0xFFFF0000, v48  }
0x127: {  	v55 =	vand.u32 $0xFFFF0000, v60;
	v8 =	vadd.f32 v57, v8;
	v46 =	vand.u32 $0xFFFF0000, v12;
	v7 =	vld.idx.msk [tilespmem:v5+s29+$0x0], $0xffff  }
0x128: {  	v53 =	vand.u32 $0xFFFF0000, v53;
	v57 =	vand.u32 $0xFFFF0000, v62;
	v31 =	vadd.f32 v1, v31;
	v4 =	vld.idx.msk [tilespmem:v4+s29+$0x0], $0xffff  }
0x129: {  	v40 =	vand.u32 $0xFFFF0000, v40;
	v11 =	vadd.f32 v46, v11;
	v46 =	vadd.f32 v49, v55;
	v1 =	vld.idx.msk [tilespmem:v5+s1+$0x0], $0xffff  }
0x12a: {  	v14 =	vadd.f32 v14, v51;
	v38 =	vadd.f32 v53, v38;
	v6 =	vand.u32 $0xFFFF0000, v6;
	v49 =	vld.idx.msk [tilespmem:v36+s28+$0x0], $0xffff  }
0x12b: {  	v16 =	vadd.f32 v16, v52;
	v12 =	vshll.u32 v12, $0x10;
	v23 =	vadd.f32 v46, v23;
	v51 =	vld.idx.msk [tilespmem:v5+s31+$0x0], $0xffff  }
0x12c: {  	v10 =	vadd.f32 v10, v3;
	v3 =	vshll.u32 v43, $0x10;
	v25 =	vadd.f32 v11, v25;
	v53 =	vld.idx.msk [tilespmem:v5+s0+$0x0], $0xffff  }
0x12d: {  	v22 =	vadd.f32 v38, v22;
	v2 =	vadd.f32 v2, v13;
	v11 =	vand.u32 $0xFFFF0000, v29;
	v56 =	vld.idx.msk [tilespmem:v36+s24+$0x0], $0xffff  }
0x12e: {  	v35 =	vadd.f32 v14, v35;
	v13 =	vshll.u32 v32, $0x10;
	v11 =	vadd.f32 v40, v11;
	v46 =	vld.idx.msk [tilespmem:v5+s24+$0x0], $0xffff  }
0x12f: {  	v14 =	vshll.u32 v48, $0x10;
	v39 =	vadd.f32 v8, v39;
	v27 =	vadd.f32 v2, v27;
	v43 =	vld.idx.msk [tilespmem:v5+s26+$0x0], $0xffff  }
0x130: {  	v44 =	vadd.f32 v16, v44;
	v2 =	vadd.f32 v14, v13;
	v32 =	vld.idx.msk [tilespmem:v5+s30+$0x0], $0xffff  }
0x131: {  	v37 =	vadd.f32 v54, v37;
	v52 =	vand.u32 $0xFFFF0000, v1;
	v38 =	vand.u32 $0xFFFF0000, v51;
	v40 =	vld.idx.msk [tilespmem:v36+s0+$0x0], $0xffff  }
0x132: {  	v6 =	vadd.f32 v6, v57;
	v59 =	vshll.u32 v1, $0x10;
	v51 =	vshll.u32 v51, $0x10;
	v29 =	vmovc v53;
	v58 =	vld.idx.msk [tilespmem:v36+s25+$0x0], $0xffff  }
0x133: {  	v3 =	vadd.f32 v12, v3;
	v57 =	vshll.u32 v49, $0x10;
	v49 =	vand.u32 $0xFFFF0000, v49;
	v54 =	vld.idx.msk [tilespmem:v36+s1+$0x0], $0xffff  }
.Ltmp1:
0x134: {  	v45 =	vadd.f32 v2, v45;
	v1 =	vshll.u32 v7, $0x10;
	v61 =	vshll.u32 v29, $0x10;
	v55 =	vld.idx.msk [tilespmem:v5+s25+$0x0], $0xffff;
	(pc) =	sbr.rel @p0 .LBB2_4-.Ltmp1, $4  }
0x135: {  	v50 =	vadd.f32 v15, v50;
	v2 =	vshll.u32 v4, $0x10;
	v7 =	vand.u32 $0xFFFF0000, v7;
	v53 =	vld.idx.msk [tilespmem:v36+s31+$0x0], $0xffff  }
0x136: {  	v41 =	vadd.f32 v6, v41;
	v47 =	vadd.f32 v3, v47;
	v4 =	vand.u32 $0xFFFF0000, v4;
	v48 =	vld.idx.msk [tilespmem:v36+s30+$0x0], $0xffff  }
0x137: {  	v33 =	vadd.f32 v11, v33;
	v3 =	vadd.f32 v4, v7;
	v63 =	vshll.u32 v40, $0x10;
	v62 =	vld.idx.msk [tilespmem:v5+s23+$0x0], $0xffff  }
0x138: {  	v42 =	vadd.f32 v10, v42;
	v4 =	vshll.u32 v9, $0x10;
	v60 =	vld.idx.msk [tilespmem:v5+s28+$0x0], $0xffff;
	v5 =	vand.u32 $0xFFFF0000, v9  }
0x139: {  	_ =	sdelay $0x1  }
0x13a: {  	v5 =	vadd.f32 v5, v24;
	v1 =	vadd.f32 v2, v1  }
0x13b: {  	v2 =	vadd.f32 v4, v26;
	v3 =	vadd.f32 v3, v28;
	v7 =	vshll.u32 v56, $0x10  }
0x13c: {  	v6 =	vld.idx.msk [tilespmem:v36+s23+$0x0], $0xffff;
	v10 =	vshll.u32 v58, $0x10;
	v11 =	vshll.u32 v46, $0x10;
	v12 =	vshll.u32 v55, $0x10  }
0x13d: {  	v7 =	vadd.f32 v7, v11;
	v10 =	vadd.f32 v10, v12  }
0x13e: {  	v15 =	vshll.u32 v54, $0x10;
	v4 =	vadd.f32 v5, v34;
	v1 =	vadd.f32 v1, v30  }
0x13f: {  	v2 =	vadd.f32 v2, v20;
	v34 =	vshll.u32 v32, $0x10;
	v7 =	vadd.f32 v7, v31  }
0x140: {  	v5 =	vld.idx.msk [tilespmem:v36+s26+$0x0], $0xffff;
	v8 =	vshll.u32 v62, $0x10;
	v10 =	vadd.f32 v10, v44;
	v44 =	vadd.f32 v15, v59  }
0x141: {  	v13 =	vshll.u32 v60, $0x10;
	[tilespmem:$0x2690] =	vst v1;
	v1 =	vand.u32 $0xFFFF0000, v46;
	v9 =	vshll.u32 v6, $0x10  }
0x142: {  	v13 =	vadd.f32 v57, v13;
	[tilespmem:$0x2490] =	vst v7;
	v7 =	vshll.u32 v53, $0x10;
	v6 =	vand.u32 $0xFFFF0000, v6  }
0x143: {  	v2 =	vadd.f32 v44, v2;
	v8 =	vadd.f32 v9, v8;
	v9 =	vand.u32 $0xFFFF0000, v56  }
0x144: {  	v56 =	vshll.u32 v43, $0x10;
	v7 =	vadd.f32 v7, v51;
	v13 =	vadd.f32 v13, v39  }
0x145: {  	v36 =	vshll.u32 v5, $0x10;
	v1 =	vadd.f32 v9, v1;
	v8 =	vadd.f32 v8, v50  }
0x146: {  	[tilespmem:$0x2B90] =	vst v3;
	v11 =	vadd.f32 v36, v56;
	v36 =	vand.u32 $0xFFFF0000, v43;
	v43 =	vand.u32 $0xFFFF0000, v62  }
0x147: {  	v14 =	vshll.u32 v48, $0x10;
	[tilespmem:$0x2510] =	vst v10;
	v6 =	vadd.f32 v6, v43;
	v1 =	vadd.f32 v1, v21  }
0x148: {  	v58 =	vand.u32 $0xFFFF0000, v58;
	v7 =	vadd.f32 v7, v35;
	[tilespmem:$0x2410] =	vst v8;
	v8 =	vadd.f32 v14, v34  }
0x149: {  	v11 =	vadd.f32 v11, v47;
	v6 =	vadd.f32 v6, v41;
	[tilespmem:$0x2990] =	vst v1;
	v1 =	vand.u32 $0xFFFF0000, v53  }
0x14a: {  	[tilespmem:$0x2790] =	vst v7;
	v8 =	vadd.f32 v8, v45;
	v45 =	vand.u32 $0xFFFF0000, v55;
	v1 =	vadd.f32 v1, v38  }
0x14b: {  	v47 =	vand.u32 $0xFFFF0000, v48;
	v7 =	vadd.f32 v58, v45;
	[tilespmem:$0x2910] =	vst v6;
	v6 =	vand.u32 $0xFFFF0000, v32  }
0x14c: {  	v51 =	vld [tilespmem:$0x1FFC0];
	v5 =	vand.u32 $0xFFFF0000, v5;
	[tilespmem:$0x2890] =	vst v2;
	v6 =	vadd.f32 v47, v6;
	v1 =	vadd.f32 v1, v22  }
0x14d: {  	v46 =	vand.u32 $0xFFFF0000, v60;
	v50 =	vld [tilespmem:$0x1FFB0];
	[tilespmem:$0x2610] =	vst v13;
	v5 =	vadd.f32 v5, v36;
	v7 =	vadd.f32 v7, v42  }
0x14e: {  	v2 =	vadd.f32 v49, v46;
	v53 =	vld [tilespmem:$0x1FFE0];
	v6 =	vadd.f32 v6, v27;
	[tilespmem:$0x2C90] =	vst v1  }
0x14f: {  	v39 =	vadd.f32 v63, v61;
	v5 =	vadd.f32 v5, v25;
	v1 =	vld [tilespmem:$0x1FF00];
	[tilespmem:$0x2A10] =	vst v7  }
0x150: {  	v2 =	vadd.f32 v2, v23;
	v48 =	vand.u32 $0xFFFF0000, v29;
	v7 =	vand.u32 $0xFFFF0000, v40;
	[tilespmem:$0x2C10] =	vst v6;
	v6 =	vld [tilespmem:$0x1FF70]  }
0x151: {  	[tilespmem:$0x2A90] =	vst v5;
	v5 =	vadd.f32 v7, v48;
	v7 =	vand.u32 $0xFFFF0000, v54;
	v54 =	vld [tilespmem:$0x1FFF0]  }
0x152: {  	v14 =	vadd.f32 v39, v37;
	[tilespmem:$0x2B10] =	vst v2;
	v2 =	vadd.f32 v7, v52;
	v7 =	vld [tilespmem:$0x1FF80]  }
0x153: {  	[tilespmem:$0x2590] =	vst v11;
	v52 =	vld [tilespmem:$0x1FFD0]  }
0x154: {  	[tilespmem:$0x2810] =	vst v14;
	v3 =	vadd.f32 v5, v33;
	v5 =	vld [tilespmem:$0x1FF50]  }
0x155: {  	[tilespmem:$0x2710] =	vst v8;
	v2 =	vadd.f32 v2, v4;
	v4 =	vld [tilespmem:$0x1FF40]  }
0x156: {  	[tilespmem:$0x2D10] =	vst v3;
	v3 =	vld [tilespmem:$0x1FF20]  }
0x157: {  	s3 =	simm.s32 $0x0;
	[tilespmem:$0x2D90] =	vst v2;
	v2 =	vld [tilespmem:$0x1FF10]  }
0x158: {  	v33 =	vld.idx.msk [tilespmem:v0+s3+$0x0], $0xffff  }
0x159: {  	s4 =	simm.s32 $0x0;
	v1 =	vld.idx.msk [tilespmem:v1+s3+$0x0], $0xffff  }
0x15a: {  	v49 =	vld [tilespmem:s4+$0x820]  }
0x15b: {  	v9 =	vld [tilespmem:s4+$0x8A0]  }
0x15c: {  	v42 =	vld.idx.msk [tilespmem:v50+s3+$0x0], $0xffff  }
0x15d: {  	v10 =	vld.idx.msk [tilespmem:v51+s3+$0x0], $0xffff  }
0x15e: {  	v12 =	vld.idx.msk [tilespmem:v53+s3+$0x0], $0xffff  }
0x15f: {  	v14 =	vld.idx.msk [tilespmem:v17+s3+$0x0], $0xffff  }
0x160: {  	s4 =	simm.s32 $0x100;
	v34 =	vld.idx.msk [tilespmem:v19+s3+$0x0], $0xffff  }
0x161: {  	v60 =	vld [tilespmem:s4+$0x820]  }
0x162: {  	v36 =	vld [tilespmem:s4+$0x8A0]  }
0x163: {  	v6 =	vld.idx.msk [tilespmem:v6+s3+$0x0], $0xffff  }
0x164: {  	v13 =	vld.idx.msk [tilespmem:v54+s3+$0x0], $0xffff  }
0x165: {  	v20 =	vld.idx.msk [tilespmem:v7+s3+$0x0], $0xffff  }
0x166: {  	v7 =	vld [tilespmem:$0x1FF90]  }
0x167: {  	v11 =	vld.idx.msk [tilespmem:v52+s3+$0x0], $0xffff  }
0x168: {  	v45 =	vld.idx.msk [tilespmem:v5+s3+$0x0], $0xffff  }
0x169: {  	v5 =	vld [tilespmem:$0x1FF60]  }
0x16a: {  	v4 =	vld.idx.msk [tilespmem:v4+s3+$0x0], $0xffff  }
0x16b: {  	v41 =	vld.idx.msk [tilespmem:v3+s3+$0x0], $0xffff  }
0x16c: {  	v3 =	vld [tilespmem:$0x1FF30]  }
0x16d: {  	v2 =	vld.idx.msk [tilespmem:v2+s3+$0x0], $0xffff  }
0x16e: {  	v15 =	vld.idx.msk [tilespmem:v49+s29+$0x0], $0xffff  }
0x16f: {  	v16 =	vld.idx.msk [tilespmem:v9+s29+$0x0], $0xffff  }
0x170: {  	v21 =	vld.idx.msk [tilespmem:v49+s1+$0x0], $0xffff  }
0x171: {  	v22 =	vld.idx.msk [tilespmem:v9+s28+$0x0], $0xffff  }
0x172: {  	v23 =	vld.idx.msk [tilespmem:v49+s31+$0x0], $0xffff  }
0x173: {  	v27 =	vld.idx.msk [tilespmem:v49+s0+$0x0], $0xffff  }
0x174: {  	v25 =	vld.idx.msk [tilespmem:v9+s24+$0x0], $0xffff  }
0x175: {  	v29 =	vld.idx.msk [tilespmem:v49+s24+$0x0], $0xffff  }
0x176: {  	v32 =	vld.idx.msk [tilespmem:v49+s26+$0x0], $0xffff  }
0x177: {  	v35 =	vld.idx.msk [tilespmem:v49+s30+$0x0], $0xffff  }
0x178: {  	v37 =	vld.idx.msk [tilespmem:v9+s0+$0x0], $0xffff  }
0x179: {  	v48 =	vld.idx.msk [tilespmem:v7+s3+$0x0], $0xffff  }
0x17a: {  	v7 =	vld [tilespmem:$0x1FFA0]  }
0x17b: {  	v40 =	vld.idx.msk [tilespmem:v49+s25+$0x0], $0xffff  }
0x17c: {  	v44 =	vld.idx.msk [tilespmem:v9+s23+$0x0], $0xffff;
	v39 =	vand.u32 $0xFFFF0000, v23;
	v24 =	vand.u32 $0xFFFF0000, v21  }
0x17d: {  	v43 =	vld.idx.msk [tilespmem:v49+s23+$0x0], $0xffff;
	v23 =	vshll.u32 v23, $0x10;
	v26 =	vshll.u32 v21, $0x10;
	v31 =	vshll.u32 v22, $0x10  }
0x17e: {  	v38 =	vld.idx.msk [tilespmem:v9+s25+$0x0], $0xffff;
	v22 =	vand.u32 $0xFFFF0000, v22;
	v21 =	vand.u32 $0xFFFF0000, v15;
	v28 =	vand.u32 $0xFFFF0000, v16  }
0x17f: {  	v8 =	vld.idx.msk [tilespmem:v49+s28+$0x0], $0xffff;
	v15 =	vshll.u32 v15, $0x10;
	v55 =	vshll.u32 v27, $0x10;
	v16 =	vshll.u32 v16, $0x10  }
0x180: {  	v49 =	vld.idx.msk [tilespmem:v9+s26+$0x0], $0xffff;
	v56 =	vshll.u32 v37, $0x10;
	v57 =	vshll.u32 v25, $0x10;
	v58 =	vand.u32 $0xFFFF0000, v25  }
0x181: {  	v59 =	vld.idx.msk [tilespmem:v9+s31+$0x0], $0xffff;
	v25 =	vand.u32 $0xFFFF0000, v32;
	v51 =	vand.u32 $0xFFFF0000, v40;
	v63 =	vshll.u32 v44, $0x10  }
0x182: {  	v47 =	vand.u32 $0xFFFF0000, v35;
	v54 =	vand.u32 $0xFFFF0000, v43;
	v21 =	vadd.f32 v28, v21;
	v7 =	vld.idx.msk [tilespmem:v7+s3+$0x0], $0xffff  }
0x183: {  	v62 =	vld.idx.msk [tilespmem:v60+s29+$0x0], $0xffff;
	v37 =	vand.u32 $0xFFFF0000, v37;
	v15 =	vadd.f32 v16, v15;
	v16 =	vand.u32 $0xFFFF0000, v38  }
0x184: {  	v50 =	vld.idx.msk [tilespmem:v60+s1+$0x0], $0xffff;
	v16 =	vadd.f32 v16, v51;
	v28 =	vadd.f32 v21, v12;
	v21 =	vand.u32 $0xFFFF0000, v29  }
0x185: {  	v5 =	vld.idx.msk [tilespmem:v5+s3+$0x0], $0xffff;
	v30 =	vadd.f32 v15, v4;
	v15 =	vshll.u32 v43, $0x10;
	v4 =	vadd.f32 v58, v21  }
0x186: {  	v61 =	vshll.u32 v35, $0x10;
	v3 =	vld.idx.msk [tilespmem:v3+s3+$0x0], $0xffff;
	v53 =	vadd.f32 v56, v55;
	v15 =	vadd.f32 v63, v15  }
0x187: {  	v55 =	vld.idx.msk [tilespmem:v36+s28+$0x0], $0xffff;
	v29 =	vshll.u32 v29, $0x10;
	v42 =	vadd.f32 v16, v42;
	v21 =	vadd.f32 v4, v7  }
0x188: {  	v56 =	vld.idx.msk [tilespmem:v36+s24+$0x0], $0xffff;
	v4 =	vadd.f32 v57, v29;
	v29 =	vshll.u32 v8, $0x10;
	v8 =	vand.u32 $0xFFFF0000, v8  }
0x189: {  	v12 =	vld.idx.msk [tilespmem:v18+s3+$0x0], $0xffff;
	v57 =	vand.u32 $0xFFFF0000, v44;
	v52 =	vadd.f32 v31, v29;
	v29 =	vand.u32 $0xFFFF0000, v49  }
0x18a: {  	v43 =	vld.idx.msk [tilespmem:v60+s26+$0x0], $0xffff;
	v8 =	vadd.f32 v22, v8;
	v22 =	vand.u32 $0xFFFF0000, v59;
	v31 =	vadd.f32 v4, v1  }
0x18b: {  	v63 =	vld.idx.msk [tilespmem:v36+s29+$0x0], $0xffff;
	v1 =	vshll.u32 v59, $0x10;
	v4 =	vadd.f32 v29, v25;
	v25 =	vshll.u32 v38, $0x10  }
0x18c: {  	v58 =	vld.idx.msk [tilespmem:v36+s25+$0x0], $0xffff;
	v29 =	vshll.u32 v40, $0x10;
	v22 =	vadd.f32 v22, v39;
	v1 =	vadd.f32 v1, v23  }
0x18d: {  	v7 =	vld.idx.msk [tilespmem:v9+s30+$0x0], $0xffff;
	v59 =	vand.u32 $0xFFFF0000, v27;
	v40 =	vadd.f32 v25, v29;
	v23 =	vadd.f32 v8, v11  }
0x18e: {  	v9 =	vld.idx.msk [tilespmem:v9+s1+$0x0], $0xffff;
	v11 =	vshll.u32 v49, $0x10;
	v39 =	vadd.f32 v52, v3;
	v3 =	vshll.u32 v32, $0x10  }
0x18f: {  	v8 =	vld.idx.msk [tilespmem:v60+s31+$0x0], $0xffff;
	v52 =	vand.u32 $0xFFFF0000, v50;
	v25 =	vadd.f32 v4, v10;
	v22 =	vadd.f32 v22, v14  }
0x190: {  	v29 =	vld.idx.msk [tilespmem:v60+s0+$0x0], $0xffff;
	v49 =	vand.u32 $0xFFFF0000, v55;
	v10 =	vadd.f32 v37, v59;
	v37 =	vadd.f32 v53, v6  }
0x191: {  	v32 =	vld.idx.msk [tilespmem:v60+s30+$0x0], $0xffff;
	v59 =	vshll.u32 v50, $0x10;
	v50 =	vadd.f32 v15, v33;
	v35 =	vadd.f32 v1, v5  }
0x192: {  	v53 =	vld.idx.msk [tilespmem:v36+s31+$0x0], $0xffff;
	v46 =	vand.u32 $0xFFFF0000, v7;
	v44 =	vadd.f32 v40, v2;
	v2 =	vadd.f32 v11, v3  }
0x193: {  	v1 =	vshll.u32 v7, $0x10;
	v40 =	vld.idx.msk [tilespmem:v36+s0+$0x0], $0xffff;
	v5 =	vadd.f32 v57, v54;
	v4 =	vadd.f32 v46, v47  }
0x194: {  	v57 =	vshll.u32 v55, $0x10;
	v54 =	vld.idx.msk [tilespmem:v36+s1+$0x0], $0xffff;
	v33 =	vadd.f32 v10, v12;
	v47 =	vadd.f32 v2, v41  }
0x195: {  	v55 =	vld.idx.msk [tilespmem:v60+s25+$0x0], $0xffff;
	v3 =	vand.u32 $0xFFFF0000, v62;
	v27 =	vadd.f32 v4, v13;
	v4 =	vadd.f32 v1, v61  }
0x196: {  	v46 =	vld.idx.msk [tilespmem:v60+s24+$0x0], $0xffff;
	v2 =	vshll.u32 v63, $0x10;
	v41 =	vadd.f32 v5, v48;
	v5 =	vand.u32 $0xFFFF0000, v9  }
0x197: {  	v48 =	vld.idx.msk [tilespmem:v36+s30+$0x0], $0xffff;
	v38 =	vand.u32 $0xFFFF0000, v8;
	v45 =	vadd.f32 v4, v45;
	v4 =	vand.u32 $0xFFFF0000, v63  }
0x198: {  	v51 =	vshll.u32 v8, $0x10;
	v1 =	vshll.u32 v62, $0x10;
	v62 =	vld.idx.msk [tilespmem:v60+s23+$0x0], $0xffff;
	v3 =	vadd.f32 v4, v3  }
0x199: {  	s3 =	simm.s32 $0x800;
	v61 =	vshll.u32 v29, $0x10;
	v60 =	vld.idx.msk [tilespmem:v60+s28+$0x0], $0xffff;
	v63 =	vshll.u32 v40, $0x10;
	v4 =	vshll.u32 v9, $0x10  }
.LBB2_6:
0x19a: {  	s4 =	sshra.s32 s3, $0x2;
	p0 =	sne.s32 s3, $0x6000;
	s3 =	sadd.s32 $0x400, s3;
	v6 =	vld.idx.msk [tilespmem:v36+s23+$0x0], $0xffff;
	v7 =	vshll.u32 v56, $0x10;
	v28 =	vadd.f32 v3, v28;
	v3 =	vadd.f32 v5, v24;
	v24 =	vmovc v52  }
0x19b: {  	v8 =	vand.u32 $0xFFFF0000, v56;
	v1 =	vadd.f32 v2, v1;
	v2 =	vadd.f32 v4, v26;
	v26 =	vmovc v59;
	v9 =	vmovc v54;
	v5 =	vld [tilespmem:s4+$0x820]  }
0x19c: {  	v10 =	vand.u32 $0xFFFF0000, v58;
	v11 =	vand.u32 $0xFFFF0000, v43;
	v4 =	vld [tilespmem:s4+$0x8A0];
	v34 =	vadd.f32 v3, v34  }
0x19d: {  	v13 =	vand.u32 $0xFFFF0000, v32;
	v3 =	vand.u32 $0xFFFF0000, v55;
	v30 =	vadd.f32 v1, v30;
	v12 =	vld.idx.msk [tilespmem:v36+s26+$0x0], $0xffff  }
0x19e: {  	v14 =	vshll.u32 v53, $0x10;
	v1 =	vand.u32 $0xFFFF0000, v46;
	v20 =	vadd.f32 v2, v20  }
0x19f: {  	v2 =	vshll.u32 v62, $0x10;
	v1 =	vadd.f32 v8, v1;
	v8 =	vshll.u32 v60, $0x10  }
0x1a0: {  	v16 =	vshll.u32 v58, $0x10;
	v54 =	vadd.f32 v63, v61;
	v15 =	vshll.u32 v6, $0x10  }
0x1a1: {  	v52 =	vshll.u32 v55, $0x10;
	v46 =	vshll.u32 v46, $0x10;
	v21 =	vadd.f32 v1, v21;
	v36 =	vmovc v4  }
0x1a2: {  	v1 =	vadd.f32 v7, v46;
	v15 =	vadd.f32 v15, v2;
	v2 =	vand.u32 $0xFFFF0000, v48  }
0x1a3: {  	v55 =	vand.u32 $0xFFFF0000, v60;
	v8 =	vadd.f32 v57, v8;
	v46 =	vand.u32 $0xFFFF0000, v12;
	v7 =	vld.idx.msk [tilespmem:v5+s29+$0x0], $0xffff  }
0x1a4: {  	v53 =	vand.u32 $0xFFFF0000, v53;
	v57 =	vand.u32 $0xFFFF0000, v62;
	v31 =	vadd.f32 v1, v31;
	v4 =	vld.idx.msk [tilespmem:v4+s29+$0x0], $0xffff  }
0x1a5: {  	v40 =	vand.u32 $0xFFFF0000, v40;
	v11 =	vadd.f32 v46, v11;
	v46 =	vadd.f32 v49, v55;
	v1 =	vld.idx.msk [tilespmem:v5+s1+$0x0], $0xffff  }
0x1a6: {  	v14 =	vadd.f32 v14, v51;
	v38 =	vadd.f32 v53, v38;
	v6 =	vand.u32 $0xFFFF0000, v6;
	v49 =	vld.idx.msk [tilespmem:v36+s28+$0x0], $0xffff  }
0x1a7: {  	v16 =	vadd.f32 v16, v52;
	v12 =	vshll.u32 v12, $0x10;
	v23 =	vadd.f32 v46, v23;
	v51 =	vld.idx.msk [tilespmem:v5+s31+$0x0], $0xffff  }
0x1a8: {  	v10 =	vadd.f32 v10, v3;
	v3 =	vshll.u32 v43, $0x10;
	v25 =	vadd.f32 v11, v25;
	v53 =	vld.idx.msk [tilespmem:v5+s0+$0x0], $0xffff  }
0x1a9: {  	v22 =	vadd.f32 v38, v22;
	v2 =	vadd.f32 v2, v13;
	v11 =	vand.u32 $0xFFFF0000, v29;
	v56 =	vld.idx.msk [tilespmem:v36+s24+$0x0], $0xffff  }
0x1aa: {  	v35 =	vadd.f32 v14, v35;
	v13 =	vshll.u32 v32, $0x10;
	v11 =	vadd.f32 v40, v11;
	v46 =	vld.idx.msk [tilespmem:v5+s24+$0x0], $0xffff  }
0x1ab: {  	v14 =	vshll.u32 v48, $0x10;
	v39 =	vadd.f32 v8, v39;
	v27 =	vadd.f32 v2, v27;
	v43 =	vld.idx.msk [tilespmem:v5+s26+$0x0], $0xffff  }
0x1ac: {  	v44 =	vadd.f32 v16, v44;
	v2 =	vadd.f32 v14, v13;
	v32 =	vld.idx.msk [tilespmem:v5+s30+$0x0], $0xffff  }
0x1ad: {  	v37 =	vadd.f32 v54, v37;
	v52 =	vand.u32 $0xFFFF0000, v1;
	v38 =	vand.u32 $0xFFFF0000, v51;
	v40 =	vld.idx.msk [tilespmem:v36+s0+$0x0], $0xffff  }
0x1ae: {  	v6 =	vadd.f32 v6, v57;
	v59 =	vshll.u32 v1, $0x10;
	v51 =	vshll.u32 v51, $0x10;
	v29 =	vmovc v53;
	v58 =	vld.idx.msk [tilespmem:v36+s25+$0x0], $0xffff  }
0x1af: {  	v3 =	vadd.f32 v12, v3;
	v57 =	vshll.u32 v49, $0x10;
	v49 =	vand.u32 $0xFFFF0000, v49;
	v54 =	vld.idx.msk [tilespmem:v36+s1+$0x0], $0xffff  }
.Ltmp2:
0x1b0: {  	v45 =	vadd.f32 v2, v45;
	v1 =	vshll.u32 v7, $0x10;
	v61 =	vshll.u32 v29, $0x10;
	v55 =	vld.idx.msk [tilespmem:v5+s25+$0x0], $0xffff;
	(pc) =	sbr.rel @p0 .LBB2_6-.Ltmp2, $4  }
0x1b1: {  	v50 =	vadd.f32 v15, v50;
	v2 =	vshll.u32 v4, $0x10;
	v7 =	vand.u32 $0xFFFF0000, v7;
	v53 =	vld.idx.msk [tilespmem:v36+s31+$0x0], $0xffff  }
0x1b2: {  	v41 =	vadd.f32 v6, v41;
	v47 =	vadd.f32 v3, v47;
	v4 =	vand.u32 $0xFFFF0000, v4;
	v48 =	vld.idx.msk [tilespmem:v36+s30+$0x0], $0xffff  }
0x1b3: {  	v33 =	vadd.f32 v11, v33;
	v3 =	vadd.f32 v4, v7;
	v63 =	vshll.u32 v40, $0x10;
	v62 =	vld.idx.msk [tilespmem:v5+s23+$0x0], $0xffff  }
0x1b4: {  	v42 =	vadd.f32 v10, v42;
	v4 =	vshll.u32 v9, $0x10;
	v60 =	vld.idx.msk [tilespmem:v5+s28+$0x0], $0xffff;
	v5 =	vand.u32 $0xFFFF0000, v9  }
0x1b5: {  	_ =	sdelay $0x1  }
0x1b6: {  	v5 =	vadd.f32 v5, v24;
	v1 =	vadd.f32 v2, v1  }
0x1b7: {  	v2 =	vadd.f32 v4, v26;
	v3 =	vadd.f32 v3, v28;
	v7 =	vshll.u32 v56, $0x10  }
0x1b8: {  	v6 =	vld.idx.msk [tilespmem:v36+s23+$0x0], $0xffff;
	v10 =	vshll.u32 v58, $0x10;
	v11 =	vshll.u32 v46, $0x10;
	v12 =	vshll.u32 v55, $0x10  }
0x1b9: {  	v7 =	vadd.f32 v7, v11;
	v10 =	vadd.f32 v10, v12  }
0x1ba: {  	v15 =	vshll.u32 v54, $0x10;
	v4 =	vadd.f32 v5, v34;
	v1 =	vadd.f32 v1, v30  }
0x1bb: {  	v2 =	vadd.f32 v2, v20;
	v34 =	vshll.u32 v32, $0x10;
	v7 =	vadd.f32 v7, v31  }
0x1bc: {  	v5 =	vld.idx.msk [tilespmem:v36+s26+$0x0], $0xffff;
	v8 =	vshll.u32 v62, $0x10;
	v10 =	vadd.f32 v10, v44;
	v44 =	vadd.f32 v15, v59  }
0x1bd: {  	v13 =	vshll.u32 v60, $0x10;
	[tilespmem:$0x26A0] =	vst v1;
	v1 =	vand.u32 $0xFFFF0000, v46;
	v9 =	vshll.u32 v6, $0x10  }
0x1be: {  	v13 =	vadd.f32 v57, v13;
	[tilespmem:$0x24A0] =	vst v7;
	v7 =	vshll.u32 v53, $0x10;
	v6 =	vand.u32 $0xFFFF0000, v6  }
0x1bf: {  	v2 =	vadd.f32 v44, v2;
	v8 =	vadd.f32 v9, v8;
	v9 =	vand.u32 $0xFFFF0000, v56  }
0x1c0: {  	v56 =	vshll.u32 v43, $0x10;
	v7 =	vadd.f32 v7, v51;
	v13 =	vadd.f32 v13, v39  }
0x1c1: {  	v36 =	vshll.u32 v5, $0x10;
	v1 =	vadd.f32 v9, v1;
	v8 =	vadd.f32 v8, v50  }
0x1c2: {  	[tilespmem:$0x2BA0] =	vst v3;
	v11 =	vadd.f32 v36, v56;
	v36 =	vand.u32 $0xFFFF0000, v43;
	v43 =	vand.u32 $0xFFFF0000, v62  }
0x1c3: {  	v14 =	vshll.u32 v48, $0x10;
	[tilespmem:$0x2520] =	vst v10;
	v6 =	vadd.f32 v6, v43;
	v1 =	vadd.f32 v1, v21  }
0x1c4: {  	v58 =	vand.u32 $0xFFFF0000, v58;
	v7 =	vadd.f32 v7, v35;
	[tilespmem:$0x2420] =	vst v8;
	v8 =	vadd.f32 v14, v34  }
0x1c5: {  	v11 =	vadd.f32 v11, v47;
	v6 =	vadd.f32 v6, v41;
	[tilespmem:$0x29A0] =	vst v1;
	v1 =	vand.u32 $0xFFFF0000, v53  }
0x1c6: {  	[tilespmem:$0x27A0] =	vst v7;
	v8 =	vadd.f32 v8, v45;
	v45 =	vand.u32 $0xFFFF0000, v55;
	v1 =	vadd.f32 v1, v38  }
0x1c7: {  	v47 =	vand.u32 $0xFFFF0000, v48;
	v7 =	vadd.f32 v58, v45;
	[tilespmem:$0x2920] =	vst v6;
	v6 =	vand.u32 $0xFFFF0000, v32  }
0x1c8: {  	v51 =	vld [tilespmem:$0x1FFC0];
	v5 =	vand.u32 $0xFFFF0000, v5;
	[tilespmem:$0x28A0] =	vst v2;
	v6 =	vadd.f32 v47, v6;
	v1 =	vadd.f32 v1, v22  }
0x1c9: {  	v46 =	vand.u32 $0xFFFF0000, v60;
	v50 =	vld [tilespmem:$0x1FFB0];
	[tilespmem:$0x2620] =	vst v13;
	v5 =	vadd.f32 v5, v36;
	v7 =	vadd.f32 v7, v42  }
0x1ca: {  	v2 =	vadd.f32 v49, v46;
	v53 =	vld [tilespmem:$0x1FFE0];
	v6 =	vadd.f32 v6, v27;
	[tilespmem:$0x2CA0] =	vst v1  }
0x1cb: {  	v39 =	vadd.f32 v63, v61;
	v5 =	vadd.f32 v5, v25;
	v1 =	vld [tilespmem:$0x1FF00];
	[tilespmem:$0x2A20] =	vst v7  }
0x1cc: {  	v2 =	vadd.f32 v2, v23;
	v48 =	vand.u32 $0xFFFF0000, v29;
	v7 =	vand.u32 $0xFFFF0000, v40;
	[tilespmem:$0x2C20] =	vst v6;
	v6 =	vld [tilespmem:$0x1FF70]  }
0x1cd: {  	[tilespmem:$0x2AA0] =	vst v5;
	v5 =	vadd.f32 v7, v48;
	v7 =	vand.u32 $0xFFFF0000, v54;
	v54 =	vld [tilespmem:$0x1FFF0]  }
0x1ce: {  	v14 =	vadd.f32 v39, v37;
	[tilespmem:$0x2B20] =	vst v2;
	v2 =	vadd.f32 v7, v52;
	v7 =	vld [tilespmem:$0x1FF80]  }
0x1cf: {  	[tilespmem:$0x25A0] =	vst v11;
	v52 =	vld [tilespmem:$0x1FFD0]  }
0x1d0: {  	[tilespmem:$0x2820] =	vst v14;
	v3 =	vadd.f32 v5, v33;
	v5 =	vld [tilespmem:$0x1FF50]  }
0x1d1: {  	[tilespmem:$0x2720] =	vst v8;
	v2 =	vadd.f32 v2, v4;
	v4 =	vld [tilespmem:$0x1FF40]  }
0x1d2: {  	[tilespmem:$0x2D20] =	vst v3;
	v3 =	vld [tilespmem:$0x1FF20]  }
0x1d3: {  	s3 =	simm.s32 $0x0;
	[tilespmem:$0x2DA0] =	vst v2;
	v2 =	vld [tilespmem:$0x1FF10]  }
0x1d4: {  	v33 =	vld.idx.msk [tilespmem:v0+s3+$0x0], $0xffff  }
0x1d5: {  	s4 =	simm.s32 $0x0;
	v1 =	vld.idx.msk [tilespmem:v1+s3+$0x0], $0xffff  }
0x1d6: {  	v49 =	vld [tilespmem:s4+$0x830]  }
0x1d7: {  	v9 =	vld [tilespmem:s4+$0x8B0]  }
0x1d8: {  	v42 =	vld.idx.msk [tilespmem:v50+s3+$0x0], $0xffff  }
0x1d9: {  	v10 =	vld.idx.msk [tilespmem:v51+s3+$0x0], $0xffff  }
0x1da: {  	v12 =	vld.idx.msk [tilespmem:v53+s3+$0x0], $0xffff  }
0x1db: {  	v14 =	vld.idx.msk [tilespmem:v17+s3+$0x0], $0xffff  }
0x1dc: {  	s4 =	simm.s32 $0x100;
	v34 =	vld.idx.msk [tilespmem:v19+s3+$0x0], $0xffff  }
0x1dd: {  	v60 =	vld [tilespmem:s4+$0x830]  }
0x1de: {  	v36 =	vld [tilespmem:s4+$0x8B0]  }
0x1df: {  	v6 =	vld.idx.msk [tilespmem:v6+s3+$0x0], $0xffff  }
0x1e0: {  	v13 =	vld.idx.msk [tilespmem:v54+s3+$0x0], $0xffff  }
0x1e1: {  	v20 =	vld.idx.msk [tilespmem:v7+s3+$0x0], $0xffff  }
0x1e2: {  	v7 =	vld [tilespmem:$0x1FF90]  }
0x1e3: {  	v11 =	vld.idx.msk [tilespmem:v52+s3+$0x0], $0xffff  }
0x1e4: {  	v45 =	vld.idx.msk [tilespmem:v5+s3+$0x0], $0xffff  }
0x1e5: {  	v5 =	vld [tilespmem:$0x1FF60]  }
0x1e6: {  	v4 =	vld.idx.msk [tilespmem:v4+s3+$0x0], $0xffff  }
0x1e7: {  	v41 =	vld.idx.msk [tilespmem:v3+s3+$0x0], $0xffff  }
0x1e8: {  	v3 =	vld [tilespmem:$0x1FF30]  }
0x1e9: {  	v2 =	vld.idx.msk [tilespmem:v2+s3+$0x0], $0xffff  }
0x1ea: {  	v15 =	vld.idx.msk [tilespmem:v49+s29+$0x0], $0xffff  }
0x1eb: {  	v16 =	vld.idx.msk [tilespmem:v9+s29+$0x0], $0xffff  }
0x1ec: {  	v21 =	vld.idx.msk [tilespmem:v49+s1+$0x0], $0xffff  }
0x1ed: {  	v22 =	vld.idx.msk [tilespmem:v9+s28+$0x0], $0xffff  }
0x1ee: {  	v23 =	vld.idx.msk [tilespmem:v49+s31+$0x0], $0xffff  }
0x1ef: {  	v27 =	vld.idx.msk [tilespmem:v49+s0+$0x0], $0xffff  }
0x1f0: {  	v25 =	vld.idx.msk [tilespmem:v9+s24+$0x0], $0xffff  }
0x1f1: {  	v29 =	vld.idx.msk [tilespmem:v49+s24+$0x0], $0xffff  }
0x1f2: {  	v32 =	vld.idx.msk [tilespmem:v49+s26+$0x0], $0xffff  }
0x1f3: {  	v35 =	vld.idx.msk [tilespmem:v49+s30+$0x0], $0xffff  }
0x1f4: {  	v37 =	vld.idx.msk [tilespmem:v9+s0+$0x0], $0xffff  }
0x1f5: {  	v48 =	vld.idx.msk [tilespmem:v7+s3+$0x0], $0xffff  }
0x1f6: {  	v7 =	vld [tilespmem:$0x1FFA0]  }
0x1f7: {  	v40 =	vld.idx.msk [tilespmem:v49+s25+$0x0], $0xffff  }
0x1f8: {  	v44 =	vld.idx.msk [tilespmem:v9+s23+$0x0], $0xffff;
	v39 =	vand.u32 $0xFFFF0000, v23;
	v24 =	vand.u32 $0xFFFF0000, v21  }
0x1f9: {  	v43 =	vld.idx.msk [tilespmem:v49+s23+$0x0], $0xffff;
	v23 =	vshll.u32 v23, $0x10;
	v26 =	vshll.u32 v21, $0x10;
	v31 =	vshll.u32 v22, $0x10  }
0x1fa: {  	v38 =	vld.idx.msk [tilespmem:v9+s25+$0x0], $0xffff;
	v22 =	vand.u32 $0xFFFF0000, v22;
	v21 =	vand.u32 $0xFFFF0000, v15;
	v28 =	vand.u32 $0xFFFF0000, v16  }
0x1fb: {  	v8 =	vld.idx.msk [tilespmem:v49+s28+$0x0], $0xffff;
	v15 =	vshll.u32 v15, $0x10;
	v55 =	vshll.u32 v27, $0x10;
	v16 =	vshll.u32 v16, $0x10  }
0x1fc: {  	v49 =	vld.idx.msk [tilespmem:v9+s26+$0x0], $0xffff;
	v56 =	vshll.u32 v37, $0x10;
	v57 =	vshll.u32 v25, $0x10;
	v58 =	vand.u32 $0xFFFF0000, v25  }
0x1fd: {  	v59 =	vld.idx.msk [tilespmem:v9+s31+$0x0], $0xffff;
	v25 =	vand.u32 $0xFFFF0000, v32;
	v51 =	vand.u32 $0xFFFF0000, v40;
	v63 =	vshll.u32 v44, $0x10  }
0x1fe: {  	v47 =	vand.u32 $0xFFFF0000, v35;
	v54 =	vand.u32 $0xFFFF0000, v43;
	v21 =	vadd.f32 v28, v21;
	v7 =	vld.idx.msk [tilespmem:v7+s3+$0x0], $0xffff  }
0x1ff: {  	v62 =	vld.idx.msk [tilespmem:v60+s29+$0x0], $0xffff;
	v37 =	vand.u32 $0xFFFF0000, v37;
	v15 =	vadd.f32 v16, v15;
	v16 =	vand.u32 $0xFFFF0000, v38  }
0x200: {  	v50 =	vld.idx.msk [tilespmem:v60+s1+$0x0], $0xffff;
	v16 =	vadd.f32 v16, v51;
	v28 =	vadd.f32 v21, v12;
	v21 =	vand.u32 $0xFFFF0000, v29  }
0x201: {  	v5 =	vld.idx.msk [tilespmem:v5+s3+$0x0], $0xffff;
	v30 =	vadd.f32 v15, v4;
	v15 =	vshll.u32 v43, $0x10;
	v4 =	vadd.f32 v58, v21  }
0x202: {  	v61 =	vshll.u32 v35, $0x10;
	v3 =	vld.idx.msk [tilespmem:v3+s3+$0x0], $0xffff;
	v53 =	vadd.f32 v56, v55;
	v15 =	vadd.f32 v63, v15  }
0x203: {  	v55 =	vld.idx.msk [tilespmem:v36+s28+$0x0], $0xffff;
	v29 =	vshll.u32 v29, $0x10;
	v42 =	vadd.f32 v16, v42;
	v21 =	vadd.f32 v4, v7  }
0x204: {  	v56 =	vld.idx.msk [tilespmem:v36+s24+$0x0], $0xffff;
	v4 =	vadd.f32 v57, v29;
	v29 =	vshll.u32 v8, $0x10;
	v8 =	vand.u32 $0xFFFF0000, v8  }
0x205: {  	v12 =	vld.idx.msk [tilespmem:v18+s3+$0x0], $0xffff;
	v57 =	vand.u32 $0xFFFF0000, v44;
	v52 =	vadd.f32 v31, v29;
	v29 =	vand.u32 $0xFFFF0000, v49  }
0x206: {  	v43 =	vld.idx.msk [tilespmem:v60+s26+$0x0], $0xffff;
	v8 =	vadd.f32 v22, v8;
	v22 =	vand.u32 $0xFFFF0000, v59;
	v31 =	vadd.f32 v4, v1  }
0x207: {  	v63 =	vld.idx.msk [tilespmem:v36+s29+$0x0], $0xffff;
	v1 =	vshll.u32 v59, $0x10;
	v4 =	vadd.f32 v29, v25;
	v25 =	vshll.u32 v38, $0x10  }
0x208: {  	v58 =	vld.idx.msk [tilespmem:v36+s25+$0x0], $0xffff;
	v29 =	vshll.u32 v40, $0x10;
	v22 =	vadd.f32 v22, v39;
	v1 =	vadd.f32 v1, v23  }
0x209: {  	v7 =	vld.idx.msk [tilespmem:v9+s30+$0x0], $0xffff;
	v59 =	vand.u32 $0xFFFF0000, v27;
	v40 =	vadd.f32 v25, v29;
	v23 =	vadd.f32 v8, v11  }
0x20a: {  	v9 =	vld.idx.msk [tilespmem:v9+s1+$0x0], $0xffff;
	v11 =	vshll.u32 v49, $0x10;
	v39 =	vadd.f32 v52, v3;
	v3 =	vshll.u32 v32, $0x10  }
0x20b: {  	v8 =	vld.idx.msk [tilespmem:v60+s31+$0x0], $0xffff;
	v52 =	vand.u32 $0xFFFF0000, v50;
	v25 =	vadd.f32 v4, v10;
	v22 =	vadd.f32 v22, v14  }
0x20c: {  	v29 =	vld.idx.msk [tilespmem:v60+s0+$0x0], $0xffff;
	v49 =	vand.u32 $0xFFFF0000, v55;
	v10 =	vadd.f32 v37, v59;
	v37 =	vadd.f32 v53, v6  }
0x20d: {  	v32 =	vld.idx.msk [tilespmem:v60+s30+$0x0], $0xffff;
	v59 =	vshll.u32 v50, $0x10;
	v50 =	vadd.f32 v15, v33;
	v35 =	vadd.f32 v1, v5  }
0x20e: {  	v53 =	vld.idx.msk [tilespmem:v36+s31+$0x0], $0xffff;
	v46 =	vand.u32 $0xFFFF0000, v7;
	v44 =	vadd.f32 v40, v2;
	v2 =	vadd.f32 v11, v3  }
0x20f: {  	v1 =	vshll.u32 v7, $0x10;
	v40 =	vld.idx.msk [tilespmem:v36+s0+$0x0], $0xffff;
	v5 =	vadd.f32 v57, v54;
	v4 =	vadd.f32 v46, v47  }
0x210: {  	v57 =	vshll.u32 v55, $0x10;
	v54 =	vld.idx.msk [tilespmem:v36+s1+$0x0], $0xffff;
	v33 =	vadd.f32 v10, v12;
	v47 =	vadd.f32 v2, v41  }
0x211: {  	v55 =	vld.idx.msk [tilespmem:v60+s25+$0x0], $0xffff;
	v3 =	vand.u32 $0xFFFF0000, v62;
	v27 =	vadd.f32 v4, v13;
	v4 =	vadd.f32 v1, v61  }
0x212: {  	v46 =	vld.idx.msk [tilespmem:v60+s24+$0x0], $0xffff;
	v2 =	vshll.u32 v63, $0x10;
	v41 =	vadd.f32 v5, v48;
	v5 =	vand.u32 $0xFFFF0000, v9  }
0x213: {  	v48 =	vld.idx.msk [tilespmem:v36+s30+$0x0], $0xffff;
	v38 =	vand.u32 $0xFFFF0000, v8;
	v45 =	vadd.f32 v4, v45;
	v4 =	vand.u32 $0xFFFF0000, v63  }
0x214: {  	v51 =	vshll.u32 v8, $0x10;
	v1 =	vshll.u32 v62, $0x10;
	v62 =	vld.idx.msk [tilespmem:v60+s23+$0x0], $0xffff;
	v3 =	vadd.f32 v4, v3  }
0x215: {  	s3 =	simm.s32 $0x800;
	v61 =	vshll.u32 v29, $0x10;
	v60 =	vld.idx.msk [tilespmem:v60+s28+$0x0], $0xffff;
	v63 =	vshll.u32 v40, $0x10;
	v4 =	vshll.u32 v9, $0x10  }
.LBB2_8:
0x216: {  	s4 =	sshra.s32 s3, $0x2;
	p0 =	sne.s32 s3, $0x6000;
	s3 =	sadd.s32 $0x400, s3;
	v6 =	vld.idx.msk [tilespmem:v36+s23+$0x0], $0xffff;
	v7 =	vshll.u32 v56, $0x10;
	v28 =	vadd.f32 v3, v28;
	v3 =	vadd.f32 v5, v24;
	v24 =	vmovc v52  }
0x217: {  	v8 =	vand.u32 $0xFFFF0000, v56;
	v1 =	vadd.f32 v2, v1;
	v2 =	vadd.f32 v4, v26;
	v26 =	vmovc v59;
	v9 =	vmovc v54;
	v5 =	vld [tilespmem:s4+$0x830]  }
0x218: {  	v10 =	vand.u32 $0xFFFF0000, v58;
	v11 =	vand.u32 $0xFFFF0000, v43;
	v4 =	vld [tilespmem:s4+$0x8B0];
	v34 =	vadd.f32 v3, v34  }
0x219: {  	v13 =	vand.u32 $0xFFFF0000, v32;
	v3 =	vand.u32 $0xFFFF0000, v55;
	v30 =	vadd.f32 v1, v30;
	v12 =	vld.idx.msk [tilespmem:v36+s26+$0x0], $0xffff  }
0x21a: {  	v14 =	vshll.u32 v53, $0x10;
	v1 =	vand.u32 $0xFFFF0000, v46;
	v20 =	vadd.f32 v2, v20  }
0x21b: {  	v2 =	vshll.u32 v62, $0x10;
	v1 =	vadd.f32 v8, v1;
	v8 =	vshll.u32 v60, $0x10  }
0x21c: {  	v16 =	vshll.u32 v58, $0x10;
	v54 =	vadd.f32 v63, v61;
	v15 =	vshll.u32 v6, $0x10  }
0x21d: {  	v52 =	vshll.u32 v55, $0x10;
	v46 =	vshll.u32 v46, $0x10;
	v21 =	vadd.f32 v1, v21;
	v36 =	vmovc v4  }
0x21e: {  	v1 =	vadd.f32 v7, v46;
	v15 =	vadd.f32 v15, v2;
	v2 =	vand.u32 $0xFFFF0000, v48  }
0x21f: {  	v55 =	vand.u32 $0xFFFF0000, v60;
	v8 =	vadd.f32 v57, v8;
	v46 =	vand.u32 $0xFFFF0000, v12;
	v7 =	vld.idx.msk [tilespmem:v5+s29+$0x0], $0xffff  }
0x220: {  	v53 =	vand.u32 $0xFFFF0000, v53;
	v57 =	vand.u32 $0xFFFF0000, v62;
	v31 =	vadd.f32 v1, v31;
	v4 =	vld.idx.msk [tilespmem:v4+s29+$0x0], $0xffff  }
0x221: {  	v40 =	vand.u32 $0xFFFF0000, v40;
	v11 =	vadd.f32 v46, v11;
	v46 =	vadd.f32 v49, v55;
	v1 =	vld.idx.msk [tilespmem:v5+s1+$0x0], $0xffff  }
0x222: {  	v14 =	vadd.f32 v14, v51;
	v38 =	vadd.f32 v53, v38;
	v6 =	vand.u32 $0xFFFF0000, v6;
	v49 =	vld.idx.msk [tilespmem:v36+s28+$0x0], $0xffff  }
0x223: {  	v16 =	vadd.f32 v16, v52;
	v12 =	vshll.u32 v12, $0x10;
	v23 =	vadd.f32 v46, v23;
	v51 =	vld.idx.msk [tilespmem:v5+s31+$0x0], $0xffff  }
0x224: {  	v10 =	vadd.f32 v10, v3;
	v3 =	vshll.u32 v43, $0x10;
	v25 =	vadd.f32 v11, v25;
	v53 =	vld.idx.msk [tilespmem:v5+s0+$0x0], $0xffff  }
0x225: {  	v22 =	vadd.f32 v38, v22;
	v2 =	vadd.f32 v2, v13;
	v11 =	vand.u32 $0xFFFF0000, v29;
	v56 =	vld.idx.msk [tilespmem:v36+s24+$0x0], $0xffff  }
0x226: {  	v35 =	vadd.f32 v14, v35;
	v13 =	vshll.u32 v32, $0x10;
	v11 =	vadd.f32 v40, v11;
	v46 =	vld.idx.msk [tilespmem:v5+s24+$0x0], $0xffff  }
0x227: {  	v14 =	vshll.u32 v48, $0x10;
	v39 =	vadd.f32 v8, v39;
	v27 =	vadd.f32 v2, v27;
	v43 =	vld.idx.msk [tilespmem:v5+s26+$0x0], $0xffff  }
0x228: {  	v44 =	vadd.f32 v16, v44;
	v2 =	vadd.f32 v14, v13;
	v32 =	vld.idx.msk [tilespmem:v5+s30+$0x0], $0xffff  }
0x229: {  	v37 =	vadd.f32 v54, v37;
	v52 =	vand.u32 $0xFFFF0000, v1;
	v38 =	vand.u32 $0xFFFF0000, v51;
	v40 =	vld.idx.msk [tilespmem:v36+s0+$0x0], $0xffff  }
0x22a: {  	v6 =	vadd.f32 v6, v57;
	v59 =	vshll.u32 v1, $0x10;
	v51 =	vshll.u32 v51, $0x10;
	v29 =	vmovc v53;
	v58 =	vld.idx.msk [tilespmem:v36+s25+$0x0], $0xffff  }
0x22b: {  	v3 =	vadd.f32 v12, v3;
	v57 =	vshll.u32 v49, $0x10;
	v49 =	vand.u32 $0xFFFF0000, v49;
	v54 =	vld.idx.msk [tilespmem:v36+s1+$0x0], $0xffff  }
.Ltmp3:
0x22c: {  	v45 =	vadd.f32 v2, v45;
	v1 =	vshll.u32 v7, $0x10;
	v61 =	vshll.u32 v29, $0x10;
	v55 =	vld.idx.msk [tilespmem:v5+s25+$0x0], $0xffff;
	(pc) =	sbr.rel @p0 .LBB2_8-.Ltmp3, $4  }
0x22d: {  	v50 =	vadd.f32 v15, v50;
	v2 =	vshll.u32 v4, $0x10;
	v7 =	vand.u32 $0xFFFF0000, v7;
	v53 =	vld.idx.msk [tilespmem:v36+s31+$0x0], $0xffff  }
0x22e: {  	v41 =	vadd.f32 v6, v41;
	v47 =	vadd.f32 v3, v47;
	v4 =	vand.u32 $0xFFFF0000, v4;
	v48 =	vld.idx.msk [tilespmem:v36+s30+$0x0], $0xffff  }
0x22f: {  	v33 =	vadd.f32 v11, v33;
	v3 =	vadd.f32 v4, v7;
	v63 =	vshll.u32 v40, $0x10;
	v62 =	vld.idx.msk [tilespmem:v5+s23+$0x0], $0xffff  }
0x230: {  	v42 =	vadd.f32 v10, v42;
	v4 =	vshll.u32 v9, $0x10;
	v60 =	vld.idx.msk [tilespmem:v5+s28+$0x0], $0xffff;
	v5 =	vand.u32 $0xFFFF0000, v9  }
0x231: {  	_ =	sdelay $0x1  }
0x232: {  	v5 =	vadd.f32 v5, v24;
	v1 =	vadd.f32 v2, v1  }
0x233: {  	v2 =	vadd.f32 v4, v26;
	v3 =	vadd.f32 v3, v28;
	v7 =	vshll.u32 v56, $0x10  }
0x234: {  	v6 =	vld.idx.msk [tilespmem:v36+s23+$0x0], $0xffff;
	v10 =	vshll.u32 v58, $0x10;
	v11 =	vshll.u32 v46, $0x10;
	v12 =	vshll.u32 v55, $0x10  }
0x235: {  	v7 =	vadd.f32 v7, v11;
	v10 =	vadd.f32 v10, v12  }
0x236: {  	v15 =	vshll.u32 v54, $0x10;
	v4 =	vadd.f32 v5, v34;
	v1 =	vadd.f32 v1, v30  }
0x237: {  	v2 =	vadd.f32 v2, v20;
	v34 =	vshll.u32 v32, $0x10;
	v7 =	vadd.f32 v7, v31  }
0x238: {  	v5 =	vld.idx.msk [tilespmem:v36+s26+$0x0], $0xffff;
	v8 =	vshll.u32 v62, $0x10;
	v10 =	vadd.f32 v10, v44;
	v44 =	vadd.f32 v15, v59  }
0x239: {  	v13 =	vshll.u32 v60, $0x10;
	[tilespmem:$0x26B0] =	vst v1;
	v1 =	vand.u32 $0xFFFF0000, v46;
	v9 =	vshll.u32 v6, $0x10  }
0x23a: {  	v13 =	vadd.f32 v57, v13;
	[tilespmem:$0x24B0] =	vst v7;
	v7 =	vshll.u32 v53, $0x10;
	v6 =	vand.u32 $0xFFFF0000, v6  }
0x23b: {  	v2 =	vadd.f32 v44, v2;
	v8 =	vadd.f32 v9, v8;
	v9 =	vand.u32 $0xFFFF0000, v56  }
0x23c: {  	v56 =	vshll.u32 v43, $0x10;
	v7 =	vadd.f32 v7, v51;
	v13 =	vadd.f32 v13, v39  }
0x23d: {  	v36 =	vshll.u32 v5, $0x10;
	v1 =	vadd.f32 v9, v1;
	v8 =	vadd.f32 v8, v50  }
0x23e: {  	[tilespmem:$0x2BB0] =	vst v3;
	v11 =	vadd.f32 v36, v56;
	v36 =	vand.u32 $0xFFFF0000, v43;
	v43 =	vand.u32 $0xFFFF0000, v62  }
0x23f: {  	v14 =	vshll.u32 v48, $0x10;
	[tilespmem:$0x2530] =	vst v10;
	v6 =	vadd.f32 v6, v43;
	v1 =	vadd.f32 v1, v21  }
0x240: {  	v58 =	vand.u32 $0xFFFF0000, v58;
	v7 =	vadd.f32 v7, v35;
	[tilespmem:$0x2430] =	vst v8;
	v8 =	vadd.f32 v14, v34  }
0x241: {  	v11 =	vadd.f32 v11, v47;
	v6 =	vadd.f32 v6, v41;
	[tilespmem:$0x29B0] =	vst v1;
	v1 =	vand.u32 $0xFFFF0000, v53  }
0x242: {  	[tilespmem:$0x27B0] =	vst v7;
	v8 =	vadd.f32 v8, v45;
	v45 =	vand.u32 $0xFFFF0000, v55;
	v1 =	vadd.f32 v1, v38  }
0x243: {  	v47 =	vand.u32 $0xFFFF0000, v48;
	v7 =	vadd.f32 v58, v45;
	[tilespmem:$0x2930] =	vst v6;
	v6 =	vand.u32 $0xFFFF0000, v32  }
0x244: {  	v51 =	vld [tilespmem:$0x1FFC0];
	v5 =	vand.u32 $0xFFFF0000, v5;
	[tilespmem:$0x28B0] =	vst v2;
	v6 =	vadd.f32 v47, v6;
	v1 =	vadd.f32 v1, v22  }
0x245: {  	v46 =	vand.u32 $0xFFFF0000, v60;
	v50 =	vld [tilespmem:$0x1FFB0];
	[tilespmem:$0x2630] =	vst v13;
	v5 =	vadd.f32 v5, v36;
	v7 =	vadd.f32 v7, v42  }
0x246: {  	v2 =	vadd.f32 v49, v46;
	v53 =	vld [tilespmem:$0x1FFE0];
	v6 =	vadd.f32 v6, v27;
	[tilespmem:$0x2CB0] =	vst v1  }
0x247: {  	v39 =	vadd.f32 v63, v61;
	v5 =	vadd.f32 v5, v25;
	v1 =	vld [tilespmem:$0x1FF00];
	[tilespmem:$0x2A30] =	vst v7  }
0x248: {  	v2 =	vadd.f32 v2, v23;
	v48 =	vand.u32 $0xFFFF0000, v29;
	v7 =	vand.u32 $0xFFFF0000, v40;
	[tilespmem:$0x2C30] =	vst v6;
	v6 =	vld [tilespmem:$0x1FF70]  }
0x249: {  	[tilespmem:$0x2AB0] =	vst v5;
	v5 =	vadd.f32 v7, v48;
	v7 =	vand.u32 $0xFFFF0000, v54;
	v54 =	vld [tilespmem:$0x1FFF0]  }
0x24a: {  	v14 =	vadd.f32 v39, v37;
	[tilespmem:$0x2B30] =	vst v2;
	v2 =	vadd.f32 v7, v52;
	v7 =	vld [tilespmem:$0x1FF80]  }
0x24b: {  	[tilespmem:$0x25B0] =	vst v11;
	v52 =	vld [tilespmem:$0x1FFD0]  }
0x24c: {  	[tilespmem:$0x2830] =	vst v14;
	v3 =	vadd.f32 v5, v33;
	v5 =	vld [tilespmem:$0x1FF50]  }
0x24d: {  	[tilespmem:$0x2730] =	vst v8;
	v2 =	vadd.f32 v2, v4;
	v4 =	vld [tilespmem:$0x1FF40]  }
0x24e: {  	[tilespmem:$0x2D30] =	vst v3;
	v3 =	vld [tilespmem:$0x1FF20]  }
0x24f: {  	s3 =	simm.s32 $0x0;
	[tilespmem:$0x2DB0] =	vst v2;
	v2 =	vld [tilespmem:$0x1FF10]  }
0x250: {  	v33 =	vld.idx.msk [tilespmem:v0+s3+$0x0], $0xffff  }
0x251: {  	s4 =	simm.s32 $0x0;
	v1 =	vld.idx.msk [tilespmem:v1+s3+$0x0], $0xffff  }
0x252: {  	v49 =	vld [tilespmem:s4+$0x840]  }
0x253: {  	v9 =	vld [tilespmem:s4+$0x8C0]  }
0x254: {  	v42 =	vld.idx.msk [tilespmem:v50+s3+$0x0], $0xffff  }
0x255: {  	v10 =	vld.idx.msk [tilespmem:v51+s3+$0x0], $0xffff  }
0x256: {  	v12 =	vld.idx.msk [tilespmem:v53+s3+$0x0], $0xffff  }
0x257: {  	v14 =	vld.idx.msk [tilespmem:v17+s3+$0x0], $0xffff  }
0x258: {  	s4 =	simm.s32 $0x100;
	v34 =	vld.idx.msk [tilespmem:v19+s3+$0x0], $0xffff  }
0x259: {  	v60 =	vld [tilespmem:s4+$0x840]  }
0x25a: {  	v36 =	vld [tilespmem:s4+$0x8C0]  }
0x25b: {  	v6 =	vld.idx.msk [tilespmem:v6+s3+$0x0], $0xffff  }
0x25c: {  	v13 =	vld.idx.msk [tilespmem:v54+s3+$0x0], $0xffff  }
0x25d: {  	v20 =	vld.idx.msk [tilespmem:v7+s3+$0x0], $0xffff  }
0x25e: {  	v7 =	vld [tilespmem:$0x1FF90]  }
0x25f: {  	v11 =	vld.idx.msk [tilespmem:v52+s3+$0x0], $0xffff  }
0x260: {  	v45 =	vld.idx.msk [tilespmem:v5+s3+$0x0], $0xffff  }
0x261: {  	v5 =	vld [tilespmem:$0x1FF60]  }
0x262: {  	v4 =	vld.idx.msk [tilespmem:v4+s3+$0x0], $0xffff  }
0x263: {  	v41 =	vld.idx.msk [tilespmem:v3+s3+$0x0], $0xffff  }
0x264: {  	v3 =	vld [tilespmem:$0x1FF30]  }
0x265: {  	v2 =	vld.idx.msk [tilespmem:v2+s3+$0x0], $0xffff  }
0x266: {  	v15 =	vld.idx.msk [tilespmem:v49+s29+$0x0], $0xffff  }
0x267: {  	v16 =	vld.idx.msk [tilespmem:v9+s29+$0x0], $0xffff  }
0x268: {  	v21 =	vld.idx.msk [tilespmem:v49+s1+$0x0], $0xffff  }
0x269: {  	v22 =	vld.idx.msk [tilespmem:v9+s28+$0x0], $0xffff  }
0x26a: {  	v23 =	vld.idx.msk [tilespmem:v49+s31+$0x0], $0xffff  }
0x26b: {  	v27 =	vld.idx.msk [tilespmem:v49+s0+$0x0], $0xffff  }
0x26c: {  	v25 =	vld.idx.msk [tilespmem:v9+s24+$0x0], $0xffff  }
0x26d: {  	v29 =	vld.idx.msk [tilespmem:v49+s24+$0x0], $0xffff  }
0x26e: {  	v32 =	vld.idx.msk [tilespmem:v49+s26+$0x0], $0xffff  }
0x26f: {  	v35 =	vld.idx.msk [tilespmem:v49+s30+$0x0], $0xffff  }
0x270: {  	v37 =	vld.idx.msk [tilespmem:v9+s0+$0x0], $0xffff  }
0x271: {  	v48 =	vld.idx.msk [tilespmem:v7+s3+$0x0], $0xffff  }
0x272: {  	v7 =	vld [tilespmem:$0x1FFA0]  }
0x273: {  	v40 =	vld.idx.msk [tilespmem:v49+s25+$0x0], $0xffff  }
0x274: {  	v44 =	vld.idx.msk [tilespmem:v9+s23+$0x0], $0xffff;
	v39 =	vand.u32 $0xFFFF0000, v23;
	v24 =	vand.u32 $0xFFFF0000, v21  }
0x275: {  	v43 =	vld.idx.msk [tilespmem:v49+s23+$0x0], $0xffff;
	v23 =	vshll.u32 v23, $0x10;
	v26 =	vshll.u32 v21, $0x10;
	v31 =	vshll.u32 v22, $0x10  }
0x276: {  	v38 =	vld.idx.msk [tilespmem:v9+s25+$0x0], $0xffff;
	v22 =	vand.u32 $0xFFFF0000, v22;
	v21 =	vand.u32 $0xFFFF0000, v15;
	v28 =	vand.u32 $0xFFFF0000, v16  }
0x277: {  	v8 =	vld.idx.msk [tilespmem:v49+s28+$0x0], $0xffff;
	v15 =	vshll.u32 v15, $0x10;
	v55 =	vshll.u32 v27, $0x10;
	v16 =	vshll.u32 v16, $0x10  }
0x278: {  	v49 =	vld.idx.msk [tilespmem:v9+s26+$0x0], $0xffff;
	v56 =	vshll.u32 v37, $0x10;
	v57 =	vshll.u32 v25, $0x10;
	v58 =	vand.u32 $0xFFFF0000, v25  }
0x279: {  	v59 =	vld.idx.msk [tilespmem:v9+s31+$0x0], $0xffff;
	v25 =	vand.u32 $0xFFFF0000, v32;
	v51 =	vand.u32 $0xFFFF0000, v40;
	v63 =	vshll.u32 v44, $0x10  }
0x27a: {  	v47 =	vand.u32 $0xFFFF0000, v35;
	v54 =	vand.u32 $0xFFFF0000, v43;
	v21 =	vadd.f32 v28, v21;
	v7 =	vld.idx.msk [tilespmem:v7+s3+$0x0], $0xffff  }
0x27b: {  	v62 =	vld.idx.msk [tilespmem:v60+s29+$0x0], $0xffff;
	v37 =	vand.u32 $0xFFFF0000, v37;
	v15 =	vadd.f32 v16, v15;
	v16 =	vand.u32 $0xFFFF0000, v38  }
0x27c: {  	v50 =	vld.idx.msk [tilespmem:v60+s1+$0x0], $0xffff;
	v16 =	vadd.f32 v16, v51;
	v28 =	vadd.f32 v21, v12;
	v21 =	vand.u32 $0xFFFF0000, v29  }
0x27d: {  	v5 =	vld.idx.msk [tilespmem:v5+s3+$0x0], $0xffff;
	v30 =	vadd.f32 v15, v4;
	v15 =	vshll.u32 v43, $0x10;
	v4 =	vadd.f32 v58, v21  }
0x27e: {  	v61 =	vshll.u32 v35, $0x10;
	v3 =	vld.idx.msk [tilespmem:v3+s3+$0x0], $0xffff;
	v53 =	vadd.f32 v56, v55;
	v15 =	vadd.f32 v63, v15  }
0x27f: {  	v55 =	vld.idx.msk [tilespmem:v36+s28+$0x0], $0xffff;
	v29 =	vshll.u32 v29, $0x10;
	v42 =	vadd.f32 v16, v42;
	v21 =	vadd.f32 v4, v7  }
0x280: {  	v56 =	vld.idx.msk [tilespmem:v36+s24+$0x0], $0xffff;
	v4 =	vadd.f32 v57, v29;
	v29 =	vshll.u32 v8, $0x10;
	v8 =	vand.u32 $0xFFFF0000, v8  }
0x281: {  	v12 =	vld.idx.msk [tilespmem:v18+s3+$0x0], $0xffff;
	v57 =	vand.u32 $0xFFFF0000, v44;
	v52 =	vadd.f32 v31, v29;
	v29 =	vand.u32 $0xFFFF0000, v49  }
0x282: {  	v43 =	vld.idx.msk [tilespmem:v60+s26+$0x0], $0xffff;
	v8 =	vadd.f32 v22, v8;
	v22 =	vand.u32 $0xFFFF0000, v59;
	v31 =	vadd.f32 v4, v1  }
0x283: {  	v63 =	vld.idx.msk [tilespmem:v36+s29+$0x0], $0xffff;
	v1 =	vshll.u32 v59, $0x10;
	v4 =	vadd.f32 v29, v25;
	v25 =	vshll.u32 v38, $0x10  }
0x284: {  	v58 =	vld.idx.msk [tilespmem:v36+s25+$0x0], $0xffff;
	v29 =	vshll.u32 v40, $0x10;
	v22 =	vadd.f32 v22, v39;
	v1 =	vadd.f32 v1, v23  }
0x285: {  	v7 =	vld.idx.msk [tilespmem:v9+s30+$0x0], $0xffff;
	v59 =	vand.u32 $0xFFFF0000, v27;
	v40 =	vadd.f32 v25, v29;
	v23 =	vadd.f32 v8, v11  }
0x286: {  	v9 =	vld.idx.msk [tilespmem:v9+s1+$0x0], $0xffff;
	v11 =	vshll.u32 v49, $0x10;
	v39 =	vadd.f32 v52, v3;
	v3 =	vshll.u32 v32, $0x10  }
0x287: {  	v8 =	vld.idx.msk [tilespmem:v60+s31+$0x0], $0xffff;
	v52 =	vand.u32 $0xFFFF0000, v50;
	v25 =	vadd.f32 v4, v10;
	v22 =	vadd.f32 v22, v14  }
0x288: {  	v29 =	vld.idx.msk [tilespmem:v60+s0+$0x0], $0xffff;
	v49 =	vand.u32 $0xFFFF0000, v55;
	v10 =	vadd.f32 v37, v59;
	v37 =	vadd.f32 v53, v6  }
0x289: {  	v32 =	vld.idx.msk [tilespmem:v60+s30+$0x0], $0xffff;
	v59 =	vshll.u32 v50, $0x10;
	v50 =	vadd.f32 v15, v33;
	v35 =	vadd.f32 v1, v5  }
0x28a: {  	v53 =	vld.idx.msk [tilespmem:v36+s31+$0x0], $0xffff;
	v46 =	vand.u32 $0xFFFF0000, v7;
	v44 =	vadd.f32 v40, v2;
	v2 =	vadd.f32 v11, v3  }
0x28b: {  	v1 =	vshll.u32 v7, $0x10;
	v40 =	vld.idx.msk [tilespmem:v36+s0+$0x0], $0xffff;
	v5 =	vadd.f32 v57, v54;
	v4 =	vadd.f32 v46, v47  }
0x28c: {  	v57 =	vshll.u32 v55, $0x10;
	v54 =	vld.idx.msk [tilespmem:v36+s1+$0x0], $0xffff;
	v33 =	vadd.f32 v10, v12;
	v47 =	vadd.f32 v2, v41  }
0x28d: {  	v55 =	vld.idx.msk [tilespmem:v60+s25+$0x0], $0xffff;
	v3 =	vand.u32 $0xFFFF0000, v62;
	v27 =	vadd.f32 v4, v13;
	v4 =	vadd.f32 v1, v61  }
0x28e: {  	v46 =	vld.idx.msk [tilespmem:v60+s24+$0x0], $0xffff;
	v2 =	vshll.u32 v63, $0x10;
	v41 =	vadd.f32 v5, v48;
	v5 =	vand.u32 $0xFFFF0000, v9  }
0x28f: {  	v48 =	vld.idx.msk [tilespmem:v36+s30+$0x0], $0xffff;
	v38 =	vand.u32 $0xFFFF0000, v8;
	v45 =	vadd.f32 v4, v45;
	v4 =	vand.u32 $0xFFFF0000, v63  }
0x290: {  	v51 =	vshll.u32 v8, $0x10;
	v1 =	vshll.u32 v62, $0x10;
	v62 =	vld.idx.msk [tilespmem:v60+s23+$0x0], $0xffff;
	v3 =	vadd.f32 v4, v3  }
0x291: {  	s3 =	simm.s32 $0x800;
	v61 =	vshll.u32 v29, $0x10;
	v60 =	vld.idx.msk [tilespmem:v60+s28+$0x0], $0xffff;
	v63 =	vshll.u32 v40, $0x10;
	v4 =	vshll.u32 v9, $0x10  }
.LBB2_10:
0x292: {  	s4 =	sshra.s32 s3, $0x2;
	p0 =	sne.s32 s3, $0x6000;
	s3 =	sadd.s32 $0x400, s3;
	v6 =	vld.idx.msk [tilespmem:v36+s23+$0x0], $0xffff;
	v7 =	vshll.u32 v56, $0x10;
	v28 =	vadd.f32 v3, v28;
	v3 =	vadd.f32 v5, v24;
	v24 =	vmovc v52  }
0x293: {  	v8 =	vand.u32 $0xFFFF0000, v56;
	v1 =	vadd.f32 v2, v1;
	v2 =	vadd.f32 v4, v26;
	v26 =	vmovc v59;
	v9 =	vmovc v54;
	v5 =	vld [tilespmem:s4+$0x840]  }
0x294: {  	v10 =	vand.u32 $0xFFFF0000, v58;
	v11 =	vand.u32 $0xFFFF0000, v43;
	v4 =	vld [tilespmem:s4+$0x8C0];
	v34 =	vadd.f32 v3, v34  }
0x295: {  	v13 =	vand.u32 $0xFFFF0000, v32;
	v3 =	vand.u32 $0xFFFF0000, v55;
	v30 =	vadd.f32 v1, v30;
	v12 =	vld.idx.msk [tilespmem:v36+s26+$0x0], $0xffff  }
0x296: {  	v14 =	vshll.u32 v53, $0x10;
	v1 =	vand.u32 $0xFFFF0000, v46;
	v20 =	vadd.f32 v2, v20  }
0x297: {  	v2 =	vshll.u32 v62, $0x10;
	v1 =	vadd.f32 v8, v1;
	v8 =	vshll.u32 v60, $0x10  }
0x298: {  	v16 =	vshll.u32 v58, $0x10;
	v54 =	vadd.f32 v63, v61;
	v15 =	vshll.u32 v6, $0x10  }
0x299: {  	v52 =	vshll.u32 v55, $0x10;
	v46 =	vshll.u32 v46, $0x10;
	v21 =	vadd.f32 v1, v21;
	v36 =	vmovc v4  }
0x29a: {  	v1 =	vadd.f32 v7, v46;
	v15 =	vadd.f32 v15, v2;
	v2 =	vand.u32 $0xFFFF0000, v48  }
0x29b: {  	v55 =	vand.u32 $0xFFFF0000, v60;
	v8 =	vadd.f32 v57, v8;
	v46 =	vand.u32 $0xFFFF0000, v12;
	v7 =	vld.idx.msk [tilespmem:v5+s29+$0x0], $0xffff  }
0x29c: {  	v53 =	vand.u32 $0xFFFF0000, v53;
	v57 =	vand.u32 $0xFFFF0000, v62;
	v31 =	vadd.f32 v1, v31;
	v4 =	vld.idx.msk [tilespmem:v4+s29+$0x0], $0xffff  }
0x29d: {  	v40 =	vand.u32 $0xFFFF0000, v40;
	v11 =	vadd.f32 v46, v11;
	v46 =	vadd.f32 v49, v55;
	v1 =	vld.idx.msk [tilespmem:v5+s1+$0x0], $0xffff  }
0x29e: {  	v14 =	vadd.f32 v14, v51;
	v38 =	vadd.f32 v53, v38;
	v6 =	vand.u32 $0xFFFF0000, v6;
	v49 =	vld.idx.msk [tilespmem:v36+s28+$0x0], $0xffff  }
0x29f: {  	v16 =	vadd.f32 v16, v52;
	v12 =	vshll.u32 v12, $0x10;
	v23 =	vadd.f32 v46, v23;
	v51 =	vld.idx.msk [tilespmem:v5+s31+$0x0], $0xffff  }
0x2a0: {  	v10 =	vadd.f32 v10, v3;
	v3 =	vshll.u32 v43, $0x10;
	v25 =	vadd.f32 v11, v25;
	v53 =	vld.idx.msk [tilespmem:v5+s0+$0x0], $0xffff  }
0x2a1: {  	v22 =	vadd.f32 v38, v22;
	v2 =	vadd.f32 v2, v13;
	v11 =	vand.u32 $0xFFFF0000, v29;
	v56 =	vld.idx.msk [tilespmem:v36+s24+$0x0], $0xffff  }
0x2a2: {  	v35 =	vadd.f32 v14, v35;
	v13 =	vshll.u32 v32, $0x10;
	v11 =	vadd.f32 v40, v11;
	v46 =	vld.idx.msk [tilespmem:v5+s24+$0x0], $0xffff  }
0x2a3: {  	v14 =	vshll.u32 v48, $0x10;
	v39 =	vadd.f32 v8, v39;
	v27 =	vadd.f32 v2, v27;
	v43 =	vld.idx.msk [tilespmem:v5+s26+$0x0], $0xffff  }
0x2a4: {  	v44 =	vadd.f32 v16, v44;
	v2 =	vadd.f32 v14, v13;
	v32 =	vld.idx.msk [tilespmem:v5+s30+$0x0], $0xffff  }
0x2a5: {  	v37 =	vadd.f32 v54, v37;
	v52 =	vand.u32 $0xFFFF0000, v1;
	v38 =	vand.u32 $0xFFFF0000, v51;
	v40 =	vld.idx.msk [tilespmem:v36+s0+$0x0], $0xffff  }
0x2a6: {  	v6 =	vadd.f32 v6, v57;
	v59 =	vshll.u32 v1, $0x10;
	v51 =	vshll.u32 v51, $0x10;
	v29 =	vmovc v53;
	v58 =	vld.idx.msk [tilespmem:v36+s25+$0x0], $0xffff  }
0x2a7: {  	v3 =	vadd.f32 v12, v3;
	v57 =	vshll.u32 v49, $0x10;
	v49 =	vand.u32 $0xFFFF0000, v49;
	v54 =	vld.idx.msk [tilespmem:v36+s1+$0x0], $0xffff  }
.Ltmp4:
0x2a8: {  	v45 =	vadd.f32 v2, v45;
	v1 =	vshll.u32 v7, $0x10;
	v61 =	vshll.u32 v29, $0x10;
	v55 =	vld.idx.msk [tilespmem:v5+s25+$0x0], $0xffff;
	(pc) =	sbr.rel @p0 .LBB2_10-.Ltmp4, $4  }
0x2a9: {  	v50 =	vadd.f32 v15, v50;
	v2 =	vshll.u32 v4, $0x10;
	v7 =	vand.u32 $0xFFFF0000, v7;
	v53 =	vld.idx.msk [tilespmem:v36+s31+$0x0], $0xffff  }
0x2aa: {  	v41 =	vadd.f32 v6, v41;
	v47 =	vadd.f32 v3, v47;
	v4 =	vand.u32 $0xFFFF0000, v4;
	v48 =	vld.idx.msk [tilespmem:v36+s30+$0x0], $0xffff  }
0x2ab: {  	v33 =	vadd.f32 v11, v33;
	v3 =	vadd.f32 v4, v7;
	v63 =	vshll.u32 v40, $0x10;
	v62 =	vld.idx.msk [tilespmem:v5+s23+$0x0], $0xffff  }
0x2ac: {  	v42 =	vadd.f32 v10, v42;
	v4 =	vshll.u32 v9, $0x10;
	v60 =	vld.idx.msk [tilespmem:v5+s28+$0x0], $0xffff;
	v5 =	vand.u32 $0xFFFF0000, v9  }
0x2ad: {  	_ =	sdelay $0x1  }
0x2ae: {  	v5 =	vadd.f32 v5, v24;
	v1 =	vadd.f32 v2, v1  }
0x2af: {  	v2 =	vadd.f32 v4, v26;
	v3 =	vadd.f32 v3, v28;
	v7 =	vshll.u32 v56, $0x10  }
0x2b0: {  	v6 =	vld.idx.msk [tilespmem:v36+s23+$0x0], $0xffff;
	v10 =	vshll.u32 v58, $0x10;
	v11 =	vshll.u32 v46, $0x10;
	v12 =	vshll.u32 v55, $0x10  }
0x2b1: {  	v7 =	vadd.f32 v7, v11;
	v10 =	vadd.f32 v10, v12  }
0x2b2: {  	v15 =	vshll.u32 v54, $0x10;
	v4 =	vadd.f32 v5, v34;
	v1 =	vadd.f32 v1, v30  }
0x2b3: {  	v2 =	vadd.f32 v2, v20;
	v34 =	vshll.u32 v32, $0x10;
	v7 =	vadd.f32 v7, v31  }
0x2b4: {  	v5 =	vld.idx.msk [tilespmem:v36+s26+$0x0], $0xffff;
	v8 =	vshll.u32 v62, $0x10;
	v10 =	vadd.f32 v10, v44;
	v44 =	vadd.f32 v15, v59  }
0x2b5: {  	v13 =	vshll.u32 v60, $0x10;
	[tilespmem:$0x26C0] =	vst v1;
	v1 =	vand.u32 $0xFFFF0000, v46;
	v9 =	vshll.u32 v6, $0x10  }
0x2b6: {  	v13 =	vadd.f32 v57, v13;
	[tilespmem:$0x24C0] =	vst v7;
	v7 =	vshll.u32 v53, $0x10;
	v6 =	vand.u32 $0xFFFF0000, v6  }
0x2b7: {  	v2 =	vadd.f32 v44, v2;
	v8 =	vadd.f32 v9, v8;
	v9 =	vand.u32 $0xFFFF0000, v56  }
0x2b8: {  	v56 =	vshll.u32 v43, $0x10;
	v7 =	vadd.f32 v7, v51;
	v13 =	vadd.f32 v13, v39  }
0x2b9: {  	v36 =	vshll.u32 v5, $0x10;
	v1 =	vadd.f32 v9, v1;
	v8 =	vadd.f32 v8, v50  }
0x2ba: {  	[tilespmem:$0x2BC0] =	vst v3;
	v11 =	vadd.f32 v36, v56;
	v36 =	vand.u32 $0xFFFF0000, v43;
	v43 =	vand.u32 $0xFFFF0000, v62  }
0x2bb: {  	v14 =	vshll.u32 v48, $0x10;
	[tilespmem:$0x2540] =	vst v10;
	v6 =	vadd.f32 v6, v43;
	v1 =	vadd.f32 v1, v21  }
0x2bc: {  	v58 =	vand.u32 $0xFFFF0000, v58;
	v7 =	vadd.f32 v7, v35;
	[tilespmem:$0x2440] =	vst v8;
	v8 =	vadd.f32 v14, v34  }
0x2bd: {  	v11 =	vadd.f32 v11, v47;
	v6 =	vadd.f32 v6, v41;
	[tilespmem:$0x29C0] =	vst v1;
	v1 =	vand.u32 $0xFFFF0000, v53  }
0x2be: {  	[tilespmem:$0x27C0] =	vst v7;
	v8 =	vadd.f32 v8, v45;
	v45 =	vand.u32 $0xFFFF0000, v55;
	v1 =	vadd.f32 v1, v38  }
0x2bf: {  	v47 =	vand.u32 $0xFFFF0000, v48;
	v7 =	vadd.f32 v58, v45;
	[tilespmem:$0x2940] =	vst v6;
	v6 =	vand.u32 $0xFFFF0000, v32  }
0x2c0: {  	v51 =	vld [tilespmem:$0x1FFC0];
	v5 =	vand.u32 $0xFFFF0000, v5;
	[tilespmem:$0x28C0] =	vst v2;
	v6 =	vadd.f32 v47, v6;
	v1 =	vadd.f32 v1, v22  }
0x2c1: {  	v46 =	vand.u32 $0xFFFF0000, v60;
	v50 =	vld [tilespmem:$0x1FFB0];
	[tilespmem:$0x2640] =	vst v13;
	v5 =	vadd.f32 v5, v36;
	v7 =	vadd.f32 v7, v42  }
0x2c2: {  	v2 =	vadd.f32 v49, v46;
	v53 =	vld [tilespmem:$0x1FFE0];
	v6 =	vadd.f32 v6, v27;
	[tilespmem:$0x2CC0] =	vst v1  }
0x2c3: {  	v39 =	vadd.f32 v63, v61;
	v5 =	vadd.f32 v5, v25;
	v1 =	vld [tilespmem:$0x1FF00];
	[tilespmem:$0x2A40] =	vst v7  }
0x2c4: {  	v2 =	vadd.f32 v2, v23;
	v48 =	vand.u32 $0xFFFF0000, v29;
	v7 =	vand.u32 $0xFFFF0000, v40;
	[tilespmem:$0x2C40] =	vst v6;
	v6 =	vld [tilespmem:$0x1FF70]  }
0x2c5: {  	[tilespmem:$0x2AC0] =	vst v5;
	v5 =	vadd.f32 v7, v48;
	v7 =	vand.u32 $0xFFFF0000, v54;
	v54 =	vld [tilespmem:$0x1FFF0]  }
0x2c6: {  	v14 =	vadd.f32 v39, v37;
	[tilespmem:$0x2B40] =	vst v2;
	v2 =	vadd.f32 v7, v52;
	v7 =	vld [tilespmem:$0x1FF80]  }
0x2c7: {  	[tilespmem:$0x25C0] =	vst v11;
	v52 =	vld [tilespmem:$0x1FFD0]  }
0x2c8: {  	[tilespmem:$0x2840] =	vst v14;
	v3 =	vadd.f32 v5, v33;
	v5 =	vld [tilespmem:$0x1FF50]  }
0x2c9: {  	[tilespmem:$0x2740] =	vst v8;
	v2 =	vadd.f32 v2, v4;
	v4 =	vld [tilespmem:$0x1FF40]  }
0x2ca: {  	[tilespmem:$0x2D40] =	vst v3;
	v3 =	vld [tilespmem:$0x1FF20]  }
0x2cb: {  	s3 =	simm.s32 $0x0;
	[tilespmem:$0x2DC0] =	vst v2;
	v2 =	vld [tilespmem:$0x1FF10]  }
0x2cc: {  	v33 =	vld.idx.msk [tilespmem:v0+s3+$0x0], $0xffff  }
0x2cd: {  	s4 =	simm.s32 $0x0;
	v1 =	vld.idx.msk [tilespmem:v1+s3+$0x0], $0xffff  }
0x2ce: {  	v49 =	vld [tilespmem:s4+$0x850]  }
0x2cf: {  	v9 =	vld [tilespmem:s4+$0x8D0]  }
0x2d0: {  	v42 =	vld.idx.msk [tilespmem:v50+s3+$0x0], $0xffff  }
0x2d1: {  	v10 =	vld.idx.msk [tilespmem:v51+s3+$0x0], $0xffff  }
0x2d2: {  	v12 =	vld.idx.msk [tilespmem:v53+s3+$0x0], $0xffff  }
0x2d3: {  	v14 =	vld.idx.msk [tilespmem:v17+s3+$0x0], $0xffff  }
0x2d4: {  	s4 =	simm.s32 $0x100;
	v34 =	vld.idx.msk [tilespmem:v19+s3+$0x0], $0xffff  }
0x2d5: {  	v60 =	vld [tilespmem:s4+$0x850]  }
0x2d6: {  	v36 =	vld [tilespmem:s4+$0x8D0]  }
0x2d7: {  	v6 =	vld.idx.msk [tilespmem:v6+s3+$0x0], $0xffff  }
0x2d8: {  	v13 =	vld.idx.msk [tilespmem:v54+s3+$0x0], $0xffff  }
0x2d9: {  	v20 =	vld.idx.msk [tilespmem:v7+s3+$0x0], $0xffff  }
0x2da: {  	v7 =	vld [tilespmem:$0x1FF90]  }
0x2db: {  	v11 =	vld.idx.msk [tilespmem:v52+s3+$0x0], $0xffff  }
0x2dc: {  	v45 =	vld.idx.msk [tilespmem:v5+s3+$0x0], $0xffff  }
0x2dd: {  	v5 =	vld [tilespmem:$0x1FF60]  }
0x2de: {  	v4 =	vld.idx.msk [tilespmem:v4+s3+$0x0], $0xffff  }
0x2df: {  	v41 =	vld.idx.msk [tilespmem:v3+s3+$0x0], $0xffff  }
0x2e0: {  	v3 =	vld [tilespmem:$0x1FF30]  }
0x2e1: {  	v2 =	vld.idx.msk [tilespmem:v2+s3+$0x0], $0xffff  }
0x2e2: {  	v15 =	vld.idx.msk [tilespmem:v49+s29+$0x0], $0xffff  }
0x2e3: {  	v16 =	vld.idx.msk [tilespmem:v9+s29+$0x0], $0xffff  }
0x2e4: {  	v21 =	vld.idx.msk [tilespmem:v49+s1+$0x0], $0xffff  }
0x2e5: {  	v22 =	vld.idx.msk [tilespmem:v9+s28+$0x0], $0xffff  }
0x2e6: {  	v23 =	vld.idx.msk [tilespmem:v49+s31+$0x0], $0xffff  }
0x2e7: {  	v27 =	vld.idx.msk [tilespmem:v49+s0+$0x0], $0xffff  }
0x2e8: {  	v25 =	vld.idx.msk [tilespmem:v9+s24+$0x0], $0xffff  }
0x2e9: {  	v29 =	vld.idx.msk [tilespmem:v49+s24+$0x0], $0xffff  }
0x2ea: {  	v32 =	vld.idx.msk [tilespmem:v49+s26+$0x0], $0xffff  }
0x2eb: {  	v35 =	vld.idx.msk [tilespmem:v49+s30+$0x0], $0xffff  }
0x2ec: {  	v37 =	vld.idx.msk [tilespmem:v9+s0+$0x0], $0xffff  }
0x2ed: {  	v48 =	vld.idx.msk [tilespmem:v7+s3+$0x0], $0xffff  }
0x2ee: {  	v7 =	vld [tilespmem:$0x1FFA0]  }
0x2ef: {  	v40 =	vld.idx.msk [tilespmem:v49+s25+$0x0], $0xffff  }
0x2f0: {  	v44 =	vld.idx.msk [tilespmem:v9+s23+$0x0], $0xffff;
	v39 =	vand.u32 $0xFFFF0000, v23;
	v24 =	vand.u32 $0xFFFF0000, v21  }
0x2f1: {  	v43 =	vld.idx.msk [tilespmem:v49+s23+$0x0], $0xffff;
	v23 =	vshll.u32 v23, $0x10;
	v26 =	vshll.u32 v21, $0x10;
	v31 =	vshll.u32 v22, $0x10  }
0x2f2: {  	v38 =	vld.idx.msk [tilespmem:v9+s25+$0x0], $0xffff;
	v22 =	vand.u32 $0xFFFF0000, v22;
	v21 =	vand.u32 $0xFFFF0000, v15;
	v28 =	vand.u32 $0xFFFF0000, v16  }
0x2f3: {  	v8 =	vld.idx.msk [tilespmem:v49+s28+$0x0], $0xffff;
	v15 =	vshll.u32 v15, $0x10;
	v55 =	vshll.u32 v27, $0x10;
	v16 =	vshll.u32 v16, $0x10  }
0x2f4: {  	v49 =	vld.idx.msk [tilespmem:v9+s26+$0x0], $0xffff;
	v56 =	vshll.u32 v37, $0x10;
	v57 =	vshll.u32 v25, $0x10;
	v58 =	vand.u32 $0xFFFF0000, v25  }
0x2f5: {  	v59 =	vld.idx.msk [tilespmem:v9+s31+$0x0], $0xffff;
	v25 =	vand.u32 $0xFFFF0000, v32;
	v51 =	vand.u32 $0xFFFF0000, v40;
	v63 =	vshll.u32 v44, $0x10  }
0x2f6: {  	v47 =	vand.u32 $0xFFFF0000, v35;
	v54 =	vand.u32 $0xFFFF0000, v43;
	v21 =	vadd.f32 v28, v21;
	v7 =	vld.idx.msk [tilespmem:v7+s3+$0x0], $0xffff  }
0x2f7: {  	v62 =	vld.idx.msk [tilespmem:v60+s29+$0x0], $0xffff;
	v37 =	vand.u32 $0xFFFF0000, v37;
	v15 =	vadd.f32 v16, v15;
	v16 =	vand.u32 $0xFFFF0000, v38  }
0x2f8: {  	v50 =	vld.idx.msk [tilespmem:v60+s1+$0x0], $0xffff;
	v16 =	vadd.f32 v16, v51;
	v28 =	vadd.f32 v21, v12;
	v21 =	vand.u32 $0xFFFF0000, v29  }
0x2f9: {  	v5 =	vld.idx.msk [tilespmem:v5+s3+$0x0], $0xffff;
	v30 =	vadd.f32 v15, v4;
	v15 =	vshll.u32 v43, $0x10;
	v4 =	vadd.f32 v58, v21  }
0x2fa: {  	v61 =	vshll.u32 v35, $0x10;
	v3 =	vld.idx.msk [tilespmem:v3+s3+$0x0], $0xffff;
	v53 =	vadd.f32 v56, v55;
	v15 =	vadd.f32 v63, v15  }
0x2fb: {  	v55 =	vld.idx.msk [tilespmem:v36+s28+$0x0], $0xffff;
	v29 =	vshll.u32 v29, $0x10;
	v42 =	vadd.f32 v16, v42;
	v21 =	vadd.f32 v4, v7  }
0x2fc: {  	v56 =	vld.idx.msk [tilespmem:v36+s24+$0x0], $0xffff;
	v4 =	vadd.f32 v57, v29;
	v29 =	vshll.u32 v8, $0x10;
	v8 =	vand.u32 $0xFFFF0000, v8  }
0x2fd: {  	v12 =	vld.idx.msk [tilespmem:v18+s3+$0x0], $0xffff;
	v57 =	vand.u32 $0xFFFF0000, v44;
	v52 =	vadd.f32 v31, v29;
	v29 =	vand.u32 $0xFFFF0000, v49  }
0x2fe: {  	v43 =	vld.idx.msk [tilespmem:v60+s26+$0x0], $0xffff;
	v8 =	vadd.f32 v22, v8;
	v22 =	vand.u32 $0xFFFF0000, v59;
	v31 =	vadd.f32 v4, v1  }
0x2ff: {  	v63 =	vld.idx.msk [tilespmem:v36+s29+$0x0], $0xffff;
	v1 =	vshll.u32 v59, $0x10;
	v4 =	vadd.f32 v29, v25;
	v25 =	vshll.u32 v38, $0x10  }
0x300: {  	v58 =	vld.idx.msk [tilespmem:v36+s25+$0x0], $0xffff;
	v29 =	vshll.u32 v40, $0x10;
	v22 =	vadd.f32 v22, v39;
	v1 =	vadd.f32 v1, v23  }
0x301: {  	v7 =	vld.idx.msk [tilespmem:v9+s30+$0x0], $0xffff;
	v59 =	vand.u32 $0xFFFF0000, v27;
	v40 =	vadd.f32 v25, v29;
	v23 =	vadd.f32 v8, v11  }
0x302: {  	v9 =	vld.idx.msk [tilespmem:v9+s1+$0x0], $0xffff;
	v11 =	vshll.u32 v49, $0x10;
	v39 =	vadd.f32 v52, v3;
	v3 =	vshll.u32 v32, $0x10  }
0x303: {  	v8 =	vld.idx.msk [tilespmem:v60+s31+$0x0], $0xffff;
	v52 =	vand.u32 $0xFFFF0000, v50;
	v25 =	vadd.f32 v4, v10;
	v22 =	vadd.f32 v22, v14  }
0x304: {  	v29 =	vld.idx.msk [tilespmem:v60+s0+$0x0], $0xffff;
	v49 =	vand.u32 $0xFFFF0000, v55;
	v10 =	vadd.f32 v37, v59;
	v37 =	vadd.f32 v53, v6  }
0x305: {  	v32 =	vld.idx.msk [tilespmem:v60+s30+$0x0], $0xffff;
	v59 =	vshll.u32 v50, $0x10;
	v50 =	vadd.f32 v15, v33;
	v35 =	vadd.f32 v1, v5  }
0x306: {  	v53 =	vld.idx.msk [tilespmem:v36+s31+$0x0], $0xffff;
	v46 =	vand.u32 $0xFFFF0000, v7;
	v44 =	vadd.f32 v40, v2;
	v2 =	vadd.f32 v11, v3  }
0x307: {  	v1 =	vshll.u32 v7, $0x10;
	v40 =	vld.idx.msk [tilespmem:v36+s0+$0x0], $0xffff;
	v5 =	vadd.f32 v57, v54;
	v4 =	vadd.f32 v46, v47  }
0x308: {  	v57 =	vshll.u32 v55, $0x10;
	v54 =	vld.idx.msk [tilespmem:v36+s1+$0x0], $0xffff;
	v33 =	vadd.f32 v10, v12;
	v47 =	vadd.f32 v2, v41  }
0x309: {  	v55 =	vld.idx.msk [tilespmem:v60+s25+$0x0], $0xffff;
	v3 =	vand.u32 $0xFFFF0000, v62;
	v27 =	vadd.f32 v4, v13;
	v4 =	vadd.f32 v1, v61  }
0x30a: {  	v46 =	vld.idx.msk [tilespmem:v60+s24+$0x0], $0xffff;
	v2 =	vshll.u32 v63, $0x10;
	v41 =	vadd.f32 v5, v48;
	v5 =	vand.u32 $0xFFFF0000, v9  }
0x30b: {  	v48 =	vld.idx.msk [tilespmem:v36+s30+$0x0], $0xffff;
	v38 =	vand.u32 $0xFFFF0000, v8;
	v45 =	vadd.f32 v4, v45;
	v4 =	vand.u32 $0xFFFF0000, v63  }
0x30c: {  	v51 =	vshll.u32 v8, $0x10;
	v1 =	vshll.u32 v62, $0x10;
	v62 =	vld.idx.msk [tilespmem:v60+s23+$0x0], $0xffff;
	v3 =	vadd.f32 v4, v3  }
0x30d: {  	s3 =	simm.s32 $0x800;
	v61 =	vshll.u32 v29, $0x10;
	v60 =	vld.idx.msk [tilespmem:v60+s28+$0x0], $0xffff;
	v63 =	vshll.u32 v40, $0x10;
	v4 =	vshll.u32 v9, $0x10  }
.LBB2_12:
0x30e: {  	s4 =	sshra.s32 s3, $0x2;
	p0 =	sne.s32 s3, $0x6000;
	s3 =	sadd.s32 $0x400, s3;
	v6 =	vld.idx.msk [tilespmem:v36+s23+$0x0], $0xffff;
	v7 =	vshll.u32 v56, $0x10;
	v28 =	vadd.f32 v3, v28;
	v3 =	vadd.f32 v5, v24;
	v24 =	vmovc v52  }
0x30f: {  	v8 =	vand.u32 $0xFFFF0000, v56;
	v1 =	vadd.f32 v2, v1;
	v2 =	vadd.f32 v4, v26;
	v26 =	vmovc v59;
	v9 =	vmovc v54;
	v5 =	vld [tilespmem:s4+$0x850]  }
0x310: {  	v10 =	vand.u32 $0xFFFF0000, v58;
	v11 =	vand.u32 $0xFFFF0000, v43;
	v4 =	vld [tilespmem:s4+$0x8D0];
	v34 =	vadd.f32 v3, v34  }
0x311: {  	v13 =	vand.u32 $0xFFFF0000, v32;
	v3 =	vand.u32 $0xFFFF0000, v55;
	v30 =	vadd.f32 v1, v30;
	v12 =	vld.idx.msk [tilespmem:v36+s26+$0x0], $0xffff  }
0x312: {  	v14 =	vshll.u32 v53, $0x10;
	v1 =	vand.u32 $0xFFFF0000, v46;
	v20 =	vadd.f32 v2, v20  }
0x313: {  	v2 =	vshll.u32 v62, $0x10;
	v1 =	vadd.f32 v8, v1;
	v8 =	vshll.u32 v60, $0x10  }
0x314: {  	v16 =	vshll.u32 v58, $0x10;
	v54 =	vadd.f32 v63, v61;
	v15 =	vshll.u32 v6, $0x10  }
0x315: {  	v52 =	vshll.u32 v55, $0x10;
	v46 =	vshll.u32 v46, $0x10;
	v21 =	vadd.f32 v1, v21;
	v36 =	vmovc v4  }
0x316: {  	v1 =	vadd.f32 v7, v46;
	v15 =	vadd.f32 v15, v2;
	v2 =	vand.u32 $0xFFFF0000, v48  }
0x317: {  	v55 =	vand.u32 $0xFFFF0000, v60;
	v8 =	vadd.f32 v57, v8;
	v46 =	vand.u32 $0xFFFF0000, v12;
	v7 =	vld.idx.msk [tilespmem:v5+s29+$0x0], $0xffff  }
0x318: {  	v53 =	vand.u32 $0xFFFF0000, v53;
	v57 =	vand.u32 $0xFFFF0000, v62;
	v31 =	vadd.f32 v1, v31;
	v4 =	vld.idx.msk [tilespmem:v4+s29+$0x0], $0xffff  }
0x319: {  	v40 =	vand.u32 $0xFFFF0000, v40;
	v11 =	vadd.f32 v46, v11;
	v46 =	vadd.f32 v49, v55;
	v1 =	vld.idx.msk [tilespmem:v5+s1+$0x0], $0xffff  }
0x31a: {  	v14 =	vadd.f32 v14, v51;
	v38 =	vadd.f32 v53, v38;
	v6 =	vand.u32 $0xFFFF0000, v6;
	v49 =	vld.idx.msk [tilespmem:v36+s28+$0x0], $0xffff  }
0x31b: {  	v16 =	vadd.f32 v16, v52;
	v12 =	vshll.u32 v12, $0x10;
	v23 =	vadd.f32 v46, v23;
	v51 =	vld.idx.msk [tilespmem:v5+s31+$0x0], $0xffff  }
0x31c: {  	v10 =	vadd.f32 v10, v3;
	v3 =	vshll.u32 v43, $0x10;
	v25 =	vadd.f32 v11, v25;
	v53 =	vld.idx.msk [tilespmem:v5+s0+$0x0], $0xffff  }
0x31d: {  	v22 =	vadd.f32 v38, v22;
	v2 =	vadd.f32 v2, v13;
	v11 =	vand.u32 $0xFFFF0000, v29;
	v56 =	vld.idx.msk [tilespmem:v36+s24+$0x0], $0xffff  }
0x31e: {  	v35 =	vadd.f32 v14, v35;
	v13 =	vshll.u32 v32, $0x10;
	v11 =	vadd.f32 v40, v11;
	v46 =	vld.idx.msk [tilespmem:v5+s24+$0x0], $0xffff  }
0x31f: {  	v14 =	vshll.u32 v48, $0x10;
	v39 =	vadd.f32 v8, v39;
	v27 =	vadd.f32 v2, v27;
	v43 =	vld.idx.msk [tilespmem:v5+s26+$0x0], $0xffff  }
0x320: {  	v44 =	vadd.f32 v16, v44;
	v2 =	vadd.f32 v14, v13;
	v32 =	vld.idx.msk [tilespmem:v5+s30+$0x0], $0xffff  }
0x321: {  	v37 =	vadd.f32 v54, v37;
	v52 =	vand.u32 $0xFFFF0000, v1;
	v38 =	vand.u32 $0xFFFF0000, v51;
	v40 =	vld.idx.msk [tilespmem:v36+s0+$0x0], $0xffff  }
0x322: {  	v6 =	vadd.f32 v6, v57;
	v59 =	vshll.u32 v1, $0x10;
	v51 =	vshll.u32 v51, $0x10;
	v29 =	vmovc v53;
	v58 =	vld.idx.msk [tilespmem:v36+s25+$0x0], $0xffff  }
0x323: {  	v3 =	vadd.f32 v12, v3;
	v57 =	vshll.u32 v49, $0x10;
	v49 =	vand.u32 $0xFFFF0000, v49;
	v54 =	vld.idx.msk [tilespmem:v36+s1+$0x0], $0xffff  }
.Ltmp5:
0x324: {  	v45 =	vadd.f32 v2, v45;
	v1 =	vshll.u32 v7, $0x10;
	v61 =	vshll.u32 v29, $0x10;
	v55 =	vld.idx.msk [tilespmem:v5+s25+$0x0], $0xffff;
	(pc) =	sbr.rel @p0 .LBB2_12-.Ltmp5, $4  }
0x325: {  	v50 =	vadd.f32 v15, v50;
	v2 =	vshll.u32 v4, $0x10;
	v7 =	vand.u32 $0xFFFF0000, v7;
	v53 =	vld.idx.msk [tilespmem:v36+s31+$0x0], $0xffff  }
0x326: {  	v41 =	vadd.f32 v6, v41;
	v47 =	vadd.f32 v3, v47;
	v4 =	vand.u32 $0xFFFF0000, v4;
	v48 =	vld.idx.msk [tilespmem:v36+s30+$0x0], $0xffff  }
0x327: {  	v33 =	vadd.f32 v11, v33;
	v3 =	vadd.f32 v4, v7;
	v63 =	vshll.u32 v40, $0x10;
	v62 =	vld.idx.msk [tilespmem:v5+s23+$0x0], $0xffff  }
0x328: {  	v42 =	vadd.f32 v10, v42;
	v4 =	vshll.u32 v9, $0x10;
	v60 =	vld.idx.msk [tilespmem:v5+s28+$0x0], $0xffff;
	v5 =	vand.u32 $0xFFFF0000, v9  }
0x329: {  	_ =	sdelay $0x1  }
0x32a: {  	v5 =	vadd.f32 v5, v24;
	v1 =	vadd.f32 v2, v1  }
0x32b: {  	v2 =	vadd.f32 v4, v26;
	v3 =	vadd.f32 v3, v28;
	v7 =	vshll.u32 v56, $0x10  }
0x32c: {  	v6 =	vld.idx.msk [tilespmem:v36+s23+$0x0], $0xffff;
	v10 =	vshll.u32 v58, $0x10;
	v11 =	vshll.u32 v46, $0x10;
	v12 =	vshll.u32 v55, $0x10  }
0x32d: {  	v7 =	vadd.f32 v7, v11;
	v10 =	vadd.f32 v10, v12  }
0x32e: {  	v15 =	vshll.u32 v54, $0x10;
	v4 =	vadd.f32 v5, v34;
	v1 =	vadd.f32 v1, v30  }
0x32f: {  	v2 =	vadd.f32 v2, v20;
	v34 =	vshll.u32 v32, $0x10;
	v7 =	vadd.f32 v7, v31  }
0x330: {  	v5 =	vld.idx.msk [tilespmem:v36+s26+$0x0], $0xffff;
	v8 =	vshll.u32 v62, $0x10;
	v10 =	vadd.f32 v10, v44;
	v44 =	vadd.f32 v15, v59  }
0x331: {  	v13 =	vshll.u32 v60, $0x10;
	[tilespmem:$0x26D0] =	vst v1;
	v1 =	vand.u32 $0xFFFF0000, v46;
	v9 =	vshll.u32 v6, $0x10  }
0x332: {  	v13 =	vadd.f32 v57, v13;
	[tilespmem:$0x24D0] =	vst v7;
	v7 =	vshll.u32 v53, $0x10;
	v6 =	vand.u32 $0xFFFF0000, v6  }
0x333: {  	v2 =	vadd.f32 v44, v2;
	v8 =	vadd.f32 v9, v8;
	v9 =	vand.u32 $0xFFFF0000, v56  }
0x334: {  	v56 =	vshll.u32 v43, $0x10;
	v7 =	vadd.f32 v7, v51;
	v13 =	vadd.f32 v13, v39  }
0x335: {  	v36 =	vshll.u32 v5, $0x10;
	v1 =	vadd.f32 v9, v1;
	v8 =	vadd.f32 v8, v50  }
0x336: {  	[tilespmem:$0x2BD0] =	vst v3;
	v11 =	vadd.f32 v36, v56;
	v36 =	vand.u32 $0xFFFF0000, v43;
	v43 =	vand.u32 $0xFFFF0000, v62  }
0x337: {  	v14 =	vshll.u32 v48, $0x10;
	[tilespmem:$0x2550] =	vst v10;
	v6 =	vadd.f32 v6, v43;
	v1 =	vadd.f32 v1, v21  }
0x338: {  	v58 =	vand.u32 $0xFFFF0000, v58;
	v7 =	vadd.f32 v7, v35;
	[tilespmem:$0x2450] =	vst v8;
	v8 =	vadd.f32 v14, v34  }
0x339: {  	v11 =	vadd.f32 v11, v47;
	v6 =	vadd.f32 v6, v41;
	[tilespmem:$0x29D0] =	vst v1;
	v1 =	vand.u32 $0xFFFF0000, v53  }
0x33a: {  	[tilespmem:$0x27D0] =	vst v7;
	v8 =	vadd.f32 v8, v45;
	v45 =	vand.u32 $0xFFFF0000, v55;
	v1 =	vadd.f32 v1, v38  }
0x33b: {  	v47 =	vand.u32 $0xFFFF0000, v48;
	v7 =	vadd.f32 v58, v45;
	[tilespmem:$0x2950] =	vst v6;
	v6 =	vand.u32 $0xFFFF0000, v32  }
0x33c: {  	v51 =	vld [tilespmem:$0x1FFC0];
	v5 =	vand.u32 $0xFFFF0000, v5;
	[tilespmem:$0x28D0] =	vst v2;
	v6 =	vadd.f32 v47, v6;
	v1 =	vadd.f32 v1, v22  }
0x33d: {  	v46 =	vand.u32 $0xFFFF0000, v60;
	v50 =	vld [tilespmem:$0x1FFB0];
	[tilespmem:$0x2650] =	vst v13;
	v5 =	vadd.f32 v5, v36;
	v7 =	vadd.f32 v7, v42  }
0x33e: {  	v2 =	vadd.f32 v49, v46;
	v53 =	vld [tilespmem:$0x1FFE0];
	v6 =	vadd.f32 v6, v27;
	[tilespmem:$0x2CD0] =	vst v1  }
0x33f: {  	v39 =	vadd.f32 v63, v61;
	v5 =	vadd.f32 v5, v25;
	v1 =	vld [tilespmem:$0x1FF00];
	[tilespmem:$0x2A50] =	vst v7  }
0x340: {  	v2 =	vadd.f32 v2, v23;
	v48 =	vand.u32 $0xFFFF0000, v29;
	v7 =	vand.u32 $0xFFFF0000, v40;
	[tilespmem:$0x2C50] =	vst v6;
	v6 =	vld [tilespmem:$0x1FF70]  }
0x341: {  	[tilespmem:$0x2AD0] =	vst v5;
	v5 =	vadd.f32 v7, v48;
	v7 =	vand.u32 $0xFFFF0000, v54;
	v54 =	vld [tilespmem:$0x1FFF0]  }
0x342: {  	v14 =	vadd.f32 v39, v37;
	[tilespmem:$0x2B50] =	vst v2;
	v2 =	vadd.f32 v7, v52;
	v7 =	vld [tilespmem:$0x1FF80]  }
0x343: {  	[tilespmem:$0x25D0] =	vst v11;
	v52 =	vld [tilespmem:$0x1FFD0]  }
0x344: {  	[tilespmem:$0x2850] =	vst v14;
	v3 =	vadd.f32 v5, v33;
	v5 =	vld [tilespmem:$0x1FF50]  }
0x345: {  	[tilespmem:$0x2750] =	vst v8;
	v2 =	vadd.f32 v2, v4;
	v4 =	vld [tilespmem:$0x1FF40]  }
0x346: {  	[tilespmem:$0x2D50] =	vst v3;
	v3 =	vld [tilespmem:$0x1FF20]  }
0x347: {  	s3 =	simm.s32 $0x0;
	[tilespmem:$0x2DD0] =	vst v2;
	v2 =	vld [tilespmem:$0x1FF10]  }
0x348: {  	v33 =	vld.idx.msk [tilespmem:v0+s3+$0x0], $0xffff  }
0x349: {  	s4 =	simm.s32 $0x0;
	v1 =	vld.idx.msk [tilespmem:v1+s3+$0x0], $0xffff  }
0x34a: {  	v49 =	vld [tilespmem:s4+$0x860]  }
0x34b: {  	v9 =	vld [tilespmem:s4+$0x8E0]  }
0x34c: {  	v42 =	vld.idx.msk [tilespmem:v50+s3+$0x0], $0xffff  }
0x34d: {  	v10 =	vld.idx.msk [tilespmem:v51+s3+$0x0], $0xffff  }
0x34e: {  	v12 =	vld.idx.msk [tilespmem:v53+s3+$0x0], $0xffff  }
0x34f: {  	v14 =	vld.idx.msk [tilespmem:v17+s3+$0x0], $0xffff  }
0x350: {  	s4 =	simm.s32 $0x100;
	v34 =	vld.idx.msk [tilespmem:v19+s3+$0x0], $0xffff  }
0x351: {  	v60 =	vld [tilespmem:s4+$0x860]  }
0x352: {  	v36 =	vld [tilespmem:s4+$0x8E0]  }
0x353: {  	v6 =	vld.idx.msk [tilespmem:v6+s3+$0x0], $0xffff  }
0x354: {  	v13 =	vld.idx.msk [tilespmem:v54+s3+$0x0], $0xffff  }
0x355: {  	v20 =	vld.idx.msk [tilespmem:v7+s3+$0x0], $0xffff  }
0x356: {  	v7 =	vld [tilespmem:$0x1FF90]  }
0x357: {  	v11 =	vld.idx.msk [tilespmem:v52+s3+$0x0], $0xffff  }
0x358: {  	v45 =	vld.idx.msk [tilespmem:v5+s3+$0x0], $0xffff  }
0x359: {  	v5 =	vld [tilespmem:$0x1FF60]  }
0x35a: {  	v4 =	vld.idx.msk [tilespmem:v4+s3+$0x0], $0xffff  }
0x35b: {  	v41 =	vld.idx.msk [tilespmem:v3+s3+$0x0], $0xffff  }
0x35c: {  	v3 =	vld [tilespmem:$0x1FF30]  }
0x35d: {  	v2 =	vld.idx.msk [tilespmem:v2+s3+$0x0], $0xffff  }
0x35e: {  	v15 =	vld.idx.msk [tilespmem:v49+s29+$0x0], $0xffff  }
0x35f: {  	v16 =	vld.idx.msk [tilespmem:v9+s29+$0x0], $0xffff  }
0x360: {  	v21 =	vld.idx.msk [tilespmem:v49+s1+$0x0], $0xffff  }
0x361: {  	v22 =	vld.idx.msk [tilespmem:v9+s28+$0x0], $0xffff  }
0x362: {  	v23 =	vld.idx.msk [tilespmem:v49+s31+$0x0], $0xffff  }
0x363: {  	v27 =	vld.idx.msk [tilespmem:v49+s0+$0x0], $0xffff  }
0x364: {  	v25 =	vld.idx.msk [tilespmem:v9+s24+$0x0], $0xffff  }
0x365: {  	v29 =	vld.idx.msk [tilespmem:v49+s24+$0x0], $0xffff  }
0x366: {  	v32 =	vld.idx.msk [tilespmem:v49+s26+$0x0], $0xffff  }
0x367: {  	v35 =	vld.idx.msk [tilespmem:v49+s30+$0x0], $0xffff  }
0x368: {  	v37 =	vld.idx.msk [tilespmem:v9+s0+$0x0], $0xffff  }
0x369: {  	v48 =	vld.idx.msk [tilespmem:v7+s3+$0x0], $0xffff  }
0x36a: {  	v7 =	vld [tilespmem:$0x1FFA0]  }
0x36b: {  	v40 =	vld.idx.msk [tilespmem:v49+s25+$0x0], $0xffff  }
0x36c: {  	v44 =	vld.idx.msk [tilespmem:v9+s23+$0x0], $0xffff;
	v39 =	vand.u32 $0xFFFF0000, v23;
	v24 =	vand.u32 $0xFFFF0000, v21  }
0x36d: {  	v43 =	vld.idx.msk [tilespmem:v49+s23+$0x0], $0xffff;
	v23 =	vshll.u32 v23, $0x10;
	v26 =	vshll.u32 v21, $0x10;
	v31 =	vshll.u32 v22, $0x10  }
0x36e: {  	v38 =	vld.idx.msk [tilespmem:v9+s25+$0x0], $0xffff;
	v22 =	vand.u32 $0xFFFF0000, v22;
	v21 =	vand.u32 $0xFFFF0000, v15;
	v28 =	vand.u32 $0xFFFF0000, v16  }
0x36f: {  	v8 =	vld.idx.msk [tilespmem:v49+s28+$0x0], $0xffff;
	v15 =	vshll.u32 v15, $0x10;
	v55 =	vshll.u32 v27, $0x10;
	v16 =	vshll.u32 v16, $0x10  }
0x370: {  	v49 =	vld.idx.msk [tilespmem:v9+s26+$0x0], $0xffff;
	v56 =	vshll.u32 v37, $0x10;
	v57 =	vshll.u32 v25, $0x10;
	v58 =	vand.u32 $0xFFFF0000, v25  }
0x371: {  	v59 =	vld.idx.msk [tilespmem:v9+s31+$0x0], $0xffff;
	v25 =	vand.u32 $0xFFFF0000, v32;
	v51 =	vand.u32 $0xFFFF0000, v40;
	v63 =	vshll.u32 v44, $0x10  }
0x372: {  	v47 =	vand.u32 $0xFFFF0000, v35;
	v54 =	vand.u32 $0xFFFF0000, v43;
	v21 =	vadd.f32 v28, v21;
	v7 =	vld.idx.msk [tilespmem:v7+s3+$0x0], $0xffff  }
0x373: {  	v62 =	vld.idx.msk [tilespmem:v60+s29+$0x0], $0xffff;
	v37 =	vand.u32 $0xFFFF0000, v37;
	v15 =	vadd.f32 v16, v15;
	v16 =	vand.u32 $0xFFFF0000, v38  }
0x374: {  	v50 =	vld.idx.msk [tilespmem:v60+s1+$0x0], $0xffff;
	v16 =	vadd.f32 v16, v51;
	v28 =	vadd.f32 v21, v12;
	v21 =	vand.u32 $0xFFFF0000, v29  }
0x375: {  	v5 =	vld.idx.msk [tilespmem:v5+s3+$0x0], $0xffff;
	v30 =	vadd.f32 v15, v4;
	v15 =	vshll.u32 v43, $0x10;
	v4 =	vadd.f32 v58, v21  }
0x376: {  	v61 =	vshll.u32 v35, $0x10;
	v3 =	vld.idx.msk [tilespmem:v3+s3+$0x0], $0xffff;
	v53 =	vadd.f32 v56, v55;
	v15 =	vadd.f32 v63, v15  }
0x377: {  	v55 =	vld.idx.msk [tilespmem:v36+s28+$0x0], $0xffff;
	v29 =	vshll.u32 v29, $0x10;
	v42 =	vadd.f32 v16, v42;
	v21 =	vadd.f32 v4, v7  }
0x378: {  	v56 =	vld.idx.msk [tilespmem:v36+s24+$0x0], $0xffff;
	v4 =	vadd.f32 v57, v29;
	v29 =	vshll.u32 v8, $0x10;
	v8 =	vand.u32 $0xFFFF0000, v8  }
0x379: {  	v12 =	vld.idx.msk [tilespmem:v18+s3+$0x0], $0xffff;
	v57 =	vand.u32 $0xFFFF0000, v44;
	v52 =	vadd.f32 v31, v29;
	v29 =	vand.u32 $0xFFFF0000, v49  }
0x37a: {  	v43 =	vld.idx.msk [tilespmem:v60+s26+$0x0], $0xffff;
	v8 =	vadd.f32 v22, v8;
	v22 =	vand.u32 $0xFFFF0000, v59;
	v31 =	vadd.f32 v4, v1  }
0x37b: {  	v63 =	vld.idx.msk [tilespmem:v36+s29+$0x0], $0xffff;
	v1 =	vshll.u32 v59, $0x10;
	v4 =	vadd.f32 v29, v25;
	v25 =	vshll.u32 v38, $0x10  }
0x37c: {  	v58 =	vld.idx.msk [tilespmem:v36+s25+$0x0], $0xffff;
	v29 =	vshll.u32 v40, $0x10;
	v22 =	vadd.f32 v22, v39;
	v1 =	vadd.f32 v1, v23  }
0x37d: {  	v7 =	vld.idx.msk [tilespmem:v9+s30+$0x0], $0xffff;
	v59 =	vand.u32 $0xFFFF0000, v27;
	v40 =	vadd.f32 v25, v29;
	v23 =	vadd.f32 v8, v11  }
0x37e: {  	v9 =	vld.idx.msk [tilespmem:v9+s1+$0x0], $0xffff;
	v11 =	vshll.u32 v49, $0x10;
	v39 =	vadd.f32 v52, v3;
	v3 =	vshll.u32 v32, $0x10  }
0x37f: {  	v8 =	vld.idx.msk [tilespmem:v60+s31+$0x0], $0xffff;
	v52 =	vand.u32 $0xFFFF0000, v50;
	v25 =	vadd.f32 v4, v10;
	v22 =	vadd.f32 v22, v14  }
0x380: {  	v29 =	vld.idx.msk [tilespmem:v60+s0+$0x0], $0xffff;
	v49 =	vand.u32 $0xFFFF0000, v55;
	v10 =	vadd.f32 v37, v59;
	v37 =	vadd.f32 v53, v6  }
0x381: {  	v32 =	vld.idx.msk [tilespmem:v60+s30+$0x0], $0xffff;
	v59 =	vshll.u32 v50, $0x10;
	v50 =	vadd.f32 v15, v33;
	v35 =	vadd.f32 v1, v5  }
0x382: {  	v53 =	vld.idx.msk [tilespmem:v36+s31+$0x0], $0xffff;
	v46 =	vand.u32 $0xFFFF0000, v7;
	v44 =	vadd.f32 v40, v2;
	v2 =	vadd.f32 v11, v3  }
0x383: {  	v1 =	vshll.u32 v7, $0x10;
	v40 =	vld.idx.msk [tilespmem:v36+s0+$0x0], $0xffff;
	v5 =	vadd.f32 v57, v54;
	v4 =	vadd.f32 v46, v47  }
0x384: {  	v57 =	vshll.u32 v55, $0x10;
	v54 =	vld.idx.msk [tilespmem:v36+s1+$0x0], $0xffff;
	v33 =	vadd.f32 v10, v12;
	v47 =	vadd.f32 v2, v41  }
0x385: {  	v55 =	vld.idx.msk [tilespmem:v60+s25+$0x0], $0xffff;
	v3 =	vand.u32 $0xFFFF0000, v62;
	v27 =	vadd.f32 v4, v13;
	v4 =	vadd.f32 v1, v61  }
0x386: {  	v46 =	vld.idx.msk [tilespmem:v60+s24+$0x0], $0xffff;
	v2 =	vshll.u32 v63, $0x10;
	v41 =	vadd.f32 v5, v48;
	v5 =	vand.u32 $0xFFFF0000, v9  }
0x387: {  	v48 =	vld.idx.msk [tilespmem:v36+s30+$0x0], $0xffff;
	v38 =	vand.u32 $0xFFFF0000, v8;
	v45 =	vadd.f32 v4, v45;
	v4 =	vand.u32 $0xFFFF0000, v63  }
0x388: {  	v51 =	vshll.u32 v8, $0x10;
	v1 =	vshll.u32 v62, $0x10;
	v62 =	vld.idx.msk [tilespmem:v60+s23+$0x0], $0xffff;
	v3 =	vadd.f32 v4, v3  }
0x389: {  	s3 =	simm.s32 $0x800;
	v61 =	vshll.u32 v29, $0x10;
	v60 =	vld.idx.msk [tilespmem:v60+s28+$0x0], $0xffff;
	v63 =	vshll.u32 v40, $0x10;
	v4 =	vshll.u32 v9, $0x10  }
.LBB2_14:
0x38a: {  	s4 =	sshra.s32 s3, $0x2;
	p0 =	sne.s32 s3, $0x6000;
	s3 =	sadd.s32 $0x400, s3;
	v6 =	vld.idx.msk [tilespmem:v36+s23+$0x0], $0xffff;
	v7 =	vshll.u32 v56, $0x10;
	v28 =	vadd.f32 v3, v28;
	v3 =	vadd.f32 v5, v24;
	v24 =	vmovc v52  }
0x38b: {  	v8 =	vand.u32 $0xFFFF0000, v56;
	v1 =	vadd.f32 v2, v1;
	v2 =	vadd.f32 v4, v26;
	v26 =	vmovc v59;
	v9 =	vmovc v54;
	v5 =	vld [tilespmem:s4+$0x860]  }
0x38c: {  	v10 =	vand.u32 $0xFFFF0000, v58;
	v11 =	vand.u32 $0xFFFF0000, v43;
	v4 =	vld [tilespmem:s4+$0x8E0];
	v34 =	vadd.f32 v3, v34  }
0x38d: {  	v13 =	vand.u32 $0xFFFF0000, v32;
	v3 =	vand.u32 $0xFFFF0000, v55;
	v30 =	vadd.f32 v1, v30;
	v12 =	vld.idx.msk [tilespmem:v36+s26+$0x0], $0xffff  }
0x38e: {  	v14 =	vshll.u32 v53, $0x10;
	v1 =	vand.u32 $0xFFFF0000, v46;
	v20 =	vadd.f32 v2, v20  }
0x38f: {  	v2 =	vshll.u32 v62, $0x10;
	v1 =	vadd.f32 v8, v1;
	v8 =	vshll.u32 v60, $0x10  }
0x390: {  	v16 =	vshll.u32 v58, $0x10;
	v54 =	vadd.f32 v63, v61;
	v15 =	vshll.u32 v6, $0x10  }
0x391: {  	v52 =	vshll.u32 v55, $0x10;
	v46 =	vshll.u32 v46, $0x10;
	v21 =	vadd.f32 v1, v21;
	v36 =	vmovc v4  }
0x392: {  	v1 =	vadd.f32 v7, v46;
	v15 =	vadd.f32 v15, v2;
	v2 =	vand.u32 $0xFFFF0000, v48  }
0x393: {  	v55 =	vand.u32 $0xFFFF0000, v60;
	v8 =	vadd.f32 v57, v8;
	v46 =	vand.u32 $0xFFFF0000, v12;
	v7 =	vld.idx.msk [tilespmem:v5+s29+$0x0], $0xffff  }
0x394: {  	v53 =	vand.u32 $0xFFFF0000, v53;
	v57 =	vand.u32 $0xFFFF0000, v62;
	v31 =	vadd.f32 v1, v31;
	v4 =	vld.idx.msk [tilespmem:v4+s29+$0x0], $0xffff  }
0x395: {  	v40 =	vand.u32 $0xFFFF0000, v40;
	v11 =	vadd.f32 v46, v11;
	v46 =	vadd.f32 v49, v55;
	v1 =	vld.idx.msk [tilespmem:v5+s1+$0x0], $0xffff  }
0x396: {  	v14 =	vadd.f32 v14, v51;
	v38 =	vadd.f32 v53, v38;
	v6 =	vand.u32 $0xFFFF0000, v6;
	v49 =	vld.idx.msk [tilespmem:v36+s28+$0x0], $0xffff  }
0x397: {  	v16 =	vadd.f32 v16, v52;
	v12 =	vshll.u32 v12, $0x10;
	v23 =	vadd.f32 v46, v23;
	v51 =	vld.idx.msk [tilespmem:v5+s31+$0x0], $0xffff  }
0x398: {  	v10 =	vadd.f32 v10, v3;
	v3 =	vshll.u32 v43, $0x10;
	v25 =	vadd.f32 v11, v25;
	v53 =	vld.idx.msk [tilespmem:v5+s0+$0x0], $0xffff  }
0x399: {  	v22 =	vadd.f32 v38, v22;
	v2 =	vadd.f32 v2, v13;
	v11 =	vand.u32 $0xFFFF0000, v29;
	v56 =	vld.idx.msk [tilespmem:v36+s24+$0x0], $0xffff  }
0x39a: {  	v35 =	vadd.f32 v14, v35;
	v13 =	vshll.u32 v32, $0x10;
	v11 =	vadd.f32 v40, v11;
	v46 =	vld.idx.msk [tilespmem:v5+s24+$0x0], $0xffff  }
0x39b: {  	v14 =	vshll.u32 v48, $0x10;
	v39 =	vadd.f32 v8, v39;
	v27 =	vadd.f32 v2, v27;
	v43 =	vld.idx.msk [tilespmem:v5+s26+$0x0], $0xffff  }
0x39c: {  	v44 =	vadd.f32 v16, v44;
	v2 =	vadd.f32 v14, v13;
	v32 =	vld.idx.msk [tilespmem:v5+s30+$0x0], $0xffff  }
0x39d: {  	v37 =	vadd.f32 v54, v37;
	v52 =	vand.u32 $0xFFFF0000, v1;
	v38 =	vand.u32 $0xFFFF0000, v51;
	v40 =	vld.idx.msk [tilespmem:v36+s0+$0x0], $0xffff  }
0x39e: {  	v6 =	vadd.f32 v6, v57;
	v59 =	vshll.u32 v1, $0x10;
	v51 =	vshll.u32 v51, $0x10;
	v29 =	vmovc v53;
	v58 =	vld.idx.msk [tilespmem:v36+s25+$0x0], $0xffff  }
0x39f: {  	v3 =	vadd.f32 v12, v3;
	v57 =	vshll.u32 v49, $0x10;
	v49 =	vand.u32 $0xFFFF0000, v49;
	v54 =	vld.idx.msk [tilespmem:v36+s1+$0x0], $0xffff  }
.Ltmp6:
0x3a0: {  	v45 =	vadd.f32 v2, v45;
	v1 =	vshll.u32 v7, $0x10;
	v61 =	vshll.u32 v29, $0x10;
	v55 =	vld.idx.msk [tilespmem:v5+s25+$0x0], $0xffff;
	(pc) =	sbr.rel @p0 .LBB2_14-.Ltmp6, $4  }
0x3a1: {  	v50 =	vadd.f32 v15, v50;
	v2 =	vshll.u32 v4, $0x10;
	v7 =	vand.u32 $0xFFFF0000, v7;
	v53 =	vld.idx.msk [tilespmem:v36+s31+$0x0], $0xffff  }
0x3a2: {  	v41 =	vadd.f32 v6, v41;
	v47 =	vadd.f32 v3, v47;
	v4 =	vand.u32 $0xFFFF0000, v4;
	v48 =	vld.idx.msk [tilespmem:v36+s30+$0x0], $0xffff  }
0x3a3: {  	v33 =	vadd.f32 v11, v33;
	v3 =	vadd.f32 v4, v7;
	v63 =	vshll.u32 v40, $0x10;
	v62 =	vld.idx.msk [tilespmem:v5+s23+$0x0], $0xffff  }
0x3a4: {  	v42 =	vadd.f32 v10, v42;
	v4 =	vshll.u32 v9, $0x10;
	v60 =	vld.idx.msk [tilespmem:v5+s28+$0x0], $0xffff;
	v5 =	vand.u32 $0xFFFF0000, v9  }
0x3a5: {  	_ =	sdelay $0x1  }
0x3a6: {  	v5 =	vadd.f32 v5, v24;
	v1 =	vadd.f32 v2, v1  }
0x3a7: {  	v2 =	vadd.f32 v4, v26;
	v3 =	vadd.f32 v3, v28;
	v7 =	vshll.u32 v56, $0x10  }
0x3a8: {  	v6 =	vld.idx.msk [tilespmem:v36+s23+$0x0], $0xffff;
	v10 =	vshll.u32 v58, $0x10;
	v11 =	vshll.u32 v46, $0x10;
	v12 =	vshll.u32 v55, $0x10  }
0x3a9: {  	v7 =	vadd.f32 v7, v11;
	v10 =	vadd.f32 v10, v12  }
0x3aa: {  	v15 =	vshll.u32 v54, $0x10;
	v4 =	vadd.f32 v5, v34;
	v1 =	vadd.f32 v1, v30  }
0x3ab: {  	v2 =	vadd.f32 v2, v20;
	v34 =	vshll.u32 v32, $0x10;
	v7 =	vadd.f32 v7, v31  }
0x3ac: {  	v5 =	vld.idx.msk [tilespmem:v36+s26+$0x0], $0xffff;
	v8 =	vshll.u32 v62, $0x10;
	v10 =	vadd.f32 v10, v44;
	v44 =	vadd.f32 v15, v59  }
0x3ad: {  	v13 =	vshll.u32 v60, $0x10;
	[tilespmem:$0x26E0] =	vst v1;
	v1 =	vand.u32 $0xFFFF0000, v46;
	v9 =	vshll.u32 v6, $0x10  }
0x3ae: {  	v13 =	vadd.f32 v57, v13;
	[tilespmem:$0x24E0] =	vst v7;
	v7 =	vshll.u32 v53, $0x10;
	v6 =	vand.u32 $0xFFFF0000, v6  }
0x3af: {  	v2 =	vadd.f32 v44, v2;
	v8 =	vadd.f32 v9, v8;
	v9 =	vand.u32 $0xFFFF0000, v56  }
0x3b0: {  	v56 =	vshll.u32 v43, $0x10;
	v7 =	vadd.f32 v7, v51;
	v13 =	vadd.f32 v13, v39  }
0x3b1: {  	v36 =	vshll.u32 v5, $0x10;
	v1 =	vadd.f32 v9, v1;
	v8 =	vadd.f32 v8, v50  }
0x3b2: {  	[tilespmem:$0x2BE0] =	vst v3;
	v11 =	vadd.f32 v36, v56;
	v36 =	vand.u32 $0xFFFF0000, v43;
	v43 =	vand.u32 $0xFFFF0000, v62  }
0x3b3: {  	v14 =	vshll.u32 v48, $0x10;
	[tilespmem:$0x2560] =	vst v10;
	v6 =	vadd.f32 v6, v43;
	v1 =	vadd.f32 v1, v21  }
0x3b4: {  	v58 =	vand.u32 $0xFFFF0000, v58;
	v7 =	vadd.f32 v7, v35;
	[tilespmem:$0x2460] =	vst v8;
	v8 =	vadd.f32 v14, v34  }
0x3b5: {  	v11 =	vadd.f32 v11, v47;
	v6 =	vadd.f32 v6, v41;
	[tilespmem:$0x29E0] =	vst v1;
	v1 =	vand.u32 $0xFFFF0000, v53  }
0x3b6: {  	[tilespmem:$0x27E0] =	vst v7;
	v8 =	vadd.f32 v8, v45;
	v45 =	vand.u32 $0xFFFF0000, v55;
	v1 =	vadd.f32 v1, v38  }
0x3b7: {  	v47 =	vand.u32 $0xFFFF0000, v48;
	v7 =	vadd.f32 v58, v45;
	[tilespmem:$0x2960] =	vst v6;
	v6 =	vand.u32 $0xFFFF0000, v32  }
0x3b8: {  	v51 =	vld [tilespmem:$0x1FFC0];
	v5 =	vand.u32 $0xFFFF0000, v5;
	[tilespmem:$0x28E0] =	vst v2;
	v6 =	vadd.f32 v47, v6;
	v1 =	vadd.f32 v1, v22  }
0x3b9: {  	v46 =	vand.u32 $0xFFFF0000, v60;
	v50 =	vld [tilespmem:$0x1FFB0];
	[tilespmem:$0x2660] =	vst v13;
	v5 =	vadd.f32 v5, v36;
	v7 =	vadd.f32 v7, v42  }
0x3ba: {  	v2 =	vadd.f32 v49, v46;
	v53 =	vld [tilespmem:$0x1FFE0];
	v6 =	vadd.f32 v6, v27;
	[tilespmem:$0x2CE0] =	vst v1  }
0x3bb: {  	v39 =	vadd.f32 v63, v61;
	v5 =	vadd.f32 v5, v25;
	v1 =	vld [tilespmem:$0x1FF00];
	[tilespmem:$0x2A60] =	vst v7  }
0x3bc: {  	v2 =	vadd.f32 v2, v23;
	v48 =	vand.u32 $0xFFFF0000, v29;
	v7 =	vand.u32 $0xFFFF0000, v40;
	[tilespmem:$0x2C60] =	vst v6;
	v6 =	vld [tilespmem:$0x1FF70]  }
0x3bd: {  	[tilespmem:$0x2AE0] =	vst v5;
	v5 =	vadd.f32 v7, v48;
	v7 =	vand.u32 $0xFFFF0000, v54;
	v54 =	vld [tilespmem:$0x1FFF0]  }
0x3be: {  	v14 =	vadd.f32 v39, v37;
	[tilespmem:$0x2B60] =	vst v2;
	v2 =	vadd.f32 v7, v52;
	v7 =	vld [tilespmem:$0x1FF80]  }
0x3bf: {  	[tilespmem:$0x25E0] =	vst v11;
	v52 =	vld [tilespmem:$0x1FFD0]  }
0x3c0: {  	[tilespmem:$0x2860] =	vst v14;
	v3 =	vadd.f32 v5, v33;
	v5 =	vld [tilespmem:$0x1FF50]  }
0x3c1: {  	[tilespmem:$0x2760] =	vst v8;
	v2 =	vadd.f32 v2, v4;
	v4 =	vld [tilespmem:$0x1FF40]  }
0x3c2: {  	[tilespmem:$0x2D60] =	vst v3;
	v3 =	vld [tilespmem:$0x1FF20]  }
0x3c3: {  	s3 =	simm.s32 $0x0;
	[tilespmem:$0x2DE0] =	vst v2;
	v2 =	vld [tilespmem:$0x1FF10]  }
0x3c4: {  	v33 =	vld.idx.msk [tilespmem:v0+s3+$0x0], $0xffff  }
0x3c5: {  	s4 =	simm.s32 $0x0;
	v1 =	vld.idx.msk [tilespmem:v1+s3+$0x0], $0xffff  }
0x3c6: {  	v49 =	vld [tilespmem:s4+$0x870]  }
0x3c7: {  	v9 =	vld [tilespmem:s4+$0x8F0]  }
0x3c8: {  	v42 =	vld.idx.msk [tilespmem:v50+s3+$0x0], $0xffff  }
0x3c9: {  	v10 =	vld.idx.msk [tilespmem:v51+s3+$0x0], $0xffff  }
0x3ca: {  	v12 =	vld.idx.msk [tilespmem:v53+s3+$0x0], $0xffff  }
0x3cb: {  	v14 =	vld.idx.msk [tilespmem:v17+s3+$0x0], $0xffff  }
0x3cc: {  	s4 =	simm.s32 $0x100;
	v34 =	vld.idx.msk [tilespmem:v19+s3+$0x0], $0xffff  }
0x3cd: {  	v60 =	vld [tilespmem:s4+$0x870]  }
0x3ce: {  	v36 =	vld [tilespmem:s4+$0x8F0]  }
0x3cf: {  	v6 =	vld.idx.msk [tilespmem:v6+s3+$0x0], $0xffff  }
0x3d0: {  	v13 =	vld.idx.msk [tilespmem:v54+s3+$0x0], $0xffff  }
0x3d1: {  	v20 =	vld.idx.msk [tilespmem:v7+s3+$0x0], $0xffff  }
0x3d2: {  	v7 =	vld [tilespmem:$0x1FF90]  }
0x3d3: {  	v11 =	vld.idx.msk [tilespmem:v52+s3+$0x0], $0xffff  }
0x3d4: {  	v45 =	vld.idx.msk [tilespmem:v5+s3+$0x0], $0xffff  }
0x3d5: {  	v5 =	vld [tilespmem:$0x1FF60]  }
0x3d6: {  	v4 =	vld.idx.msk [tilespmem:v4+s3+$0x0], $0xffff  }
0x3d7: {  	v41 =	vld.idx.msk [tilespmem:v3+s3+$0x0], $0xffff  }
0x3d8: {  	v3 =	vld [tilespmem:$0x1FF30]  }
0x3d9: {  	v2 =	vld.idx.msk [tilespmem:v2+s3+$0x0], $0xffff  }
0x3da: {  	v15 =	vld.idx.msk [tilespmem:v49+s29+$0x0], $0xffff  }
0x3db: {  	v16 =	vld.idx.msk [tilespmem:v9+s29+$0x0], $0xffff  }
0x3dc: {  	v21 =	vld.idx.msk [tilespmem:v49+s1+$0x0], $0xffff  }
0x3dd: {  	v22 =	vld.idx.msk [tilespmem:v9+s28+$0x0], $0xffff  }
0x3de: {  	v23 =	vld.idx.msk [tilespmem:v49+s31+$0x0], $0xffff  }
0x3df: {  	v27 =	vld.idx.msk [tilespmem:v49+s0+$0x0], $0xffff  }
0x3e0: {  	v25 =	vld.idx.msk [tilespmem:v9+s24+$0x0], $0xffff  }
0x3e1: {  	v29 =	vld.idx.msk [tilespmem:v49+s24+$0x0], $0xffff  }
0x3e2: {  	v32 =	vld.idx.msk [tilespmem:v49+s26+$0x0], $0xffff  }
0x3e3: {  	v35 =	vld.idx.msk [tilespmem:v49+s30+$0x0], $0xffff  }
0x3e4: {  	v37 =	vld.idx.msk [tilespmem:v9+s0+$0x0], $0xffff  }
0x3e5: {  	v48 =	vld.idx.msk [tilespmem:v7+s3+$0x0], $0xffff  }
0x3e6: {  	v7 =	vld [tilespmem:$0x1FFA0]  }
0x3e7: {  	v40 =	vld.idx.msk [tilespmem:v49+s25+$0x0], $0xffff  }
0x3e8: {  	v44 =	vld.idx.msk [tilespmem:v9+s23+$0x0], $0xffff;
	v39 =	vand.u32 $0xFFFF0000, v23;
	v24 =	vand.u32 $0xFFFF0000, v21  }
0x3e9: {  	v43 =	vld.idx.msk [tilespmem:v49+s23+$0x0], $0xffff;
	v23 =	vshll.u32 v23, $0x10;
	v26 =	vshll.u32 v21, $0x10;
	v31 =	vshll.u32 v22, $0x10  }
0x3ea: {  	v38 =	vld.idx.msk [tilespmem:v9+s25+$0x0], $0xffff;
	v22 =	vand.u32 $0xFFFF0000, v22;
	v21 =	vand.u32 $0xFFFF0000, v15;
	v28 =	vand.u32 $0xFFFF0000, v16  }
0x3eb: {  	v8 =	vld.idx.msk [tilespmem:v49+s28+$0x0], $0xffff;
	v15 =	vshll.u32 v15, $0x10;
	v55 =	vshll.u32 v27, $0x10;
	v16 =	vshll.u32 v16, $0x10  }
0x3ec: {  	v49 =	vld.idx.msk [tilespmem:v9+s26+$0x0], $0xffff;
	v56 =	vshll.u32 v37, $0x10;
	v57 =	vshll.u32 v25, $0x10;
	v58 =	vand.u32 $0xFFFF0000, v25  }
0x3ed: {  	v59 =	vld.idx.msk [tilespmem:v9+s31+$0x0], $0xffff;
	v25 =	vand.u32 $0xFFFF0000, v32;
	v51 =	vand.u32 $0xFFFF0000, v40;
	v63 =	vshll.u32 v44, $0x10  }
0x3ee: {  	v47 =	vand.u32 $0xFFFF0000, v35;
	v54 =	vand.u32 $0xFFFF0000, v43;
	v21 =	vadd.f32 v28, v21;
	v7 =	vld.idx.msk [tilespmem:v7+s3+$0x0], $0xffff  }
0x3ef: {  	v62 =	vld.idx.msk [tilespmem:v60+s29+$0x0], $0xffff;
	v37 =	vand.u32 $0xFFFF0000, v37;
	v15 =	vadd.f32 v16, v15;
	v16 =	vand.u32 $0xFFFF0000, v38  }
0x3f0: {  	v50 =	vld.idx.msk [tilespmem:v60+s1+$0x0], $0xffff;
	v16 =	vadd.f32 v16, v51;
	v28 =	vadd.f32 v21, v12;
	v21 =	vand.u32 $0xFFFF0000, v29  }
0x3f1: {  	v5 =	vld.idx.msk [tilespmem:v5+s3+$0x0], $0xffff;
	v30 =	vadd.f32 v15, v4;
	v15 =	vshll.u32 v43, $0x10;
	v4 =	vadd.f32 v58, v21  }
0x3f2: {  	v61 =	vshll.u32 v35, $0x10;
	v3 =	vld.idx.msk [tilespmem:v3+s3+$0x0], $0xffff;
	v53 =	vadd.f32 v56, v55;
	v15 =	vadd.f32 v63, v15  }
0x3f3: {  	v55 =	vld.idx.msk [tilespmem:v36+s28+$0x0], $0xffff;
	v29 =	vshll.u32 v29, $0x10;
	v42 =	vadd.f32 v16, v42;
	v21 =	vadd.f32 v4, v7  }
0x3f4: {  	v56 =	vld.idx.msk [tilespmem:v36+s24+$0x0], $0xffff;
	v4 =	vadd.f32 v57, v29;
	v29 =	vshll.u32 v8, $0x10;
	v8 =	vand.u32 $0xFFFF0000, v8  }
0x3f5: {  	v12 =	vld.idx.msk [tilespmem:v18+s3+$0x0], $0xffff;
	v57 =	vand.u32 $0xFFFF0000, v44;
	v52 =	vadd.f32 v31, v29;
	v29 =	vand.u32 $0xFFFF0000, v49  }
0x3f6: {  	v43 =	vld.idx.msk [tilespmem:v60+s26+$0x0], $0xffff;
	v8 =	vadd.f32 v22, v8;
	v22 =	vand.u32 $0xFFFF0000, v59;
	v31 =	vadd.f32 v4, v1  }
0x3f7: {  	v63 =	vld.idx.msk [tilespmem:v36+s29+$0x0], $0xffff;
	v1 =	vshll.u32 v59, $0x10;
	v4 =	vadd.f32 v29, v25;
	v25 =	vshll.u32 v38, $0x10  }
0x3f8: {  	v58 =	vld.idx.msk [tilespmem:v36+s25+$0x0], $0xffff;
	v29 =	vshll.u32 v40, $0x10;
	v22 =	vadd.f32 v22, v39;
	v1 =	vadd.f32 v1, v23  }
0x3f9: {  	v7 =	vld.idx.msk [tilespmem:v9+s30+$0x0], $0xffff;
	v59 =	vand.u32 $0xFFFF0000, v27;
	v40 =	vadd.f32 v25, v29;
	v23 =	vadd.f32 v8, v11  }
0x3fa: {  	v9 =	vld.idx.msk [tilespmem:v9+s1+$0x0], $0xffff;
	v11 =	vshll.u32 v49, $0x10;
	v39 =	vadd.f32 v52, v3;
	v3 =	vshll.u32 v32, $0x10  }
0x3fb: {  	v8 =	vld.idx.msk [tilespmem:v60+s31+$0x0], $0xffff;
	v52 =	vand.u32 $0xFFFF0000, v50;
	v25 =	vadd.f32 v4, v10;
	v22 =	vadd.f32 v22, v14  }
0x3fc: {  	v29 =	vld.idx.msk [tilespmem:v60+s0+$0x0], $0xffff;
	v49 =	vand.u32 $0xFFFF0000, v55;
	v10 =	vadd.f32 v37, v59;
	v37 =	vadd.f32 v53, v6  }
0x3fd: {  	v32 =	vld.idx.msk [tilespmem:v60+s30+$0x0], $0xffff;
	v59 =	vshll.u32 v50, $0x10;
	v50 =	vadd.f32 v15, v33;
	v35 =	vadd.f32 v1, v5  }
0x3fe: {  	v53 =	vld.idx.msk [tilespmem:v36+s31+$0x0], $0xffff;
	v46 =	vand.u32 $0xFFFF0000, v7;
	v44 =	vadd.f32 v40, v2;
	v2 =	vadd.f32 v11, v3  }
0x3ff: {  	v1 =	vshll.u32 v7, $0x10;
	v40 =	vld.idx.msk [tilespmem:v36+s0+$0x0], $0xffff;
	v5 =	vadd.f32 v57, v54;
	v4 =	vadd.f32 v46, v47  }
0x400: {  	v57 =	vshll.u32 v55, $0x10;
	v54 =	vld.idx.msk [tilespmem:v36+s1+$0x0], $0xffff;
	v33 =	vadd.f32 v10, v12;
	v47 =	vadd.f32 v2, v41  }
0x401: {  	v55 =	vld.idx.msk [tilespmem:v60+s25+$0x0], $0xffff;
	v3 =	vand.u32 $0xFFFF0000, v62;
	v27 =	vadd.f32 v4, v13;
	v4 =	vadd.f32 v1, v61  }
0x402: {  	v46 =	vld.idx.msk [tilespmem:v60+s24+$0x0], $0xffff;
	v2 =	vshll.u32 v63, $0x10;
	v41 =	vadd.f32 v5, v48;
	v5 =	vand.u32 $0xFFFF0000, v9  }
0x403: {  	v48 =	vld.idx.msk [tilespmem:v36+s30+$0x0], $0xffff;
	v38 =	vand.u32 $0xFFFF0000, v8;
	v45 =	vadd.f32 v4, v45;
	v4 =	vand.u32 $0xFFFF0000, v63  }
0x404: {  	v51 =	vshll.u32 v8, $0x10;
	v1 =	vshll.u32 v62, $0x10;
	v62 =	vld.idx.msk [tilespmem:v60+s23+$0x0], $0xffff;
	v3 =	vadd.f32 v4, v3  }
0x405: {  	s3 =	simm.s32 $0x800;
	v61 =	vshll.u32 v29, $0x10;
	v60 =	vld.idx.msk [tilespmem:v60+s28+$0x0], $0xffff;
	v63 =	vshll.u32 v40, $0x10;
	v4 =	vshll.u32 v9, $0x10  }
.LBB2_16:
0x406: {  	s4 =	sshra.s32 s3, $0x2;
	p0 =	sne.s32 s3, $0x6000;
	s3 =	sadd.s32 $0x400, s3;
	v6 =	vld.idx.msk [tilespmem:v36+s23+$0x0], $0xffff;
	v7 =	vshll.u32 v56, $0x10;
	v28 =	vadd.f32 v3, v28;
	v3 =	vadd.f32 v5, v24;
	v24 =	vmovc v52  }
0x407: {  	v8 =	vand.u32 $0xFFFF0000, v56;
	v1 =	vadd.f32 v2, v1;
	v2 =	vadd.f32 v4, v26;
	v26 =	vmovc v59;
	v9 =	vmovc v54;
	v5 =	vld [tilespmem:s4+$0x870]  }
0x408: {  	v10 =	vand.u32 $0xFFFF0000, v58;
	v11 =	vand.u32 $0xFFFF0000, v43;
	v4 =	vld [tilespmem:s4+$0x8F0];
	v34 =	vadd.f32 v3, v34  }
0x409: {  	v13 =	vand.u32 $0xFFFF0000, v32;
	v3 =	vand.u32 $0xFFFF0000, v55;
	v30 =	vadd.f32 v1, v30;
	v12 =	vld.idx.msk [tilespmem:v36+s26+$0x0], $0xffff  }
0x40a: {  	v14 =	vshll.u32 v53, $0x10;
	v1 =	vand.u32 $0xFFFF0000, v46;
	v20 =	vadd.f32 v2, v20  }
0x40b: {  	v2 =	vshll.u32 v62, $0x10;
	v1 =	vadd.f32 v8, v1;
	v8 =	vshll.u32 v60, $0x10  }
0x40c: {  	v16 =	vshll.u32 v58, $0x10;
	v54 =	vadd.f32 v63, v61;
	v15 =	vshll.u32 v6, $0x10  }
0x40d: {  	v52 =	vshll.u32 v55, $0x10;
	v46 =	vshll.u32 v46, $0x10;
	v21 =	vadd.f32 v1, v21;
	v36 =	vmovc v4  }
0x40e: {  	v1 =	vadd.f32 v7, v46;
	v15 =	vadd.f32 v15, v2;
	v2 =	vand.u32 $0xFFFF0000, v48  }
0x40f: {  	v55 =	vand.u32 $0xFFFF0000, v60;
	v8 =	vadd.f32 v57, v8;
	v46 =	vand.u32 $0xFFFF0000, v12;
	v7 =	vld.idx.msk [tilespmem:v5+s29+$0x0], $0xffff  }
0x410: {  	v53 =	vand.u32 $0xFFFF0000, v53;
	v57 =	vand.u32 $0xFFFF0000, v62;
	v31 =	vadd.f32 v1, v31;
	v4 =	vld.idx.msk [tilespmem:v4+s29+$0x0], $0xffff  }
0x411: {  	v40 =	vand.u32 $0xFFFF0000, v40;
	v11 =	vadd.f32 v46, v11;
	v46 =	vadd.f32 v49, v55;
	v1 =	vld.idx.msk [tilespmem:v5+s1+$0x0], $0xffff  }
0x412: {  	v14 =	vadd.f32 v14, v51;
	v38 =	vadd.f32 v53, v38;
	v6 =	vand.u32 $0xFFFF0000, v6;
	v49 =	vld.idx.msk [tilespmem:v36+s28+$0x0], $0xffff  }
0x413: {  	v16 =	vadd.f32 v16, v52;
	v12 =	vshll.u32 v12, $0x10;
	v23 =	vadd.f32 v46, v23;
	v51 =	vld.idx.msk [tilespmem:v5+s31+$0x0], $0xffff  }
0x414: {  	v10 =	vadd.f32 v10, v3;
	v3 =	vshll.u32 v43, $0x10;
	v25 =	vadd.f32 v11, v25;
	v53 =	vld.idx.msk [tilespmem:v5+s0+$0x0], $0xffff  }
0x415: {  	v22 =	vadd.f32 v38, v22;
	v2 =	vadd.f32 v2, v13;
	v11 =	vand.u32 $0xFFFF0000, v29;
	v56 =	vld.idx.msk [tilespmem:v36+s24+$0x0], $0xffff  }
0x416: {  	v35 =	vadd.f32 v14, v35;
	v13 =	vshll.u32 v32, $0x10;
	v11 =	vadd.f32 v40, v11;
	v46 =	vld.idx.msk [tilespmem:v5+s24+$0x0], $0xffff  }
0x417: {  	v14 =	vshll.u32 v48, $0x10;
	v39 =	vadd.f32 v8, v39;
	v27 =	vadd.f32 v2, v27;
	v43 =	vld.idx.msk [tilespmem:v5+s26+$0x0], $0xffff  }
0x418: {  	v44 =	vadd.f32 v16, v44;
	v2 =	vadd.f32 v14, v13;
	v32 =	vld.idx.msk [tilespmem:v5+s30+$0x0], $0xffff  }
0x419: {  	v37 =	vadd.f32 v54, v37;
	v52 =	vand.u32 $0xFFFF0000, v1;
	v38 =	vand.u32 $0xFFFF0000, v51;
	v40 =	vld.idx.msk [tilespmem:v36+s0+$0x0], $0xffff  }
0x41a: {  	v6 =	vadd.f32 v6, v57;
	v59 =	vshll.u32 v1, $0x10;
	v51 =	vshll.u32 v51, $0x10;
	v29 =	vmovc v53;
	v58 =	vld.idx.msk [tilespmem:v36+s25+$0x0], $0xffff  }
0x41b: {  	v3 =	vadd.f32 v12, v3;
	v57 =	vshll.u32 v49, $0x10;
	v49 =	vand.u32 $0xFFFF0000, v49;
	v54 =	vld.idx.msk [tilespmem:v36+s1+$0x0], $0xffff  }
.Ltmp7:
0x41c: {  	v45 =	vadd.f32 v2, v45;
	v1 =	vshll.u32 v7, $0x10;
	v61 =	vshll.u32 v29, $0x10;
	v55 =	vld.idx.msk [tilespmem:v5+s25+$0x0], $0xffff;
	(pc) =	sbr.rel @p0 .LBB2_16-.Ltmp7, $4  }
0x41d: {  	v50 =	vadd.f32 v15, v50;
	v2 =	vshll.u32 v4, $0x10;
	v7 =	vand.u32 $0xFFFF0000, v7;
	v53 =	vld.idx.msk [tilespmem:v36+s31+$0x0], $0xffff  }
0x41e: {  	v41 =	vadd.f32 v6, v41;
	v47 =	vadd.f32 v3, v47;
	v4 =	vand.u32 $0xFFFF0000, v4;
	v48 =	vld.idx.msk [tilespmem:v36+s30+$0x0], $0xffff  }
0x41f: {  	v33 =	vadd.f32 v11, v33;
	v3 =	vadd.f32 v4, v7;
	v63 =	vshll.u32 v40, $0x10;
	v62 =	vld.idx.msk [tilespmem:v5+s23+$0x0], $0xffff  }
0x420: {  	v42 =	vadd.f32 v10, v42;
	v4 =	vshll.u32 v9, $0x10;
	v60 =	vld.idx.msk [tilespmem:v5+s28+$0x0], $0xffff;
	v5 =	vand.u32 $0xFFFF0000, v9  }
0x421: {  	v5 =	vadd.f32 v5, v24;
	v1 =	vadd.f32 v2, v1  }
0x422: {  	v2 =	vadd.f32 v4, v26;
	v3 =	vadd.f32 v3, v28;
	v7 =	vshll.u32 v56, $0x10  }
0x423: {  	v10 =	vshll.u32 v58, $0x10;
	v11 =	vshll.u32 v46, $0x10;
	v12 =	vshll.u32 v55, $0x10  }
0x424: {  	v26 =	vand.u32 $0xFFFF0000, v56;
	v15 =	vshll.u32 v54, $0x10;
	v7 =	vadd.f32 v7, v11  }
0x425: {  	v6 =	vld.idx.msk [tilespmem:v36+s23+$0x0], $0xffff;
	v55 =	vand.u32 $0xFFFF0000, v55;
	v10 =	vadd.f32 v10, v12;
	v4 =	vadd.f32 v5, v34  }
0x426: {  	v24 =	vld.idx.msk [tilespmem:v36+s26+$0x0], $0xffff;
	v36 =	vshll.u32 v53, $0x10;
	v1 =	vadd.f32 v1, v30;
	v2 =	vadd.f32 v2, v20  }
0x427: {  	v30 =	vshll.u32 v43, $0x10;
	v34 =	vshll.u32 v32, $0x10;
	v14 =	vshll.u32 v48, $0x10  }
0x428: {  	v8 =	vshll.u32 v62, $0x10;
	v7 =	vadd.f32 v7, v31;
	v13 =	vshll.u32 v60, $0x10  }
0x429: {  	[tilespmem:$0x2BF0] =	vst v3;
	v31 =	vand.u32 $0xFFFF0000, v58;
	v10 =	vadd.f32 v10, v44;
	v13 =	vadd.f32 v57, v13  }
0x42a: {  	v44 =	vand.u32 $0xFFFF0000, v43;
	v56 =	vadd.f32 v31, v55;
	[tilespmem:$0x24F0] =	vst v7;
	v7 =	vadd.f32 v36, v51  }
0x42b: {  	[tilespmem:$0x26F0] =	vst v1;
	v1 =	vand.u32 $0xFFFF0000, v46;
	v51 =	vadd.f32 v15, v59;
	v13 =	vadd.f32 v13, v39  }
0x42c: {  	v9 =	vshll.u32 v6, $0x10;
	[tilespmem:$0x2570] =	vst v10;
	v1 =	vadd.f32 v26, v1;
	v7 =	vadd.f32 v7, v35  }
0x42d: {  	v28 =	vshll.u32 v24, $0x10;
	v8 =	vadd.f32 v9, v8;
	v2 =	vadd.f32 v51, v2;
	[tilespmem:$0x2670] =	vst v13  }
0x42e: {  	v5 =	vand.u32 $0xFFFF0000, v24;
	v11 =	vadd.f32 v28, v30;
	v1 =	vadd.f32 v1, v21;
	[tilespmem:$0x27F0] =	vst v7  }
0x42f: {  	v6 =	vand.u32 $0xFFFF0000, v6;
	v5 =	vadd.f32 v5, v44;
	v8 =	vadd.f32 v8, v50;
	[tilespmem:$0x28F0] =	vst v2  }
0x430: {  	v11 =	vadd.f32 v11, v47;
	v47 =	vadd.f32 v63, v61;
	v50 =	vand.u32 $0xFFFF0000, v62;
	[tilespmem:$0x29F0] =	vst v1  }
0x431: {  	v57 =	vand.u32 $0xFFFF0000, v60;
	v5 =	vadd.f32 v5, v25;
	v6 =	vadd.f32 v6, v50;
	[tilespmem:$0x2470] =	vst v8  }
0x432: {  	v60 =	vand.u32 $0xFFFF0000, v40;
	v2 =	vadd.f32 v49, v57;
	v7 =	vadd.f32 v56, v42;
	[tilespmem:$0x25F0] =	vst v11  }
0x433: {  	v61 =	vand.u32 $0xFFFF0000, v29;
	v8 =	vadd.f32 v14, v34;
	v14 =	vadd.f32 v47, v37;
	[tilespmem:$0x2AF0] =	vst v5  }
0x434: {  	v62 =	vadd.f32 v60, v61;
	v6 =	vadd.f32 v6, v41;
	[tilespmem:$0x2A70] =	vst v7  }
0x435: {  	v58 =	vand.u32 $0xFFFF0000, v32;
	v1 =	vand.u32 $0xFFFF0000, v53;
	v2 =	vadd.f32 v2, v23;
	[tilespmem:$0x2870] =	vst v14  }
0x436: {  	v59 =	vand.u32 $0xFFFF0000, v48;
	v1 =	vadd.f32 v1, v38;
	v3 =	vadd.f32 v62, v33;
	[tilespmem:$0x2970] =	vst v6  }
0x437: {  	v63 =	vand.u32 $0xFFFF0000, v54;
	v8 =	vadd.f32 v8, v45;
	v6 =	vadd.f32 v59, v58;
	[tilespmem:$0x2B70] =	vst v2  }
0x438: {  	v1 =	vadd.f32 v1, v22;
	v2 =	vadd.f32 v63, v52;
	[tilespmem:$0x2D70] =	vst v3  }
0x439: {  	[tilespmem:$0x2770] =	vst v8;
	v6 =	vadd.f32 v6, v27  }
0x43a: {  	[tilespmem:$0x2CF0] =	vst v1;
	v2 =	vadd.f32 v2, v4  }
0x43b: {  	s19 =	sadd.s32 $0x1, s19;
	[tilespmem:$0x2C70] =	vst v6  }
0x43c: {  	s4 =	simm.s32 $0x8000;
	s3 =	simm.s32 $0x2400;
	p0 =	sne.s32 s19, s17;
	[tilespmem:$0x2DF0] =	vst v2  }
0x43d: {  	[hbm4b:s16+s18] =	stream.strided.scatter [tilespmem:s3], [sflag:$0x2], $0x800, s4, s18, $0x38;
	[tilespmem:$0x5800] =	vst v63  }
.Ltmp8:
0x43e: {  	s3 =	sadd.s32 $0x2000, s16;
	(pc) =	sbr.rel @p0 .LBB2_1-.Ltmp8, $4  }
0x43f: {  	[hbm4b:s3+s2] =	stream.linear.scatter [tilespmem:s6], [sflag:$0x2], $0x200, $0x38;
	[tilespmem:$0x5800] =	vst v63  }
0x440: {  	_ =	swait.ge [sflag:s21], $0xA00  }
0x441: {  	[sflag:s21] =	ssyncset.done $0x0  }
0x442: {  	[sflag:s21] =	ssyncadd.s32 $0xFFFFF600  }
0x443: {  	_ =	sfence.sel $0x180000  }
0x444: {  	[bflag:$0x0] =	sbarrier.arrive $0xFFFF  }
0x445: {  	_ =	strace $0x90000047  }
0x446: {  	s0 =	stileid.u32;
	[bflag:$0x2] =	sbarrier.arrive $0xFFFF  }
0x447: {  	p0 =	sne.s32 s0, $0x0;
	s0 =	rddreg [dreg:$0x3]  }
0x448: {  	s0 =	sadd.s32 @!p0 $0x100000, s0  }
0x449: {  	[sflag:s0] =	ssyncadd.tile.s32 @!p0 $0x1;
	_ =	shalt  }
.Lfunc_end2:
_tile_overlayer_lowered:
.L_overlay_start_2:
0x44a: {  	(tag) =	ssettag $0x2  }
0x44b: {  	s0 =	rddreg [dreg:$0x0];
	s2 =	stileid.u32  }
0x44c: {  	s1 =	rddreg [dreg:$0x1];
	p0 =	sne.s32 s2, $0x0  }
0x44d: {  	s3 =	rddreg [dreg:$0x2];
	[bflag:$0x3] =	sbarrier.arrive $0xFFFF;
	s2 =	simm.s32 @!p0 $0x1C02  }
0x44e: {  	[timem:s3], [sflag:s2] =	dma.local @!p0 [hbm:s0], s1  }
0x44f: {  	s0 =	simm.s32 @!p0 $0x2  }
0x450: {  	_ =	swait.ge @!p0 [sflag:s0], s1  }
0x451: {  	s1 =	ssub.s32 @!p0 $0x0, s1;
	[sflag:s0] =	ssyncset.done @!p0 $0x0  }
0x452: {  	[sflag:s0] =	ssyncadd.s32 @!p0 s1  }
0x453: {  	[bflag:$0x3] =	sbarrier.arrive $0xFFFF  }
0x454: {  	_ =	shalt  }

</sc_bundles>
